<compile_context>
chip_gen: v7x
topology: tpu7x:2x2x1
jax: 0.10.2.dev20260603
libtpu: 0.0.44.dev20260713+nightly
codegen_flags: <defaults>
</compile_context>

<pallas_src>
import functools

import jax
import jax.numpy as jnp
from jax import lax
from jax.experimental import pallas as pl
from jax.experimental.pallas import tpu as pltpu
from jax.experimental.pallas import tpu_sc as plsc

N = 10000
E = 320000
HID = 128
OUT = 21

NP = 10240
EROWS = 2560
CH = 128
SLAB = NP // 16
TROWS = EROWS // 32


def _sc_deg_body(dst_hbm, degp_hbm, deg_v, idx_v):
    c = lax.axis_index("c")
    s = lax.axis_index("s")
    wid = s * 2 + c

    def zbody(j, carry):
        deg_v[pl.ds(j * 16, 16)] = jnp.zeros((16,), jnp.float32)
        return carry

    lax.fori_loop(0, NP // 16, zbody, 0)

    ones = jnp.full((16,), 1.0, jnp.float32)
    base = wid * TROWS

    def body(j, carry):
        pltpu.sync_copy(dst_hbm.at[pl.ds(base + j * 4, 4)], idx_v)
        for i in range(4):
            for k in range(CH // 16):
                idx = idx_v[i, pl.ds(k * 16, 16)]
                plsc.addupdate_scatter(deg_v, [idx], ones)
        return carry

    lax.fori_loop(0, TROWS // 4, body, 0)
    pltpu.sync_copy(deg_v, degp_hbm.at[wid])


F = 64
SROWS = EROWS // 16
NBLK = SROWS // 4


def _sc_agg_body(hs_hbm, sdx_hbm, acc_hbm, hs_sh, acc_sh, idxA, idxB, rows_v,
                 g0, g1, g2, g3, s0, s1, s2, s3, isem):
    c = lax.axis_index("c")
    s = lax.axis_index("s")
    pltpu.sync_copy(hs_hbm.at[pl.ds(c * NP + s * SLAB, SLAB)],
                    hs_sh.at[pl.ds(s * SLAB, SLAB)])
    pltpu.sync_copy(hs_hbm.at[pl.ds(c * NP + s * SLAB, SLAB)],
                    acc_sh.at[pl.ds(s * SLAB, SLAB)])
    plsc.subcore_barrier()

    gsem = (g0, g1, g2, g3)
    ssem = (s0, s1, s2, s3)
    base = s * NBLK

    def emit_block(g, bufX, bufY, nxt):
        if nxt:
            pidesc = pltpu.async_copy(sdx_hbm.at[pl.ds((base + g + 1) * 8, 8)],
                                      bufY, isem)
        sdescs = []
        for i in range(4):
            pltpu.make_async_copy(hs_sh.at[bufX.at[i]], rows_v.at[i],
                                  gsem[i]).wait()
            sdescs.append(
                pltpu.async_copy(rows_v.at[i], acc_sh.at[bufX.at[4 + i]],
                                 ssem[i], add=True))
        if nxt:
            pidesc.wait()
            for i in range(4):
                sdescs[i].wait()
                pltpu.async_copy(hs_sh.at[bufY.at[i]], rows_v.at[i], gsem[i])
        else:
            for i in range(4):
                sdescs[i].wait()

    pltpu.sync_copy(sdx_hbm.at[pl.ds(base * 8, 8)], idxA)
    for i in range(4):
        pltpu.async_copy(hs_sh.at[idxA.at[i]], rows_v.at[i], gsem[i])

    def body(t, carry):
        emit_block(2 * t, idxA, idxB, True)
        emit_block(2 * t + 1, idxB, idxA, True)
        return carry

    lax.fori_loop(0, (NBLK - 2) // 2, body, 0)
    emit_block(NBLK - 2, idxA, idxB, True)
    emit_block(NBLK - 1, idxB, idxA, False)

    plsc.subcore_barrier()
    pltpu.sync_copy(acc_sh.at[pl.ds(s * SLAB, SLAB)],
                    acc_hbm.at[pl.ds(c * NP + s * SLAB, SLAB)])


@functools.cache
def _sc_kernels():
    mesh = plsc.VectorSubcoreMesh(core_axis_name="c", subcore_axis_name="s")
    params = pltpu.CompilerParams(needs_layout_passes=False,
                                  use_tc_tiling_on_sc=False)
    sc_deg = pl.kernel(
        _sc_deg_body,
        out_type=jax.ShapeDtypeStruct((32, NP), jnp.float32),
        mesh=mesh,
        compiler_params=params,
        scratch_types=[
            pltpu.VMEM((NP,), jnp.float32),
            pltpu.VMEM((4, CH), jnp.int32),
        ],
    )
    sc_agg = pl.kernel(
        _sc_agg_body,
        out_type=jax.ShapeDtypeStruct((2 * NP, F), jnp.float32),
        mesh=mesh,
        compiler_params=params,
        scratch_types=[
            pltpu.VMEM_SHARED((NP, F), jnp.float32),
            pltpu.VMEM_SHARED((NP, F), jnp.float32),
            pltpu.VMEM((8, CH), jnp.int32),
            pltpu.VMEM((8, CH), jnp.int32),
            pltpu.VMEM((4, CH, F), jnp.float32),
        ] + [pltpu.SemaphoreType.DMA] * 9,
    )
    return sc_deg, sc_agg


_B = 1024


def _dinv_from(degp_ref):
    deg = 1.0 + jnp.sum(degp_ref[...], axis=0)
    return lax.rsqrt(deg)


def _bdot(a, b):
    return jnp.dot(a.astype(jnp.bfloat16), b.astype(jnp.bfloat16),
                   preferred_element_type=jnp.float32)


def _tc1_body(x_ref, degp_ref, encW_ref, encb_ref, W0_ref, hs_ref):
    dinv = _dinv_from(degp_ref)
    h = _bdot(x_ref[...], encW_ref[...].T) + encb_ref[...]
    hs = _bdot(h, W0_ref[...].T) * dinv[:, None]
    hs_ref[0] = hs[:, :F]
    hs_ref[1] = hs[:, F:]


def _mid_layer(acc_ref, degp_ref, b_ref, g_ref, bb_ref, rm_ref, rv_ref):
    dinv = _dinv_from(degp_ref)
    a = jnp.concatenate([acc_ref[0], acc_ref[1]], axis=1)
    h = a * dinv[:, None] + b_ref[...]
    scale = g_ref[...] * lax.rsqrt(rv_ref[...] + 1e-5)
    h = (h - rm_ref[...]) * scale + bb_ref[...]
    return jnp.maximum(h, 0.0), dinv


def _tc2_body(acc_ref, degp_ref, b0_ref, g_ref, bb_ref, rm_ref,
              rv_ref, W1_ref, hs_ref):
    h, dinv = _mid_layer(acc_ref, degp_ref, b0_ref, g_ref, bb_ref,
                         rm_ref, rv_ref)
    hs = _bdot(h, W1_ref[...].T) * dinv[:, None]
    hs_ref[0] = hs[:, :F]
    hs_ref[1] = hs[:, F:]


def _tc3_body(acc_ref, degp_ref, b1_ref, g_ref, bb_ref, rm_ref,
              rv_ref, hW1_ref, hb1_ref, hW2_ref, hb2_ref, hW3_ref, hb3_ref,
              y_ref):
    h, _ = _mid_layer(acc_ref, degp_ref, b1_ref, g_ref, bb_ref,
                      rm_ref, rv_ref)
    h = jnp.maximum(_bdot(h, hW1_ref[...].T) + hb1_ref[...], 0.0)
    h = jnp.maximum(_bdot(h, hW2_ref[...].T) + hb2_ref[...], 0.0)
    y_ref[...] = _bdot(h, hW3_ref[...].T) + hb3_ref[...]


def _full(shape):
    nd = len(shape)
    return pl.BlockSpec(shape, lambda i, _n=nd: (0,) * _n)


def _rows(block):
    return pl.BlockSpec(block, lambda i: (i,) + (0,) * (len(block) - 1))


def _degp_spec():
    return pl.BlockSpec((32, _B), lambda i: (0, i))


def _acc_spec():
    return pl.BlockSpec((2, _B, F), lambda i: (0, i, 0))


def _tc1(x_p, degp, enc_W, enc_b, conv0_W):
    return pl.pallas_call(
        _tc1_body,
        grid=(NP // _B,),
        in_specs=[_rows((_B, 14)), _degp_spec(), _full((HID, 14)),
                  _full((HID,)), _full((HID, HID))],
        out_specs=_acc_spec(),
        out_shape=jax.ShapeDtypeStruct((2, NP, F), jnp.float32),
    )(x_p, degp, enc_W, enc_b, conv0_W)


def _tc2(acc, degp, b0, g, bb, rm, rv, W1):
    return pl.pallas_call(
        _tc2_body,
        grid=(NP // _B,),
        in_specs=[_acc_spec(), _degp_spec()]
                 + [_full((HID,))] * 5 + [_full((HID, HID))],
        out_specs=_acc_spec(),
        out_shape=jax.ShapeDtypeStruct((2, NP, F), jnp.float32),
    )(acc, degp, b0, g, bb, rm, rv, W1)


def _tc3(acc, degp, b1, g, bb, rm, rv, hW1, hb1, hW2, hb2, hW3p, hb3p):
    return pl.pallas_call(
        _tc3_body,
        grid=(NP // _B,),
        in_specs=[_acc_spec(), _degp_spec()]
                 + [_full((HID,))] * 5
                 + [_full((HID, HID)), _full((HID,)), _full((HID, HID)),
                    _full((HID,)), _full((32, HID)), _full((32,))],
        out_specs=_rows((_B, 32)),
        out_shape=jax.ShapeDtypeStruct((NP, 32), jnp.float32),
    )(acc, degp, b1, g, bb, rm, rv, hW1, hb1, hW2, hb2, hW3p, hb3p)


def kernel(x, edge_index, edge_attr, batch, enc_W, enc_b, conv0_W, conv0_b,
           bn0_g, bn0_b, bn0_rm, bn0_rv, conv1_W, conv1_b, bn1_g, bn1_b,
           bn1_rm, bn1_rv, head_W1, head_b1, head_W2, head_b2, head_W3,
           head_b3):
    del edge_attr, batch
    PAD_IDX = N + 100

    src2 = jnp.concatenate(
        [edge_index[0],
         jnp.full((EROWS * CH - E,), PAD_IDX, jnp.int32)]).reshape(EROWS, CH)
    dst2 = jnp.concatenate(
        [edge_index[1],
         jnp.full((EROWS * CH - E,), PAD_IDX, jnp.int32)]).reshape(EROWS, CH)

    x_p = jnp.concatenate([x, jnp.zeros((NP - N, 14), jnp.float32)])

    sdx = jnp.concatenate([src2.reshape(EROWS // 4, 4, CH),
                           dst2.reshape(EROWS // 4, 4, CH)],
                          axis=1).reshape(2 * EROWS, CH)

    _sc_deg, _sc_agg = _sc_kernels()
    degp = _sc_deg(dst2)

    hs0 = _tc1(x_p, degp, enc_W, enc_b, conv0_W)
    acc0 = _sc_agg(hs0.reshape(2 * NP, F), sdx).reshape(2, NP, F)

    hs1 = _tc2(acc0, degp, conv0_b, bn0_g, bn0_b, bn0_rm, bn0_rv, conv1_W)
    acc1 = _sc_agg(hs1.reshape(2 * NP, F), sdx).reshape(2, NP, F)

    hW3p = jnp.concatenate([head_W3, jnp.zeros((32 - OUT, HID), jnp.float32)])
    hb3p = jnp.concatenate([head_b3, jnp.zeros((32 - OUT,), jnp.float32)])
    y = _tc3(acc1, degp, conv1_b, bn1_g, bn1_b, bn1_rm, bn1_rv,
             head_W1, head_b1, head_W2, head_b2, hW3p, hb3p)
    return y[:N, :OUT]

# --- scband reference (transcript-rebuilt; emitter-appended) ---
"""Pipeline reference for scband-gcn-vocsp-64278480552436 (READ-ONLY COPY).

The authoritative reference and input builder live on the scoring server;
editing this copy changes nothing except your own understanding.
"""

import jax, jax.numpy as jnp
import numpy as np

N = 10000
E = 320000
HID = 128
OUT = 21


def _lin_init(k, o, i):
    return (jax.random.normal(k, (o, i), dtype=jnp.float32) / np.sqrt(i)).astype(jnp.float32)


def setup_inputs(seed: int = 0):
    key = jax.random.key(seed)
    ks = jax.random.split(key, 16)
    inp = {}
    inp['x'] = jax.random.normal(ks[0], (N, 14), dtype=jnp.float32)
    inp['edge_index'] = jax.random.randint(ks[1], (2, E), 0, N, dtype=jnp.int32)
    inp['edge_attr'] = jax.random.uniform(ks[2], (E, 2), dtype=jnp.float32)
    inp['batch'] = jnp.sort(jax.random.randint(ks[3], (N,), 0, 128, dtype=jnp.int32))
    inp['enc_W'] = _lin_init(ks[4], HID, 14)
    inp['enc_b'] = jnp.zeros((HID,), dtype=jnp.float32)
    for l in range(2):
        inp['conv%d_W' % l] = _lin_init(ks[5 + l], HID, HID)
        inp['conv%d_b' % l] = jnp.zeros((HID,), dtype=jnp.float32)
        inp['bn%d_g' % l] = jnp.ones((HID,), dtype=jnp.float32)
        inp['bn%d_b' % l] = jnp.zeros((HID,), dtype=jnp.float32)
        inp['bn%d_rm' % l] = jnp.zeros((HID,), dtype=jnp.float32)
        inp['bn%d_rv' % l] = jnp.ones((HID,), dtype=jnp.float32)
    inp['head_W1'] = _lin_init(ks[7], HID, HID)
    inp['head_b1'] = jnp.zeros((HID,), dtype=jnp.float32)
    inp['head_W2'] = _lin_init(ks[8], HID, HID)
    inp['head_b2'] = jnp.zeros((HID,), dtype=jnp.float32)
    inp['head_W3'] = _lin_init(ks[9], OUT, HID)
    inp['head_b3'] = jnp.zeros((OUT,), dtype=jnp.float32)
    return inp


def _gcn_conv(h, edge_index, W, b):
    # PyG GCNConv: linear transform, symmetric-normalized sum aggregation with self-loops, bias after agg
    h = h @ W.T
    loop = jnp.arange(N, dtype=edge_index.dtype)
    src = jnp.concatenate([edge_index[0], loop])
    dst = jnp.concatenate([edge_index[1], loop])
    deg = jnp.zeros((N,), dtype=h.dtype).at[dst].add(1.0)
    dinv = jnp.where(deg > 0, 1.0 / jnp.sqrt(deg), 0.0)
    norm = dinv[src] * dinv[dst]
    msg = h[src] * norm[:, None]
    out = jnp.zeros_like(h).at[dst].add(msg)
    return out + b


def _bn_eval(h, g, b, rm, rv):
    return (h - rm) / jnp.sqrt(rv + 1e-5) * g + b


def reference(x, edge_index, edge_attr, batch, enc_W, enc_b,
              conv0_W, conv0_b, bn0_g, bn0_b, bn0_rm, bn0_rv,
              conv1_W, conv1_b, bn1_g, bn1_b, bn1_rm, bn1_rv,
              head_W1, head_b1, head_W2, head_b2, head_W3, head_b3):
    # VOCNodeEncoder: Linear(14, hidden)
    h = x @ enc_W.T + enc_b
    # layer 0
    h = _gcn_conv(h, edge_index, conv0_W, conv0_b)
    h = _bn_eval(h, bn0_g, bn0_b, bn0_rm, bn0_rv)
    h = jax.nn.relu(h)  # dropout is identity in eval mode
    # layer 1
    h = _gcn_conv(h, edge_index, conv1_W, conv1_b)
    h = _bn_eval(h, bn1_g, bn1_b, bn1_rm, bn1_rv)
    h = jax.nn.relu(h)
    # GNNInductiveNodeHead: 3-layer MLP, node-level
    h = jax.nn.relu(h @ head_W1.T + head_b1)
    h = jax.nn.relu(h @ head_W2.T + head_b2)
    h = h @ head_W3.T + head_b3
    return h

if __name__ == "__main__":
    import jax
    _d = setup_inputs()
    print(jax.jit(kernel)(*tuple(_d.values())))

</pallas_src>

<mosaic_0001>
#map = affine_map<(d0, d1) -> (0, 0)>
module attributes {stable_mosaic.version = 14 : i64} {
  func.func @_sc_agg_body(%arg0: i32, %arg1: i32, %arg2: memref<20480x64xf32, #tpu.memory_space<hbm>>, %arg3: memref<5120x128xi32, #tpu.memory_space<hbm>>, %arg4: memref<20480x64xf32, #tpu.memory_space<hbm>>, %arg5: memref<10240x64xf32, #tpu.memory_space<vmem_shared>>, %arg6: memref<10240x64xf32, #tpu.memory_space<vmem_shared>>, %arg7: memref<8x128xi32, #tpu.memory_space<vmem>>, %arg8: memref<8x128xi32, #tpu.memory_space<vmem>>, %arg9: memref<4x128x64xf32, #tpu.memory_space<vmem>>, %arg10: memref<!tpu.dma_semaphore, #tpu.memory_space<semaphore_mem>>, %arg11: memref<!tpu.dma_semaphore, #tpu.memory_space<semaphore_mem>>, %arg12: memref<!tpu.dma_semaphore, #tpu.memory_space<semaphore_mem>>, %arg13: memref<!tpu.dma_semaphore, #tpu.memory_space<semaphore_mem>>, %arg14: memref<!tpu.dma_semaphore, #tpu.memory_space<semaphore_mem>>, %arg15: memref<!tpu.dma_semaphore, #tpu.memory_space<semaphore_mem>>, %arg16: memref<!tpu.dma_semaphore, #tpu.memory_space<semaphore_mem>>, %arg17: memref<!tpu.dma_semaphore, #tpu.memory_space<semaphore_mem>>, %arg18: memref<!tpu.dma_semaphore, #tpu.memory_space<semaphore_mem>>) attributes {dimension_semantics = [#tpu.dimension_semantics<core_parallel>, #tpu.dimension_semantics<subcore_parallel>], iteration_bounds = array<i64: 2, 16>, scalar_prefetch = 0 : i64, scratch_operands = 14 : i64, tpu.core_type = #tpu.core_type<sc_vector_subcore>, window_params = [{transform_indices = #map}, {transform_indices = #map}, {transform_indices = #map}]} {
    %mul3A = arith.constant 10240 : i32
    %mul3A_0 = arith.muli %arg0, %mul3A : i32
    %mul3A_1 = arith.constant 640 : i32
    %mul3A_2 = arith.muli %arg1, %mul3A_1 : i32
    %add3A = arith.addi %mul3A_0, %mul3A_2 : i32
    %mul3A_3 = arith.constant 640 : i32
    %mul3A_4 = arith.muli %arg1, %mul3A_3 : i32
    "tpu.region"() ({
      %run_scoped3A = tpu.sem_alloc : memref<!tpu.dma_semaphore, #tpu.memory_space<semaphore_mem>>
      %dma_start3A_425 = arith.constant 0 : i32
      %dma_start3A_426 = tpu.memref_slice %arg5[%mul3A_4, %dma_start3A_425] : memref<10240x64xf32, #tpu.memory_space<vmem_shared>> -> memref<640x64xf32, #tpu.memory_space<vmem_shared>>
      %dma_start3A_427 = arith.constant 0 : i32
      %dma_start3A_428 = tpu.memref_slice %arg2[%add3A, %dma_start3A_427] : memref<20480x64xf32, #tpu.memory_space<hbm>> -> memref<640x64xf32, #tpu.memory_space<hbm>>
      tpu.enqueue_dma source(%dma_start3A_428 : memref<640x64xf32, #tpu.memory_space<hbm>>) target(%dma_start3A_426 : memref<640x64xf32, #tpu.memory_space<vmem_shared>>) target_semaphore(%run_scoped3A : memref<!tpu.dma_semaphore, #tpu.memory_space<semaphore_mem>>)
      %dma_wait3A_429 = arith.constant 0 : i32
      %dma_wait3A_430 = tpu.memref_slice %arg5[%mul3A_4, %dma_wait3A_429] : memref<10240x64xf32, #tpu.memory_space<vmem_shared>> -> memref<640x64xf32, #tpu.memory_space<vmem_shared>>
      %dma_wait3A_431 = arith.constant 0 : i32
      %dma_wait3A_432 = tpu.memref_slice %arg2[%add3A, %dma_wait3A_431] : memref<20480x64xf32, #tpu.memory_space<hbm>> -> memref<640x64xf32, #tpu.memory_space<hbm>>
      tpu.wait_dma2 semaphore(%run_scoped3A : memref<!tpu.dma_semaphore, #tpu.memory_space<semaphore_mem>>) src(%dma_wait3A_432 : memref<640x64xf32, #tpu.memory_space<hbm>>) dst(%dma_wait3A_430 : memref<640x64xf32, #tpu.memory_space<vmem_shared>>)
      tpu.yield
    }) : () -> ()
    %mul3A_5 = arith.constant 10240 : i32
    %mul3A_6 = arith.muli %arg0, %mul3A_5 : i32
    %mul3A_7 = arith.constant 640 : i32
    %mul3A_8 = arith.muli %arg1, %mul3A_7 : i32
    %add3A_9 = arith.addi %mul3A_6, %mul3A_8 : i32
    %mul3A_10 = arith.constant 640 : i32
    %mul3A_11 = arith.muli %arg1, %mul3A_10 : i32
    "tpu.region"() ({
      %run_scoped3A = tpu.sem_alloc : memref<!tpu.dma_semaphore, #tpu.memory_space<semaphore_mem>>
      %dma_start3A_425 = arith.constant 0 : i32
      %dma_start3A_426 = tpu.memref_slice %arg6[%mul3A_11, %dma_start3A_425] : memref<10240x64xf32, #tpu.memory_space<vmem_shared>> -> memref<640x64xf32, #tpu.memory_space<vmem_shared>>
      %dma_start3A_427 = arith.constant 0 : i32
      %dma_start3A_428 = tpu.memref_slice %arg2[%add3A_9, %dma_start3A_427] : memref<20480x64xf32, #tpu.memory_space<hbm>> -> memref<640x64xf32, #tpu.memory_space<hbm>>
      tpu.enqueue_dma source(%dma_start3A_428 : memref<640x64xf32, #tpu.memory_space<hbm>>) target(%dma_start3A_426 : memref<640x64xf32, #tpu.memory_space<vmem_shared>>) target_semaphore(%run_scoped3A : memref<!tpu.dma_semaphore, #tpu.memory_space<semaphore_mem>>)
      %dma_wait3A_429 = arith.constant 0 : i32
      %dma_wait3A_430 = tpu.memref_slice %arg6[%mul3A_11, %dma_wait3A_429] : memref<10240x64xf32, #tpu.memory_space<vmem_shared>> -> memref<640x64xf32, #tpu.memory_space<vmem_shared>>
      %dma_wait3A_431 = arith.constant 0 : i32
      %dma_wait3A_432 = tpu.memref_slice %arg2[%add3A_9, %dma_wait3A_431] : memref<20480x64xf32, #tpu.memory_space<hbm>> -> memref<640x64xf32, #tpu.memory_space<hbm>>
      tpu.wait_dma2 semaphore(%run_scoped3A : memref<!tpu.dma_semaphore, #tpu.memory_space<semaphore_mem>>) src(%dma_wait3A_432 : memref<640x64xf32, #tpu.memory_space<hbm>>) dst(%dma_wait3A_430 : memref<640x64xf32, #tpu.memory_space<vmem_shared>>)
      tpu.yield
    }) : () -> ()
    %barrier3A = arith.constant 0 : index
    tpu.barrier barrier_id(%barrier3A)
    %mul3A_12 = arith.constant 40 : i32
    %mul3A_13 = arith.muli %arg1, %mul3A_12 : i32
    %mul3A_14 = arith.constant 8 : i32
    %mul3A_15 = arith.muli %mul3A_13, %mul3A_14 : i32
    "tpu.region"() ({
      %run_scoped3A = tpu.sem_alloc : memref<!tpu.dma_semaphore, #tpu.memory_space<semaphore_mem>>
      %dma_start3A_425 = arith.constant 0 : i32
      %dma_start3A_426 = tpu.memref_slice %arg3[%mul3A_15, %dma_start3A_425] : memref<5120x128xi32, #tpu.memory_space<hbm>> -> memref<8x128xi32, #tpu.memory_space<hbm>>
      %dma_start3A_427 = arith.constant 0 : i32
      %dma_start3A_428 = tpu.memref_slice %arg3[%mul3A_15, %dma_start3A_427] : memref<5120x128xi32, #tpu.memory_space<hbm>> -> memref<8x128xi32, #tpu.memory_space<hbm>>
      tpu.enqueue_dma source(%dma_start3A_428 : memref<8x128xi32, #tpu.memory_space<hbm>>) target(%arg7 : memref<8x128xi32, #tpu.memory_space<vmem>>) target_semaphore(%run_scoped3A : memref<!tpu.dma_semaphore, #tpu.memory_space<semaphore_mem>>)
      %dma_wait3A_429 = arith.constant 0 : i32
      %dma_wait3A_430 = tpu.memref_slice %arg3[%mul3A_15, %dma_wait3A_429] : memref<5120x128xi32, #tpu.memory_space<hbm>> -> memref<8x128xi32, #tpu.memory_space<hbm>>
      %dma_wait3A_431 = arith.constant 0 : i32
      %dma_wait3A_432 = tpu.memref_slice %arg3[%mul3A_15, %dma_wait3A_431] : memref<5120x128xi32, #tpu.memory_space<hbm>> -> memref<8x128xi32, #tpu.memory_space<hbm>>
      tpu.wait_dma2 semaphore(%run_scoped3A : memref<!tpu.dma_semaphore, #tpu.memory_space<semaphore_mem>>) src(%dma_wait3A_432 : memref<8x128xi32, #tpu.memory_space<hbm>>) dst(%arg7 : memref<8x128xi32, #tpu.memory_space<vmem>>)
      tpu.yield
    }) : () -> ()
    %dma_start3A = arith.constant 0 : i32
    %dma_start3A_16 = arith.constant 0 : i32
    %dma_start3A_17 = arith.constant 0 : i32
    %dma_start3A_18 = arith.constant 0 : i32
    %dma_start3A_19 = tpu.memref_slice %arg9[%dma_start3A_16, %dma_start3A_17, %dma_start3A_18] : memref<4x128x64xf32, #tpu.memory_space<vmem>> -> memref<1x128x64xf32, #tpu.memory_space<vmem>>
    %dma_start3A_20 = tpu.memref_squeeze %dma_start3A_19 : memref<1x128x64xf32, #tpu.memory_space<vmem>> -> memref<128x64xf32, #tpu.memory_space<vmem>>
    %dma_start3A_21 = arith.constant 0 : i32
    %dma_start3A_22 = tpu.memref_slice %arg7[%dma_start3A, %dma_start3A_21] : memref<8x128xi32, #tpu.memory_space<vmem>> -> memref<1x128xi32, #tpu.memory_space<vmem>>
    %dma_start3A_23 = tpu.memref_squeeze %dma_start3A_22 : memref<1x128xi32, #tpu.memory_space<vmem>> -> memref<128xi32, #tpu.memory_space<vmem>>
    %dma_start3A_24 = arith.constant 0 : i32
    %dma_start3A_25 = arith.constant 0 : i32
    %dma_start3A_26 = tpu.memref_slice %arg5[%dma_start3A_24, %dma_start3A_25] : memref<10240x64xf32, #tpu.memory_space<vmem_shared>> -> memref<10240x64xf32, #tpu.memory_space<vmem_shared>>
    tpu.enqueue_indirect_dma source(%dma_start3A_26 : memref<10240x64xf32, #tpu.memory_space<vmem_shared>>) target(%dma_start3A_20 : memref<128x64xf32, #tpu.memory_space<vmem>>) offsets(%dma_start3A_23 : memref<128xi32, #tpu.memory_space<vmem>>) semaphore(%arg10 : memref<!tpu.dma_semaphore, #tpu.memory_space<semaphore_mem>>)
    %dma_start3A_27 = arith.constant 1 : i32
    %dma_start3A_28 = arith.constant 1 : i32
    %dma_start3A_29 = arith.constant 0 : i32
    %dma_start3A_30 = arith.constant 0 : i32
    %dma_start3A_31 = tpu.memref_slice %arg9[%dma_start3A_28, %dma_start3A_29, %dma_start3A_30] : memref<4x128x64xf32, #tpu.memory_space<vmem>> -> memref<1x128x64xf32, #tpu.memory_space<vmem>>
    %dma_start3A_32 = tpu.memref_squeeze %dma_start3A_31 : memref<1x128x64xf32, #tpu.memory_space<vmem>> -> memref<128x64xf32, #tpu.memory_space<vmem>>
    %dma_start3A_33 = arith.constant 0 : i32
    %dma_start3A_34 = tpu.memref_slice %arg7[%dma_start3A_27, %dma_start3A_33] : memref<8x128xi32, #tpu.memory_space<vmem>> -> memref<1x128xi32, #tpu.memory_space<vmem>>
    %dma_start3A_35 = tpu.memref_squeeze %dma_start3A_34 : memref<1x128xi32, #tpu.memory_space<vmem>> -> memref<128xi32, #tpu.memory_space<vmem>>
    %dma_start3A_36 = arith.constant 0 : i32
    %dma_start3A_37 = arith.constant 0 : i32
    %dma_start3A_38 = tpu.memref_slice %arg5[%dma_start3A_36, %dma_start3A_37] : memref<10240x64xf32, #tpu.memory_space<vmem_shared>> -> memref<10240x64xf32, #tpu.memory_space<vmem_shared>>
    tpu.enqueue_indirect_dma source(%dma_start3A_38 : memref<10240x64xf32, #tpu.memory_space<vmem_shared>>) target(%dma_start3A_32 : memref<128x64xf32, #tpu.memory_space<vmem>>) offsets(%dma_start3A_35 : memref<128xi32, #tpu.memory_space<vmem>>) semaphore(%arg11 : memref<!tpu.dma_semaphore, #tpu.memory_space<semaphore_mem>>)
    %dma_start3A_39 = arith.constant 2 : i32
    %dma_start3A_40 = arith.constant 2 : i32
    %dma_start3A_41 = arith.constant 0 : i32
    %dma_start3A_42 = arith.constant 0 : i32
    %dma_start3A_43 = tpu.memref_slice %arg9[%dma_start3A_40, %dma_start3A_41, %dma_start3A_42] : memref<4x128x64xf32, #tpu.memory_space<vmem>> -> memref<1x128x64xf32, #tpu.memory_space<vmem>>
    %dma_start3A_44 = tpu.memref_squeeze %dma_start3A_43 : memref<1x128x64xf32, #tpu.memory_space<vmem>> -> memref<128x64xf32, #tpu.memory_space<vmem>>
    %dma_start3A_45 = arith.constant 0 : i32
    %dma_start3A_46 = tpu.memref_slice %arg7[%dma_start3A_39, %dma_start3A_45] : memref<8x128xi32, #tpu.memory_space<vmem>> -> memref<1x128xi32, #tpu.memory_space<vmem>>
    %dma_start3A_47 = tpu.memref_squeeze %dma_start3A_46 : memref<1x128xi32, #tpu.memory_space<vmem>> -> memref<128xi32, #tpu.memory_space<vmem>>
    %dma_start3A_48 = arith.constant 0 : i32
    %dma_start3A_49 = arith.constant 0 : i32
    %dma_start3A_50 = tpu.memref_slice %arg5[%dma_start3A_48, %dma_start3A_49] : memref<10240x64xf32, #tpu.memory_space<vmem_shared>> -> memref<10240x64xf32, #tpu.memory_space<vmem_shared>>
    tpu.enqueue_indirect_dma source(%dma_start3A_50 : memref<10240x64xf32, #tpu.memory_space<vmem_shared>>) target(%dma_start3A_44 : memref<128x64xf32, #tpu.memory_space<vmem>>) offsets(%dma_start3A_47 : memref<128xi32, #tpu.memory_space<vmem>>) semaphore(%arg12 : memref<!tpu.dma_semaphore, #tpu.memory_space<semaphore_mem>>)
    %dma_start3A_51 = arith.constant 3 : i32
    %dma_start3A_52 = arith.constant 3 : i32
    %dma_start3A_53 = arith.constant 0 : i32
    %dma_start3A_54 = arith.constant 0 : i32
    %dma_start3A_55 = tpu.memref_slice %arg9[%dma_start3A_52, %dma_start3A_53, %dma_start3A_54] : memref<4x128x64xf32, #tpu.memory_space<vmem>> -> memref<1x128x64xf32, #tpu.memory_space<vmem>>
    %dma_start3A_56 = tpu.memref_squeeze %dma_start3A_55 : memref<1x128x64xf32, #tpu.memory_space<vmem>> -> memref<128x64xf32, #tpu.memory_space<vmem>>
    %dma_start3A_57 = arith.constant 0 : i32
    %dma_start3A_58 = tpu.memref_slice %arg7[%dma_start3A_51, %dma_start3A_57] : memref<8x128xi32, #tpu.memory_space<vmem>> -> memref<1x128xi32, #tpu.memory_space<vmem>>
    %dma_start3A_59 = tpu.memref_squeeze %dma_start3A_58 : memref<1x128xi32, #tpu.memory_space<vmem>> -> memref<128xi32, #tpu.memory_space<vmem>>
    %dma_start3A_60 = arith.constant 0 : i32
    %dma_start3A_61 = arith.constant 0 : i32
    %dma_start3A_62 = tpu.memref_slice %arg5[%dma_start3A_60, %dma_start3A_61] : memref<10240x64xf32, #tpu.memory_space<vmem_shared>> -> memref<10240x64xf32, #tpu.memory_space<vmem_shared>>
    tpu.enqueue_indirect_dma source(%dma_start3A_62 : memref<10240x64xf32, #tpu.memory_space<vmem_shared>>) target(%dma_start3A_56 : memref<128x64xf32, #tpu.memory_space<vmem>>) offsets(%dma_start3A_59 : memref<128xi32, #tpu.memory_space<vmem>>) semaphore(%arg13 : memref<!tpu.dma_semaphore, #tpu.memory_space<semaphore_mem>>)
    %scan3A = arith.constant 0 : i32
    %scan3A_63 = arith.constant 0 : i32
    %scan3A_64 = arith.constant 19 : i32
    %scan3A_65 = arith.addi %scan3A_63, %scan3A_64 : i32
    %scan3A_66 = arith.constant 1 : i32
    scf.for %scan3A_425 = %scan3A_63 to %scan3A_65 step %scan3A_66  : i32 {
      %mul3A_426 = arith.constant 2 : i32
      %mul3A_427 = arith.muli %mul3A_426, %scan3A_425 : i32
      %add3A_428 = arith.addi %mul3A_13, %mul3A_427 : i32
      %add3A_429 = arith.constant 1 : i32
      %add3A_430 = arith.addi %add3A_428, %add3A_429 : i32
      %mul3A_431 = arith.constant 8 : i32
      %mul3A_432 = arith.muli %add3A_430, %mul3A_431 : i32
      %dma_start3A_433 = arith.constant 0 : i32
      %dma_start3A_434 = tpu.memref_slice %arg3[%mul3A_432, %dma_start3A_433] : memref<5120x128xi32, #tpu.memory_space<hbm>> -> memref<8x128xi32, #tpu.memory_space<hbm>>
      %dma_start3A_435 = arith.constant 0 : i32
      %dma_start3A_436 = tpu.memref_slice %arg3[%mul3A_432, %dma_start3A_435] : memref<5120x128xi32, #tpu.memory_space<hbm>> -> memref<8x128xi32, #tpu.memory_space<hbm>>
      tpu.enqueue_dma source(%dma_start3A_436 : memref<8x128xi32, #tpu.memory_space<hbm>>) target(%arg8 : memref<8x128xi32, #tpu.memory_space<vmem>>) target_semaphore(%arg18 : memref<!tpu.dma_semaphore, #tpu.memory_space<semaphore_mem>>)
      %dma_wait3A_437 = arith.constant 0 : i32
      %dma_wait3A_438 = arith.constant 0 : i32
      %dma_wait3A_439 = arith.constant 0 : i32
      %dma_wait3A_440 = arith.constant 0 : i32
      %dma_wait3A_441 = tpu.memref_slice %arg9[%dma_wait3A_438, %dma_wait3A_439, %dma_wait3A_440] : memref<4x128x64xf32, #tpu.memory_space<vmem>> -> memref<1x128x64xf32, #tpu.memory_space<vmem>>
      %dma_wait3A_442 = tpu.memref_squeeze %dma_wait3A_441 : memref<1x128x64xf32, #tpu.memory_space<vmem>> -> memref<128x64xf32, #tpu.memory_space<vmem>>
      %dma_wait3A_443 = arith.constant 0 : i32
      %dma_wait3A_444 = tpu.memref_slice %arg7[%dma_wait3A_437, %dma_wait3A_443] : memref<8x128xi32, #tpu.memory_space<vmem>> -> memref<1x128xi32, #tpu.memory_space<vmem>>
      %dma_wait3A_445 = tpu.memref_squeeze %dma_wait3A_444 : memref<1x128xi32, #tpu.memory_space<vmem>> -> memref<128xi32, #tpu.memory_space<vmem>>
      %dma_wait3A_446 = arith.constant 0 : i32
      %dma_wait3A_447 = arith.constant 0 : i32
      %dma_wait3A_448 = tpu.memref_slice %arg5[%dma_wait3A_446, %dma_wait3A_447] : memref<10240x64xf32, #tpu.memory_space<vmem_shared>> -> memref<10240x64xf32, #tpu.memory_space<vmem_shared>>
      tpu.wait_indirect_dma semaphore(%arg10 : memref<!tpu.dma_semaphore, #tpu.memory_space<semaphore_mem>>) src(%dma_wait3A_448 : memref<10240x64xf32, #tpu.memory_space<vmem_shared>>) dst(%dma_wait3A_442 : memref<128x64xf32, #tpu.memory_space<vmem>>)
      %dma_start3A_449 = arith.constant 0 : i32
      %dma_start3A_450 = arith.constant 4 : i32
      %dma_start3A_451 = arith.constant 0 : i32
      %dma_start3A_452 = arith.constant 0 : i32
      %dma_start3A_453 = tpu.memref_slice %arg9[%dma_start3A_449, %dma_start3A_451, %dma_start3A_452] : memref<4x128x64xf32, #tpu.memory_space<vmem>> -> memref<1x128x64xf32, #tpu.memory_space<vmem>>
      %dma_start3A_454 = tpu.memref_squeeze %dma_start3A_453 : memref<1x128x64xf32, #tpu.memory_space<vmem>> -> memref<128x64xf32, #tpu.memory_space<vmem>>
      %dma_start3A_455 = arith.constant 0 : i32
      %dma_start3A_456 = tpu.memref_slice %arg7[%dma_start3A_450, %dma_start3A_455] : memref<8x128xi32, #tpu.memory_space<vmem>> -> memref<1x128xi32, #tpu.memory_space<vmem>>
      %dma_start3A_457 = tpu.memref_squeeze %dma_start3A_456 : memref<1x128xi32, #tpu.memory_space<vmem>> -> memref<128xi32, #tpu.memory_space<vmem>>
      %dma_start3A_458 = arith.constant 0 : i32
      %dma_start3A_459 = arith.constant 0 : i32
      %dma_start3A_460 = tpu.memref_slice %arg6[%dma_start3A_458, %dma_start3A_459] : memref<10240x64xf32, #tpu.memory_space<vmem_shared>> -> memref<10240x64xf32, #tpu.memory_space<vmem_shared>>
      tpu.enqueue_indirect_dma source(%dma_start3A_454 : memref<128x64xf32, #tpu.memory_space<vmem>>) target(%dma_start3A_460 : memref<10240x64xf32, #tpu.memory_space<vmem_shared>>) offsets(%dma_start3A_457 : memref<128xi32, #tpu.memory_space<vmem>>) semaphore(%arg14 : memref<!tpu.dma_semaphore, #tpu.memory_space<semaphore_mem>>) {add = true}
      %dma_wait3A_461 = arith.constant 1 : i32
      %dma_wait3A_462 = arith.constant 1 : i32
      %dma_wait3A_463 = arith.constant 0 : i32
      %dma_wait3A_464 = arith.constant 0 : i32
      %dma_wait3A_465 = tpu.memref_slice %arg9[%dma_wait3A_462, %dma_wait3A_463, %dma_wait3A_464] : memref<4x128x64xf32, #tpu.memory_space<vmem>> -> memref<1x128x64xf32, #tpu.memory_space<vmem>>
      %dma_wait3A_466 = tpu.memref_squeeze %dma_wait3A_465 : memref<1x128x64xf32, #tpu.memory_space<vmem>> -> memref<128x64xf32, #tpu.memory_space<vmem>>
      %dma_wait3A_467 = arith.constant 0 : i32
      %dma_wait3A_468 = tpu.memref_slice %arg7[%dma_wait3A_461, %dma_wait3A_467] : memref<8x128xi32, #tpu.memory_space<vmem>> -> memref<1x128xi32, #tpu.memory_space<vmem>>
      %dma_wait3A_469 = tpu.memref_squeeze %dma_wait3A_468 : memref<1x128xi32, #tpu.memory_space<vmem>> -> memref<128xi32, #tpu.memory_space<vmem>>
      %dma_wait3A_470 = arith.constant 0 : i32
      %dma_wait3A_471 = arith.constant 0 : i32
      %dma_wait3A_472 = tpu.memref_slice %arg5[%dma_wait3A_470, %dma_wait3A_471] : memref<10240x64xf32, #tpu.memory_space<vmem_shared>> -> memref<10240x64xf32, #tpu.memory_space<vmem_shared>>
      tpu.wait_indirect_dma semaphore(%arg11 : memref<!tpu.dma_semaphore, #tpu.memory_space<semaphore_mem>>) src(%dma_wait3A_472 : memref<10240x64xf32, #tpu.memory_space<vmem_shared>>) dst(%dma_wait3A_466 : memref<128x64xf32, #tpu.memory_space<vmem>>)
      %dma_start3A_473 = arith.constant 1 : i32
      %dma_start3A_474 = arith.constant 5 : i32
      %dma_start3A_475 = arith.constant 0 : i32
      %dma_start3A_476 = arith.constant 0 : i32
      %dma_start3A_477 = tpu.memref_slice %arg9[%dma_start3A_473, %dma_start3A_475, %dma_start3A_476] : memref<4x128x64xf32, #tpu.memory_space<vmem>> -> memref<1x128x64xf32, #tpu.memory_space<vmem>>
      %dma_start3A_478 = tpu.memref_squeeze %dma_start3A_477 : memref<1x128x64xf32, #tpu.memory_space<vmem>> -> memref<128x64xf32, #tpu.memory_space<vmem>>
      %dma_start3A_479 = arith.constant 0 : i32
      %dma_start3A_480 = tpu.memref_slice %arg7[%dma_start3A_474, %dma_start3A_479] : memref<8x128xi32, #tpu.memory_space<vmem>> -> memref<1x128xi32, #tpu.memory_space<vmem>>
      %dma_start3A_481 = tpu.memref_squeeze %dma_start3A_480 : memref<1x128xi32, #tpu.memory_space<vmem>> -> memref<128xi32, #tpu.memory_space<vmem>>
      %dma_start3A_482 = arith.constant 0 : i32
      %dma_start3A_483 = arith.constant 0 : i32
      %dma_start3A_484 = tpu.memref_slice %arg6[%dma_start3A_482, %dma_start3A_483] : memref<10240x64xf32, #tpu.memory_space<vmem_shared>> -> memref<10240x64xf32, #tpu.memory_space<vmem_shared>>
      tpu.enqueue_indirect_dma source(%dma_start3A_478 : memref<128x64xf32, #tpu.memory_space<vmem>>) target(%dma_start3A_484 : memref<10240x64xf32, #tpu.memory_space<vmem_shared>>) offsets(%dma_start3A_481 : memref<128xi32, #tpu.memory_space<vmem>>) semaphore(%arg15 : memref<!tpu.dma_semaphore, #tpu.memory_space<semaphore_mem>>) {add = true}
      %dma_wait3A_485 = arith.constant 2 : i32
      %dma_wait3A_486 = arith.constant 2 : i32
      %dma_wait3A_487 = arith.constant 0 : i32
      %dma_wait3A_488 = arith.constant 0 : i32
      %dma_wait3A_489 = tpu.memref_slice %arg9[%dma_wait3A_486, %dma_wait3A_487, %dma_wait3A_488] : memref<4x128x64xf32, #tpu.memory_space<vmem>> -> memref<1x128x64xf32, #tpu.memory_space<vmem>>
      %dma_wait3A_490 = tpu.memref_squeeze %dma_wait3A_489 : memref<1x128x64xf32, #tpu.memory_space<vmem>> -> memref<128x64xf32, #tpu.memory_space<vmem>>
      %dma_wait3A_491 = arith.constant 0 : i32
      %dma_wait3A_492 = tpu.memref_slice %arg7[%dma_wait3A_485, %dma_wait3A_491] : memref<8x128xi32, #tpu.memory_space<vmem>> -> memref<1x128xi32, #tpu.memory_space<vmem>>
      %dma_wait3A_493 = tpu.memref_squeeze %dma_wait3A_492 : memref<1x128xi32, #tpu.memory_space<vmem>> -> memref<128xi32, #tpu.memory_space<vmem>>
      %dma_wait3A_494 = arith.constant 0 : i32
      %dma_wait3A_495 = arith.constant 0 : i32
      %dma_wait3A_496 = tpu.memref_slice %arg5[%dma_wait3A_494, %dma_wait3A_495] : memref<10240x64xf32, #tpu.memory_space<vmem_shared>> -> memref<10240x64xf32, #tpu.memory_space<vmem_shared>>
      tpu.wait_indirect_dma semaphore(%arg12 : memref<!tpu.dma_semaphore, #tpu.memory_space<semaphore_mem>>) src(%dma_wait3A_496 : memref<10240x64xf32, #tpu.memory_space<vmem_shared>>) dst(%dma_wait3A_490 : memref<128x64xf32, #tpu.memory_space<vmem>>)
      %dma_start3A_497 = arith.constant 2 : i32
      %dma_start3A_498 = arith.constant 6 : i32
      %dma_start3A_499 = arith.constant 0 : i32
      %dma_start3A_500 = arith.constant 0 : i32
      %dma_start3A_501 = tpu.memref_slice %arg9[%dma_start3A_497, %dma_start3A_499, %dma_start3A_500] : memref<4x128x64xf32, #tpu.memory_space<vmem>> -> memref<1x128x64xf32, #tpu.memory_space<vmem>>
      %dma_start3A_502 = tpu.memref_squeeze %dma_start3A_501 : memref<1x128x64xf32, #tpu.memory_space<vmem>> -> memref<128x64xf32, #tpu.memory_space<vmem>>
      %dma_start3A_503 = arith.constant 0 : i32
      %dma_start3A_504 = tpu.memref_slice %arg7[%dma_start3A_498, %dma_start3A_503] : memref<8x128xi32, #tpu.memory_space<vmem>> -> memref<1x128xi32, #tpu.memory_space<vmem>>
      %dma_start3A_505 = tpu.memref_squeeze %dma_start3A_504 : memref<1x128xi32, #tpu.memory_space<vmem>> -> memref<128xi32, #tpu.memory_space<vmem>>
      %dma_start3A_506 = arith.constant 0 : i32
      %dma_start3A_507 = arith.constant 0 : i32
      %dma_start3A_508 = tpu.memref_slice %arg6[%dma_start3A_506, %dma_start3A_507] : memref<10240x64xf32, #tpu.memory_space<vmem_shared>> -> memref<10240x64xf32, #tpu.memory_space<vmem_shared>>
      tpu.enqueue_indirect_dma source(%dma_start3A_502 : memref<128x64xf32, #tpu.memory_space<vmem>>) target(%dma_start3A_508 : memref<10240x64xf32, #tpu.memory_space<vmem_shared>>) offsets(%dma_start3A_505 : memref<128xi32, #tpu.memory_space<vmem>>) semaphore(%arg16 : memref<!tpu.dma_semaphore, #tpu.memory_space<semaphore_mem>>) {add = true}
      %dma_wait3A_509 = arith.constant 3 : i32
      %dma_wait3A_510 = arith.constant 3 : i32
      %dma_wait3A_511 = arith.constant 0 : i32
      %dma_wait3A_512 = arith.constant 0 : i32
      %dma_wait3A_513 = tpu.memref_slice %arg9[%dma_wait3A_510, %dma_wait3A_511, %dma_wait3A_512] : memref<4x128x64xf32, #tpu.memory_space<vmem>> -> memref<1x128x64xf32, #tpu.memory_space<vmem>>
      %dma_wait3A_514 = tpu.memref_squeeze %dma_wait3A_513 : memref<1x128x64xf32, #tpu.memory_space<vmem>> -> memref<128x64xf32, #tpu.memory_space<vmem>>
      %dma_wait3A_515 = arith.constant 0 : i32
      %dma_wait3A_516 = tpu.memref_slice %arg7[%dma_wait3A_509, %dma_wait3A_515] : memref<8x128xi32, #tpu.memory_space<vmem>> -> memref<1x128xi32, #tpu.memory_space<vmem>>
      %dma_wait3A_517 = tpu.memref_squeeze %dma_wait3A_516 : memref<1x128xi32, #tpu.memory_space<vmem>> -> memref<128xi32, #tpu.memory_space<vmem>>
      %dma_wait3A_518 = arith.constant 0 : i32
      %dma_wait3A_519 = arith.constant 0 : i32
      %dma_wait3A_520 = tpu.memref_slice %arg5[%dma_wait3A_518, %dma_wait3A_519] : memref<10240x64xf32, #tpu.memory_space<vmem_shared>> -> memref<10240x64xf32, #tpu.memory_space<vmem_shared>>
      tpu.wait_indirect_dma semaphore(%arg13 : memref<!tpu.dma_semaphore, #tpu.memory_space<semaphore_mem>>) src(%dma_wait3A_520 : memref<10240x64xf32, #tpu.memory_space<vmem_shared>>) dst(%dma_wait3A_514 : memref<128x64xf32, #tpu.memory_space<vmem>>)
      %dma_start3A_521 = arith.constant 3 : i32
      %dma_start3A_522 = arith.constant 7 : i32
      %dma_start3A_523 = arith.constant 0 : i32
      %dma_start3A_524 = arith.constant 0 : i32
      %dma_start3A_525 = tpu.memref_slice %arg9[%dma_start3A_521, %dma_start3A_523, %dma_start3A_524] : memref<4x128x64xf32, #tpu.memory_space<vmem>> -> memref<1x128x64xf32, #tpu.memory_space<vmem>>
      %dma_start3A_526 = tpu.memref_squeeze %dma_start3A_525 : memref<1x128x64xf32, #tpu.memory_space<vmem>> -> memref<128x64xf32, #tpu.memory_space<vmem>>
      %dma_start3A_527 = arith.constant 0 : i32
      %dma_start3A_528 = tpu.memref_slice %arg7[%dma_start3A_522, %dma_start3A_527] : memref<8x128xi32, #tpu.memory_space<vmem>> -> memref<1x128xi32, #tpu.memory_space<vmem>>
      %dma_start3A_529 = tpu.memref_squeeze %dma_start3A_528 : memref<1x128xi32, #tpu.memory_space<vmem>> -> memref<128xi32, #tpu.memory_space<vmem>>
      %dma_start3A_530 = arith.constant 0 : i32
      %dma_start3A_531 = arith.constant 0 : i32
      %dma_start3A_532 = tpu.memref_slice %arg6[%dma_start3A_530, %dma_start3A_531] : memref<10240x64xf32, #tpu.memory_space<vmem_shared>> -> memref<10240x64xf32, #tpu.memory_space<vmem_shared>>
      tpu.enqueue_indirect_dma source(%dma_start3A_526 : memref<128x64xf32, #tpu.memory_space<vmem>>) target(%dma_start3A_532 : memref<10240x64xf32, #tpu.memory_space<vmem_shared>>) offsets(%dma_start3A_529 : memref<128xi32, #tpu.memory_space<vmem>>) semaphore(%arg17 : memref<!tpu.dma_semaphore, #tpu.memory_space<semaphore_mem>>) {add = true}
      %dma_wait3A_533 = arith.constant 0 : i32
      %dma_wait3A_534 = tpu.memref_slice %arg3[%mul3A_432, %dma_wait3A_533] : memref<5120x128xi32, #tpu.memory_space<hbm>> -> memref<8x128xi32, #tpu.memory_space<hbm>>
      %dma_wait3A_535 = arith.constant 0 : i32
      %dma_wait3A_536 = tpu.memref_slice %arg3[%mul3A_432, %dma_wait3A_535] : memref<5120x128xi32, #tpu.memory_space<hbm>> -> memref<8x128xi32, #tpu.memory_space<hbm>>
      tpu.wait_dma2 semaphore(%arg18 : memref<!tpu.dma_semaphore, #tpu.memory_space<semaphore_mem>>) src(%dma_wait3A_536 : memref<8x128xi32, #tpu.memory_space<hbm>>) dst(%arg8 : memref<8x128xi32, #tpu.memory_space<vmem>>)
      %dma_wait3A_537 = arith.constant 0 : i32
      %dma_wait3A_538 = arith.constant 4 : i32
      %dma_wait3A_539 = arith.constant 0 : i32
      %dma_wait3A_540 = arith.constant 0 : i32
      %dma_wait3A_541 = tpu.memref_slice %arg9[%dma_wait3A_537, %dma_wait3A_539, %dma_wait3A_540] : memref<4x128x64xf32, #tpu.memory_space<vmem>> -> memref<1x128x64xf32, #tpu.memory_space<vmem>>
      %dma_wait3A_542 = tpu.memref_squeeze %dma_wait3A_541 : memref<1x128x64xf32, #tpu.memory_space<vmem>> -> memref<128x64xf32, #tpu.memory_space<vmem>>
      %dma_wait3A_543 = arith.constant 0 : i32
      %dma_wait3A_544 = tpu.memref_slice %arg7[%dma_wait3A_538, %dma_wait3A_543] : memref<8x128xi32, #tpu.memory_space<vmem>> -> memref<1x128xi32, #tpu.memory_space<vmem>>
      %dma_wait3A_545 = tpu.memref_squeeze %dma_wait3A_544 : memref<1x128xi32, #tpu.memory_space<vmem>> -> memref<128xi32, #tpu.memory_space<vmem>>
      %dma_wait3A_546 = arith.constant 0 : i32
      %dma_wait3A_547 = arith.constant 0 : i32
      %dma_wait3A_548 = tpu.memref_slice %arg6[%dma_wait3A_546, %dma_wait3A_547] : memref<10240x64xf32, #tpu.memory_space<vmem_shared>> -> memref<10240x64xf32, #tpu.memory_space<vmem_shared>>
      tpu.wait_indirect_dma semaphore(%arg14 : memref<!tpu.dma_semaphore, #tpu.memory_space<semaphore_mem>>) src(%dma_wait3A_542 : memref<128x64xf32, #tpu.memory_space<vmem>>) dst(%dma_wait3A_548 : memref<10240x64xf32, #tpu.memory_space<vmem_shared>>)
      %dma_start3A_549 = arith.constant 0 : i32
      %dma_start3A_550 = arith.constant 0 : i32
      %dma_start3A_551 = arith.constant 0 : i32
      %dma_start3A_552 = arith.constant 0 : i32
      %dma_start3A_553 = tpu.memref_slice %arg9[%dma_start3A_550, %dma_start3A_551, %dma_start3A_552] : memref<4x128x64xf32, #tpu.memory_space<vmem>> -> memref<1x128x64xf32, #tpu.memory_space<vmem>>
      %dma_start3A_554 = tpu.memref_squeeze %dma_start3A_553 : memref<1x128x64xf32, #tpu.memory_space<vmem>> -> memref<128x64xf32, #tpu.memory_space<vmem>>
      %dma_start3A_555 = arith.constant 0 : i32
      %dma_start3A_556 = tpu.memref_slice %arg8[%dma_start3A_549, %dma_start3A_555] : memref<8x128xi32, #tpu.memory_space<vmem>> -> memref<1x128xi32, #tpu.memory_space<vmem>>
      %dma_start3A_557 = tpu.memref_squeeze %dma_start3A_556 : memref<1x128xi32, #tpu.memory_space<vmem>> -> memref<128xi32, #tpu.memory_space<vmem>>
      %dma_start3A_558 = arith.constant 0 : i32
      %dma_start3A_559 = arith.constant 0 : i32
      %dma_start3A_560 = tpu.memref_slice %arg5[%dma_start3A_558, %dma_start3A_559] : memref<10240x64xf32, #tpu.memory_space<vmem_shared>> -> memref<10240x64xf32, #tpu.memory_space<vmem_shared>>
      tpu.enqueue_indirect_dma source(%dma_start3A_560 : memref<10240x64xf32, #tpu.memory_space<vmem_shared>>) target(%dma_start3A_554 : memref<128x64xf32, #tpu.memory_space<vmem>>) offsets(%dma_start3A_557 : memref<128xi32, #tpu.memory_space<vmem>>) semaphore(%arg10 : memref<!tpu.dma_semaphore, #tpu.memory_space<semaphore_mem>>)
      %dma_wait3A_561 = arith.constant 1 : i32
      %dma_wait3A_562 = arith.constant 5 : i32
      %dma_wait3A_563 = arith.constant 0 : i32
      %dma_wait3A_564 = arith.constant 0 : i32
      %dma_wait3A_565 = tpu.memref_slice %arg9[%dma_wait3A_561, %dma_wait3A_563, %dma_wait3A_564] : memref<4x128x64xf32, #tpu.memory_space<vmem>> -> memref<1x128x64xf32, #tpu.memory_space<vmem>>
      %dma_wait3A_566 = tpu.memref_squeeze %dma_wait3A_565 : memref<1x128x64xf32, #tpu.memory_space<vmem>> -> memref<128x64xf32, #tpu.memory_space<vmem>>
      %dma_wait3A_567 = arith.constant 0 : i32
      %dma_wait3A_568 = tpu.memref_slice %arg7[%dma_wait3A_562, %dma_wait3A_567] : memref<8x128xi32, #tpu.memory_space<vmem>> -> memref<1x128xi32, #tpu.memory_space<vmem>>
      %dma_wait3A_569 = tpu.memref_squeeze %dma_wait3A_568 : memref<1x128xi32, #tpu.memory_space<vmem>> -> memref<128xi32, #tpu.memory_space<vmem>>
      %dma_wait3A_570 = arith.constant 0 : i32
      %dma_wait3A_571 = arith.constant 0 : i32
      %dma_wait3A_572 = tpu.memref_slice %arg6[%dma_wait3A_570, %dma_wait3A_571] : memref<10240x64xf32, #tpu.memory_space<vmem_shared>> -> memref<10240x64xf32, #tpu.memory_space<vmem_shared>>
      tpu.wait_indirect_dma semaphore(%arg15 : memref<!tpu.dma_semaphore, #tpu.memory_space<semaphore_mem>>) src(%dma_wait3A_566 : memref<128x64xf32, #tpu.memory_space<vmem>>) dst(%dma_wait3A_572 : memref<10240x64xf32, #tpu.memory_space<vmem_shared>>)
      %dma_start3A_573 = arith.constant 1 : i32
      %dma_start3A_574 = arith.constant 1 : i32
      %dma_start3A_575 = arith.constant 0 : i32
      %dma_start3A_576 = arith.constant 0 : i32
      %dma_start3A_577 = tpu.memref_slice %arg9[%dma_start3A_574, %dma_start3A_575, %dma_start3A_576] : memref<4x128x64xf32, #tpu.memory_space<vmem>> -> memref<1x128x64xf32, #tpu.memory_space<vmem>>
      %dma_start3A_578 = tpu.memref_squeeze %dma_start3A_577 : memref<1x128x64xf32, #tpu.memory_space<vmem>> -> memref<128x64xf32, #tpu.memory_space<vmem>>
      %dma_start3A_579 = arith.constant 0 : i32
      %dma_start3A_580 = tpu.memref_slice %arg8[%dma_start3A_573, %dma_start3A_579] : memref<8x128xi32, #tpu.memory_space<vmem>> -> memref<1x128xi32, #tpu.memory_space<vmem>>
      %dma_start3A_581 = tpu.memref_squeeze %dma_start3A_580 : memref<1x128xi32, #tpu.memory_space<vmem>> -> memref<128xi32, #tpu.memory_space<vmem>>
      %dma_start3A_582 = arith.constant 0 : i32
      %dma_start3A_583 = arith.constant 0 : i32
      %dma_start3A_584 = tpu.memref_slice %arg5[%dma_start3A_582, %dma_start3A_583] : memref<10240x64xf32, #tpu.memory_space<vmem_shared>> -> memref<10240x64xf32, #tpu.memory_space<vmem_shared>>
      tpu.enqueue_indirect_dma source(%dma_start3A_584 : memref<10240x64xf32, #tpu.memory_space<vmem_shared>>) target(%dma_start3A_578 : memref<128x64xf32, #tpu.memory_space<vmem>>) offsets(%dma_start3A_581 : memref<128xi32, #tpu.memory_space<vmem>>) semaphore(%arg11 : memref<!tpu.dma_semaphore, #tpu.memory_space<semaphore_mem>>)
      %dma_wait3A_585 = arith.constant 2 : i32
      %dma_wait3A_586 = arith.constant 6 : i32
      %dma_wait3A_587 = arith.constant 0 : i32
      %dma_wait3A_588 = arith.constant 0 : i32
      %dma_wait3A_589 = tpu.memref_slice %arg9[%dma_wait3A_585, %dma_wait3A_587, %dma_wait3A_588] : memref<4x128x64xf32, #tpu.memory_space<vmem>> -> memref<1x128x64xf32, #tpu.memory_space<vmem>>
      %dma_wait3A_590 = tpu.memref_squeeze %dma_wait3A_589 : memref<1x128x64xf32, #tpu.memory_space<vmem>> -> memref<128x64xf32, #tpu.memory_space<vmem>>
      %dma_wait3A_591 = arith.constant 0 : i32
      %dma_wait3A_592 = tpu.memref_slice %arg7[%dma_wait3A_586, %dma_wait3A_591] : memref<8x128xi32, #tpu.memory_space<vmem>> -> memref<1x128xi32, #tpu.memory_space<vmem>>
      %dma_wait3A_593 = tpu.memref_squeeze %dma_wait3A_592 : memref<1x128xi32, #tpu.memory_space<vmem>> -> memref<128xi32, #tpu.memory_space<vmem>>
      %dma_wait3A_594 = arith.constant 0 : i32
      %dma_wait3A_595 = arith.constant 0 : i32
      %dma_wait3A_596 = tpu.memref_slice %arg6[%dma_wait3A_594, %dma_wait3A_595] : memref<10240x64xf32, #tpu.memory_space<vmem_shared>> -> memref<10240x64xf32, #tpu.memory_space<vmem_shared>>
      tpu.wait_indirect_dma semaphore(%arg16 : memref<!tpu.dma_semaphore, #tpu.memory_space<semaphore_mem>>) src(%dma_wait3A_590 : memref<128x64xf32, #tpu.memory_space<vmem>>) dst(%dma_wait3A_596 : memref<10240x64xf32, #tpu.memory_space<vmem_shared>>)
      %dma_start3A_597 = arith.constant 2 : i32
      %dma_start3A_598 = arith.constant 2 : i32
      %dma_start3A_599 = arith.constant 0 : i32
      %dma_start3A_600 = arith.constant 0 : i32
      %dma_start3A_601 = tpu.memref_slice %arg9[%dma_start3A_598, %dma_start3A_599, %dma_start3A_600] : memref<4x128x64xf32, #tpu.memory_space<vmem>> -> memref<1x128x64xf32, #tpu.memory_space<vmem>>
      %dma_start3A_602 = tpu.memref_squeeze %dma_start3A_601 : memref<1x128x64xf32, #tpu.memory_space<vmem>> -> memref<128x64xf32, #tpu.memory_space<vmem>>
      %dma_start3A_603 = arith.constant 0 : i32
      %dma_start3A_604 = tpu.memref_slice %arg8[%dma_start3A_597, %dma_start3A_603] : memref<8x128xi32, #tpu.memory_space<vmem>> -> memref<1x128xi32, #tpu.memory_space<vmem>>
      %dma_start3A_605 = tpu.memref_squeeze %dma_start3A_604 : memref<1x128xi32, #tpu.memory_space<vmem>> -> memref<128xi32, #tpu.memory_space<vmem>>
      %dma_start3A_606 = arith.constant 0 : i32
      %dma_start3A_607 = arith.constant 0 : i32
      %dma_start3A_608 = tpu.memref_slice %arg5[%dma_start3A_606, %dma_start3A_607] : memref<10240x64xf32, #tpu.memory_space<vmem_shared>> -> memref<10240x64xf32, #tpu.memory_space<vmem_shared>>
      tpu.enqueue_indirect_dma source(%dma_start3A_608 : memref<10240x64xf32, #tpu.memory_space<vmem_shared>>) target(%dma_start3A_602 : memref<128x64xf32, #tpu.memory_space<vmem>>) offsets(%dma_start3A_605 : memref<128xi32, #tpu.memory_space<vmem>>) semaphore(%arg12 : memref<!tpu.dma_semaphore, #tpu.memory_space<semaphore_mem>>)
      %dma_wait3A_609 = arith.constant 3 : i32
      %dma_wait3A_610 = arith.constant 7 : i32
      %dma_wait3A_611 = arith.constant 0 : i32
      %dma_wait3A_612 = arith.constant 0 : i32
      %dma_wait3A_613 = tpu.memref_slice %arg9[%dma_wait3A_609, %dma_wait3A_611, %dma_wait3A_612] : memref<4x128x64xf32, #tpu.memory_space<vmem>> -> memref<1x128x64xf32, #tpu.memory_space<vmem>>
      %dma_wait3A_614 = tpu.memref_squeeze %dma_wait3A_613 : memref<1x128x64xf32, #tpu.memory_space<vmem>> -> memref<128x64xf32, #tpu.memory_space<vmem>>
      %dma_wait3A_615 = arith.constant 0 : i32
      %dma_wait3A_616 = tpu.memref_slice %arg7[%dma_wait3A_610, %dma_wait3A_615] : memref<8x128xi32, #tpu.memory_space<vmem>> -> memref<1x128xi32, #tpu.memory_space<vmem>>
      %dma_wait3A_617 = tpu.memref_squeeze %dma_wait3A_616 : memref<1x128xi32, #tpu.memory_space<vmem>> -> memref<128xi32, #tpu.memory_space<vmem>>
      %dma_wait3A_618 = arith.constant 0 : i32
      %dma_wait3A_619 = arith.constant 0 : i32
      %dma_wait3A_620 = tpu.memref_slice %arg6[%dma_wait3A_618, %dma_wait3A_619] : memref<10240x64xf32, #tpu.memory_space<vmem_shared>> -> memref<10240x64xf32, #tpu.memory_space<vmem_shared>>
      tpu.wait_indirect_dma semaphore(%arg17 : memref<!tpu.dma_semaphore, #tpu.memory_space<semaphore_mem>>) src(%dma_wait3A_614 : memref<128x64xf32, #tpu.memory_space<vmem>>) dst(%dma_wait3A_620 : memref<10240x64xf32, #tpu.memory_space<vmem_shared>>)
      %dma_start3A_621 = arith.constant 3 : i32
      %dma_start3A_622 = arith.constant 3 : i32
      %dma_start3A_623 = arith.constant 0 : i32
      %dma_start3A_624 = arith.constant 0 : i32
      %dma_start3A_625 = tpu.memref_slice %arg9[%dma_start3A_622, %dma_start3A_623, %dma_start3A_624] : memref<4x128x64xf32, #tpu.memory_space<vmem>> -> memref<1x128x64xf32, #tpu.memory_space<vmem>>
      %dma_start3A_626 = tpu.memref_squeeze %dma_start3A_625 : memref<1x128x64xf32, #tpu.memory_space<vmem>> -> memref<128x64xf32, #tpu.memory_space<vmem>>
      %dma_start3A_627 = arith.constant 0 : i32
      %dma_start3A_628 = tpu.memref_slice %arg8[%dma_start3A_621, %dma_start3A_627] : memref<8x128xi32, #tpu.memory_space<vmem>> -> memref<1x128xi32, #tpu.memory_space<vmem>>
      %dma_start3A_629 = tpu.memref_squeeze %dma_start3A_628 : memref<1x128xi32, #tpu.memory_space<vmem>> -> memref<128xi32, #tpu.memory_space<vmem>>
      %dma_start3A_630 = arith.constant 0 : i32
      %dma_start3A_631 = arith.constant 0 : i32
      %dma_start3A_632 = tpu.memref_slice %arg5[%dma_start3A_630, %dma_start3A_631] : memref<10240x64xf32, #tpu.memory_space<vmem_shared>> -> memref<10240x64xf32, #tpu.memory_space<vmem_shared>>
      tpu.enqueue_indirect_dma source(%dma_start3A_632 : memref<10240x64xf32, #tpu.memory_space<vmem_shared>>) target(%dma_start3A_626 : memref<128x64xf32, #tpu.memory_space<vmem>>) offsets(%dma_start3A_629 : memref<128xi32, #tpu.memory_space<vmem>>) semaphore(%arg13 : memref<!tpu.dma_semaphore, #tpu.memory_space<semaphore_mem>>)
      %mul3A_633 = arith.constant 2 : i32
      %mul3A_634 = arith.muli %mul3A_633, %scan3A_425 : i32
      %add3A_635 = arith.constant 1 : i32
      %add3A_636 = arith.addi %mul3A_634, %add3A_635 : i32
      %add3A_637 = arith.addi %mul3A_13, %add3A_636 : i32
      %add3A_638 = arith.constant 1 : i32
      %add3A_639 = arith.addi %add3A_637, %add3A_638 : i32
      %mul3A_640 = arith.constant 8 : i32
      %mul3A_641 = arith.muli %add3A_639, %mul3A_640 : i32
      %dma_start3A_642 = arith.constant 0 : i32
      %dma_start3A_643 = tpu.memref_slice %arg3[%mul3A_641, %dma_start3A_642] : memref<5120x128xi32, #tpu.memory_space<hbm>> -> memref<8x128xi32, #tpu.memory_space<hbm>>
      %dma_start3A_644 = arith.constant 0 : i32
      %dma_start3A_645 = tpu.memref_slice %arg3[%mul3A_641, %dma_start3A_644] : memref<5120x128xi32, #tpu.memory_space<hbm>> -> memref<8x128xi32, #tpu.memory_space<hbm>>
      tpu.enqueue_dma source(%dma_start3A_645 : memref<8x128xi32, #tpu.memory_space<hbm>>) target(%arg7 : memref<8x128xi32, #tpu.memory_space<vmem>>) target_semaphore(%arg18 : memref<!tpu.dma_semaphore, #tpu.memory_space<semaphore_mem>>)
      %dma_wait3A_646 = arith.constant 0 : i32
      %dma_wait3A_647 = arith.constant 0 : i32
      %dma_wait3A_648 = arith.constant 0 : i32
      %dma_wait3A_649 = arith.constant 0 : i32
      %dma_wait3A_650 = tpu.memref_slice %arg9[%dma_wait3A_647, %dma_wait3A_648, %dma_wait3A_649] : memref<4x128x64xf32, #tpu.memory_space<vmem>> -> memref<1x128x64xf32, #tpu.memory_space<vmem>>
      %dma_wait3A_651 = tpu.memref_squeeze %dma_wait3A_650 : memref<1x128x64xf32, #tpu.memory_space<vmem>> -> memref<128x64xf32, #tpu.memory_space<vmem>>
      %dma_wait3A_652 = arith.constant 0 : i32
      %dma_wait3A_653 = tpu.memref_slice %arg8[%dma_wait3A_646, %dma_wait3A_652] : memref<8x128xi32, #tpu.memory_space<vmem>> -> memref<1x128xi32, #tpu.memory_space<vmem>>
      %dma_wait3A_654 = tpu.memref_squeeze %dma_wait3A_653 : memref<1x128xi32, #tpu.memory_space<vmem>> -> memref<128xi32, #tpu.memory_space<vmem>>
      %dma_wait3A_655 = arith.constant 0 : i32
      %dma_wait3A_656 = arith.constant 0 : i32
      %dma_wait3A_657 = tpu.memref_slice %arg5[%dma_wait3A_655, %dma_wait3A_656] : memref<10240x64xf32, #tpu.memory_space<vmem_shared>> -> memref<10240x64xf32, #tpu.memory_space<vmem_shared>>
      tpu.wait_indirect_dma semaphore(%arg10 : memref<!tpu.dma_semaphore, #tpu.memory_space<semaphore_mem>>) src(%dma_wait3A_657 : memref<10240x64xf32, #tpu.memory_space<vmem_shared>>) dst(%dma_wait3A_651 : memref<128x64xf32, #tpu.memory_space<vmem>>)
      %dma_start3A_658 = arith.constant 0 : i32
      %dma_start3A_659 = arith.constant 4 : i32
      %dma_start3A_660 = arith.constant 0 : i32
      %dma_start3A_661 = arith.constant 0 : i32
      %dma_start3A_662 = tpu.memref_slice %arg9[%dma_start3A_658, %dma_start3A_660, %dma_start3A_661] : memref<4x128x64xf32, #tpu.memory_space<vmem>> -> memref<1x128x64xf32, #tpu.memory_space<vmem>>
      %dma_start3A_663 = tpu.memref_squeeze %dma_start3A_662 : memref<1x128x64xf32, #tpu.memory_space<vmem>> -> memref<128x64xf32, #tpu.memory_space<vmem>>
      %dma_start3A_664 = arith.constant 0 : i32
      %dma_start3A_665 = tpu.memref_slice %arg8[%dma_start3A_659, %dma_start3A_664] : memref<8x128xi32, #tpu.memory_space<vmem>> -> memref<1x128xi32, #tpu.memory_space<vmem>>
      %dma_start3A_666 = tpu.memref_squeeze %dma_start3A_665 : memref<1x128xi32, #tpu.memory_space<vmem>> -> memref<128xi32, #tpu.memory_space<vmem>>
      %dma_start3A_667 = arith.constant 0 : i32
      %dma_start3A_668 = arith.constant 0 : i32
      %dma_start3A_669 = tpu.memref_slice %arg6[%dma_start3A_667, %dma_start3A_668] : memref<10240x64xf32, #tpu.memory_space<vmem_shared>> -> memref<10240x64xf32, #tpu.memory_space<vmem_shared>>
      tpu.enqueue_indirect_dma source(%dma_start3A_663 : memref<128x64xf32, #tpu.memory_space<vmem>>) target(%dma_start3A_669 : memref<10240x64xf32, #tpu.memory_space<vmem_shared>>) offsets(%dma_start3A_666 : memref<128xi32, #tpu.memory_space<vmem>>) semaphore(%arg14 : memref<!tpu.dma_semaphore, #tpu.memory_space<semaphore_mem>>) {add = true}
      %dma_wait3A_670 = arith.constant 1 : i32
      %dma_wait3A_671 = arith.constant 1 : i32
      %dma_wait3A_672 = arith.constant 0 : i32
      %dma_wait3A_673 = arith.constant 0 : i32
      %dma_wait3A_674 = tpu.memref_slice %arg9[%dma_wait3A_671, %dma_wait3A_672, %dma_wait3A_673] : memref<4x128x64xf32, #tpu.memory_space<vmem>> -> memref<1x128x64xf32, #tpu.memory_space<vmem>>
      %dma_wait3A_675 = tpu.memref_squeeze %dma_wait3A_674 : memref<1x128x64xf32, #tpu.memory_space<vmem>> -> memref<128x64xf32, #tpu.memory_space<vmem>>
      %dma_wait3A_676 = arith.constant 0 : i32
      %dma_wait3A_677 = tpu.memref_slice %arg8[%dma_wait3A_670, %dma_wait3A_676] : memref<8x128xi32, #tpu.memory_space<vmem>> -> memref<1x128xi32, #tpu.memory_space<vmem>>
      %dma_wait3A_678 = tpu.memref_squeeze %dma_wait3A_677 : memref<1x128xi32, #tpu.memory_space<vmem>> -> memref<128xi32, #tpu.memory_space<vmem>>
      %dma_wait3A_679 = arith.constant 0 : i32
      %dma_wait3A_680 = arith.constant 0 : i32
      %dma_wait3A_681 = tpu.memref_slice %arg5[%dma_wait3A_679, %dma_wait3A_680] : memref<10240x64xf32, #tpu.memory_space<vmem_shared>> -> memref<10240x64xf32, #tpu.memory_space<vmem_shared>>
      tpu.wait_indirect_dma semaphore(%arg11 : memref<!tpu.dma_semaphore, #tpu.memory_space<semaphore_mem>>) src(%dma_wait3A_681 : memref<10240x64xf32, #tpu.memory_space<vmem_shared>>) dst(%dma_wait3A_675 : memref<128x64xf32, #tpu.memory_space<vmem>>)
      %dma_start3A_682 = arith.constant 1 : i32
      %dma_start3A_683 = arith.constant 5 : i32
      %dma_start3A_684 = arith.constant 0 : i32
      %dma_start3A_685 = arith.constant 0 : i32
      %dma_start3A_686 = tpu.memref_slice %arg9[%dma_start3A_682, %dma_start3A_684, %dma_start3A_685] : memref<4x128x64xf32, #tpu.memory_space<vmem>> -> memref<1x128x64xf32, #tpu.memory_space<vmem>>
      %dma_start3A_687 = tpu.memref_squeeze %dma_start3A_686 : memref<1x128x64xf32, #tpu.memory_space<vmem>> -> memref<128x64xf32, #tpu.memory_space<vmem>>
      %dma_start3A_688 = arith.constant 0 : i32
      %dma_start3A_689 = tpu.memref_slice %arg8[%dma_start3A_683, %dma_start3A_688] : memref<8x128xi32, #tpu.memory_space<vmem>> -> memref<1x128xi32, #tpu.memory_space<vmem>>
      %dma_start3A_690 = tpu.memref_squeeze %dma_start3A_689 : memref<1x128xi32, #tpu.memory_space<vmem>> -> memref<128xi32, #tpu.memory_space<vmem>>
      %dma_start3A_691 = arith.constant 0 : i32
      %dma_start3A_692 = arith.constant 0 : i32
      %dma_start3A_693 = tpu.memref_slice %arg6[%dma_start3A_691, %dma_start3A_692] : memref<10240x64xf32, #tpu.memory_space<vmem_shared>> -> memref<10240x64xf32, #tpu.memory_space<vmem_shared>>
      tpu.enqueue_indirect_dma source(%dma_start3A_687 : memref<128x64xf32, #tpu.memory_space<vmem>>) target(%dma_start3A_693 : memref<10240x64xf32, #tpu.memory_space<vmem_shared>>) offsets(%dma_start3A_690 : memref<128xi32, #tpu.memory_space<vmem>>) semaphore(%arg15 : memref<!tpu.dma_semaphore, #tpu.memory_space<semaphore_mem>>) {add = true}
      %dma_wait3A_694 = arith.constant 2 : i32
      %dma_wait3A_695 = arith.constant 2 : i32
      %dma_wait3A_696 = arith.constant 0 : i32
      %dma_wait3A_697 = arith.constant 0 : i32
      %dma_wait3A_698 = tpu.memref_slice %arg9[%dma_wait3A_695, %dma_wait3A_696, %dma_wait3A_697] : memref<4x128x64xf32, #tpu.memory_space<vmem>> -> memref<1x128x64xf32, #tpu.memory_space<vmem>>
      %dma_wait3A_699 = tpu.memref_squeeze %dma_wait3A_698 : memref<1x128x64xf32, #tpu.memory_space<vmem>> -> memref<128x64xf32, #tpu.memory_space<vmem>>
      %dma_wait3A_700 = arith.constant 0 : i32
      %dma_wait3A_701 = tpu.memref_slice %arg8[%dma_wait3A_694, %dma_wait3A_700] : memref<8x128xi32, #tpu.memory_space<vmem>> -> memref<1x128xi32, #tpu.memory_space<vmem>>
      %dma_wait3A_702 = tpu.memref_squeeze %dma_wait3A_701 : memref<1x128xi32, #tpu.memory_space<vmem>> -> memref<128xi32, #tpu.memory_space<vmem>>
      %dma_wait3A_703 = arith.constant 0 : i32
      %dma_wait3A_704 = arith.constant 0 : i32
      %dma_wait3A_705 = tpu.memref_slice %arg5[%dma_wait3A_703, %dma_wait3A_704] : memref<10240x64xf32, #tpu.memory_space<vmem_shared>> -> memref<10240x64xf32, #tpu.memory_space<vmem_shared>>
      tpu.wait_indirect_dma semaphore(%arg12 : memref<!tpu.dma_semaphore, #tpu.memory_space<semaphore_mem>>) src(%dma_wait3A_705 : memref<10240x64xf32, #tpu.memory_space<vmem_shared>>) dst(%dma_wait3A_699 : memref<128x64xf32, #tpu.memory_space<vmem>>)
      %dma_start3A_706 = arith.constant 2 : i32
      %dma_start3A_707 = arith.constant 6 : i32
      %dma_start3A_708 = arith.constant 0 : i32
      %dma_start3A_709 = arith.constant 0 : i32
      %dma_start3A_710 = tpu.memref_slice %arg9[%dma_start3A_706, %dma_start3A_708, %dma_start3A_709] : memref<4x128x64xf32, #tpu.memory_space<vmem>> -> memref<1x128x64xf32, #tpu.memory_space<vmem>>
      %dma_start3A_711 = tpu.memref_squeeze %dma_start3A_710 : memref<1x128x64xf32, #tpu.memory_space<vmem>> -> memref<128x64xf32, #tpu.memory_space<vmem>>
      %dma_start3A_712 = arith.constant 0 : i32
      %dma_start3A_713 = tpu.memref_slice %arg8[%dma_start3A_707, %dma_start3A_712] : memref<8x128xi32, #tpu.memory_space<vmem>> -> memref<1x128xi32, #tpu.memory_space<vmem>>
      %dma_start3A_714 = tpu.memref_squeeze %dma_start3A_713 : memref<1x128xi32, #tpu.memory_space<vmem>> -> memref<128xi32, #tpu.memory_space<vmem>>
      %dma_start3A_715 = arith.constant 0 : i32
      %dma_start3A_716 = arith.constant 0 : i32
      %dma_start3A_717 = tpu.memref_slice %arg6[%dma_start3A_715, %dma_start3A_716] : memref<10240x64xf32, #tpu.memory_space<vmem_shared>> -> memref<10240x64xf32, #tpu.memory_space<vmem_shared>>
      tpu.enqueue_indirect_dma source(%dma_start3A_711 : memref<128x64xf32, #tpu.memory_space<vmem>>) target(%dma_start3A_717 : memref<10240x64xf32, #tpu.memory_space<vmem_shared>>) offsets(%dma_start3A_714 : memref<128xi32, #tpu.memory_space<vmem>>) semaphore(%arg16 : memref<!tpu.dma_semaphore, #tpu.memory_space<semaphore_mem>>) {add = true}
      %dma_wait3A_718 = arith.constant 3 : i32
      %dma_wait3A_719 = arith.constant 3 : i32
      %dma_wait3A_720 = arith.constant 0 : i32
      %dma_wait3A_721 = arith.constant 0 : i32
      %dma_wait3A_722 = tpu.memref_slice %arg9[%dma_wait3A_719, %dma_wait3A_720, %dma_wait3A_721] : memref<4x128x64xf32, #tpu.memory_space<vmem>> -> memref<1x128x64xf32, #tpu.memory_space<vmem>>
      %dma_wait3A_723 = tpu.memref_squeeze %dma_wait3A_722 : memref<1x128x64xf32, #tpu.memory_space<vmem>> -> memref<128x64xf32, #tpu.memory_space<vmem>>
      %dma_wait3A_724 = arith.constant 0 : i32
      %dma_wait3A_725 = tpu.memref_slice %arg8[%dma_wait3A_718, %dma_wait3A_724] : memref<8x128xi32, #tpu.memory_space<vmem>> -> memref<1x128xi32, #tpu.memory_space<vmem>>
      %dma_wait3A_726 = tpu.memref_squeeze %dma_wait3A_725 : memref<1x128xi32, #tpu.memory_space<vmem>> -> memref<128xi32, #tpu.memory_space<vmem>>
      %dma_wait3A_727 = arith.constant 0 : i32
      %dma_wait3A_728 = arith.constant 0 : i32
      %dma_wait3A_729 = tpu.memref_slice %arg5[%dma_wait3A_727, %dma_wait3A_728] : memref<10240x64xf32, #tpu.memory_space<vmem_shared>> -> memref<10240x64xf32, #tpu.memory_space<vmem_shared>>
      tpu.wait_indirect_dma semaphore(%arg13 : memref<!tpu.dma_semaphore, #tpu.memory_space<semaphore_mem>>) src(%dma_wait3A_729 : memref<10240x64xf32, #tpu.memory_space<vmem_shared>>) dst(%dma_wait3A_723 : memref<128x64xf32, #tpu.memory_space<vmem>>)
      %dma_start3A_730 = arith.constant 3 : i32
      %dma_start3A_731 = arith.constant 7 : i32
      %dma_start3A_732 = arith.constant 0 : i32
      %dma_start3A_733 = arith.constant 0 : i32
      %dma_start3A_734 = tpu.memref_slice %arg9[%dma_start3A_730, %dma_start3A_732, %dma_start3A_733] : memref<4x128x64xf32, #tpu.memory_space<vmem>> -> memref<1x128x64xf32, #tpu.memory_space<vmem>>
      %dma_start3A_735 = tpu.memref_squeeze %dma_start3A_734 : memref<1x128x64xf32, #tpu.memory_space<vmem>> -> memref<128x64xf32, #tpu.memory_space<vmem>>
      %dma_start3A_736 = arith.constant 0 : i32
      %dma_start3A_737 = tpu.memref_slice %arg8[%dma_start3A_731, %dma_start3A_736] : memref<8x128xi32, #tpu.memory_space<vmem>> -> memref<1x128xi32, #tpu.memory_space<vmem>>
      %dma_start3A_738 = tpu.memref_squeeze %dma_start3A_737 : memref<1x128xi32, #tpu.memory_space<vmem>> -> memref<128xi32, #tpu.memory_space<vmem>>
      %dma_start3A_739 = arith.constant 0 : i32
      %dma_start3A_740 = arith.constant 0 : i32
      %dma_start3A_741 = tpu.memref_slice %arg6[%dma_start3A_739, %dma_start3A_740] : memref<10240x64xf32, #tpu.memory_space<vmem_shared>> -> memref<10240x64xf32, #tpu.memory_space<vmem_shared>>
      tpu.enqueue_indirect_dma source(%dma_start3A_735 : memref<128x64xf32, #tpu.memory_space<vmem>>) target(%dma_start3A_741 : memref<10240x64xf32, #tpu.memory_space<vmem_shared>>) offsets(%dma_start3A_738 : memref<128xi32, #tpu.memory_space<vmem>>) semaphore(%arg17 : memref<!tpu.dma_semaphore, #tpu.memory_space<semaphore_mem>>) {add = true}
      %dma_wait3A_742 = arith.constant 0 : i32
      %dma_wait3A_743 = tpu.memref_slice %arg3[%mul3A_641, %dma_wait3A_742] : memref<5120x128xi32, #tpu.memory_space<hbm>> -> memref<8x128xi32, #tpu.memory_space<hbm>>
      %dma_wait3A_744 = arith.constant 0 : i32
      %dma_wait3A_745 = tpu.memref_slice %arg3[%mul3A_641, %dma_wait3A_744] : memref<5120x128xi32, #tpu.memory_space<hbm>> -> memref<8x128xi32, #tpu.memory_space<hbm>>
      tpu.wait_dma2 semaphore(%arg18 : memref<!tpu.dma_semaphore, #tpu.memory_space<semaphore_mem>>) src(%dma_wait3A_745 : memref<8x128xi32, #tpu.memory_space<hbm>>) dst(%arg7 : memref<8x128xi32, #tpu.memory_space<vmem>>)
      %dma_wait3A_746 = arith.constant 0 : i32
      %dma_wait3A_747 = arith.constant 4 : i32
      %dma_wait3A_748 = arith.constant 0 : i32
      %dma_wait3A_749 = arith.constant 0 : i32
      %dma_wait3A_750 = tpu.memref_slice %arg9[%dma_wait3A_746, %dma_wait3A_748, %dma_wait3A_749] : memref<4x128x64xf32, #tpu.memory_space<vmem>> -> memref<1x128x64xf32, #tpu.memory_space<vmem>>
      %dma_wait3A_751 = tpu.memref_squeeze %dma_wait3A_750 : memref<1x128x64xf32, #tpu.memory_space<vmem>> -> memref<128x64xf32, #tpu.memory_space<vmem>>
      %dma_wait3A_752 = arith.constant 0 : i32
      %dma_wait3A_753 = tpu.memref_slice %arg8[%dma_wait3A_747, %dma_wait3A_752] : memref<8x128xi32, #tpu.memory_space<vmem>> -> memref<1x128xi32, #tpu.memory_space<vmem>>
      %dma_wait3A_754 = tpu.memref_squeeze %dma_wait3A_753 : memref<1x128xi32, #tpu.memory_space<vmem>> -> memref<128xi32, #tpu.memory_space<vmem>>
      %dma_wait3A_755 = arith.constant 0 : i32
      %dma_wait3A_756 = arith.constant 0 : i32
      %dma_wait3A_757 = tpu.memref_slice %arg6[%dma_wait3A_755, %dma_wait3A_756] : memref<10240x64xf32, #tpu.memory_space<vmem_shared>> -> memref<10240x64xf32, #tpu.memory_space<vmem_shared>>
      tpu.wait_indirect_dma semaphore(%arg14 : memref<!tpu.dma_semaphore, #tpu.memory_space<semaphore_mem>>) src(%dma_wait3A_751 : memref<128x64xf32, #tpu.memory_space<vmem>>) dst(%dma_wait3A_757 : memref<10240x64xf32, #tpu.memory_space<vmem_shared>>)
      %dma_start3A_758 = arith.constant 0 : i32
      %dma_start3A_759 = arith.constant 0 : i32
      %dma_start3A_760 = arith.constant 0 : i32
      %dma_start3A_761 = arith.constant 0 : i32
      %dma_start3A_762 = tpu.memref_slice %arg9[%dma_start3A_759, %dma_start3A_760, %dma_start3A_761] : memref<4x128x64xf32, #tpu.memory_space<vmem>> -> memref<1x128x64xf32, #tpu.memory_space<vmem>>
      %dma_start3A_763 = tpu.memref_squeeze %dma_start3A_762 : memref<1x128x64xf32, #tpu.memory_space<vmem>> -> memref<128x64xf32, #tpu.memory_space<vmem>>
      %dma_start3A_764 = arith.constant 0 : i32
      %dma_start3A_765 = tpu.memref_slice %arg7[%dma_start3A_758, %dma_start3A_764] : memref<8x128xi32, #tpu.memory_space<vmem>> -> memref<1x128xi32, #tpu.memory_space<vmem>>
      %dma_start3A_766 = tpu.memref_squeeze %dma_start3A_765 : memref<1x128xi32, #tpu.memory_space<vmem>> -> memref<128xi32, #tpu.memory_space<vmem>>
      %dma_start3A_767 = arith.constant 0 : i32
      %dma_start3A_768 = arith.constant 0 : i32
      %dma_start3A_769 = tpu.memref_slice %arg5[%dma_start3A_767, %dma_start3A_768] : memref<10240x64xf32, #tpu.memory_space<vmem_shared>> -> memref<10240x64xf32, #tpu.memory_space<vmem_shared>>
      tpu.enqueue_indirect_dma source(%dma_start3A_769 : memref<10240x64xf32, #tpu.memory_space<vmem_shared>>) target(%dma_start3A_763 : memref<128x64xf32, #tpu.memory_space<vmem>>) offsets(%dma_start3A_766 : memref<128xi32, #tpu.memory_space<vmem>>) semaphore(%arg10 : memref<!tpu.dma_semaphore, #tpu.memory_space<semaphore_mem>>)
      %dma_wait3A_770 = arith.constant 1 : i32
      %dma_wait3A_771 = arith.constant 5 : i32
      %dma_wait3A_772 = arith.constant 0 : i32
      %dma_wait3A_773 = arith.constant 0 : i32
      %dma_wait3A_774 = tpu.memref_slice %arg9[%dma_wait3A_770, %dma_wait3A_772, %dma_wait3A_773] : memref<4x128x64xf32, #tpu.memory_space<vmem>> -> memref<1x128x64xf32, #tpu.memory_space<vmem>>
      %dma_wait3A_775 = tpu.memref_squeeze %dma_wait3A_774 : memref<1x128x64xf32, #tpu.memory_space<vmem>> -> memref<128x64xf32, #tpu.memory_space<vmem>>
      %dma_wait3A_776 = arith.constant 0 : i32
      %dma_wait3A_777 = tpu.memref_slice %arg8[%dma_wait3A_771, %dma_wait3A_776] : memref<8x128xi32, #tpu.memory_space<vmem>> -> memref<1x128xi32, #tpu.memory_space<vmem>>
      %dma_wait3A_778 = tpu.memref_squeeze %dma_wait3A_777 : memref<1x128xi32, #tpu.memory_space<vmem>> -> memref<128xi32, #tpu.memory_space<vmem>>
      %dma_wait3A_779 = arith.constant 0 : i32
      %dma_wait3A_780 = arith.constant 0 : i32
      %dma_wait3A_781 = tpu.memref_slice %arg6[%dma_wait3A_779, %dma_wait3A_780] : memref<10240x64xf32, #tpu.memory_space<vmem_shared>> -> memref<10240x64xf32, #tpu.memory_space<vmem_shared>>
      tpu.wait_indirect_dma semaphore(%arg15 : memref<!tpu.dma_semaphore, #tpu.memory_space<semaphore_mem>>) src(%dma_wait3A_775 : memref<128x64xf32, #tpu.memory_space<vmem>>) dst(%dma_wait3A_781 : memref<10240x64xf32, #tpu.memory_space<vmem_shared>>)
      %dma_start3A_782 = arith.constant 1 : i32
      %dma_start3A_783 = arith.constant 1 : i32
      %dma_start3A_784 = arith.constant 0 : i32
      %dma_start3A_785 = arith.constant 0 : i32
      %dma_start3A_786 = tpu.memref_slice %arg9[%dma_start3A_783, %dma_start3A_784, %dma_start3A_785] : memref<4x128x64xf32, #tpu.memory_space<vmem>> -> memref<1x128x64xf32, #tpu.memory_space<vmem>>
      %dma_start3A_787 = tpu.memref_squeeze %dma_start3A_786 : memref<1x128x64xf32, #tpu.memory_space<vmem>> -> memref<128x64xf32, #tpu.memory_space<vmem>>
      %dma_start3A_788 = arith.constant 0 : i32
      %dma_start3A_789 = tpu.memref_slice %arg7[%dma_start3A_782, %dma_start3A_788] : memref<8x128xi32, #tpu.memory_space<vmem>> -> memref<1x128xi32, #tpu.memory_space<vmem>>
      %dma_start3A_790 = tpu.memref_squeeze %dma_start3A_789 : memref<1x128xi32, #tpu.memory_space<vmem>> -> memref<128xi32, #tpu.memory_space<vmem>>
      %dma_start3A_791 = arith.constant 0 : i32
      %dma_start3A_792 = arith.constant 0 : i32
      %dma_start3A_793 = tpu.memref_slice %arg5[%dma_start3A_791, %dma_start3A_792] : memref<10240x64xf32, #tpu.memory_space<vmem_shared>> -> memref<10240x64xf32, #tpu.memory_space<vmem_shared>>
      tpu.enqueue_indirect_dma source(%dma_start3A_793 : memref<10240x64xf32, #tpu.memory_space<vmem_shared>>) target(%dma_start3A_787 : memref<128x64xf32, #tpu.memory_space<vmem>>) offsets(%dma_start3A_790 : memref<128xi32, #tpu.memory_space<vmem>>) semaphore(%arg11 : memref<!tpu.dma_semaphore, #tpu.memory_space<semaphore_mem>>)
      %dma_wait3A_794 = arith.constant 2 : i32
      %dma_wait3A_795 = arith.constant 6 : i32
      %dma_wait3A_796 = arith.constant 0 : i32
      %dma_wait3A_797 = arith.constant 0 : i32
      %dma_wait3A_798 = tpu.memref_slice %arg9[%dma_wait3A_794, %dma_wait3A_796, %dma_wait3A_797] : memref<4x128x64xf32, #tpu.memory_space<vmem>> -> memref<1x128x64xf32, #tpu.memory_space<vmem>>
      %dma_wait3A_799 = tpu.memref_squeeze %dma_wait3A_798 : memref<1x128x64xf32, #tpu.memory_space<vmem>> -> memref<128x64xf32, #tpu.memory_space<vmem>>
      %dma_wait3A_800 = arith.constant 0 : i32
      %dma_wait3A_801 = tpu.memref_slice %arg8[%dma_wait3A_795, %dma_wait3A_800] : memref<8x128xi32, #tpu.memory_space<vmem>> -> memref<1x128xi32, #tpu.memory_space<vmem>>
      %dma_wait3A_802 = tpu.memref_squeeze %dma_wait3A_801 : memref<1x128xi32, #tpu.memory_space<vmem>> -> memref<128xi32, #tpu.memory_space<vmem>>
      %dma_wait3A_803 = arith.constant 0 : i32
      %dma_wait3A_804 = arith.constant 0 : i32
      %dma_wait3A_805 = tpu.memref_slice %arg6[%dma_wait3A_803, %dma_wait3A_804] : memref<10240x64xf32, #tpu.memory_space<vmem_shared>> -> memref<10240x64xf32, #tpu.memory_space<vmem_shared>>
      tpu.wait_indirect_dma semaphore(%arg16 : memref<!tpu.dma_semaphore, #tpu.memory_space<semaphore_mem>>) src(%dma_wait3A_799 : memref<128x64xf32, #tpu.memory_space<vmem>>) dst(%dma_wait3A_805 : memref<10240x64xf32, #tpu.memory_space<vmem_shared>>)
      %dma_start3A_806 = arith.constant 2 : i32
      %dma_start3A_807 = arith.constant 2 : i32
      %dma_start3A_808 = arith.constant 0 : i32
      %dma_start3A_809 = arith.constant 0 : i32
      %dma_start3A_810 = tpu.memref_slice %arg9[%dma_start3A_807, %dma_start3A_808, %dma_start3A_809] : memref<4x128x64xf32, #tpu.memory_space<vmem>> -> memref<1x128x64xf32, #tpu.memory_space<vmem>>
      %dma_start3A_811 = tpu.memref_squeeze %dma_start3A_810 : memref<1x128x64xf32, #tpu.memory_space<vmem>> -> memref<128x64xf32, #tpu.memory_space<vmem>>
      %dma_start3A_812 = arith.constant 0 : i32
      %dma_start3A_813 = tpu.memref_slice %arg7[%dma_start3A_806, %dma_start3A_812] : memref<8x128xi32, #tpu.memory_space<vmem>> -> memref<1x128xi32, #tpu.memory_space<vmem>>
      %dma_start3A_814 = tpu.memref_squeeze %dma_start3A_813 : memref<1x128xi32, #tpu.memory_space<vmem>> -> memref<128xi32, #tpu.memory_space<vmem>>
      %dma_start3A_815 = arith.constant 0 : i32
      %dma_start3A_816 = arith.constant 0 : i32
      %dma_start3A_817 = tpu.memref_slice %arg5[%dma_start3A_815, %dma_start3A_816] : memref<10240x64xf32, #tpu.memory_space<vmem_shared>> -> memref<10240x64xf32, #tpu.memory_space<vmem_shared>>
      tpu.enqueue_indirect_dma source(%dma_start3A_817 : memref<10240x64xf32, #tpu.memory_space<vmem_shared>>) target(%dma_start3A_811 : memref<128x64xf32, #tpu.memory_space<vmem>>) offsets(%dma_start3A_814 : memref<128xi32, #tpu.memory_space<vmem>>) semaphore(%arg12 : memref<!tpu.dma_semaphore, #tpu.memory_space<semaphore_mem>>)
      %dma_wait3A_818 = arith.constant 3 : i32
      %dma_wait3A_819 = arith.constant 7 : i32
      %dma_wait3A_820 = arith.constant 0 : i32
      %dma_wait3A_821 = arith.constant 0 : i32
      %dma_wait3A_822 = tpu.memref_slice %arg9[%dma_wait3A_818, %dma_wait3A_820, %dma_wait3A_821] : memref<4x128x64xf32, #tpu.memory_space<vmem>> -> memref<1x128x64xf32, #tpu.memory_space<vmem>>
      %dma_wait3A_823 = tpu.memref_squeeze %dma_wait3A_822 : memref<1x128x64xf32, #tpu.memory_space<vmem>> -> memref<128x64xf32, #tpu.memory_space<vmem>>
      %dma_wait3A_824 = arith.constant 0 : i32
      %dma_wait3A_825 = tpu.memref_slice %arg8[%dma_wait3A_819, %dma_wait3A_824] : memref<8x128xi32, #tpu.memory_space<vmem>> -> memref<1x128xi32, #tpu.memory_space<vmem>>
      %dma_wait3A_826 = tpu.memref_squeeze %dma_wait3A_825 : memref<1x128xi32, #tpu.memory_space<vmem>> -> memref<128xi32, #tpu.memory_space<vmem>>
      %dma_wait3A_827 = arith.constant 0 : i32
      %dma_wait3A_828 = arith.constant 0 : i32
      %dma_wait3A_829 = tpu.memref_slice %arg6[%dma_wait3A_827, %dma_wait3A_828] : memref<10240x64xf32, #tpu.memory_space<vmem_shared>> -> memref<10240x64xf32, #tpu.memory_space<vmem_shared>>
      tpu.wait_indirect_dma semaphore(%arg17 : memref<!tpu.dma_semaphore, #tpu.memory_space<semaphore_mem>>) src(%dma_wait3A_823 : memref<128x64xf32, #tpu.memory_space<vmem>>) dst(%dma_wait3A_829 : memref<10240x64xf32, #tpu.memory_space<vmem_shared>>)
      %dma_start3A_830 = arith.constant 3 : i32
      %dma_start3A_831 = arith.constant 3 : i32
      %dma_start3A_832 = arith.constant 0 : i32
      %dma_start3A_833 = arith.constant 0 : i32
      %dma_start3A_834 = tpu.memref_slice %arg9[%dma_start3A_831, %dma_start3A_832, %dma_start3A_833] : memref<4x128x64xf32, #tpu.memory_space<vmem>> -> memref<1x128x64xf32, #tpu.memory_space<vmem>>
      %dma_start3A_835 = tpu.memref_squeeze %dma_start3A_834 : memref<1x128x64xf32, #tpu.memory_space<vmem>> -> memref<128x64xf32, #tpu.memory_space<vmem>>
      %dma_start3A_836 = arith.constant 0 : i32
      %dma_start3A_837 = tpu.memref_slice %arg7[%dma_start3A_830, %dma_start3A_836] : memref<8x128xi32, #tpu.memory_space<vmem>> -> memref<1x128xi32, #tpu.memory_space<vmem>>
      %dma_start3A_838 = tpu.memref_squeeze %dma_start3A_837 : memref<1x128xi32, #tpu.memory_space<vmem>> -> memref<128xi32, #tpu.memory_space<vmem>>
      %dma_start3A_839 = arith.constant 0 : i32
      %dma_start3A_840 = arith.constant 0 : i32
      %dma_start3A_841 = tpu.memref_slice %arg5[%dma_start3A_839, %dma_start3A_840] : memref<10240x64xf32, #tpu.memory_space<vmem_shared>> -> memref<10240x64xf32, #tpu.memory_space<vmem_shared>>
      tpu.enqueue_indirect_dma source(%dma_start3A_841 : memref<10240x64xf32, #tpu.memory_space<vmem_shared>>) target(%dma_start3A_835 : memref<128x64xf32, #tpu.memory_space<vmem>>) offsets(%dma_start3A_838 : memref<128xi32, #tpu.memory_space<vmem>>) semaphore(%arg13 : memref<!tpu.dma_semaphore, #tpu.memory_space<semaphore_mem>>)
    }
    %scan3A_67 = arith.constant 19 : i32
    %add3A_68 = arith.constant 38 : i32
    %add3A_69 = arith.addi %mul3A_13, %add3A_68 : i32
    %add3A_70 = arith.constant 1 : i32
    %add3A_71 = arith.addi %add3A_69, %add3A_70 : i32
    %mul3A_72 = arith.constant 8 : i32
    %mul3A_73 = arith.muli %add3A_71, %mul3A_72 : i32
    %dma_start3A_74 = arith.constant 0 : i32
    %dma_start3A_75 = tpu.memref_slice %arg3[%mul3A_73, %dma_start3A_74] : memref<5120x128xi32, #tpu.memory_space<hbm>> -> memref<8x128xi32, #tpu.memory_space<hbm>>
    %dma_start3A_76 = arith.constant 0 : i32
    %dma_start3A_77 = tpu.memref_slice %arg3[%mul3A_73, %dma_start3A_76] : memref<5120x128xi32, #tpu.memory_space<hbm>> -> memref<8x128xi32, #tpu.memory_space<hbm>>
    tpu.enqueue_dma source(%dma_start3A_77 : memref<8x128xi32, #tpu.memory_space<hbm>>) target(%arg8 : memref<8x128xi32, #tpu.memory_space<vmem>>) target_semaphore(%arg18 : memref<!tpu.dma_semaphore, #tpu.memory_space<semaphore_mem>>)
    %dma_wait3A = arith.constant 0 : i32
    %dma_wait3A_78 = arith.constant 0 : i32
    %dma_wait3A_79 = arith.constant 0 : i32
    %dma_wait3A_80 = arith.constant 0 : i32
    %dma_wait3A_81 = tpu.memref_slice %arg9[%dma_wait3A_78, %dma_wait3A_79, %dma_wait3A_80] : memref<4x128x64xf32, #tpu.memory_space<vmem>> -> memref<1x128x64xf32, #tpu.memory_space<vmem>>
    %dma_wait3A_82 = tpu.memref_squeeze %dma_wait3A_81 : memref<1x128x64xf32, #tpu.memory_space<vmem>> -> memref<128x64xf32, #tpu.memory_space<vmem>>
    %dma_wait3A_83 = arith.constant 0 : i32
    %dma_wait3A_84 = tpu.memref_slice %arg7[%dma_wait3A, %dma_wait3A_83] : memref<8x128xi32, #tpu.memory_space<vmem>> -> memref<1x128xi32, #tpu.memory_space<vmem>>
    %dma_wait3A_85 = tpu.memref_squeeze %dma_wait3A_84 : memref<1x128xi32, #tpu.memory_space<vmem>> -> memref<128xi32, #tpu.memory_space<vmem>>
    %dma_wait3A_86 = arith.constant 0 : i32
    %dma_wait3A_87 = arith.constant 0 : i32
    %dma_wait3A_88 = tpu.memref_slice %arg5[%dma_wait3A_86, %dma_wait3A_87] : memref<10240x64xf32, #tpu.memory_space<vmem_shared>> -> memref<10240x64xf32, #tpu.memory_space<vmem_shared>>
    tpu.wait_indirect_dma semaphore(%arg10 : memref<!tpu.dma_semaphore, #tpu.memory_space<semaphore_mem>>) src(%dma_wait3A_88 : memref<10240x64xf32, #tpu.memory_space<vmem_shared>>) dst(%dma_wait3A_82 : memref<128x64xf32, #tpu.memory_space<vmem>>)
    %dma_start3A_89 = arith.constant 0 : i32
    %dma_start3A_90 = arith.constant 4 : i32
    %dma_start3A_91 = arith.constant 0 : i32
    %dma_start3A_92 = arith.constant 0 : i32
    %dma_start3A_93 = tpu.memref_slice %arg9[%dma_start3A_89, %dma_start3A_91, %dma_start3A_92] : memref<4x128x64xf32, #tpu.memory_space<vmem>> -> memref<1x128x64xf32, #tpu.memory_space<vmem>>
    %dma_start3A_94 = tpu.memref_squeeze %dma_start3A_93 : memref<1x128x64xf32, #tpu.memory_space<vmem>> -> memref<128x64xf32, #tpu.memory_space<vmem>>
    %dma_start3A_95 = arith.constant 0 : i32
    %dma_start3A_96 = tpu.memref_slice %arg7[%dma_start3A_90, %dma_start3A_95] : memref<8x128xi32, #tpu.memory_space<vmem>> -> memref<1x128xi32, #tpu.memory_space<vmem>>
    %dma_start3A_97 = tpu.memref_squeeze %dma_start3A_96 : memref<1x128xi32, #tpu.memory_space<vmem>> -> memref<128xi32, #tpu.memory_space<vmem>>
    %dma_start3A_98 = arith.constant 0 : i32
    %dma_start3A_99 = arith.constant 0 : i32
    %dma_start3A_100 = tpu.memref_slice %arg6[%dma_start3A_98, %dma_start3A_99] : memref<10240x64xf32, #tpu.memory_space<vmem_shared>> -> memref<10240x64xf32, #tpu.memory_space<vmem_shared>>
    tpu.enqueue_indirect_dma source(%dma_start3A_94 : memref<128x64xf32, #tpu.memory_space<vmem>>) target(%dma_start3A_100 : memref<10240x64xf32, #tpu.memory_space<vmem_shared>>) offsets(%dma_start3A_97 : memref<128xi32, #tpu.memory_space<vmem>>) semaphore(%arg14 : memref<!tpu.dma_semaphore, #tpu.memory_space<semaphore_mem>>) {add = true}
    %dma_wait3A_101 = arith.constant 1 : i32
    %dma_wait3A_102 = arith.constant 1 : i32
    %dma_wait3A_103 = arith.constant 0 : i32
    %dma_wait3A_104 = arith.constant 0 : i32
    %dma_wait3A_105 = tpu.memref_slice %arg9[%dma_wait3A_102, %dma_wait3A_103, %dma_wait3A_104] : memref<4x128x64xf32, #tpu.memory_space<vmem>> -> memref<1x128x64xf32, #tpu.memory_space<vmem>>
    %dma_wait3A_106 = tpu.memref_squeeze %dma_wait3A_105 : memref<1x128x64xf32, #tpu.memory_space<vmem>> -> memref<128x64xf32, #tpu.memory_space<vmem>>
    %dma_wait3A_107 = arith.constant 0 : i32
    %dma_wait3A_108 = tpu.memref_slice %arg7[%dma_wait3A_101, %dma_wait3A_107] : memref<8x128xi32, #tpu.memory_space<vmem>> -> memref<1x128xi32, #tpu.memory_space<vmem>>
    %dma_wait3A_109 = tpu.memref_squeeze %dma_wait3A_108 : memref<1x128xi32, #tpu.memory_space<vmem>> -> memref<128xi32, #tpu.memory_space<vmem>>
    %dma_wait3A_110 = arith.constant 0 : i32
    %dma_wait3A_111 = arith.constant 0 : i32
    %dma_wait3A_112 = tpu.memref_slice %arg5[%dma_wait3A_110, %dma_wait3A_111] : memref<10240x64xf32, #tpu.memory_space<vmem_shared>> -> memref<10240x64xf32, #tpu.memory_space<vmem_shared>>
    tpu.wait_indirect_dma semaphore(%arg11 : memref<!tpu.dma_semaphore, #tpu.memory_space<semaphore_mem>>) src(%dma_wait3A_112 : memref<10240x64xf32, #tpu.memory_space<vmem_shared>>) dst(%dma_wait3A_106 : memref<128x64xf32, #tpu.memory_space<vmem>>)
    %dma_start3A_113 = arith.constant 1 : i32
    %dma_start3A_114 = arith.constant 5 : i32
    %dma_start3A_115 = arith.constant 0 : i32
    %dma_start3A_116 = arith.constant 0 : i32
    %dma_start3A_117 = tpu.memref_slice %arg9[%dma_start3A_113, %dma_start3A_115, %dma_start3A_116] : memref<4x128x64xf32, #tpu.memory_space<vmem>> -> memref<1x128x64xf32, #tpu.memory_space<vmem>>
    %dma_start3A_118 = tpu.memref_squeeze %dma_start3A_117 : memref<1x128x64xf32, #tpu.memory_space<vmem>> -> memref<128x64xf32, #tpu.memory_space<vmem>>
    %dma_start3A_119 = arith.constant 0 : i32
    %dma_start3A_120 = tpu.memref_slice %arg7[%dma_start3A_114, %dma_start3A_119] : memref<8x128xi32, #tpu.memory_space<vmem>> -> memref<1x128xi32, #tpu.memory_space<vmem>>
    %dma_start3A_121 = tpu.memref_squeeze %dma_start3A_120 : memref<1x128xi32, #tpu.memory_space<vmem>> -> memref<128xi32, #tpu.memory_space<vmem>>
    %dma_start3A_122 = arith.constant 0 : i32
    %dma_start3A_123 = arith.constant 0 : i32
    %dma_start3A_124 = tpu.memref_slice %arg6[%dma_start3A_122, %dma_start3A_123] : memref<10240x64xf32, #tpu.memory_space<vmem_shared>> -> memref<10240x64xf32, #tpu.memory_space<vmem_shared>>
    tpu.enqueue_indirect_dma source(%dma_start3A_118 : memref<128x64xf32, #tpu.memory_space<vmem>>) target(%dma_start3A_124 : memref<10240x64xf32, #tpu.memory_space<vmem_shared>>) offsets(%dma_start3A_121 : memref<128xi32, #tpu.memory_space<vmem>>) semaphore(%arg15 : memref<!tpu.dma_semaphore, #tpu.memory_space<semaphore_mem>>) {add = true}
    %dma_wait3A_125 = arith.constant 2 : i32
    %dma_wait3A_126 = arith.constant 2 : i32
    %dma_wait3A_127 = arith.constant 0 : i32
    %dma_wait3A_128 = arith.constant 0 : i32
    %dma_wait3A_129 = tpu.memref_slice %arg9[%dma_wait3A_126, %dma_wait3A_127, %dma_wait3A_128] : memref<4x128x64xf32, #tpu.memory_space<vmem>> -> memref<1x128x64xf32, #tpu.memory_space<vmem>>
    %dma_wait3A_130 = tpu.memref_squeeze %dma_wait3A_129 : memref<1x128x64xf32, #tpu.memory_space<vmem>> -> memref<128x64xf32, #tpu.memory_space<vmem>>
    %dma_wait3A_131 = arith.constant 0 : i32
    %dma_wait3A_132 = tpu.memref_slice %arg7[%dma_wait3A_125, %dma_wait3A_131] : memref<8x128xi32, #tpu.memory_space<vmem>> -> memref<1x128xi32, #tpu.memory_space<vmem>>
    %dma_wait3A_133 = tpu.memref_squeeze %dma_wait3A_132 : memref<1x128xi32, #tpu.memory_space<vmem>> -> memref<128xi32, #tpu.memory_space<vmem>>
    %dma_wait3A_134 = arith.constant 0 : i32
    %dma_wait3A_135 = arith.constant 0 : i32
    %dma_wait3A_136 = tpu.memref_slice %arg5[%dma_wait3A_134, %dma_wait3A_135] : memref<10240x64xf32, #tpu.memory_space<vmem_shared>> -> memref<10240x64xf32, #tpu.memory_space<vmem_shared>>
    tpu.wait_indirect_dma semaphore(%arg12 : memref<!tpu.dma_semaphore, #tpu.memory_space<semaphore_mem>>) src(%dma_wait3A_136 : memref<10240x64xf32, #tpu.memory_space<vmem_shared>>) dst(%dma_wait3A_130 : memref<128x64xf32, #tpu.memory_space<vmem>>)
    %dma_start3A_137 = arith.constant 2 : i32
    %dma_start3A_138 = arith.constant 6 : i32
    %dma_start3A_139 = arith.constant 0 : i32
    %dma_start3A_140 = arith.constant 0 : i32
    %dma_start3A_141 = tpu.memref_slice %arg9[%dma_start3A_137, %dma_start3A_139, %dma_start3A_140] : memref<4x128x64xf32, #tpu.memory_space<vmem>> -> memref<1x128x64xf32, #tpu.memory_space<vmem>>
    %dma_start3A_142 = tpu.memref_squeeze %dma_start3A_141 : memref<1x128x64xf32, #tpu.memory_space<vmem>> -> memref<128x64xf32, #tpu.memory_space<vmem>>
    %dma_start3A_143 = arith.constant 0 : i32
    %dma_start3A_144 = tpu.memref_slice %arg7[%dma_start3A_138, %dma_start3A_143] : memref<8x128xi32, #tpu.memory_space<vmem>> -> memref<1x128xi32, #tpu.memory_space<vmem>>
    %dma_start3A_145 = tpu.memref_squeeze %dma_start3A_144 : memref<1x128xi32, #tpu.memory_space<vmem>> -> memref<128xi32, #tpu.memory_space<vmem>>
    %dma_start3A_146 = arith.constant 0 : i32
    %dma_start3A_147 = arith.constant 0 : i32
    %dma_start3A_148 = tpu.memref_slice %arg6[%dma_start3A_146, %dma_start3A_147] : memref<10240x64xf32, #tpu.memory_space<vmem_shared>> -> memref<10240x64xf32, #tpu.memory_space<vmem_shared>>
    tpu.enqueue_indirect_dma source(%dma_start3A_142 : memref<128x64xf32, #tpu.memory_space<vmem>>) target(%dma_start3A_148 : memref<10240x64xf32, #tpu.memory_space<vmem_shared>>) offsets(%dma_start3A_145 : memref<128xi32, #tpu.memory_space<vmem>>) semaphore(%arg16 : memref<!tpu.dma_semaphore, #tpu.memory_space<semaphore_mem>>) {add = true}
    %dma_wait3A_149 = arith.constant 3 : i32
    %dma_wait3A_150 = arith.constant 3 : i32
    %dma_wait3A_151 = arith.constant 0 : i32
    %dma_wait3A_152 = arith.constant 0 : i32
    %dma_wait3A_153 = tpu.memref_slice %arg9[%dma_wait3A_150, %dma_wait3A_151, %dma_wait3A_152] : memref<4x128x64xf32, #tpu.memory_space<vmem>> -> memref<1x128x64xf32, #tpu.memory_space<vmem>>
    %dma_wait3A_154 = tpu.memref_squeeze %dma_wait3A_153 : memref<1x128x64xf32, #tpu.memory_space<vmem>> -> memref<128x64xf32, #tpu.memory_space<vmem>>
    %dma_wait3A_155 = arith.constant 0 : i32
    %dma_wait3A_156 = tpu.memref_slice %arg7[%dma_wait3A_149, %dma_wait3A_155] : memref<8x128xi32, #tpu.memory_space<vmem>> -> memref<1x128xi32, #tpu.memory_space<vmem>>
    %dma_wait3A_157 = tpu.memref_squeeze %dma_wait3A_156 : memref<1x128xi32, #tpu.memory_space<vmem>> -> memref<128xi32, #tpu.memory_space<vmem>>
    %dma_wait3A_158 = arith.constant 0 : i32
    %dma_wait3A_159 = arith.constant 0 : i32
    %dma_wait3A_160 = tpu.memref_slice %arg5[%dma_wait3A_158, %dma_wait3A_159] : memref<10240x64xf32, #tpu.memory_space<vmem_shared>> -> memref<10240x64xf32, #tpu.memory_space<vmem_shared>>
    tpu.wait_indirect_dma semaphore(%arg13 : memref<!tpu.dma_semaphore, #tpu.memory_space<semaphore_mem>>) src(%dma_wait3A_160 : memref<10240x64xf32, #tpu.memory_space<vmem_shared>>) dst(%dma_wait3A_154 : memref<128x64xf32, #tpu.memory_space<vmem>>)
    %dma_start3A_161 = arith.constant 3 : i32
    %dma_start3A_162 = arith.constant 7 : i32
    %dma_start3A_163 = arith.constant 0 : i32
    %dma_start3A_164 = arith.constant 0 : i32
    %dma_start3A_165 = tpu.memref_slice %arg9[%dma_start3A_161, %dma_start3A_163, %dma_start3A_164] : memref<4x128x64xf32, #tpu.memory_space<vmem>> -> memref<1x128x64xf32, #tpu.memory_space<vmem>>
    %dma_start3A_166 = tpu.memref_squeeze %dma_start3A_165 : memref<1x128x64xf32, #tpu.memory_space<vmem>> -> memref<128x64xf32, #tpu.memory_space<vmem>>
    %dma_start3A_167 = arith.constant 0 : i32
    %dma_start3A_168 = tpu.memref_slice %arg7[%dma_start3A_162, %dma_start3A_167] : memref<8x128xi32, #tpu.memory_space<vmem>> -> memref<1x128xi32, #tpu.memory_space<vmem>>
    %dma_start3A_169 = tpu.memref_squeeze %dma_start3A_168 : memref<1x128xi32, #tpu.memory_space<vmem>> -> memref<128xi32, #tpu.memory_space<vmem>>
    %dma_start3A_170 = arith.constant 0 : i32
    %dma_start3A_171 = arith.constant 0 : i32
    %dma_start3A_172 = tpu.memref_slice %arg6[%dma_start3A_170, %dma_start3A_171] : memref<10240x64xf32, #tpu.memory_space<vmem_shared>> -> memref<10240x64xf32, #tpu.memory_space<vmem_shared>>
    tpu.enqueue_indirect_dma source(%dma_start3A_166 : memref<128x64xf32, #tpu.memory_space<vmem>>) target(%dma_start3A_172 : memref<10240x64xf32, #tpu.memory_space<vmem_shared>>) offsets(%dma_start3A_169 : memref<128xi32, #tpu.memory_space<vmem>>) semaphore(%arg17 : memref<!tpu.dma_semaphore, #tpu.memory_space<semaphore_mem>>) {add = true}
    %dma_wait3A_173 = arith.constant 0 : i32
    %dma_wait3A_174 = tpu.memref_slice %arg3[%mul3A_73, %dma_wait3A_173] : memref<5120x128xi32, #tpu.memory_space<hbm>> -> memref<8x128xi32, #tpu.memory_space<hbm>>
    %dma_wait3A_175 = arith.constant 0 : i32
    %dma_wait3A_176 = tpu.memref_slice %arg3[%mul3A_73, %dma_wait3A_175] : memref<5120x128xi32, #tpu.memory_space<hbm>> -> memref<8x128xi32, #tpu.memory_space<hbm>>
    tpu.wait_dma2 semaphore(%arg18 : memref<!tpu.dma_semaphore, #tpu.memory_space<semaphore_mem>>) src(%dma_wait3A_176 : memref<8x128xi32, #tpu.memory_space<hbm>>) dst(%arg8 : memref<8x128xi32, #tpu.memory_space<vmem>>)
    %dma_wait3A_177 = arith.constant 0 : i32
    %dma_wait3A_178 = arith.constant 4 : i32
    %dma_wait3A_179 = arith.constant 0 : i32
    %dma_wait3A_180 = arith.constant 0 : i32
    %dma_wait3A_181 = tpu.memref_slice %arg9[%dma_wait3A_177, %dma_wait3A_179, %dma_wait3A_180] : memref<4x128x64xf32, #tpu.memory_space<vmem>> -> memref<1x128x64xf32, #tpu.memory_space<vmem>>
    %dma_wait3A_182 = tpu.memref_squeeze %dma_wait3A_181 : memref<1x128x64xf32, #tpu.memory_space<vmem>> -> memref<128x64xf32, #tpu.memory_space<vmem>>
    %dma_wait3A_183 = arith.constant 0 : i32
    %dma_wait3A_184 = tpu.memref_slice %arg7[%dma_wait3A_178, %dma_wait3A_183] : memref<8x128xi32, #tpu.memory_space<vmem>> -> memref<1x128xi32, #tpu.memory_space<vmem>>
    %dma_wait3A_185 = tpu.memref_squeeze %dma_wait3A_184 : memref<1x128xi32, #tpu.memory_space<vmem>> -> memref<128xi32, #tpu.memory_space<vmem>>
    %dma_wait3A_186 = arith.constant 0 : i32
    %dma_wait3A_187 = arith.constant 0 : i32
    %dma_wait3A_188 = tpu.memref_slice %arg6[%dma_wait3A_186, %dma_wait3A_187] : memref<10240x64xf32, #tpu.memory_space<vmem_shared>> -> memref<10240x64xf32, #tpu.memory_space<vmem_shared>>
    tpu.wait_indirect_dma semaphore(%arg14 : memref<!tpu.dma_semaphore, #tpu.memory_space<semaphore_mem>>) src(%dma_wait3A_182 : memref<128x64xf32, #tpu.memory_space<vmem>>) dst(%dma_wait3A_188 : memref<10240x64xf32, #tpu.memory_space<vmem_shared>>)
    %dma_start3A_189 = arith.constant 0 : i32
    %dma_start3A_190 = arith.constant 0 : i32
    %dma_start3A_191 = arith.constant 0 : i32
    %dma_start3A_192 = arith.constant 0 : i32
    %dma_start3A_193 = tpu.memref_slice %arg9[%dma_start3A_190, %dma_start3A_191, %dma_start3A_192] : memref<4x128x64xf32, #tpu.memory_space<vmem>> -> memref<1x128x64xf32, #tpu.memory_space<vmem>>
    %dma_start3A_194 = tpu.memref_squeeze %dma_start3A_193 : memref<1x128x64xf32, #tpu.memory_space<vmem>> -> memref<128x64xf32, #tpu.memory_space<vmem>>
    %dma_start3A_195 = arith.constant 0 : i32
    %dma_start3A_196 = tpu.memref_slice %arg8[%dma_start3A_189, %dma_start3A_195] : memref<8x128xi32, #tpu.memory_space<vmem>> -> memref<1x128xi32, #tpu.memory_space<vmem>>
    %dma_start3A_197 = tpu.memref_squeeze %dma_start3A_196 : memref<1x128xi32, #tpu.memory_space<vmem>> -> memref<128xi32, #tpu.memory_space<vmem>>
    %dma_start3A_198 = arith.constant 0 : i32
    %dma_start3A_199 = arith.constant 0 : i32
    %dma_start3A_200 = tpu.memref_slice %arg5[%dma_start3A_198, %dma_start3A_199] : memref<10240x64xf32, #tpu.memory_space<vmem_shared>> -> memref<10240x64xf32, #tpu.memory_space<vmem_shared>>
    tpu.enqueue_indirect_dma source(%dma_start3A_200 : memref<10240x64xf32, #tpu.memory_space<vmem_shared>>) target(%dma_start3A_194 : memref<128x64xf32, #tpu.memory_space<vmem>>) offsets(%dma_start3A_197 : memref<128xi32, #tpu.memory_space<vmem>>) semaphore(%arg10 : memref<!tpu.dma_semaphore, #tpu.memory_space<semaphore_mem>>)
    %dma_wait3A_201 = arith.constant 1 : i32
    %dma_wait3A_202 = arith.constant 5 : i32
    %dma_wait3A_203 = arith.constant 0 : i32
    %dma_wait3A_204 = arith.constant 0 : i32
    %dma_wait3A_205 = tpu.memref_slice %arg9[%dma_wait3A_201, %dma_wait3A_203, %dma_wait3A_204] : memref<4x128x64xf32, #tpu.memory_space<vmem>> -> memref<1x128x64xf32, #tpu.memory_space<vmem>>
    %dma_wait3A_206 = tpu.memref_squeeze %dma_wait3A_205 : memref<1x128x64xf32, #tpu.memory_space<vmem>> -> memref<128x64xf32, #tpu.memory_space<vmem>>
    %dma_wait3A_207 = arith.constant 0 : i32
    %dma_wait3A_208 = tpu.memref_slice %arg7[%dma_wait3A_202, %dma_wait3A_207] : memref<8x128xi32, #tpu.memory_space<vmem>> -> memref<1x128xi32, #tpu.memory_space<vmem>>
    %dma_wait3A_209 = tpu.memref_squeeze %dma_wait3A_208 : memref<1x128xi32, #tpu.memory_space<vmem>> -> memref<128xi32, #tpu.memory_space<vmem>>
    %dma_wait3A_210 = arith.constant 0 : i32
    %dma_wait3A_211 = arith.constant 0 : i32
    %dma_wait3A_212 = tpu.memref_slice %arg6[%dma_wait3A_210, %dma_wait3A_211] : memref<10240x64xf32, #tpu.memory_space<vmem_shared>> -> memref<10240x64xf32, #tpu.memory_space<vmem_shared>>
    tpu.wait_indirect_dma semaphore(%arg15 : memref<!tpu.dma_semaphore, #tpu.memory_space<semaphore_mem>>) src(%dma_wait3A_206 : memref<128x64xf32, #tpu.memory_space<vmem>>) dst(%dma_wait3A_212 : memref<10240x64xf32, #tpu.memory_space<vmem_shared>>)
    %dma_start3A_213 = arith.constant 1 : i32
    %dma_start3A_214 = arith.constant 1 : i32
    %dma_start3A_215 = arith.constant 0 : i32
    %dma_start3A_216 = arith.constant 0 : i32
    %dma_start3A_217 = tpu.memref_slice %arg9[%dma_start3A_214, %dma_start3A_215, %dma_start3A_216] : memref<4x128x64xf32, #tpu.memory_space<vmem>> -> memref<1x128x64xf32, #tpu.memory_space<vmem>>
    %dma_start3A_218 = tpu.memref_squeeze %dma_start3A_217 : memref<1x128x64xf32, #tpu.memory_space<vmem>> -> memref<128x64xf32, #tpu.memory_space<vmem>>
    %dma_start3A_219 = arith.constant 0 : i32
    %dma_start3A_220 = tpu.memref_slice %arg8[%dma_start3A_213, %dma_start3A_219] : memref<8x128xi32, #tpu.memory_space<vmem>> -> memref<1x128xi32, #tpu.memory_space<vmem>>
    %dma_start3A_221 = tpu.memref_squeeze %dma_start3A_220 : memref<1x128xi32, #tpu.memory_space<vmem>> -> memref<128xi32, #tpu.memory_space<vmem>>
    %dma_start3A_222 = arith.constant 0 : i32
    %dma_start3A_223 = arith.constant 0 : i32
    %dma_start3A_224 = tpu.memref_slice %arg5[%dma_start3A_222, %dma_start3A_223] : memref<10240x64xf32, #tpu.memory_space<vmem_shared>> -> memref<10240x64xf32, #tpu.memory_space<vmem_shared>>
    tpu.enqueue_indirect_dma source(%dma_start3A_224 : memref<10240x64xf32, #tpu.memory_space<vmem_shared>>) target(%dma_start3A_218 : memref<128x64xf32, #tpu.memory_space<vmem>>) offsets(%dma_start3A_221 : memref<128xi32, #tpu.memory_space<vmem>>) semaphore(%arg11 : memref<!tpu.dma_semaphore, #tpu.memory_space<semaphore_mem>>)
    %dma_wait3A_225 = arith.constant 2 : i32
    %dma_wait3A_226 = arith.constant 6 : i32
    %dma_wait3A_227 = arith.constant 0 : i32
    %dma_wait3A_228 = arith.constant 0 : i32
    %dma_wait3A_229 = tpu.memref_slice %arg9[%dma_wait3A_225, %dma_wait3A_227, %dma_wait3A_228] : memref<4x128x64xf32, #tpu.memory_space<vmem>> -> memref<1x128x64xf32, #tpu.memory_space<vmem>>
    %dma_wait3A_230 = tpu.memref_squeeze %dma_wait3A_229 : memref<1x128x64xf32, #tpu.memory_space<vmem>> -> memref<128x64xf32, #tpu.memory_space<vmem>>
    %dma_wait3A_231 = arith.constant 0 : i32
    %dma_wait3A_232 = tpu.memref_slice %arg7[%dma_wait3A_226, %dma_wait3A_231] : memref<8x128xi32, #tpu.memory_space<vmem>> -> memref<1x128xi32, #tpu.memory_space<vmem>>
    %dma_wait3A_233 = tpu.memref_squeeze %dma_wait3A_232 : memref<1x128xi32, #tpu.memory_space<vmem>> -> memref<128xi32, #tpu.memory_space<vmem>>
    %dma_wait3A_234 = arith.constant 0 : i32
    %dma_wait3A_235 = arith.constant 0 : i32
    %dma_wait3A_236 = tpu.memref_slice %arg6[%dma_wait3A_234, %dma_wait3A_235] : memref<10240x64xf32, #tpu.memory_space<vmem_shared>> -> memref<10240x64xf32, #tpu.memory_space<vmem_shared>>
    tpu.wait_indirect_dma semaphore(%arg16 : memref<!tpu.dma_semaphore, #tpu.memory_space<semaphore_mem>>) src(%dma_wait3A_230 : memref<128x64xf32, #tpu.memory_space<vmem>>) dst(%dma_wait3A_236 : memref<10240x64xf32, #tpu.memory_space<vmem_shared>>)
    %dma_start3A_237 = arith.constant 2 : i32
    %dma_start3A_238 = arith.constant 2 : i32
    %dma_start3A_239 = arith.constant 0 : i32
    %dma_start3A_240 = arith.constant 0 : i32
    %dma_start3A_241 = tpu.memref_slice %arg9[%dma_start3A_238, %dma_start3A_239, %dma_start3A_240] : memref<4x128x64xf32, #tpu.memory_space<vmem>> -> memref<1x128x64xf32, #tpu.memory_space<vmem>>
    %dma_start3A_242 = tpu.memref_squeeze %dma_start3A_241 : memref<1x128x64xf32, #tpu.memory_space<vmem>> -> memref<128x64xf32, #tpu.memory_space<vmem>>
    %dma_start3A_243 = arith.constant 0 : i32
    %dma_start3A_244 = tpu.memref_slice %arg8[%dma_start3A_237, %dma_start3A_243] : memref<8x128xi32, #tpu.memory_space<vmem>> -> memref<1x128xi32, #tpu.memory_space<vmem>>
    %dma_start3A_245 = tpu.memref_squeeze %dma_start3A_244 : memref<1x128xi32, #tpu.memory_space<vmem>> -> memref<128xi32, #tpu.memory_space<vmem>>
    %dma_start3A_246 = arith.constant 0 : i32
    %dma_start3A_247 = arith.constant 0 : i32
    %dma_start3A_248 = tpu.memref_slice %arg5[%dma_start3A_246, %dma_start3A_247] : memref<10240x64xf32, #tpu.memory_space<vmem_shared>> -> memref<10240x64xf32, #tpu.memory_space<vmem_shared>>
    tpu.enqueue_indirect_dma source(%dma_start3A_248 : memref<10240x64xf32, #tpu.memory_space<vmem_shared>>) target(%dma_start3A_242 : memref<128x64xf32, #tpu.memory_space<vmem>>) offsets(%dma_start3A_245 : memref<128xi32, #tpu.memory_space<vmem>>) semaphore(%arg12 : memref<!tpu.dma_semaphore, #tpu.memory_space<semaphore_mem>>)
    %dma_wait3A_249 = arith.constant 3 : i32
    %dma_wait3A_250 = arith.constant 7 : i32
    %dma_wait3A_251 = arith.constant 0 : i32
    %dma_wait3A_252 = arith.constant 0 : i32
    %dma_wait3A_253 = tpu.memref_slice %arg9[%dma_wait3A_249, %dma_wait3A_251, %dma_wait3A_252] : memref<4x128x64xf32, #tpu.memory_space<vmem>> -> memref<1x128x64xf32, #tpu.memory_space<vmem>>
    %dma_wait3A_254 = tpu.memref_squeeze %dma_wait3A_253 : memref<1x128x64xf32, #tpu.memory_space<vmem>> -> memref<128x64xf32, #tpu.memory_space<vmem>>
    %dma_wait3A_255 = arith.constant 0 : i32
    %dma_wait3A_256 = tpu.memref_slice %arg7[%dma_wait3A_250, %dma_wait3A_255] : memref<8x128xi32, #tpu.memory_space<vmem>> -> memref<1x128xi32, #tpu.memory_space<vmem>>
    %dma_wait3A_257 = tpu.memref_squeeze %dma_wait3A_256 : memref<1x128xi32, #tpu.memory_space<vmem>> -> memref<128xi32, #tpu.memory_space<vmem>>
    %dma_wait3A_258 = arith.constant 0 : i32
    %dma_wait3A_259 = arith.constant 0 : i32
    %dma_wait3A_260 = tpu.memref_slice %arg6[%dma_wait3A_258, %dma_wait3A_259] : memref<10240x64xf32, #tpu.memory_space<vmem_shared>> -> memref<10240x64xf32, #tpu.memory_space<vmem_shared>>
    tpu.wait_indirect_dma semaphore(%arg17 : memref<!tpu.dma_semaphore, #tpu.memory_space<semaphore_mem>>) src(%dma_wait3A_254 : memref<128x64xf32, #tpu.memory_space<vmem>>) dst(%dma_wait3A_260 : memref<10240x64xf32, #tpu.memory_space<vmem_shared>>)
    %dma_start3A_261 = arith.constant 3 : i32
    %dma_start3A_262 = arith.constant 3 : i32
    %dma_start3A_263 = arith.constant 0 : i32
    %dma_start3A_264 = arith.constant 0 : i32
    %dma_start3A_265 = tpu.memref_slice %arg9[%dma_start3A_262, %dma_start3A_263, %dma_start3A_264] : memref<4x128x64xf32, #tpu.memory_space<vmem>> -> memref<1x128x64xf32, #tpu.memory_space<vmem>>
    %dma_start3A_266 = tpu.memref_squeeze %dma_start3A_265 : memref<1x128x64xf32, #tpu.memory_space<vmem>> -> memref<128x64xf32, #tpu.memory_space<vmem>>
    %dma_start3A_267 = arith.constant 0 : i32
    %dma_start3A_268 = tpu.memref_slice %arg8[%dma_start3A_261, %dma_start3A_267] : memref<8x128xi32, #tpu.memory_space<vmem>> -> memref<1x128xi32, #tpu.memory_space<vmem>>
    %dma_start3A_269 = tpu.memref_squeeze %dma_start3A_268 : memref<1x128xi32, #tpu.memory_space<vmem>> -> memref<128xi32, #tpu.memory_space<vmem>>
    %dma_start3A_270 = arith.constant 0 : i32
    %dma_start3A_271 = arith.constant 0 : i32
    %dma_start3A_272 = tpu.memref_slice %arg5[%dma_start3A_270, %dma_start3A_271] : memref<10240x64xf32, #tpu.memory_space<vmem_shared>> -> memref<10240x64xf32, #tpu.memory_space<vmem_shared>>
    tpu.enqueue_indirect_dma source(%dma_start3A_272 : memref<10240x64xf32, #tpu.memory_space<vmem_shared>>) target(%dma_start3A_266 : memref<128x64xf32, #tpu.memory_space<vmem>>) offsets(%dma_start3A_269 : memref<128xi32, #tpu.memory_space<vmem>>) semaphore(%arg13 : memref<!tpu.dma_semaphore, #tpu.memory_space<semaphore_mem>>)
    %dma_wait3A_273 = arith.constant 0 : i32
    %dma_wait3A_274 = arith.constant 0 : i32
    %dma_wait3A_275 = arith.constant 0 : i32
    %dma_wait3A_276 = arith.constant 0 : i32
    %dma_wait3A_277 = tpu.memref_slice %arg9[%dma_wait3A_274, %dma_wait3A_275, %dma_wait3A_276] : memref<4x128x64xf32, #tpu.memory_space<vmem>> -> memref<1x128x64xf32, #tpu.memory_space<vmem>>
    %dma_wait3A_278 = tpu.memref_squeeze %dma_wait3A_277 : memref<1x128x64xf32, #tpu.memory_space<vmem>> -> memref<128x64xf32, #tpu.memory_space<vmem>>
    %dma_wait3A_279 = arith.constant 0 : i32
    %dma_wait3A_280 = tpu.memref_slice %arg8[%dma_wait3A_273, %dma_wait3A_279] : memref<8x128xi32, #tpu.memory_space<vmem>> -> memref<1x128xi32, #tpu.memory_space<vmem>>
    %dma_wait3A_281 = tpu.memref_squeeze %dma_wait3A_280 : memref<1x128xi32, #tpu.memory_space<vmem>> -> memref<128xi32, #tpu.memory_space<vmem>>
    %dma_wait3A_282 = arith.constant 0 : i32
    %dma_wait3A_283 = arith.constant 0 : i32
    %dma_wait3A_284 = tpu.memref_slice %arg5[%dma_wait3A_282, %dma_wait3A_283] : memref<10240x64xf32, #tpu.memory_space<vmem_shared>> -> memref<10240x64xf32, #tpu.memory_space<vmem_shared>>
    tpu.wait_indirect_dma semaphore(%arg10 : memref<!tpu.dma_semaphore, #tpu.memory_space<semaphore_mem>>) src(%dma_wait3A_284 : memref<10240x64xf32, #tpu.memory_space<vmem_shared>>) dst(%dma_wait3A_278 : memref<128x64xf32, #tpu.memory_space<vmem>>)
    %dma_start3A_285 = arith.constant 0 : i32
    %dma_start3A_286 = arith.constant 4 : i32
    %dma_start3A_287 = arith.constant 0 : i32
    %dma_start3A_288 = arith.constant 0 : i32
    %dma_start3A_289 = tpu.memref_slice %arg9[%dma_start3A_285, %dma_start3A_287, %dma_start3A_288] : memref<4x128x64xf32, #tpu.memory_space<vmem>> -> memref<1x128x64xf32, #tpu.memory_space<vmem>>
    %dma_start3A_290 = tpu.memref_squeeze %dma_start3A_289 : memref<1x128x64xf32, #tpu.memory_space<vmem>> -> memref<128x64xf32, #tpu.memory_space<vmem>>
    %dma_start3A_291 = arith.constant 0 : i32
    %dma_start3A_292 = tpu.memref_slice %arg8[%dma_start3A_286, %dma_start3A_291] : memref<8x128xi32, #tpu.memory_space<vmem>> -> memref<1x128xi32, #tpu.memory_space<vmem>>
    %dma_start3A_293 = tpu.memref_squeeze %dma_start3A_292 : memref<1x128xi32, #tpu.memory_space<vmem>> -> memref<128xi32, #tpu.memory_space<vmem>>
    %dma_start3A_294 = arith.constant 0 : i32
    %dma_start3A_295 = arith.constant 0 : i32
    %dma_start3A_296 = tpu.memref_slice %arg6[%dma_start3A_294, %dma_start3A_295] : memref<10240x64xf32, #tpu.memory_space<vmem_shared>> -> memref<10240x64xf32, #tpu.memory_space<vmem_shared>>
    tpu.enqueue_indirect_dma source(%dma_start3A_290 : memref<128x64xf32, #tpu.memory_space<vmem>>) target(%dma_start3A_296 : memref<10240x64xf32, #tpu.memory_space<vmem_shared>>) offsets(%dma_start3A_293 : memref<128xi32, #tpu.memory_space<vmem>>) semaphore(%arg14 : memref<!tpu.dma_semaphore, #tpu.memory_space<semaphore_mem>>) {add = true}
    %dma_wait3A_297 = arith.constant 1 : i32
    %dma_wait3A_298 = arith.constant 1 : i32
    %dma_wait3A_299 = arith.constant 0 : i32
    %dma_wait3A_300 = arith.constant 0 : i32
    %dma_wait3A_301 = tpu.memref_slice %arg9[%dma_wait3A_298, %dma_wait3A_299, %dma_wait3A_300] : memref<4x128x64xf32, #tpu.memory_space<vmem>> -> memref<1x128x64xf32, #tpu.memory_space<vmem>>
    %dma_wait3A_302 = tpu.memref_squeeze %dma_wait3A_301 : memref<1x128x64xf32, #tpu.memory_space<vmem>> -> memref<128x64xf32, #tpu.memory_space<vmem>>
    %dma_wait3A_303 = arith.constant 0 : i32
    %dma_wait3A_304 = tpu.memref_slice %arg8[%dma_wait3A_297, %dma_wait3A_303] : memref<8x128xi32, #tpu.memory_space<vmem>> -> memref<1x128xi32, #tpu.memory_space<vmem>>
    %dma_wait3A_305 = tpu.memref_squeeze %dma_wait3A_304 : memref<1x128xi32, #tpu.memory_space<vmem>> -> memref<128xi32, #tpu.memory_space<vmem>>
    %dma_wait3A_306 = arith.constant 0 : i32
    %dma_wait3A_307 = arith.constant 0 : i32
    %dma_wait3A_308 = tpu.memref_slice %arg5[%dma_wait3A_306, %dma_wait3A_307] : memref<10240x64xf32, #tpu.memory_space<vmem_shared>> -> memref<10240x64xf32, #tpu.memory_space<vmem_shared>>
    tpu.wait_indirect_dma semaphore(%arg11 : memref<!tpu.dma_semaphore, #tpu.memory_space<semaphore_mem>>) src(%dma_wait3A_308 : memref<10240x64xf32, #tpu.memory_space<vmem_shared>>) dst(%dma_wait3A_302 : memref<128x64xf32, #tpu.memory_space<vmem>>)
    %dma_start3A_309 = arith.constant 1 : i32
    %dma_start3A_310 = arith.constant 5 : i32
    %dma_start3A_311 = arith.constant 0 : i32
    %dma_start3A_312 = arith.constant 0 : i32
    %dma_start3A_313 = tpu.memref_slice %arg9[%dma_start3A_309, %dma_start3A_311, %dma_start3A_312] : memref<4x128x64xf32, #tpu.memory_space<vmem>> -> memref<1x128x64xf32, #tpu.memory_space<vmem>>
    %dma_start3A_314 = tpu.memref_squeeze %dma_start3A_313 : memref<1x128x64xf32, #tpu.memory_space<vmem>> -> memref<128x64xf32, #tpu.memory_space<vmem>>
    %dma_start3A_315 = arith.constant 0 : i32
    %dma_start3A_316 = tpu.memref_slice %arg8[%dma_start3A_310, %dma_start3A_315] : memref<8x128xi32, #tpu.memory_space<vmem>> -> memref<1x128xi32, #tpu.memory_space<vmem>>
    %dma_start3A_317 = tpu.memref_squeeze %dma_start3A_316 : memref<1x128xi32, #tpu.memory_space<vmem>> -> memref<128xi32, #tpu.memory_space<vmem>>
    %dma_start3A_318 = arith.constant 0 : i32
    %dma_start3A_319 = arith.constant 0 : i32
    %dma_start3A_320 = tpu.memref_slice %arg6[%dma_start3A_318, %dma_start3A_319] : memref<10240x64xf32, #tpu.memory_space<vmem_shared>> -> memref<10240x64xf32, #tpu.memory_space<vmem_shared>>
    tpu.enqueue_indirect_dma source(%dma_start3A_314 : memref<128x64xf32, #tpu.memory_space<vmem>>) target(%dma_start3A_320 : memref<10240x64xf32, #tpu.memory_space<vmem_shared>>) offsets(%dma_start3A_317 : memref<128xi32, #tpu.memory_space<vmem>>) semaphore(%arg15 : memref<!tpu.dma_semaphore, #tpu.memory_space<semaphore_mem>>) {add = true}
    %dma_wait3A_321 = arith.constant 2 : i32
    %dma_wait3A_322 = arith.constant 2 : i32
    %dma_wait3A_323 = arith.constant 0 : i32
    %dma_wait3A_324 = arith.constant 0 : i32
    %dma_wait3A_325 = tpu.memref_slice %arg9[%dma_wait3A_322, %dma_wait3A_323, %dma_wait3A_324] : memref<4x128x64xf32, #tpu.memory_space<vmem>> -> memref<1x128x64xf32, #tpu.memory_space<vmem>>
    %dma_wait3A_326 = tpu.memref_squeeze %dma_wait3A_325 : memref<1x128x64xf32, #tpu.memory_space<vmem>> -> memref<128x64xf32, #tpu.memory_space<vmem>>
    %dma_wait3A_327 = arith.constant 0 : i32
    %dma_wait3A_328 = tpu.memref_slice %arg8[%dma_wait3A_321, %dma_wait3A_327] : memref<8x128xi32, #tpu.memory_space<vmem>> -> memref<1x128xi32, #tpu.memory_space<vmem>>
    %dma_wait3A_329 = tpu.memref_squeeze %dma_wait3A_328 : memref<1x128xi32, #tpu.memory_space<vmem>> -> memref<128xi32, #tpu.memory_space<vmem>>
    %dma_wait3A_330 = arith.constant 0 : i32
    %dma_wait3A_331 = arith.constant 0 : i32
    %dma_wait3A_332 = tpu.memref_slice %arg5[%dma_wait3A_330, %dma_wait3A_331] : memref<10240x64xf32, #tpu.memory_space<vmem_shared>> -> memref<10240x64xf32, #tpu.memory_space<vmem_shared>>
    tpu.wait_indirect_dma semaphore(%arg12 : memref<!tpu.dma_semaphore, #tpu.memory_space<semaphore_mem>>) src(%dma_wait3A_332 : memref<10240x64xf32, #tpu.memory_space<vmem_shared>>) dst(%dma_wait3A_326 : memref<128x64xf32, #tpu.memory_space<vmem>>)
    %dma_start3A_333 = arith.constant 2 : i32
    %dma_start3A_334 = arith.constant 6 : i32
    %dma_start3A_335 = arith.constant 0 : i32
    %dma_start3A_336 = arith.constant 0 : i32
    %dma_start3A_337 = tpu.memref_slice %arg9[%dma_start3A_333, %dma_start3A_335, %dma_start3A_336] : memref<4x128x64xf32, #tpu.memory_space<vmem>> -> memref<1x128x64xf32, #tpu.memory_space<vmem>>
    %dma_start3A_338 = tpu.memref_squeeze %dma_start3A_337 : memref<1x128x64xf32, #tpu.memory_space<vmem>> -> memref<128x64xf32, #tpu.memory_space<vmem>>
    %dma_start3A_339 = arith.constant 0 : i32
    %dma_start3A_340 = tpu.memref_slice %arg8[%dma_start3A_334, %dma_start3A_339] : memref<8x128xi32, #tpu.memory_space<vmem>> -> memref<1x128xi32, #tpu.memory_space<vmem>>
    %dma_start3A_341 = tpu.memref_squeeze %dma_start3A_340 : memref<1x128xi32, #tpu.memory_space<vmem>> -> memref<128xi32, #tpu.memory_space<vmem>>
    %dma_start3A_342 = arith.constant 0 : i32
    %dma_start3A_343 = arith.constant 0 : i32
    %dma_start3A_344 = tpu.memref_slice %arg6[%dma_start3A_342, %dma_start3A_343] : memref<10240x64xf32, #tpu.memory_space<vmem_shared>> -> memref<10240x64xf32, #tpu.memory_space<vmem_shared>>
    tpu.enqueue_indirect_dma source(%dma_start3A_338 : memref<128x64xf32, #tpu.memory_space<vmem>>) target(%dma_start3A_344 : memref<10240x64xf32, #tpu.memory_space<vmem_shared>>) offsets(%dma_start3A_341 : memref<128xi32, #tpu.memory_space<vmem>>) semaphore(%arg16 : memref<!tpu.dma_semaphore, #tpu.memory_space<semaphore_mem>>) {add = true}
    %dma_wait3A_345 = arith.constant 3 : i32
    %dma_wait3A_346 = arith.constant 3 : i32
    %dma_wait3A_347 = arith.constant 0 : i32
    %dma_wait3A_348 = arith.constant 0 : i32
    %dma_wait3A_349 = tpu.memref_slice %arg9[%dma_wait3A_346, %dma_wait3A_347, %dma_wait3A_348] : memref<4x128x64xf32, #tpu.memory_space<vmem>> -> memref<1x128x64xf32, #tpu.memory_space<vmem>>
    %dma_wait3A_350 = tpu.memref_squeeze %dma_wait3A_349 : memref<1x128x64xf32, #tpu.memory_space<vmem>> -> memref<128x64xf32, #tpu.memory_space<vmem>>
    %dma_wait3A_351 = arith.constant 0 : i32
    %dma_wait3A_352 = tpu.memref_slice %arg8[%dma_wait3A_345, %dma_wait3A_351] : memref<8x128xi32, #tpu.memory_space<vmem>> -> memref<1x128xi32, #tpu.memory_space<vmem>>
    %dma_wait3A_353 = tpu.memref_squeeze %dma_wait3A_352 : memref<1x128xi32, #tpu.memory_space<vmem>> -> memref<128xi32, #tpu.memory_space<vmem>>
    %dma_wait3A_354 = arith.constant 0 : i32
    %dma_wait3A_355 = arith.constant 0 : i32
    %dma_wait3A_356 = tpu.memref_slice %arg5[%dma_wait3A_354, %dma_wait3A_355] : memref<10240x64xf32, #tpu.memory_space<vmem_shared>> -> memref<10240x64xf32, #tpu.memory_space<vmem_shared>>
    tpu.wait_indirect_dma semaphore(%arg13 : memref<!tpu.dma_semaphore, #tpu.memory_space<semaphore_mem>>) src(%dma_wait3A_356 : memref<10240x64xf32, #tpu.memory_space<vmem_shared>>) dst(%dma_wait3A_350 : memref<128x64xf32, #tpu.memory_space<vmem>>)
    %dma_start3A_357 = arith.constant 3 : i32
    %dma_start3A_358 = arith.constant 7 : i32
    %dma_start3A_359 = arith.constant 0 : i32
    %dma_start3A_360 = arith.constant 0 : i32
    %dma_start3A_361 = tpu.memref_slice %arg9[%dma_start3A_357, %dma_start3A_359, %dma_start3A_360] : memref<4x128x64xf32, #tpu.memory_space<vmem>> -> memref<1x128x64xf32, #tpu.memory_space<vmem>>
    %dma_start3A_362 = tpu.memref_squeeze %dma_start3A_361 : memref<1x128x64xf32, #tpu.memory_space<vmem>> -> memref<128x64xf32, #tpu.memory_space<vmem>>
    %dma_start3A_363 = arith.constant 0 : i32
    %dma_start3A_364 = tpu.memref_slice %arg8[%dma_start3A_358, %dma_start3A_363] : memref<8x128xi32, #tpu.memory_space<vmem>> -> memref<1x128xi32, #tpu.memory_space<vmem>>
    %dma_start3A_365 = tpu.memref_squeeze %dma_start3A_364 : memref<1x128xi32, #tpu.memory_space<vmem>> -> memref<128xi32, #tpu.memory_space<vmem>>
    %dma_start3A_366 = arith.constant 0 : i32
    %dma_start3A_367 = arith.constant 0 : i32
    %dma_start3A_368 = tpu.memref_slice %arg6[%dma_start3A_366, %dma_start3A_367] : memref<10240x64xf32, #tpu.memory_space<vmem_shared>> -> memref<10240x64xf32, #tpu.memory_space<vmem_shared>>
    tpu.enqueue_indirect_dma source(%dma_start3A_362 : memref<128x64xf32, #tpu.memory_space<vmem>>) target(%dma_start3A_368 : memref<10240x64xf32, #tpu.memory_space<vmem_shared>>) offsets(%dma_start3A_365 : memref<128xi32, #tpu.memory_space<vmem>>) semaphore(%arg17 : memref<!tpu.dma_semaphore, #tpu.memory_space<semaphore_mem>>) {add = true}
    %dma_wait3A_369 = arith.constant 0 : i32
    %dma_wait3A_370 = arith.constant 4 : i32
    %dma_wait3A_371 = arith.constant 0 : i32
    %dma_wait3A_372 = arith.constant 0 : i32
    %dma_wait3A_373 = tpu.memref_slice %arg9[%dma_wait3A_369, %dma_wait3A_371, %dma_wait3A_372] : memref<4x128x64xf32, #tpu.memory_space<vmem>> -> memref<1x128x64xf32, #tpu.memory_space<vmem>>
    %dma_wait3A_374 = tpu.memref_squeeze %dma_wait3A_373 : memref<1x128x64xf32, #tpu.memory_space<vmem>> -> memref<128x64xf32, #tpu.memory_space<vmem>>
    %dma_wait3A_375 = arith.constant 0 : i32
    %dma_wait3A_376 = tpu.memref_slice %arg8[%dma_wait3A_370, %dma_wait3A_375] : memref<8x128xi32, #tpu.memory_space<vmem>> -> memref<1x128xi32, #tpu.memory_space<vmem>>
    %dma_wait3A_377 = tpu.memref_squeeze %dma_wait3A_376 : memref<1x128xi32, #tpu.memory_space<vmem>> -> memref<128xi32, #tpu.memory_space<vmem>>
    %dma_wait3A_378 = arith.constant 0 : i32
    %dma_wait3A_379 = arith.constant 0 : i32
    %dma_wait3A_380 = tpu.memref_slice %arg6[%dma_wait3A_378, %dma_wait3A_379] : memref<10240x64xf32, #tpu.memory_space<vmem_shared>> -> memref<10240x64xf32, #tpu.memory_space<vmem_shared>>
    tpu.wait_indirect_dma semaphore(%arg14 : memref<!tpu.dma_semaphore, #tpu.memory_space<semaphore_mem>>) src(%dma_wait3A_374 : memref<128x64xf32, #tpu.memory_space<vmem>>) dst(%dma_wait3A_380 : memref<10240x64xf32, #tpu.memory_space<vmem_shared>>)
    %dma_wait3A_381 = arith.constant 1 : i32
    %dma_wait3A_382 = arith.constant 5 : i32
    %dma_wait3A_383 = arith.constant 0 : i32
    %dma_wait3A_384 = arith.constant 0 : i32
    %dma_wait3A_385 = tpu.memref_slice %arg9[%dma_wait3A_381, %dma_wait3A_383, %dma_wait3A_384] : memref<4x128x64xf32, #tpu.memory_space<vmem>> -> memref<1x128x64xf32, #tpu.memory_space<vmem>>
    %dma_wait3A_386 = tpu.memref_squeeze %dma_wait3A_385 : memref<1x128x64xf32, #tpu.memory_space<vmem>> -> memref<128x64xf32, #tpu.memory_space<vmem>>
    %dma_wait3A_387 = arith.constant 0 : i32
    %dma_wait3A_388 = tpu.memref_slice %arg8[%dma_wait3A_382, %dma_wait3A_387] : memref<8x128xi32, #tpu.memory_space<vmem>> -> memref<1x128xi32, #tpu.memory_space<vmem>>
    %dma_wait3A_389 = tpu.memref_squeeze %dma_wait3A_388 : memref<1x128xi32, #tpu.memory_space<vmem>> -> memref<128xi32, #tpu.memory_space<vmem>>
    %dma_wait3A_390 = arith.constant 0 : i32
    %dma_wait3A_391 = arith.constant 0 : i32
    %dma_wait3A_392 = tpu.memref_slice %arg6[%dma_wait3A_390, %dma_wait3A_391] : memref<10240x64xf32, #tpu.memory_space<vmem_shared>> -> memref<10240x64xf32, #tpu.memory_space<vmem_shared>>
    tpu.wait_indirect_dma semaphore(%arg15 : memref<!tpu.dma_semaphore, #tpu.memory_space<semaphore_mem>>) src(%dma_wait3A_386 : memref<128x64xf32, #tpu.memory_space<vmem>>) dst(%dma_wait3A_392 : memref<10240x64xf32, #tpu.memory_space<vmem_shared>>)
    %dma_wait3A_393 = arith.constant 2 : i32
    %dma_wait3A_394 = arith.constant 6 : i32
    %dma_wait3A_395 = arith.constant 0 : i32
    %dma_wait3A_396 = arith.constant 0 : i32
    %dma_wait3A_397 = tpu.memref_slice %arg9[%dma_wait3A_393, %dma_wait3A_395, %dma_wait3A_396] : memref<4x128x64xf32, #tpu.memory_space<vmem>> -> memref<1x128x64xf32, #tpu.memory_space<vmem>>
    %dma_wait3A_398 = tpu.memref_squeeze %dma_wait3A_397 : memref<1x128x64xf32, #tpu.memory_space<vmem>> -> memref<128x64xf32, #tpu.memory_space<vmem>>
    %dma_wait3A_399 = arith.constant 0 : i32
    %dma_wait3A_400 = tpu.memref_slice %arg8[%dma_wait3A_394, %dma_wait3A_399] : memref<8x128xi32, #tpu.memory_space<vmem>> -> memref<1x128xi32, #tpu.memory_space<vmem>>
    %dma_wait3A_401 = tpu.memref_squeeze %dma_wait3A_400 : memref<1x128xi32, #tpu.memory_space<vmem>> -> memref<128xi32, #tpu.memory_space<vmem>>
    %dma_wait3A_402 = arith.constant 0 : i32
    %dma_wait3A_403 = arith.constant 0 : i32
    %dma_wait3A_404 = tpu.memref_slice %arg6[%dma_wait3A_402, %dma_wait3A_403] : memref<10240x64xf32, #tpu.memory_space<vmem_shared>> -> memref<10240x64xf32, #tpu.memory_space<vmem_shared>>
    tpu.wait_indirect_dma semaphore(%arg16 : memref<!tpu.dma_semaphore, #tpu.memory_space<semaphore_mem>>) src(%dma_wait3A_398 : memref<128x64xf32, #tpu.memory_space<vmem>>) dst(%dma_wait3A_404 : memref<10240x64xf32, #tpu.memory_space<vmem_shared>>)
    %dma_wait3A_405 = arith.constant 3 : i32
    %dma_wait3A_406 = arith.constant 7 : i32
    %dma_wait3A_407 = arith.constant 0 : i32
    %dma_wait3A_408 = arith.constant 0 : i32
    %dma_wait3A_409 = tpu.memref_slice %arg9[%dma_wait3A_405, %dma_wait3A_407, %dma_wait3A_408] : memref<4x128x64xf32, #tpu.memory_space<vmem>> -> memref<1x128x64xf32, #tpu.memory_space<vmem>>
    %dma_wait3A_410 = tpu.memref_squeeze %dma_wait3A_409 : memref<1x128x64xf32, #tpu.memory_space<vmem>> -> memref<128x64xf32, #tpu.memory_space<vmem>>
    %dma_wait3A_411 = arith.constant 0 : i32
    %dma_wait3A_412 = tpu.memref_slice %arg8[%dma_wait3A_406, %dma_wait3A_411] : memref<8x128xi32, #tpu.memory_space<vmem>> -> memref<1x128xi32, #tpu.memory_space<vmem>>
    %dma_wait3A_413 = tpu.memref_squeeze %dma_wait3A_412 : memref<1x128xi32, #tpu.memory_space<vmem>> -> memref<128xi32, #tpu.memory_space<vmem>>
    %dma_wait3A_414 = arith.constant 0 : i32
    %dma_wait3A_415 = arith.constant 0 : i32
    %dma_wait3A_416 = tpu.memref_slice %arg6[%dma_wait3A_414, %dma_wait3A_415] : memref<10240x64xf32, #tpu.memory_space<vmem_shared>> -> memref<10240x64xf32, #tpu.memory_space<vmem_shared>>
    tpu.wait_indirect_dma semaphore(%arg17 : memref<!tpu.dma_semaphore, #tpu.memory_space<semaphore_mem>>) src(%dma_wait3A_410 : memref<128x64xf32, #tpu.memory_space<vmem>>) dst(%dma_wait3A_416 : memref<10240x64xf32, #tpu.memory_space<vmem_shared>>)
    %barrier3A_417 = arith.constant 0 : index
    tpu.barrier barrier_id(%barrier3A_417)
    %mul3A_418 = arith.constant 640 : i32
    %mul3A_419 = arith.muli %arg1, %mul3A_418 : i32
    %mul3A_420 = arith.constant 10240 : i32
    %mul3A_421 = arith.muli %arg0, %mul3A_420 : i32
    %mul3A_422 = arith.constant 640 : i32
    %mul3A_423 = arith.muli %arg1, %mul3A_422 : i32
    %add3A_424 = arith.addi %mul3A_421, %mul3A_423 : i32
    "tpu.region"() ({
      %run_scoped3A = tpu.sem_alloc : memref<!tpu.dma_semaphore, #tpu.memory_space<semaphore_mem>>
      %dma_start3A_425 = arith.constant 0 : i32
      %dma_start3A_426 = tpu.memref_slice %arg4[%add3A_424, %dma_start3A_425] : memref<20480x64xf32, #tpu.memory_space<hbm>> -> memref<640x64xf32, #tpu.memory_space<hbm>>
      %dma_start3A_427 = arith.constant 0 : i32
      %dma_start3A_428 = tpu.memref_slice %arg6[%mul3A_419, %dma_start3A_427] : memref<10240x64xf32, #tpu.memory_space<vmem_shared>> -> memref<640x64xf32, #tpu.memory_space<vmem_shared>>
      tpu.enqueue_dma source(%dma_start3A_428 : memref<640x64xf32, #tpu.memory_space<vmem_shared>>) target(%dma_start3A_426 : memref<640x64xf32, #tpu.memory_space<hbm>>) target_semaphore(%run_scoped3A : memref<!tpu.dma_semaphore, #tpu.memory_space<semaphore_mem>>)
      %dma_wait3A_429 = arith.constant 0 : i32
      %dma_wait3A_430 = tpu.memref_slice %arg4[%add3A_424, %dma_wait3A_429] : memref<20480x64xf32, #tpu.memory_space<hbm>> -> memref<640x64xf32, #tpu.memory_space<hbm>>
      %dma_wait3A_431 = arith.constant 0 : i32
      %dma_wait3A_432 = tpu.memref_slice %arg6[%mul3A_419, %dma_wait3A_431] : memref<10240x64xf32, #tpu.memory_space<vmem_shared>> -> memref<640x64xf32, #tpu.memory_space<vmem_shared>>
      tpu.wait_dma2 semaphore(%run_scoped3A : memref<!tpu.dma_semaphore, #tpu.memory_space<semaphore_mem>>) src(%dma_wait3A_432 : memref<640x64xf32, #tpu.memory_space<vmem_shared>>) dst(%dma_wait3A_430 : memref<640x64xf32, #tpu.memory_space<hbm>>)
      tpu.yield
    }) : () -> ()
    return
  }
}

#map = affine_map<(d0, d1) -> (0, 0)>
module attributes {stable_mosaic.version = 14 : i64} {
  func.func @_sc_agg_body(%arg0: i32, %arg1: i32, %arg2: memref<20480x64xf32, #tpu.memory_space<hbm>>, %arg3: memref<5120x128xi32, #tpu.memory_space<hbm>>, %arg4: memref<20480x64xf32, #tpu.memory_space<hbm>>, %arg5: memref<10240x64xf32, #tpu.memory_space<vmem_shared>>, %arg6: memref<10240x64xf32, #tpu.memory_space<vmem_shared>>, %arg7: memref<8x128xi32, #tpu.memory_space<vmem>>, %arg8: memref<8x128xi32, #tpu.memory_space<vmem>>, %arg9: memref<4x128x64xf32, #tpu.memory_space<vmem>>, %arg10: memref<!tpu.dma_semaphore, #tpu.memory_space<semaphore_mem>>, %arg11: memref<!tpu.dma_semaphore, #tpu.memory_space<semaphore_mem>>, %arg12: memref<!tpu.dma_semaphore, #tpu.memory_space<semaphore_mem>>, %arg13: memref<!tpu.dma_semaphore, #tpu.memory_space<semaphore_mem>>, %arg14: memref<!tpu.dma_semaphore, #tpu.memory_space<semaphore_mem>>, %arg15: memref<!tpu.dma_semaphore, #tpu.memory_space<semaphore_mem>>, %arg16: memref<!tpu.dma_semaphore, #tpu.memory_space<semaphore_mem>>, %arg17: memref<!tpu.dma_semaphore, #tpu.memory_space<semaphore_mem>>, %arg18: memref<!tpu.dma_semaphore, #tpu.memory_space<semaphore_mem>>) attributes {dimension_semantics = [#tpu.dimension_semantics<core_parallel>, #tpu.dimension_semantics<subcore_parallel>], iteration_bounds = array<i64: 2, 16>, scalar_prefetch = 0 : i64, scratch_operands = 14 : i64, tpu.core_type = #tpu.core_type<sc_vector_subcore>, window_params = [{transform_indices = #map}, {transform_indices = #map}, {transform_indices = #map}]} {
    %mul3A = arith.constant 10240 : i32
    %mul3A_0 = arith.muli %arg0, %mul3A : i32
    %mul3A_1 = arith.constant 640 : i32
    %mul3A_2 = arith.muli %arg1, %mul3A_1 : i32
    %add3A = arith.addi %mul3A_0, %mul3A_2 : i32
    %mul3A_3 = arith.constant 640 : i32
    %mul3A_4 = arith.muli %arg1, %mul3A_3 : i32
    "tpu.region"() ({
      %run_scoped3A = tpu.sem_alloc : memref<!tpu.dma_semaphore, #tpu.memory_space<semaphore_mem>>
      %dma_start3A_425 = arith.constant 0 : i32
      %dma_start3A_426 = tpu.memref_slice %arg5[%mul3A_4, %dma_start3A_425] : memref<10240x64xf32, #tpu.memory_space<vmem_shared>> -> memref<640x64xf32, #tpu.memory_space<vmem_shared>>
      %dma_start3A_427 = arith.constant 0 : i32
      %dma_start3A_428 = tpu.memref_slice %arg2[%add3A, %dma_start3A_427] : memref<20480x64xf32, #tpu.memory_space<hbm>> -> memref<640x64xf32, #tpu.memory_space<hbm>>
      tpu.enqueue_dma source(%dma_start3A_428 : memref<640x64xf32, #tpu.memory_space<hbm>>) target(%dma_start3A_426 : memref<640x64xf32, #tpu.memory_space<vmem_shared>>) target_semaphore(%run_scoped3A : memref<!tpu.dma_semaphore, #tpu.memory_space<semaphore_mem>>)
      %dma_wait3A_429 = arith.constant 0 : i32
      %dma_wait3A_430 = tpu.memref_slice %arg5[%mul3A_4, %dma_wait3A_429] : memref<10240x64xf32, #tpu.memory_space<vmem_shared>> -> memref<640x64xf32, #tpu.memory_space<vmem_shared>>
      %dma_wait3A_431 = arith.constant 0 : i32
      %dma_wait3A_432 = tpu.memref_slice %arg2[%add3A, %dma_wait3A_431] : memref<20480x64xf32, #tpu.memory_space<hbm>> -> memref<640x64xf32, #tpu.memory_space<hbm>>
      tpu.wait_dma2 semaphore(%run_scoped3A : memref<!tpu.dma_semaphore, #tpu.memory_space<semaphore_mem>>) src(%dma_wait3A_432 : memref<640x64xf32, #tpu.memory_space<hbm>>) dst(%dma_wait3A_430 : memref<640x64xf32, #tpu.memory_space<vmem_shared>>)
      tpu.yield
    }) : () -> ()
    %mul3A_5 = arith.constant 10240 : i32
    %mul3A_6 = arith.muli %arg0, %mul3A_5 : i32
    %mul3A_7 = arith.constant 640 : i32
    %mul3A_8 = arith.muli %arg1, %mul3A_7 : i32
    %add3A_9 = arith.addi %mul3A_6, %mul3A_8 : i32
    %mul3A_10 = arith.constant 640 : i32
    %mul3A_11 = arith.muli %arg1, %mul3A_10 : i32
    "tpu.region"() ({
      %run_scoped3A = tpu.sem_alloc : memref<!tpu.dma_semaphore, #tpu.memory_space<semaphore_mem>>
      %dma_start3A_425 = arith.constant 0 : i32
      %dma_start3A_426 = tpu.memref_slice %arg6[%mul3A_11, %dma_start3A_425] : memref<10240x64xf32, #tpu.memory_space<vmem_shared>> -> memref<640x64xf32, #tpu.memory_space<vmem_shared>>
      %dma_start3A_427 = arith.constant 0 : i32
      %dma_start3A_428 = tpu.memref_slice %arg2[%add3A_9, %dma_start3A_427] : memref<20480x64xf32, #tpu.memory_space<hbm>> -> memref<640x64xf32, #tpu.memory_space<hbm>>
      tpu.enqueue_dma source(%dma_start3A_428 : memref<640x64xf32, #tpu.memory_space<hbm>>) target(%dma_start3A_426 : memref<640x64xf32, #tpu.memory_space<vmem_shared>>) target_semaphore(%run_scoped3A : memref<!tpu.dma_semaphore, #tpu.memory_space<semaphore_mem>>)
      %dma_wait3A_429 = arith.constant 0 : i32
      %dma_wait3A_430 = tpu.memref_slice %arg6[%mul3A_11, %dma_wait3A_429] : memref<10240x64xf32, #tpu.memory_space<vmem_shared>> -> memref<640x64xf32, #tpu.memory_space<vmem_shared>>
      %dma_wait3A_431 = arith.constant 0 : i32
      %dma_wait3A_432 = tpu.memref_slice %arg2[%add3A_9, %dma_wait3A_431] : memref<20480x64xf32, #tpu.memory_space<hbm>> -> memref<640x64xf32, #tpu.memory_space<hbm>>
      tpu.wait_dma2 semaphore(%run_scoped3A : memref<!tpu.dma_semaphore, #tpu.memory_space<semaphore_mem>>) src(%dma_wait3A_432 : memref<640x64xf32, #tpu.memory_space<hbm>>) dst(%dma_wait3A_430 : memref<640x64xf32, #tpu.memory_space<vmem_shared>>)
      tpu.yield
    }) : () -> ()
    %barrier3A = arith.constant 0 : index
    tpu.barrier barrier_id(%barrier3A)
    %mul3A_12 = arith.constant 40 : i32
    %mul3A_13 = arith.muli %arg1, %mul3A_12 : i32
    %mul3A_14 = arith.constant 8 : i32
    %mul3A_15 = arith.muli %mul3A_13, %mul3A_14 : i32
    "tpu.region"() ({
      %run_scoped3A = tpu.sem_alloc : memref<!tpu.dma_semaphore, #tpu.memory_space<semaphore_mem>>
      %dma_start3A_425 = arith.constant 0 : i32
      %dma_start3A_426 = tpu.memref_slice %arg3[%mul3A_15, %dma_start3A_425] : memref<5120x128xi32, #tpu.memory_space<hbm>> -> memref<8x128xi32, #tpu.memory_space<hbm>>
      %dma_start3A_427 = arith.constant 0 : i32
      %dma_start3A_428 = tpu.memref_slice %arg3[%mul3A_15, %dma_start3A_427] : memref<5120x128xi32, #tpu.memory_space<hbm>> -> memref<8x128xi32, #tpu.memory_space<hbm>>
      tpu.enqueue_dma source(%dma_start3A_428 : memref<8x128xi32, #tpu.memory_space<hbm>>) target(%arg7 : memref<8x128xi32, #tpu.memory_space<vmem>>) target_semaphore(%run_scoped3A : memref<!tpu.dma_semaphore, #tpu.memory_space<semaphore_mem>>)
      %dma_wait3A_429 = arith.constant 0 : i32
      %dma_wait3A_430 = tpu.memref_slice %arg3[%mul3A_15, %dma_wait3A_429] : memref<5120x128xi32, #tpu.memory_space<hbm>> -> memref<8x128xi32, #tpu.memory_space<hbm>>
      %dma_wait3A_431 = arith.constant 0 : i32
      %dma_wait3A_432 = tpu.memref_slice %arg3[%mul3A_15, %dma_wait3A_431] : memref<5120x128xi32, #tpu.memory_space<hbm>> -> memref<8x128xi32, #tpu.memory_space<hbm>>
      tpu.wait_dma2 semaphore(%run_scoped3A : memref<!tpu.dma_semaphore, #tpu.memory_space<semaphore_mem>>) src(%dma_wait3A_432 : memref<8x128xi32, #tpu.memory_space<hbm>>) dst(%arg7 : memref<8x128xi32, #tpu.memory_space<vmem>>)
      tpu.yield
    }) : () -> ()
    %dma_start3A = arith.constant 0 : i32
    %dma_start3A_16 = arith.constant 0 : i32
    %dma_start3A_17 = arith.constant 0 : i32
    %dma_start3A_18 = arith.constant 0 : i32
    %dma_start3A_19 = tpu.memref_slice %arg9[%dma_start3A_16, %dma_start3A_17, %dma_start3A_18] : memref<4x128x64xf32, #tpu.memory_space<vmem>> -> memref<1x128x64xf32, #tpu.memory_space<vmem>>
    %dma_start3A_20 = tpu.memref_squeeze %dma_start3A_19 : memref<1x128x64xf32, #tpu.memory_space<vmem>> -> memref<128x64xf32, #tpu.memory_space<vmem>>
    %dma_start3A_21 = arith.constant 0 : i32
    %dma_start3A_22 = tpu.memref_slice %arg7[%dma_start3A, %dma_start3A_21] : memref<8x128xi32, #tpu.memory_space<vmem>> -> memref<1x128xi32, #tpu.memory_space<vmem>>
    %dma_start3A_23 = tpu.memref_squeeze %dma_start3A_22 : memref<1x128xi32, #tpu.memory_space<vmem>> -> memref<128xi32, #tpu.memory_space<vmem>>
    %dma_start3A_24 = arith.constant 0 : i32
    %dma_start3A_25 = arith.constant 0 : i32
    %dma_start3A_26 = tpu.memref_slice %arg5[%dma_start3A_24, %dma_start3A_25] : memref<10240x64xf32, #tpu.memory_space<vmem_shared>> -> memref<10240x64xf32, #tpu.memory_space<vmem_shared>>
    tpu.enqueue_indirect_dma source(%dma_start3A_26 : memref<10240x64xf32, #tpu.memory_space<vmem_shared>>) target(%dma_start3A_20 : memref<128x64xf32, #tpu.memory_space<vmem>>) offsets(%dma_start3A_23 : memref<128xi32, #tpu.memory_space<vmem>>) semaphore(%arg10 : memref<!tpu.dma_semaphore, #tpu.memory_space<semaphore_mem>>)
    %dma_start3A_27 = arith.constant 1 : i32
    %dma_start3A_28 = arith.constant 1 : i32
    %dma_start3A_29 = arith.constant 0 : i32
    %dma_start3A_30 = arith.constant 0 : i32
    %dma_start3A_31 = tpu.memref_slice %arg9[%dma_start3A_28, %dma_start3A_29, %dma_start3A_30] : memref<4x128x64xf32, #tpu.memory_space<vmem>> -> memref<1x128x64xf32, #tpu.memory_space<vmem>>
    %dma_start3A_32 = tpu.memref_squeeze %dma_start3A_31 : memref<1x128x64xf32, #tpu.memory_space<vmem>> -> memref<128x64xf32, #tpu.memory_space<vmem>>
    %dma_start3A_33 = arith.constant 0 : i32
    %dma_start3A_34 = tpu.memref_slice %arg7[%dma_start3A_27, %dma_start3A_33] : memref<8x128xi32, #tpu.memory_space<vmem>> -> memref<1x128xi32, #tpu.memory_space<vmem>>
    %dma_start3A_35 = tpu.memref_squeeze %dma_start3A_34 : memref<1x128xi32, #tpu.memory_space<vmem>> -> memref<128xi32, #tpu.memory_space<vmem>>
    %dma_start3A_36 = arith.constant 0 : i32
    %dma_start3A_37 = arith.constant 0 : i32
    %dma_start3A_38 = tpu.memref_slice %arg5[%dma_start3A_36, %dma_start3A_37] : memref<10240x64xf32, #tpu.memory_space<vmem_shared>> -> memref<10240x64xf32, #tpu.memory_space<vmem_shared>>
    tpu.enqueue_indirect_dma source(%dma_start3A_38 : memref<10240x64xf32, #tpu.memory_space<vmem_shared>>) target(%dma_start3A_32 : memref<128x64xf32, #tpu.memory_space<vmem>>) offsets(%dma_start3A_35 : memref<128xi32, #tpu.memory_space<vmem>>) semaphore(%arg11 : memref<!tpu.dma_semaphore, #tpu.memory_space<semaphore_mem>>)
    %dma_start3A_39 = arith.constant 2 : i32
    %dma_start3A_40 = arith.constant 2 : i32
    %dma_start3A_41 = arith.constant 0 : i32
    %dma_start3A_42 = arith.constant 0 : i32
    %dma_start3A_43 = tpu.memref_slice %arg9[%dma_start3A_40, %dma_start3A_41, %dma_start3A_42] : memref<4x128x64xf32, #tpu.memory_space<vmem>> -> memref<1x128x64xf32, #tpu.memory_space<vmem>>
    %dma_start3A_44 = tpu.memref_squeeze %dma_start3A_43 : memref<1x128x64xf32, #tpu.memory_space<vmem>> -> memref<128x64xf32, #tpu.memory_space<vmem>>
    %dma_start3A_45 = arith.constant 0 : i32
    %dma_start3A_46 = tpu.memref_slice %arg7[%dma_start3A_39, %dma_start3A_45] : memref<8x128xi32, #tpu.memory_space<vmem>> -> memref<1x128xi32, #tpu.memory_space<vmem>>
    %dma_start3A_47 = tpu.memref_squeeze %dma_start3A_46 : memref<1x128xi32, #tpu.memory_space<vmem>> -> memref<128xi32, #tpu.memory_space<vmem>>
    %dma_start3A_48 = arith.constant 0 : i32
    %dma_start3A_49 = arith.constant 0 : i32
    %dma_start3A_50 = tpu.memref_slice %arg5[%dma_start3A_48, %dma_start3A_49] : memref<10240x64xf32, #tpu.memory_space<vmem_shared>> -> memref<10240x64xf32, #tpu.memory_space<vmem_shared>>
    tpu.enqueue_indirect_dma source(%dma_start3A_50 : memref<10240x64xf32, #tpu.memory_space<vmem_shared>>) target(%dma_start3A_44 : memref<128x64xf32, #tpu.memory_space<vmem>>) offsets(%dma_start3A_47 : memref<128xi32, #tpu.memory_space<vmem>>) semaphore(%arg12 : memref<!tpu.dma_semaphore, #tpu.memory_space<semaphore_mem>>)
    %dma_start3A_51 = arith.constant 3 : i32
    %dma_start3A_52 = arith.constant 3 : i32
    %dma_start3A_53 = arith.constant 0 : i32
    %dma_start3A_54 = arith.constant 0 : i32
    %dma_start3A_55 = tpu.memref_slice %arg9[%dma_start3A_52, %dma_start3A_53, %dma_start3A_54] : memref<4x128x64xf32, #tpu.memory_space<vmem>> -> memref<1x128x64xf32, #tpu.memory_space<vmem>>
    %dma_start3A_56 = tpu.memref_squeeze %dma_start3A_55 : memref<1x128x64xf32, #tpu.memory_space<vmem>> -> memref<128x64xf32, #tpu.memory_space<vmem>>
    %dma_start3A_57 = arith.constant 0 : i32
    %dma_start3A_58 = tpu.memref_slice %arg7[%dma_start3A_51, %dma_start3A_57] : memref<8x128xi32, #tpu.memory_space<vmem>> -> memref<1x128xi32, #tpu.memory_space<vmem>>
    %dma_start3A_59 = tpu.memref_squeeze %dma_start3A_58 : memref<1x128xi32, #tpu.memory_space<vmem>> -> memref<128xi32, #tpu.memory_space<vmem>>
    %dma_start3A_60 = arith.constant 0 : i32
    %dma_start3A_61 = arith.constant 0 : i32
    %dma_start3A_62 = tpu.memref_slice %arg5[%dma_start3A_60, %dma_start3A_61] : memref<10240x64xf32, #tpu.memory_space<vmem_shared>> -> memref<10240x64xf32, #tpu.memory_space<vmem_shared>>
    tpu.enqueue_indirect_dma source(%dma_start3A_62 : memref<10240x64xf32, #tpu.memory_space<vmem_shared>>) target(%dma_start3A_56 : memref<128x64xf32, #tpu.memory_space<vmem>>) offsets(%dma_start3A_59 : memref<128xi32, #tpu.memory_space<vmem>>) semaphore(%arg13 : memref<!tpu.dma_semaphore, #tpu.memory_space<semaphore_mem>>)
    %scan3A = arith.constant 0 : i32
    %scan3A_63 = arith.constant 0 : i32
    %scan3A_64 = arith.constant 19 : i32
    %scan3A_65 = arith.addi %scan3A_63, %scan3A_64 : i32
    %scan3A_66 = arith.constant 1 : i32
    scf.for %scan3A_425 = %scan3A_63 to %scan3A_65 step %scan3A_66  : i32 {
      %mul3A_426 = arith.constant 2 : i32
      %mul3A_427 = arith.muli %mul3A_426, %scan3A_425 : i32
      %add3A_428 = arith.addi %mul3A_13, %mul3A_427 : i32
      %add3A_429 = arith.constant 1 : i32
      %add3A_430 = arith.addi %add3A_428, %add3A_429 : i32
      %mul3A_431 = arith.constant 8 : i32
      %mul3A_432 = arith.muli %add3A_430, %mul3A_431 : i32
      %dma_start3A_433 = arith.constant 0 : i32
      %dma_start3A_434 = tpu.memref_slice %arg3[%mul3A_432, %dma_start3A_433] : memref<5120x128xi32, #tpu.memory_space<hbm>> -> memref<8x128xi32, #tpu.memory_space<hbm>>
      %dma_start3A_435 = arith.constant 0 : i32
      %dma_start3A_436 = tpu.memref_slice %arg3[%mul3A_432, %dma_start3A_435] : memref<5120x128xi32, #tpu.memory_space<hbm>> -> memref<8x128xi32, #tpu.memory_space<hbm>>
      tpu.enqueue_dma source(%dma_start3A_436 : memref<8x128xi32, #tpu.memory_space<hbm>>) target(%arg8 : memref<8x128xi32, #tpu.memory_space<vmem>>) target_semaphore(%arg18 : memref<!tpu.dma_semaphore, #tpu.memory_space<semaphore_mem>>)
      %dma_wait3A_437 = arith.constant 0 : i32
      %dma_wait3A_438 = arith.constant 0 : i32
      %dma_wait3A_439 = arith.constant 0 : i32
      %dma_wait3A_440 = arith.constant 0 : i32
      %dma_wait3A_441 = tpu.memref_slice %arg9[%dma_wait3A_438, %dma_wait3A_439, %dma_wait3A_440] : memref<4x128x64xf32, #tpu.memory_space<vmem>> -> memref<1x128x64xf32, #tpu.memory_space<vmem>>
      %dma_wait3A_442 = tpu.memref_squeeze %dma_wait3A_441 : memref<1x128x64xf32, #tpu.memory_space<vmem>> -> memref<128x64xf32, #tpu.memory_space<vmem>>
      %dma_wait3A_443 = arith.constant 0 : i32
      %dma_wait3A_444 = tpu.memref_slice %arg7[%dma_wait3A_437, %dma_wait3A_443] : memref<8x128xi32, #tpu.memory_space<vmem>> -> memref<1x128xi32, #tpu.memory_space<vmem>>
      %dma_wait3A_445 = tpu.memref_squeeze %dma_wait3A_444 : memref<1x128xi32, #tpu.memory_space<vmem>> -> memref<128xi32, #tpu.memory_space<vmem>>
      %dma_wait3A_446 = arith.constant 0 : i32
      %dma_wait3A_447 = arith.constant 0 : i32
      %dma_wait3A_448 = tpu.memref_slice %arg5[%dma_wait3A_446, %dma_wait3A_447] : memref<10240x64xf32, #tpu.memory_space<vmem_shared>> -> memref<10240x64xf32, #tpu.memory_space<vmem_shared>>
      tpu.wait_indirect_dma semaphore(%arg10 : memref<!tpu.dma_semaphore, #tpu.memory_space<semaphore_mem>>) src(%dma_wait3A_448 : memref<10240x64xf32, #tpu.memory_space<vmem_shared>>) dst(%dma_wait3A_442 : memref<128x64xf32, #tpu.memory_space<vmem>>)
      %dma_start3A_449 = arith.constant 0 : i32
      %dma_start3A_450 = arith.constant 4 : i32
      %dma_start3A_451 = arith.constant 0 : i32
      %dma_start3A_452 = arith.constant 0 : i32
      %dma_start3A_453 = tpu.memref_slice %arg9[%dma_start3A_449, %dma_start3A_451, %dma_start3A_452] : memref<4x128x64xf32, #tpu.memory_space<vmem>> -> memref<1x128x64xf32, #tpu.memory_space<vmem>>
      %dma_start3A_454 = tpu.memref_squeeze %dma_start3A_453 : memref<1x128x64xf32, #tpu.memory_space<vmem>> -> memref<128x64xf32, #tpu.memory_space<vmem>>
      %dma_start3A_455 = arith.constant 0 : i32
      %dma_start3A_456 = tpu.memref_slice %arg7[%dma_start3A_450, %dma_start3A_455] : memref<8x128xi32, #tpu.memory_space<vmem>> -> memref<1x128xi32, #tpu.memory_space<vmem>>
      %dma_start3A_457 = tpu.memref_squeeze %dma_start3A_456 : memref<1x128xi32, #tpu.memory_space<vmem>> -> memref<128xi32, #tpu.memory_space<vmem>>
      %dma_start3A_458 = arith.constant 0 : i32
      %dma_start3A_459 = arith.constant 0 : i32
      %dma_start3A_460 = tpu.memref_slice %arg6[%dma_start3A_458, %dma_start3A_459] : memref<10240x64xf32, #tpu.memory_space<vmem_shared>> -> memref<10240x64xf32, #tpu.memory_space<vmem_shared>>
      tpu.enqueue_indirect_dma source(%dma_start3A_454 : memref<128x64xf32, #tpu.memory_space<vmem>>) target(%dma_start3A_460 : memref<10240x64xf32, #tpu.memory_space<vmem_shared>>) offsets(%dma_start3A_457 : memref<128xi32, #tpu.memory_space<vmem>>) semaphore(%arg14 : memref<!tpu.dma_semaphore, #tpu.memory_space<semaphore_mem>>) {add = true}
      %dma_wait3A_461 = arith.constant 1 : i32
      %dma_wait3A_462 = arith.constant 1 : i32
      %dma_wait3A_463 = arith.constant 0 : i32
      %dma_wait3A_464 = arith.constant 0 : i32
      %dma_wait3A_465 = tpu.memref_slice %arg9[%dma_wait3A_462, %dma_wait3A_463, %dma_wait3A_464] : memref<4x128x64xf32, #tpu.memory_space<vmem>> -> memref<1x128x64xf32, #tpu.memory_space<vmem>>
      %dma_wait3A_466 = tpu.memref_squeeze %dma_wait3A_465 : memref<1x128x64xf32, #tpu.memory_space<vmem>> -> memref<128x64xf32, #tpu.memory_space<vmem>>
      %dma_wait3A_467 = arith.constant 0 : i32
      %dma_wait3A_468 = tpu.memref_slice %arg7[%dma_wait3A_461, %dma_wait3A_467] : memref<8x128xi32, #tpu.memory_space<vmem>> -> memref<1x128xi32, #tpu.memory_space<vmem>>
      %dma_wait3A_469 = tpu.memref_squeeze %dma_wait3A_468 : memref<1x128xi32, #tpu.memory_space<vmem>> -> memref<128xi32, #tpu.memory_space<vmem>>
      %dma_wait3A_470 = arith.constant 0 : i32
      %dma_wait3A_471 = arith.constant 0 : i32
      %dma_wait3A_472 = tpu.memref_slice %arg5[%dma_wait3A_470, %dma_wait3A_471] : memref<10240x64xf32, #tpu.memory_space<vmem_shared>> -> memref<10240x64xf32, #tpu.memory_space<vmem_shared>>
      tpu.wait_indirect_dma semaphore(%arg11 : memref<!tpu.dma_semaphore, #tpu.memory_space<semaphore_mem>>) src(%dma_wait3A_472 : memref<10240x64xf32, #tpu.memory_space<vmem_shared>>) dst(%dma_wait3A_466 : memref<128x64xf32, #tpu.memory_space<vmem>>)
      %dma_start3A_473 = arith.constant 1 : i32
      %dma_start3A_474 = arith.constant 5 : i32
      %dma_start3A_475 = arith.constant 0 : i32
      %dma_start3A_476 = arith.constant 0 : i32
      %dma_start3A_477 = tpu.memref_slice %arg9[%dma_start3A_473, %dma_start3A_475, %dma_start3A_476] : memref<4x128x64xf32, #tpu.memory_space<vmem>> -> memref<1x128x64xf32, #tpu.memory_space<vmem>>
      %dma_start3A_478 = tpu.memref_squeeze %dma_start3A_477 : memref<1x128x64xf32, #tpu.memory_space<vmem>> -> memref<128x64xf32, #tpu.memory_space<vmem>>
      %dma_start3A_479 = arith.constant 0 : i32
      %dma_start3A_480 = tpu.memref_slice %arg7[%dma_start3A_474, %dma_start3A_479] : memref<8x128xi32, #tpu.memory_space<vmem>> -> memref<1x128xi32, #tpu.memory_space<vmem>>
      %dma_start3A_481 = tpu.memref_squeeze %dma_start3A_480 : memref<1x128xi32, #tpu.memory_space<vmem>> -> memref<128xi32, #tpu.memory_space<vmem>>
      %dma_start3A_482 = arith.constant 0 : i32
      %dma_start3A_483 = arith.constant 0 : i32
      %dma_start3A_484 = tpu.memref_slice %arg6[%dma_start3A_482, %dma_start3A_483] : memref<10240x64xf32, #tpu.memory_space<vmem_shared>> -> memref<10240x64xf32, #tpu.memory_space<vmem_shared>>
      tpu.enqueue_indirect_dma source(%dma_start3A_478 : memref<128x64xf32, #tpu.memory_space<vmem>>) target(%dma_start3A_484 : memref<10240x64xf32, #tpu.memory_space<vmem_shared>>) offsets(%dma_start3A_481 : memref<128xi32, #tpu.memory_space<vmem>>) semaphore(%arg15 : memref<!tpu.dma_semaphore, #tpu.memory_space<semaphore_mem>>) {add = true}
      %dma_wait3A_485 = arith.constant 2 : i32
      %dma_wait3A_486 = arith.constant 2 : i32
      %dma_wait3A_487 = arith.constant 0 : i32
      %dma_wait3A_488 = arith.constant 0 : i32
      %dma_wait3A_489 = tpu.memref_slice %arg9[%dma_wait3A_486, %dma_wait3A_487, %dma_wait3A_488] : memref<4x128x64xf32, #tpu.memory_space<vmem>> -> memref<1x128x64xf32, #tpu.memory_space<vmem>>
      %dma_wait3A_490 = tpu.memref_squeeze %dma_wait3A_489 : memref<1x128x64xf32, #tpu.memory_space<vmem>> -> memref<128x64xf32, #tpu.memory_space<vmem>>
      %dma_wait3A_491 = arith.constant 0 : i32
      %dma_wait3A_492 = tpu.memref_slice %arg7[%dma_wait3A_485, %dma_wait3A_491] : memref<8x128xi32, #tpu.memory_space<vmem>> -> memref<1x128xi32, #tpu.memory_space<vmem>>
      %dma_wait3A_493 = tpu.memref_squeeze %dma_wait3A_492 : memref<1x128xi32, #tpu.memory_space<vmem>> -> memref<128xi32, #tpu.memory_space<vmem>>
      %dma_wait3A_494 = arith.constant 0 : i32
      %dma_wait3A_495 = arith.constant 0 : i32
      %dma_wait3A_496 = tpu.memref_slice %arg5[%dma_wait3A_494, %dma_wait3A_495] : memref<10240x64xf32, #tpu.memory_space<vmem_shared>> -> memref<10240x64xf32, #tpu.memory_space<vmem_shared>>
      tpu.wait_indirect_dma semaphore(%arg12 : memref<!tpu.dma_semaphore, #tpu.memory_space<semaphore_mem>>) src(%dma_wait3A_496 : memref<10240x64xf32, #tpu.memory_space<vmem_shared>>) dst(%dma_wait3A_490 : memref<128x64xf32, #tpu.memory_space<vmem>>)
      %dma_start3A_497 = arith.constant 2 : i32
      %dma_start3A_498 = arith.constant 6 : i32
      %dma_start3A_499 = arith.constant 0 : i32
      %dma_start3A_500 = arith.constant 0 : i32
      %dma_start3A_501 = tpu.memref_slice %arg9[%dma_start3A_497, %dma_start3A_499, %dma_start3A_500] : memref<4x128x64xf32, #tpu.memory_space<vmem>> -> memref<1x128x64xf32, #tpu.memory_space<vmem>>
      %dma_start3A_502 = tpu.memref_squeeze %dma_start3A_501 : memref<1x128x64xf32, #tpu.memory_space<vmem>> -> memref<128x64xf32, #tpu.memory_space<vmem>>
      %dma_start3A_503 = arith.constant 0 : i32
      %dma_start3A_504 = tpu.memref_slice %arg7[%dma_start3A_498, %dma_start3A_503] : memref<8x128xi32, #tpu.memory_space<vmem>> -> memref<1x128xi32, #tpu.memory_space<vmem>>
      %dma_start3A_505 = tpu.memref_squeeze %dma_start3A_504 : memref<1x128xi32, #tpu.memory_space<vmem>> -> memref<128xi32, #tpu.memory_space<vmem>>
      %dma_start3A_506 = arith.constant 0 : i32
      %dma_start3A_507 = arith.constant 0 : i32
      %dma_start3A_508 = tpu.memref_slice %arg6[%dma_start3A_506, %dma_start3A_507] : memref<10240x64xf32, #tpu.memory_space<vmem_shared>> -> memref<10240x64xf32, #tpu.memory_space<vmem_shared>>
      tpu.enqueue_indirect_dma source(%dma_start3A_502 : memref<128x64xf32, #tpu.memory_space<vmem>>) target(%dma_start3A_508 : memref<10240x64xf32, #tpu.memory_space<vmem_shared>>) offsets(%dma_start3A_505 : memref<128xi32, #tpu.memory_space<vmem>>) semaphore(%arg16 : memref<!tpu.dma_semaphore, #tpu.memory_space<semaphore_mem>>) {add = true}
      %dma_wait3A_509 = arith.constant 3 : i32
      %dma_wait3A_510 = arith.constant 3 : i32
      %dma_wait3A_511 = arith.constant 0 : i32
      %dma_wait3A_512 = arith.constant 0 : i32
      %dma_wait3A_513 = tpu.memref_slice %arg9[%dma_wait3A_510, %dma_wait3A_511, %dma_wait3A_512] : memref<4x128x64xf32, #tpu.memory_space<vmem>> -> memref<1x128x64xf32, #tpu.memory_space<vmem>>
      %dma_wait3A_514 = tpu.memref_squeeze %dma_wait3A_513 : memref<1x128x64xf32, #tpu.memory_space<vmem>> -> memref<128x64xf32, #tpu.memory_space<vmem>>
      %dma_wait3A_515 = arith.constant 0 : i32
      %dma_wait3A_516 = tpu.memref_slice %arg7[%dma_wait3A_509, %dma_wait3A_515] : memref<8x128xi32, #tpu.memory_space<vmem>> -> memref<1x128xi32, #tpu.memory_space<vmem>>
      %dma_wait3A_517 = tpu.memref_squeeze %dma_wait3A_516 : memref<1x128xi32, #tpu.memory_space<vmem>> -> memref<128xi32, #tpu.memory_space<vmem>>
      %dma_wait3A_518 = arith.constant 0 : i32
      %dma_wait3A_519 = arith.constant 0 : i32
      %dma_wait3A_520 = tpu.memref_slice %arg5[%dma_wait3A_518, %dma_wait3A_519] : memref<10240x64xf32, #tpu.memory_space<vmem_shared>> -> memref<10240x64xf32, #tpu.memory_space<vmem_shared>>
      tpu.wait_indirect_dma semaphore(%arg13 : memref<!tpu.dma_semaphore, #tpu.memory_space<semaphore_mem>>) src(%dma_wait3A_520 : memref<10240x64xf32, #tpu.memory_space<vmem_shared>>) dst(%dma_wait3A_514 : memref<128x64xf32, #tpu.memory_space<vmem>>)
      %dma_start3A_521 = arith.constant 3 : i32
      %dma_start3A_522 = arith.constant 7 : i32
      %dma_start3A_523 = arith.constant 0 : i32
      %dma_start3A_524 = arith.constant 0 : i32
      %dma_start3A_525 = tpu.memref_slice %arg9[%dma_start3A_521, %dma_start3A_523, %dma_start3A_524] : memref<4x128x64xf32, #tpu.memory_space<vmem>> -> memref<1x128x64xf32, #tpu.memory_space<vmem>>
      %dma_start3A_526 = tpu.memref_squeeze %dma_start3A_525 : memref<1x128x64xf32, #tpu.memory_space<vmem>> -> memref<128x64xf32, #tpu.memory_space<vmem>>
      %dma_start3A_527 = arith.constant 0 : i32
      %dma_start3A_528 = tpu.memref_slice %arg7[%dma_start3A_522, %dma_start3A_527] : memref<8x128xi32, #tpu.memory_space<vmem>> -> memref<1x128xi32, #tpu.memory_space<vmem>>
      %dma_start3A_529 = tpu.memref_squeeze %dma_start3A_528 : memref<1x128xi32, #tpu.memory_space<vmem>> -> memref<128xi32, #tpu.memory_space<vmem>>
      %dma_start3A_530 = arith.constant 0 : i32
      %dma_start3A_531 = arith.constant 0 : i32
      %dma_start3A_532 = tpu.memref_slice %arg6[%dma_start3A_530, %dma_start3A_531] : memref<10240x64xf32, #tpu.memory_space<vmem_shared>> -> memref<10240x64xf32, #tpu.memory_space<vmem_shared>>
      tpu.enqueue_indirect_dma source(%dma_start3A_526 : memref<128x64xf32, #tpu.memory_space<vmem>>) target(%dma_start3A_532 : memref<10240x64xf32, #tpu.memory_space<vmem_shared>>) offsets(%dma_start3A_529 : memref<128xi32, #tpu.memory_space<vmem>>) semaphore(%arg17 : memref<!tpu.dma_semaphore, #tpu.memory_space<semaphore_mem>>) {add = true}
      %dma_wait3A_533 = arith.constant 0 : i32
      %dma_wait3A_534 = tpu.memref_slice %arg3[%mul3A_432, %dma_wait3A_533] : memref<5120x128xi32, #tpu.memory_space<hbm>> -> memref<8x128xi32, #tpu.memory_space<hbm>>
      %dma_wait3A_535 = arith.constant 0 : i32
      %dma_wait3A_536 = tpu.memref_slice %arg3[%mul3A_432, %dma_wait3A_535] : memref<5120x128xi32, #tpu.memory_space<hbm>> -> memref<8x128xi32, #tpu.memory_space<hbm>>
      tpu.wait_dma2 semaphore(%arg18 : memref<!tpu.dma_semaphore, #tpu.memory_space<semaphore_mem>>) src(%dma_wait3A_536 : memref<8x128xi32, #tpu.memory_space<hbm>>) dst(%arg8 : memref<8x128xi32, #tpu.memory_space<vmem>>)
      %dma_wait3A_537 = arith.constant 0 : i32
      %dma_wait3A_538 = arith.constant 4 : i32
      %dma_wait3A_539 = arith.constant 0 : i32
      %dma_wait3A_540 = arith.constant 0 : i32
      %dma_wait3A_541 = tpu.memref_slice %arg9[%dma_wait3A_537, %dma_wait3A_539, %dma_wait3A_540] : memref<4x128x64xf32, #tpu.memory_space<vmem>> -> memref<1x128x64xf32, #tpu.memory_space<vmem>>
      %dma_wait3A_542 = tpu.memref_squeeze %dma_wait3A_541 : memref<1x128x64xf32, #tpu.memory_space<vmem>> -> memref<128x64xf32, #tpu.memory_space<vmem>>
      %dma_wait3A_543 = arith.constant 0 : i32
      %dma_wait3A_544 = tpu.memref_slice %arg7[%dma_wait3A_538, %dma_wait3A_543] : memref<8x128xi32, #tpu.memory_space<vmem>> -> memref<1x128xi32, #tpu.memory_space<vmem>>
      %dma_wait3A_545 = tpu.memref_squeeze %dma_wait3A_544 : memref<1x128xi32, #tpu.memory_space<vmem>> -> memref<128xi32, #tpu.memory_space<vmem>>
      %dma_wait3A_546 = arith.constant 0 : i32
      %dma_wait3A_547 = arith.constant 0 : i32
      %dma_wait3A_548 = tpu.memref_slice %arg6[%dma_wait3A_546, %dma_wait3A_547] : memref<10240x64xf32, #tpu.memory_space<vmem_shared>> -> memref<10240x64xf32, #tpu.memory_space<vmem_shared>>
      tpu.wait_indirect_dma semaphore(%arg14 : memref<!tpu.dma_semaphore, #tpu.memory_space<semaphore_mem>>) src(%dma_wait3A_542 : memref<128x64xf32, #tpu.memory_space<vmem>>) dst(%dma_wait3A_548 : memref<10240x64xf32, #tpu.memory_space<vmem_shared>>)
      %dma_start3A_549 = arith.constant 0 : i32
      %dma_start3A_550 = arith.constant 0 : i32
      %dma_start3A_551 = arith.constant 0 : i32
      %dma_start3A_552 = arith.constant 0 : i32
      %dma_start3A_553 = tpu.memref_slice %arg9[%dma_start3A_550, %dma_start3A_551, %dma_start3A_552] : memref<4x128x64xf32, #tpu.memory_space<vmem>> -> memref<1x128x64xf32, #tpu.memory_space<vmem>>
      %dma_start3A_554 = tpu.memref_squeeze %dma_start3A_553 : memref<1x128x64xf32, #tpu.memory_space<vmem>> -> memref<128x64xf32, #tpu.memory_space<vmem>>
      %dma_start3A_555 = arith.constant 0 : i32
      %dma_start3A_556 = tpu.memref_slice %arg8[%dma_start3A_549, %dma_start3A_555] : memref<8x128xi32, #tpu.memory_space<vmem>> -> memref<1x128xi32, #tpu.memory_space<vmem>>
      %dma_start3A_557 = tpu.memref_squeeze %dma_start3A_556 : memref<1x128xi32, #tpu.memory_space<vmem>> -> memref<128xi32, #tpu.memory_space<vmem>>
      %dma_start3A_558 = arith.constant 0 : i32
      %dma_start3A_559 = arith.constant 0 : i32
      %dma_start3A_560 = tpu.memref_slice %arg5[%dma_start3A_558, %dma_start3A_559] : memref<10240x64xf32, #tpu.memory_space<vmem_shared>> -> memref<10240x64xf32, #tpu.memory_space<vmem_shared>>
      tpu.enqueue_indirect_dma source(%dma_start3A_560 : memref<10240x64xf32, #tpu.memory_space<vmem_shared>>) target(%dma_start3A_554 : memref<128x64xf32, #tpu.memory_space<vmem>>) offsets(%dma_start3A_557 : memref<128xi32, #tpu.memory_space<vmem>>) semaphore(%arg10 : memref<!tpu.dma_semaphore, #tpu.memory_space<semaphore_mem>>)
      %dma_wait3A_561 = arith.constant 1 : i32
      %dma_wait3A_562 = arith.constant 5 : i32
      %dma_wait3A_563 = arith.constant 0 : i32
      %dma_wait3A_564 = arith.constant 0 : i32
      %dma_wait3A_565 = tpu.memref_slice %arg9[%dma_wait3A_561, %dma_wait3A_563, %dma_wait3A_564] : memref<4x128x64xf32, #tpu.memory_space<vmem>> -> memref<1x128x64xf32, #tpu.memory_space<vmem>>
      %dma_wait3A_566 = tpu.memref_squeeze %dma_wait3A_565 : memref<1x128x64xf32, #tpu.memory_space<vmem>> -> memref<128x64xf32, #tpu.memory_space<vmem>>
      %dma_wait3A_567 = arith.constant 0 : i32
      %dma_wait3A_568 = tpu.memref_slice %arg7[%dma_wait3A_562, %dma_wait3A_567] : memref<8x128xi32, #tpu.memory_space<vmem>> -> memref<1x128xi32, #tpu.memory_space<vmem>>
      %dma_wait3A_569 = tpu.memref_squeeze %dma_wait3A_568 : memref<1x128xi32, #tpu.memory_space<vmem>> -> memref<128xi32, #tpu.memory_space<vmem>>
      %dma_wait3A_570 = arith.constant 0 : i32
      %dma_wait3A_571 = arith.constant 0 : i32
      %dma_wait3A_572 = tpu.memref_slice %arg6[%dma_wait3A_570, %dma_wait3A_571] : memref<10240x64xf32, #tpu.memory_space<vmem_shared>> -> memref<10240x64xf32, #tpu.memory_space<vmem_shared>>
      tpu.wait_indirect_dma semaphore(%arg15 : memref<!tpu.dma_semaphore, #tpu.memory_space<semaphore_mem>>) src(%dma_wait3A_566 : memref<128x64xf32, #tpu.memory_space<vmem>>) dst(%dma_wait3A_572 : memref<10240x64xf32, #tpu.memory_space<vmem_shared>>)
      %dma_start3A_573 = arith.constant 1 : i32
      %dma_start3A_574 = arith.constant 1 : i32
      %dma_start3A_575 = arith.constant 0 : i32
      %dma_start3A_576 = arith.constant 0 : i32
      %dma_start3A_577 = tpu.memref_slice %arg9[%dma_start3A_574, %dma_start3A_575, %dma_start3A_576] : memref<4x128x64xf32, #tpu.memory_space<vmem>> -> memref<1x128x64xf32, #tpu.memory_space<vmem>>
      %dma_start3A_578 = tpu.memref_squeeze %dma_start3A_577 : memref<1x128x64xf32, #tpu.memory_space<vmem>> -> memref<128x64xf32, #tpu.memory_space<vmem>>
      %dma_start3A_579 = arith.constant 0 : i32
      %dma_start3A_580 = tpu.memref_slice %arg8[%dma_start3A_573, %dma_start3A_579] : memref<8x128xi32, #tpu.memory_space<vmem>> -> memref<1x128xi32, #tpu.memory_space<vmem>>
      %dma_start3A_581 = tpu.memref_squeeze %dma_start3A_580 : memref<1x128xi32, #tpu.memory_space<vmem>> -> memref<128xi32, #tpu.memory_space<vmem>>
      %dma_start3A_582 = arith.constant 0 : i32
      %dma_start3A_583 = arith.constant 0 : i32
      %dma_start3A_584 = tpu.memref_slice %arg5[%dma_start3A_582, %dma_start3A_583] : memref<10240x64xf32, #tpu.memory_space<vmem_shared>> -> memref<10240x64xf32, #tpu.memory_space<vmem_shared>>
      tpu.enqueue_indirect_dma source(%dma_start3A_584 : memref<10240x64xf32, #tpu.memory_space<vmem_shared>>) target(%dma_start3A_578 : memref<128x64xf32, #tpu.memory_space<vmem>>) offsets(%dma_start3A_581 : memref<128xi32, #tpu.memory_space<vmem>>) semaphore(%arg11 : memref<!tpu.dma_semaphore, #tpu.memory_space<semaphore_mem>>)
      %dma_wait3A_585 = arith.constant 2 : i32
      %dma_wait3A_586 = arith.constant 6 : i32
      %dma_wait3A_587 = arith.constant 0 : i32
      %dma_wait3A_588 = arith.constant 0 : i32
      %dma_wait3A_589 = tpu.memref_slice %arg9[%dma_wait3A_585, %dma_wait3A_587, %dma_wait3A_588] : memref<4x128x64xf32, #tpu.memory_space<vmem>> -> memref<1x128x64xf32, #tpu.memory_space<vmem>>
      %dma_wait3A_590 = tpu.memref_squeeze %dma_wait3A_589 : memref<1x128x64xf32, #tpu.memory_space<vmem>> -> memref<128x64xf32, #tpu.memory_space<vmem>>
      %dma_wait3A_591 = arith.constant 0 : i32
      %dma_wait3A_592 = tpu.memref_slice %arg7[%dma_wait3A_586, %dma_wait3A_591] : memref<8x128xi32, #tpu.memory_space<vmem>> -> memref<1x128xi32, #tpu.memory_space<vmem>>
      %dma_wait3A_593 = tpu.memref_squeeze %dma_wait3A_592 : memref<1x128xi32, #tpu.memory_space<vmem>> -> memref<128xi32, #tpu.memory_space<vmem>>
      %dma_wait3A_594 = arith.constant 0 : i32
      %dma_wait3A_595 = arith.constant 0 : i32
      %dma_wait3A_596 = tpu.memref_slice %arg6[%dma_wait3A_594, %dma_wait3A_595] : memref<10240x64xf32, #tpu.memory_space<vmem_shared>> -> memref<10240x64xf32, #tpu.memory_space<vmem_shared>>
      tpu.wait_indirect_dma semaphore(%arg16 : memref<!tpu.dma_semaphore, #tpu.memory_space<semaphore_mem>>) src(%dma_wait3A_590 : memref<128x64xf32, #tpu.memory_space<vmem>>) dst(%dma_wait3A_596 : memref<10240x64xf32, #tpu.memory_space<vmem_shared>>)
      %dma_start3A_597 = arith.constant 2 : i32
      %dma_start3A_598 = arith.constant 2 : i32
      %dma_start3A_599 = arith.constant 0 : i32
      %dma_start3A_600 = arith.constant 0 : i32
      %dma_start3A_601 = tpu.memref_slice %arg9[%dma_start3A_598, %dma_start3A_599, %dma_start3A_600] : memref<4x128x64xf32, #tpu.memory_space<vmem>> -> memref<1x128x64xf32, #tpu.memory_space<vmem>>
      %dma_start3A_602 = tpu.memref_squeeze %dma_start3A_601 : memref<1x128x64xf32, #tpu.memory_space<vmem>> -> memref<128x64xf32, #tpu.memory_space<vmem>>
      %dma_start3A_603 = arith.constant 0 : i32
      %dma_start3A_604 = tpu.memref_slice %arg8[%dma_start3A_597, %dma_start3A_603] : memref<8x128xi32, #tpu.memory_space<vmem>> -> memref<1x128xi32, #tpu.memory_space<vmem>>
      %dma_start3A_605 = tpu.memref_squeeze %dma_start3A_604 : memref<1x128xi32, #tpu.memory_space<vmem>> -> memref<128xi32, #tpu.memory_space<vmem>>
      %dma_start3A_606 = arith.constant 0 : i32
      %dma_start3A_607 = arith.constant 0 : i32
      %dma_start3A_608 = tpu.memref_slice %arg5[%dma_start3A_606, %dma_start3A_607] : memref<10240x64xf32, #tpu.memory_space<vmem_shared>> -> memref<10240x64xf32, #tpu.memory_space<vmem_shared>>
      tpu.enqueue_indirect_dma source(%dma_start3A_608 : memref<10240x64xf32, #tpu.memory_space<vmem_shared>>) target(%dma_start3A_602 : memref<128x64xf32, #tpu.memory_space<vmem>>) offsets(%dma_start3A_605 : memref<128xi32, #tpu.memory_space<vmem>>) semaphore(%arg12 : memref<!tpu.dma_semaphore, #tpu.memory_space<semaphore_mem>>)
      %dma_wait3A_609 = arith.constant 3 : i32
      %dma_wait3A_610 = arith.constant 7 : i32
      %dma_wait3A_611 = arith.constant 0 : i32
      %dma_wait3A_612 = arith.constant 0 : i32
      %dma_wait3A_613 = tpu.memref_slice %arg9[%dma_wait3A_609, %dma_wait3A_611, %dma_wait3A_612] : memref<4x128x64xf32, #tpu.memory_space<vmem>> -> memref<1x128x64xf32, #tpu.memory_space<vmem>>
      %dma_wait3A_614 = tpu.memref_squeeze %dma_wait3A_613 : memref<1x128x64xf32, #tpu.memory_space<vmem>> -> memref<128x64xf32, #tpu.memory_space<vmem>>
      %dma_wait3A_615 = arith.constant 0 : i32
      %dma_wait3A_616 = tpu.memref_slice %arg7[%dma_wait3A_610, %dma_wait3A_615] : memref<8x128xi32, #tpu.memory_space<vmem>> -> memref<1x128xi32, #tpu.memory_space<vmem>>
      %dma_wait3A_617 = tpu.memref_squeeze %dma_wait3A_616 : memref<1x128xi32, #tpu.memory_space<vmem>> -> memref<128xi32, #tpu.memory_space<vmem>>
      %dma_wait3A_618 = arith.constant 0 : i32
      %dma_wait3A_619 = arith.constant 0 : i32
      %dma_wait3A_620 = tpu.memref_slice %arg6[%dma_wait3A_618, %dma_wait3A_619] : memref<10240x64xf32, #tpu.memory_space<vmem_shared>> -> memref<10240x64xf32, #tpu.memory_space<vmem_shared>>
      tpu.wait_indirect_dma semaphore(%arg17 : memref<!tpu.dma_semaphore, #tpu.memory_space<semaphore_mem>>) src(%dma_wait3A_614 : memref<128x64xf32, #tpu.memory_space<vmem>>) dst(%dma_wait3A_620 : memref<10240x64xf32, #tpu.memory_space<vmem_shared>>)
      %dma_start3A_621 = arith.constant 3 : i32
      %dma_start3A_622 = arith.constant 3 : i32
      %dma_start3A_623 = arith.constant 0 : i32
      %dma_start3A_624 = arith.constant 0 : i32
      %dma_start3A_625 = tpu.memref_slice %arg9[%dma_start3A_622, %dma_start3A_623, %dma_start3A_624] : memref<4x128x64xf32, #tpu.memory_space<vmem>> -> memref<1x128x64xf32, #tpu.memory_space<vmem>>
      %dma_start3A_626 = tpu.memref_squeeze %dma_start3A_625 : memref<1x128x64xf32, #tpu.memory_space<vmem>> -> memref<128x64xf32, #tpu.memory_space<vmem>>
      %dma_start3A_627 = arith.constant 0 : i32
      %dma_start3A_628 = tpu.memref_slice %arg8[%dma_start3A_621, %dma_start3A_627] : memref<8x128xi32, #tpu.memory_space<vmem>> -> memref<1x128xi32, #tpu.memory_space<vmem>>
      %dma_start3A_629 = tpu.memref_squeeze %dma_start3A_628 : memref<1x128xi32, #tpu.memory_space<vmem>> -> memref<128xi32, #tpu.memory_space<vmem>>
      %dma_start3A_630 = arith.constant 0 : i32
      %dma_start3A_631 = arith.constant 0 : i32
      %dma_start3A_632 = tpu.memref_slice %arg5[%dma_start3A_630, %dma_start3A_631] : memref<10240x64xf32, #tpu.memory_space<vmem_shared>> -> memref<10240x64xf32, #tpu.memory_space<vmem_shared>>
      tpu.enqueue_indirect_dma source(%dma_start3A_632 : memref<10240x64xf32, #tpu.memory_space<vmem_shared>>) target(%dma_start3A_626 : memref<128x64xf32, #tpu.memory_space<vmem>>) offsets(%dma_start3A_629 : memref<128xi32, #tpu.memory_space<vmem>>) semaphore(%arg13 : memref<!tpu.dma_semaphore, #tpu.memory_space<semaphore_mem>>)
      %mul3A_633 = arith.constant 2 : i32
      %mul3A_634 = arith.muli %mul3A_633, %scan3A_425 : i32
      %add3A_635 = arith.constant 1 : i32
      %add3A_636 = arith.addi %mul3A_634, %add3A_635 : i32
      %add3A_637 = arith.addi %mul3A_13, %add3A_636 : i32
      %add3A_638 = arith.constant 1 : i32
      %add3A_639 = arith.addi %add3A_637, %add3A_638 : i32
      %mul3A_640 = arith.constant 8 : i32
      %mul3A_641 = arith.muli %add3A_639, %mul3A_640 : i32
      %dma_start3A_642 = arith.constant 0 : i32
      %dma_start3A_643 = tpu.memref_slice %arg3[%mul3A_641, %dma_start3A_642] : memref<5120x128xi32, #tpu.memory_space<hbm>> -> memref<8x128xi32, #tpu.memory_space<hbm>>
      %dma_start3A_644 = arith.constant 0 : i32
      %dma_start3A_645 = tpu.memref_slice %arg3[%mul3A_641, %dma_start3A_644] : memref<5120x128xi32, #tpu.memory_space<hbm>> -> memref<8x128xi32, #tpu.memory_space<hbm>>
      tpu.enqueue_dma source(%dma_start3A_645 : memref<8x128xi32, #tpu.memory_space<hbm>>) target(%arg7 : memref<8x128xi32, #tpu.memory_space<vmem>>) target_semaphore(%arg18 : memref<!tpu.dma_semaphore, #tpu.memory_space<semaphore_mem>>)
      %dma_wait3A_646 = arith.constant 0 : i32
      %dma_wait3A_647 = arith.constant 0 : i32
      %dma_wait3A_648 = arith.constant 0 : i32
      %dma_wait3A_649 = arith.constant 0 : i32
      %dma_wait3A_650 = tpu.memref_slice %arg9[%dma_wait3A_647, %dma_wait3A_648, %dma_wait3A_649] : memref<4x128x64xf32, #tpu.memory_space<vmem>> -> memref<1x128x64xf32, #tpu.memory_space<vmem>>
      %dma_wait3A_651 = tpu.memref_squeeze %dma_wait3A_650 : memref<1x128x64xf32, #tpu.memory_space<vmem>> -> memref<128x64xf32, #tpu.memory_space<vmem>>
      %dma_wait3A_652 = arith.constant 0 : i32
      %dma_wait3A_653 = tpu.memref_slice %arg8[%dma_wait3A_646, %dma_wait3A_652] : memref<8x128xi32, #tpu.memory_space<vmem>> -> memref<1x128xi32, #tpu.memory_space<vmem>>
      %dma_wait3A_654 = tpu.memref_squeeze %dma_wait3A_653 : memref<1x128xi32, #tpu.memory_space<vmem>> -> memref<128xi32, #tpu.memory_space<vmem>>
      %dma_wait3A_655 = arith.constant 0 : i32
      %dma_wait3A_656 = arith.constant 0 : i32
      %dma_wait3A_657 = tpu.memref_slice %arg5[%dma_wait3A_655, %dma_wait3A_656] : memref<10240x64xf32, #tpu.memory_space<vmem_shared>> -> memref<10240x64xf32, #tpu.memory_space<vmem_shared>>
      tpu.wait_indirect_dma semaphore(%arg10 : memref<!tpu.dma_semaphore, #tpu.memory_space<semaphore_mem>>) src(%dma_wait3A_657 : memref<10240x64xf32, #tpu.memory_space<vmem_shared>>) dst(%dma_wait3A_651 : memref<128x64xf32, #tpu.memory_space<vmem>>)
      %dma_start3A_658 = arith.constant 0 : i32
      %dma_start3A_659 = arith.constant 4 : i32
      %dma_start3A_660 = arith.constant 0 : i32
      %dma_start3A_661 = arith.constant 0 : i32
      %dma_start3A_662 = tpu.memref_slice %arg9[%dma_start3A_658, %dma_start3A_660, %dma_start3A_661] : memref<4x128x64xf32, #tpu.memory_space<vmem>> -> memref<1x128x64xf32, #tpu.memory_space<vmem>>
      %dma_start3A_663 = tpu.memref_squeeze %dma_start3A_662 : memref<1x128x64xf32, #tpu.memory_space<vmem>> -> memref<128x64xf32, #tpu.memory_space<vmem>>
      %dma_start3A_664 = arith.constant 0 : i32
      %dma_start3A_665 = tpu.memref_slice %arg8[%dma_start3A_659, %dma_start3A_664] : memref<8x128xi32, #tpu.memory_space<vmem>> -> memref<1x128xi32, #tpu.memory_space<vmem>>
      %dma_start3A_666 = tpu.memref_squeeze %dma_start3A_665 : memref<1x128xi32, #tpu.memory_space<vmem>> -> memref<128xi32, #tpu.memory_space<vmem>>
      %dma_start3A_667 = arith.constant 0 : i32
      %dma_start3A_668 = arith.constant 0 : i32
      %dma_start3A_669 = tpu.memref_slice %arg6[%dma_start3A_667, %dma_start3A_668] : memref<10240x64xf32, #tpu.memory_space<vmem_shared>> -> memref<10240x64xf32, #tpu.memory_space<vmem_shared>>
      tpu.enqueue_indirect_dma source(%dma_start3A_663 : memref<128x64xf32, #tpu.memory_space<vmem>>) target(%dma_start3A_669 : memref<10240x64xf32, #tpu.memory_space<vmem_shared>>) offsets(%dma_start3A_666 : memref<128xi32, #tpu.memory_space<vmem>>) semaphore(%arg14 : memref<!tpu.dma_semaphore, #tpu.memory_space<semaphore_mem>>) {add = true}
      %dma_wait3A_670 = arith.constant 1 : i32
      %dma_wait3A_671 = arith.constant 1 : i32
      %dma_wait3A_672 = arith.constant 0 : i32
      %dma_wait3A_673 = arith.constant 0 : i32
      %dma_wait3A_674 = tpu.memref_slice %arg9[%dma_wait3A_671, %dma_wait3A_672, %dma_wait3A_673] : memref<4x128x64xf32, #tpu.memory_space<vmem>> -> memref<1x128x64xf32, #tpu.memory_space<vmem>>
      %dma_wait3A_675 = tpu.memref_squeeze %dma_wait3A_674 : memref<1x128x64xf32, #tpu.memory_space<vmem>> -> memref<128x64xf32, #tpu.memory_space<vmem>>
      %dma_wait3A_676 = arith.constant 0 : i32
      %dma_wait3A_677 = tpu.memref_slice %arg8[%dma_wait3A_670, %dma_wait3A_676] : memref<8x128xi32, #tpu.memory_space<vmem>> -> memref<1x128xi32, #tpu.memory_space<vmem>>
      %dma_wait3A_678 = tpu.memref_squeeze %dma_wait3A_677 : memref<1x128xi32, #tpu.memory_space<vmem>> -> memref<128xi32, #tpu.memory_space<vmem>>
      %dma_wait3A_679 = arith.constant 0 : i32
      %dma_wait3A_680 = arith.constant 0 : i32
      %dma_wait3A_681 = tpu.memref_slice %arg5[%dma_wait3A_679, %dma_wait3A_680] : memref<10240x64xf32, #tpu.memory_space<vmem_shared>> -> memref<10240x64xf32, #tpu.memory_space<vmem_shared>>
      tpu.wait_indirect_dma semaphore(%arg11 : memref<!tpu.dma_semaphore, #tpu.memory_space<semaphore_mem>>) src(%dma_wait3A_681 : memref<10240x64xf32, #tpu.memory_space<vmem_shared>>) dst(%dma_wait3A_675 : memref<128x64xf32, #tpu.memory_space<vmem>>)
      %dma_start3A_682 = arith.constant 1 : i32
      %dma_start3A_683 = arith.constant 5 : i32
      %dma_start3A_684 = arith.constant 0 : i32
      %dma_start3A_685 = arith.constant 0 : i32
      %dma_start3A_686 = tpu.memref_slice %arg9[%dma_start3A_682, %dma_start3A_684, %dma_start3A_685] : memref<4x128x64xf32, #tpu.memory_space<vmem>> -> memref<1x128x64xf32, #tpu.memory_space<vmem>>
      %dma_start3A_687 = tpu.memref_squeeze %dma_start3A_686 : memref<1x128x64xf32, #tpu.memory_space<vmem>> -> memref<128x64xf32, #tpu.memory_space<vmem>>
      %dma_start3A_688 = arith.constant 0 : i32
      %dma_start3A_689 = tpu.memref_slice %arg8[%dma_start3A_683, %dma_start3A_688] : memref<8x128xi32, #tpu.memory_space<vmem>> -> memref<1x128xi32, #tpu.memory_space<vmem>>
      %dma_start3A_690 = tpu.memref_squeeze %dma_start3A_689 : memref<1x128xi32, #tpu.memory_space<vmem>> -> memref<128xi32, #tpu.memory_space<vmem>>
      %dma_start3A_691 = arith.constant 0 : i32
      %dma_start3A_692 = arith.constant 0 : i32
      %dma_start3A_693 = tpu.memref_slice %arg6[%dma_start3A_691, %dma_start3A_692] : memref<10240x64xf32, #tpu.memory_space<vmem_shared>> -> memref<10240x64xf32, #tpu.memory_space<vmem_shared>>
      tpu.enqueue_indirect_dma source(%dma_start3A_687 : memref<128x64xf32, #tpu.memory_space<vmem>>) target(%dma_start3A_693 : memref<10240x64xf32, #tpu.memory_space<vmem_shared>>) offsets(%dma_start3A_690 : memref<128xi32, #tpu.memory_space<vmem>>) semaphore(%arg15 : memref<!tpu.dma_semaphore, #tpu.memory_space<semaphore_mem>>) {add = true}
      %dma_wait3A_694 = arith.constant 2 : i32
      %dma_wait3A_695 = arith.constant 2 : i32
      %dma_wait3A_696 = arith.constant 0 : i32
      %dma_wait3A_697 = arith.constant 0 : i32
      %dma_wait3A_698 = tpu.memref_slice %arg9[%dma_wait3A_695, %dma_wait3A_696, %dma_wait3A_697] : memref<4x128x64xf32, #tpu.memory_space<vmem>> -> memref<1x128x64xf32, #tpu.memory_space<vmem>>
      %dma_wait3A_699 = tpu.memref_squeeze %dma_wait3A_698 : memref<1x128x64xf32, #tpu.memory_space<vmem>> -> memref<128x64xf32, #tpu.memory_space<vmem>>
      %dma_wait3A_700 = arith.constant 0 : i32
      %dma_wait3A_701 = tpu.memref_slice %arg8[%dma_wait3A_694, %dma_wait3A_700] : memref<8x128xi32, #tpu.memory_space<vmem>> -> memref<1x128xi32, #tpu.memory_space<vmem>>
      %dma_wait3A_702 = tpu.memref_squeeze %dma_wait3A_701 : memref<1x128xi32, #tpu.memory_space<vmem>> -> memref<128xi32, #tpu.memory_space<vmem>>
      %dma_wait3A_703 = arith.constant 0 : i32
      %dma_wait3A_704 = arith.constant 0 : i32
      %dma_wait3A_705 = tpu.memref_slice %arg5[%dma_wait3A_703, %dma_wait3A_704] : memref<10240x64xf32, #tpu.memory_space<vmem_shared>> -> memref<10240x64xf32, #tpu.memory_space<vmem_shared>>
      tpu.wait_indirect_dma semaphore(%arg12 : memref<!tpu.dma_semaphore, #tpu.memory_space<semaphore_mem>>) src(%dma_wait3A_705 : memref<10240x64xf32, #tpu.memory_space<vmem_shared>>) dst(%dma_wait3A_699 : memref<128x64xf32, #tpu.memory_space<vmem>>)
      %dma_start3A_706 = arith.constant 2 : i32
      %dma_start3A_707 = arith.constant 6 : i32
      %dma_start3A_708 = arith.constant 0 : i32
      %dma_start3A_709 = arith.constant 0 : i32
      %dma_start3A_710 = tpu.memref_slice %arg9[%dma_start3A_706, %dma_start3A_708, %dma_start3A_709] : memref<4x128x64xf32, #tpu.memory_space<vmem>> -> memref<1x128x64xf32, #tpu.memory_space<vmem>>
      %dma_start3A_711 = tpu.memref_squeeze %dma_start3A_710 : memref<1x128x64xf32, #tpu.memory_space<vmem>> -> memref<128x64xf32, #tpu.memory_space<vmem>>
      %dma_start3A_712 = arith.constant 0 : i32
      %dma_start3A_713 = tpu.memref_slice %arg8[%dma_start3A_707, %dma_start3A_712] : memref<8x128xi32, #tpu.memory_space<vmem>> -> memref<1x128xi32, #tpu.memory_space<vmem>>
      %dma_start3A_714 = tpu.memref_squeeze %dma_start3A_713 : memref<1x128xi32, #tpu.memory_space<vmem>> -> memref<128xi32, #tpu.memory_space<vmem>>
      %dma_start3A_715 = arith.constant 0 : i32
      %dma_start3A_716 = arith.constant 0 : i32
      %dma_start3A_717 = tpu.memref_slice %arg6[%dma_start3A_715, %dma_start3A_716] : memref<10240x64xf32, #tpu.memory_space<vmem_shared>> -> memref<10240x64xf32, #tpu.memory_space<vmem_shared>>
      tpu.enqueue_indirect_dma source(%dma_start3A_711 : memref<128x64xf32, #tpu.memory_space<vmem>>) target(%dma_start3A_717 : memref<10240x64xf32, #tpu.memory_space<vmem_shared>>) offsets(%dma_start3A_714 : memref<128xi32, #tpu.memory_space<vmem>>) semaphore(%arg16 : memref<!tpu.dma_semaphore, #tpu.memory_space<semaphore_mem>>) {add = true}
      %dma_wait3A_718 = arith.constant 3 : i32
      %dma_wait3A_719 = arith.constant 3 : i32
      %dma_wait3A_720 = arith.constant 0 : i32
      %dma_wait3A_721 = arith.constant 0 : i32
      %dma_wait3A_722 = tpu.memref_slice %arg9[%dma_wait3A_719, %dma_wait3A_720, %dma_wait3A_721] : memref<4x128x64xf32, #tpu.memory_space<vmem>> -> memref<1x128x64xf32, #tpu.memory_space<vmem>>
      %dma_wait3A_723 = tpu.memref_squeeze %dma_wait3A_722 : memref<1x128x64xf32, #tpu.memory_space<vmem>> -> memref<128x64xf32, #tpu.memory_space<vmem>>
      %dma_wait3A_724 = arith.constant 0 : i32
      %dma_wait3A_725 = tpu.memref_slice %arg8[%dma_wait3A_718, %dma_wait3A_724] : memref<8x128xi32, #tpu.memory_space<vmem>> -> memref<1x128xi32, #tpu.memory_space<vmem>>
      %dma_wait3A_726 = tpu.memref_squeeze %dma_wait3A_725 : memref<1x128xi32, #tpu.memory_space<vmem>> -> memref<128xi32, #tpu.memory_space<vmem>>
      %dma_wait3A_727 = arith.constant 0 : i32
      %dma_wait3A_728 = arith.constant 0 : i32
      %dma_wait3A_729 = tpu.memref_slice %arg5[%dma_wait3A_727, %dma_wait3A_728] : memref<10240x64xf32, #tpu.memory_space<vmem_shared>> -> memref<10240x64xf32, #tpu.memory_space<vmem_shared>>
      tpu.wait_indirect_dma semaphore(%arg13 : memref<!tpu.dma_semaphore, #tpu.memory_space<semaphore_mem>>) src(%dma_wait3A_729 : memref<10240x64xf32, #tpu.memory_space<vmem_shared>>) dst(%dma_wait3A_723 : memref<128x64xf32, #tpu.memory_space<vmem>>)
      %dma_start3A_730 = arith.constant 3 : i32
      %dma_start3A_731 = arith.constant 7 : i32
      %dma_start3A_732 = arith.constant 0 : i32
      %dma_start3A_733 = arith.constant 0 : i32
      %dma_start3A_734 = tpu.memref_slice %arg9[%dma_start3A_730, %dma_start3A_732, %dma_start3A_733] : memref<4x128x64xf32, #tpu.memory_space<vmem>> -> memref<1x128x64xf32, #tpu.memory_space<vmem>>
      %dma_start3A_735 = tpu.memref_squeeze %dma_start3A_734 : memref<1x128x64xf32, #tpu.memory_space<vmem>> -> memref<128x64xf32, #tpu.memory_space<vmem>>
      %dma_start3A_736 = arith.constant 0 : i32
      %dma_start3A_737 = tpu.memref_slice %arg8[%dma_start3A_731, %dma_start3A_736] : memref<8x128xi32, #tpu.memory_space<vmem>> -> memref<1x128xi32, #tpu.memory_space<vmem>>
      %dma_start3A_738 = tpu.memref_squeeze %dma_start3A_737 : memref<1x128xi32, #tpu.memory_space<vmem>> -> memref<128xi32, #tpu.memory_space<vmem>>
      %dma_start3A_739 = arith.constant 0 : i32
      %dma_start3A_740 = arith.constant 0 : i32
      %dma_start3A_741 = tpu.memref_slice %arg6[%dma_start3A_739, %dma_start3A_740] : memref<10240x64xf32, #tpu.memory_space<vmem_shared>> -> memref<10240x64xf32, #tpu.memory_space<vmem_shared>>
      tpu.enqueue_indirect_dma source(%dma_start3A_735 : memref<128x64xf32, #tpu.memory_space<vmem>>) target(%dma_start3A_741 : memref<10240x64xf32, #tpu.memory_space<vmem_shared>>) offsets(%dma_start3A_738 : memref<128xi32, #tpu.memory_space<vmem>>) semaphore(%arg17 : memref<!tpu.dma_semaphore, #tpu.memory_space<semaphore_mem>>) {add = true}
      %dma_wait3A_742 = arith.constant 0 : i32
      %dma_wait3A_743 = tpu.memref_slice %arg3[%mul3A_641, %dma_wait3A_742] : memref<5120x128xi32, #tpu.memory_space<hbm>> -> memref<8x128xi32, #tpu.memory_space<hbm>>
      %dma_wait3A_744 = arith.constant 0 : i32
      %dma_wait3A_745 = tpu.memref_slice %arg3[%mul3A_641, %dma_wait3A_744] : memref<5120x128xi32, #tpu.memory_space<hbm>> -> memref<8x128xi32, #tpu.memory_space<hbm>>
      tpu.wait_dma2 semaphore(%arg18 : memref<!tpu.dma_semaphore, #tpu.memory_space<semaphore_mem>>) src(%dma_wait3A_745 : memref<8x128xi32, #tpu.memory_space<hbm>>) dst(%arg7 : memref<8x128xi32, #tpu.memory_space<vmem>>)
      %dma_wait3A_746 = arith.constant 0 : i32
      %dma_wait3A_747 = arith.constant 4 : i32
      %dma_wait3A_748 = arith.constant 0 : i32
      %dma_wait3A_749 = arith.constant 0 : i32
      %dma_wait3A_750 = tpu.memref_slice %arg9[%dma_wait3A_746, %dma_wait3A_748, %dma_wait3A_749] : memref<4x128x64xf32, #tpu.memory_space<vmem>> -> memref<1x128x64xf32, #tpu.memory_space<vmem>>
      %dma_wait3A_751 = tpu.memref_squeeze %dma_wait3A_750 : memref<1x128x64xf32, #tpu.memory_space<vmem>> -> memref<128x64xf32, #tpu.memory_space<vmem>>
      %dma_wait3A_752 = arith.constant 0 : i32
      %dma_wait3A_753 = tpu.memref_slice %arg8[%dma_wait3A_747, %dma_wait3A_752] : memref<8x128xi32, #tpu.memory_space<vmem>> -> memref<1x128xi32, #tpu.memory_space<vmem>>
      %dma_wait3A_754 = tpu.memref_squeeze %dma_wait3A_753 : memref<1x128xi32, #tpu.memory_space<vmem>> -> memref<128xi32, #tpu.memory_space<vmem>>
      %dma_wait3A_755 = arith.constant 0 : i32
      %dma_wait3A_756 = arith.constant 0 : i32
      %dma_wait3A_757 = tpu.memref_slice %arg6[%dma_wait3A_755, %dma_wait3A_756] : memref<10240x64xf32, #tpu.memory_space<vmem_shared>> -> memref<10240x64xf32, #tpu.memory_space<vmem_shared>>
      tpu.wait_indirect_dma semaphore(%arg14 : memref<!tpu.dma_semaphore, #tpu.memory_space<semaphore_mem>>) src(%dma_wait3A_751 : memref<128x64xf32, #tpu.memory_space<vmem>>) dst(%dma_wait3A_757 : memref<10240x64xf32, #tpu.memory_space<vmem_shared>>)
      %dma_start3A_758 = arith.constant 0 : i32
      %dma_start3A_759 = arith.constant 0 : i32
      %dma_start3A_760 = arith.constant 0 : i32
      %dma_start3A_761 = arith.constant 0 : i32
      %dma_start3A_762 = tpu.memref_slice %arg9[%dma_start3A_759, %dma_start3A_760, %dma_start3A_761] : memref<4x128x64xf32, #tpu.memory_space<vmem>> -> memref<1x128x64xf32, #tpu.memory_space<vmem>>
      %dma_start3A_763 = tpu.memref_squeeze %dma_start3A_762 : memref<1x128x64xf32, #tpu.memory_space<vmem>> -> memref<128x64xf32, #tpu.memory_space<vmem>>
      %dma_start3A_764 = arith.constant 0 : i32
      %dma_start3A_765 = tpu.memref_slice %arg7[%dma_start3A_758, %dma_start3A_764] : memref<8x128xi32, #tpu.memory_space<vmem>> -> memref<1x128xi32, #tpu.memory_space<vmem>>
      %dma_start3A_766 = tpu.memref_squeeze %dma_start3A_765 : memref<1x128xi32, #tpu.memory_space<vmem>> -> memref<128xi32, #tpu.memory_space<vmem>>
      %dma_start3A_767 = arith.constant 0 : i32
      %dma_start3A_768 = arith.constant 0 : i32
      %dma_start3A_769 = tpu.memref_slice %arg5[%dma_start3A_767, %dma_start3A_768] : memref<10240x64xf32, #tpu.memory_space<vmem_shared>> -> memref<10240x64xf32, #tpu.memory_space<vmem_shared>>
      tpu.enqueue_indirect_dma source(%dma_start3A_769 : memref<10240x64xf32, #tpu.memory_space<vmem_shared>>) target(%dma_start3A_763 : memref<128x64xf32, #tpu.memory_space<vmem>>) offsets(%dma_start3A_766 : memref<128xi32, #tpu.memory_space<vmem>>) semaphore(%arg10 : memref<!tpu.dma_semaphore, #tpu.memory_space<semaphore_mem>>)
      %dma_wait3A_770 = arith.constant 1 : i32
      %dma_wait3A_771 = arith.constant 5 : i32
      %dma_wait3A_772 = arith.constant 0 : i32
      %dma_wait3A_773 = arith.constant 0 : i32
      %dma_wait3A_774 = tpu.memref_slice %arg9[%dma_wait3A_770, %dma_wait3A_772, %dma_wait3A_773] : memref<4x128x64xf32, #tpu.memory_space<vmem>> -> memref<1x128x64xf32, #tpu.memory_space<vmem>>
      %dma_wait3A_775 = tpu.memref_squeeze %dma_wait3A_774 : memref<1x128x64xf32, #tpu.memory_space<vmem>> -> memref<128x64xf32, #tpu.memory_space<vmem>>
      %dma_wait3A_776 = arith.constant 0 : i32
      %dma_wait3A_777 = tpu.memref_slice %arg8[%dma_wait3A_771, %dma_wait3A_776] : memref<8x128xi32, #tpu.memory_space<vmem>> -> memref<1x128xi32, #tpu.memory_space<vmem>>
      %dma_wait3A_778 = tpu.memref_squeeze %dma_wait3A_777 : memref<1x128xi32, #tpu.memory_space<vmem>> -> memref<128xi32, #tpu.memory_space<vmem>>
      %dma_wait3A_779 = arith.constant 0 : i32
      %dma_wait3A_780 = arith.constant 0 : i32
      %dma_wait3A_781 = tpu.memref_slice %arg6[%dma_wait3A_779, %dma_wait3A_780] : memref<10240x64xf32, #tpu.memory_space<vmem_shared>> -> memref<10240x64xf32, #tpu.memory_space<vmem_shared>>
      tpu.wait_indirect_dma semaphore(%arg15 : memref<!tpu.dma_semaphore, #tpu.memory_space<semaphore_mem>>) src(%dma_wait3A_775 : memref<128x64xf32, #tpu.memory_space<vmem>>) dst(%dma_wait3A_781 : memref<10240x64xf32, #tpu.memory_space<vmem_shared>>)
      %dma_start3A_782 = arith.constant 1 : i32
      %dma_start3A_783 = arith.constant 1 : i32
      %dma_start3A_784 = arith.constant 0 : i32
      %dma_start3A_785 = arith.constant 0 : i32
      %dma_start3A_786 = tpu.memref_slice %arg9[%dma_start3A_783, %dma_start3A_784, %dma_start3A_785] : memref<4x128x64xf32, #tpu.memory_space<vmem>> -> memref<1x128x64xf32, #tpu.memory_space<vmem>>
      %dma_start3A_787 = tpu.memref_squeeze %dma_start3A_786 : memref<1x128x64xf32, #tpu.memory_space<vmem>> -> memref<128x64xf32, #tpu.memory_space<vmem>>
      %dma_start3A_788 = arith.constant 0 : i32
      %dma_start3A_789 = tpu.memref_slice %arg7[%dma_start3A_782, %dma_start3A_788] : memref<8x128xi32, #tpu.memory_space<vmem>> -> memref<1x128xi32, #tpu.memory_space<vmem>>
      %dma_start3A_790 = tpu.memref_squeeze %dma_start3A_789 : memref<1x128xi32, #tpu.memory_space<vmem>> -> memref<128xi32, #tpu.memory_space<vmem>>
      %dma_start3A_791 = arith.constant 0 : i32
      %dma_start3A_792 = arith.constant 0 : i32
      %dma_start3A_793 = tpu.memref_slice %arg5[%dma_start3A_791, %dma_start3A_792] : memref<10240x64xf32, #tpu.memory_space<vmem_shared>> -> memref<10240x64xf32, #tpu.memory_space<vmem_shared>>
      tpu.enqueue_indirect_dma source(%dma_start3A_793 : memref<10240x64xf32, #tpu.memory_space<vmem_shared>>) target(%dma_start3A_787 : memref<128x64xf32, #tpu.memory_space<vmem>>) offsets(%dma_start3A_790 : memref<128xi32, #tpu.memory_space<vmem>>) semaphore(%arg11 : memref<!tpu.dma_semaphore, #tpu.memory_space<semaphore_mem>>)
      %dma_wait3A_794 = arith.constant 2 : i32
      %dma_wait3A_795 = arith.constant 6 : i32
      %dma_wait3A_796 = arith.constant 0 : i32
      %dma_wait3A_797 = arith.constant 0 : i32
      %dma_wait3A_798 = tpu.memref_slice %arg9[%dma_wait3A_794, %dma_wait3A_796, %dma_wait3A_797] : memref<4x128x64xf32, #tpu.memory_space<vmem>> -> memref<1x128x64xf32, #tpu.memory_space<vmem>>
      %dma_wait3A_799 = tpu.memref_squeeze %dma_wait3A_798 : memref<1x128x64xf32, #tpu.memory_space<vmem>> -> memref<128x64xf32, #tpu.memory_space<vmem>>
      %dma_wait3A_800 = arith.constant 0 : i32
      %dma_wait3A_801 = tpu.memref_slice %arg8[%dma_wait3A_795, %dma_wait3A_800] : memref<8x128xi32, #tpu.memory_space<vmem>> -> memref<1x128xi32, #tpu.memory_space<vmem>>
      %dma_wait3A_802 = tpu.memref_squeeze %dma_wait3A_801 : memref<1x128xi32, #tpu.memory_space<vmem>> -> memref<128xi32, #tpu.memory_space<vmem>>
      %dma_wait3A_803 = arith.constant 0 : i32
      %dma_wait3A_804 = arith.constant 0 : i32
      %dma_wait3A_805 = tpu.memref_slice %arg6[%dma_wait3A_803, %dma_wait3A_804] : memref<10240x64xf32, #tpu.memory_space<vmem_shared>> -> memref<10240x64xf32, #tpu.memory_space<vmem_shared>>
      tpu.wait_indirect_dma semaphore(%arg16 : memref<!tpu.dma_semaphore, #tpu.memory_space<semaphore_mem>>) src(%dma_wait3A_799 : memref<128x64xf32, #tpu.memory_space<vmem>>) dst(%dma_wait3A_805 : memref<10240x64xf32, #tpu.memory_space<vmem_shared>>)
      %dma_start3A_806 = arith.constant 2 : i32
      %dma_start3A_807 = arith.constant 2 : i32
      %dma_start3A_808 = arith.constant 0 : i32
      %dma_start3A_809 = arith.constant 0 : i32
      %dma_start3A_810 = tpu.memref_slice %arg9[%dma_start3A_807, %dma_start3A_808, %dma_start3A_809] : memref<4x128x64xf32, #tpu.memory_space<vmem>> -> memref<1x128x64xf32, #tpu.memory_space<vmem>>
      %dma_start3A_811 = tpu.memref_squeeze %dma_start3A_810 : memref<1x128x64xf32, #tpu.memory_space<vmem>> -> memref<128x64xf32, #tpu.memory_space<vmem>>
      %dma_start3A_812 = arith.constant 0 : i32
      %dma_start3A_813 = tpu.memref_slice %arg7[%dma_start3A_806, %dma_start3A_812] : memref<8x128xi32, #tpu.memory_space<vmem>> -> memref<1x128xi32, #tpu.memory_space<vmem>>
      %dma_start3A_814 = tpu.memref_squeeze %dma_start3A_813 : memref<1x128xi32, #tpu.memory_space<vmem>> -> memref<128xi32, #tpu.memory_space<vmem>>
      %dma_start3A_815 = arith.constant 0 : i32
      %dma_start3A_816 = arith.constant 0 : i32
      %dma_start3A_817 = tpu.memref_slice %arg5[%dma_start3A_815, %dma_start3A_816] : memref<10240x64xf32, #tpu.memory_space<vmem_shared>> -> memref<10240x64xf32, #tpu.memory_space<vmem_shared>>
      tpu.enqueue_indirect_dma source(%dma_start3A_817 : memref<10240x64xf32, #tpu.memory_space<vmem_shared>>) target(%dma_start3A_811 : memref<128x64xf32, #tpu.memory_space<vmem>>) offsets(%dma_start3A_814 : memref<128xi32, #tpu.memory_space<vmem>>) semaphore(%arg12 : memref<!tpu.dma_semaphore, #tpu.memory_space<semaphore_mem>>)
      %dma_wait3A_818 = arith.constant 3 : i32
      %dma_wait3A_819 = arith.constant 7 : i32
      %dma_wait3A_820 = arith.constant 0 : i32
      %dma_wait3A_821 = arith.constant 0 : i32
      %dma_wait3A_822 = tpu.memref_slice %arg9[%dma_wait3A_818, %dma_wait3A_820, %dma_wait3A_821] : memref<4x128x64xf32, #tpu.memory_space<vmem>> -> memref<1x128x64xf32, #tpu.memory_space<vmem>>
      %dma_wait3A_823 = tpu.memref_squeeze %dma_wait3A_822 : memref<1x128x64xf32, #tpu.memory_space<vmem>> -> memref<128x64xf32, #tpu.memory_space<vmem>>
      %dma_wait3A_824 = arith.constant 0 : i32
      %dma_wait3A_825 = tpu.memref_slice %arg8[%dma_wait3A_819, %dma_wait3A_824] : memref<8x128xi32, #tpu.memory_space<vmem>> -> memref<1x128xi32, #tpu.memory_space<vmem>>
      %dma_wait3A_826 = tpu.memref_squeeze %dma_wait3A_825 : memref<1x128xi32, #tpu.memory_space<vmem>> -> memref<128xi32, #tpu.memory_space<vmem>>
      %dma_wait3A_827 = arith.constant 0 : i32
      %dma_wait3A_828 = arith.constant 0 : i32
      %dma_wait3A_829 = tpu.memref_slice %arg6[%dma_wait3A_827, %dma_wait3A_828] : memref<10240x64xf32, #tpu.memory_space<vmem_shared>> -> memref<10240x64xf32, #tpu.memory_space<vmem_shared>>
      tpu.wait_indirect_dma semaphore(%arg17 : memref<!tpu.dma_semaphore, #tpu.memory_space<semaphore_mem>>) src(%dma_wait3A_823 : memref<128x64xf32, #tpu.memory_space<vmem>>) dst(%dma_wait3A_829 : memref<10240x64xf32, #tpu.memory_space<vmem_shared>>)
      %dma_start3A_830 = arith.constant 3 : i32
      %dma_start3A_831 = arith.constant 3 : i32
      %dma_start3A_832 = arith.constant 0 : i32
      %dma_start3A_833 = arith.constant 0 : i32
      %dma_start3A_834 = tpu.memref_slice %arg9[%dma_start3A_831, %dma_start3A_832, %dma_start3A_833] : memref<4x128x64xf32, #tpu.memory_space<vmem>> -> memref<1x128x64xf32, #tpu.memory_space<vmem>>
      %dma_start3A_835 = tpu.memref_squeeze %dma_start3A_834 : memref<1x128x64xf32, #tpu.memory_space<vmem>> -> memref<128x64xf32, #tpu.memory_space<vmem>>
      %dma_start3A_836 = arith.constant 0 : i32
      %dma_start3A_837 = tpu.memref_slice %arg7[%dma_start3A_830, %dma_start3A_836] : memref<8x128xi32, #tpu.memory_space<vmem>> -> memref<1x128xi32, #tpu.memory_space<vmem>>
      %dma_start3A_838 = tpu.memref_squeeze %dma_start3A_837 : memref<1x128xi32, #tpu.memory_space<vmem>> -> memref<128xi32, #tpu.memory_space<vmem>>
      %dma_start3A_839 = arith.constant 0 : i32
      %dma_start3A_840 = arith.constant 0 : i32
      %dma_start3A_841 = tpu.memref_slice %arg5[%dma_start3A_839, %dma_start3A_840] : memref<10240x64xf32, #tpu.memory_space<vmem_shared>> -> memref<10240x64xf32, #tpu.memory_space<vmem_shared>>
      tpu.enqueue_indirect_dma source(%dma_start3A_841 : memref<10240x64xf32, #tpu.memory_space<vmem_shared>>) target(%dma_start3A_835 : memref<128x64xf32, #tpu.memory_space<vmem>>) offsets(%dma_start3A_838 : memref<128xi32, #tpu.memory_space<vmem>>) semaphore(%arg13 : memref<!tpu.dma_semaphore, #tpu.memory_space<semaphore_mem>>)
    }
    %scan3A_67 = arith.constant 19 : i32
    %add3A_68 = arith.constant 38 : i32
    %add3A_69 = arith.addi %mul3A_13, %add3A_68 : i32
    %add3A_70 = arith.constant 1 : i32
    %add3A_71 = arith.addi %add3A_69, %add3A_70 : i32
    %mul3A_72 = arith.constant 8 : i32
    %mul3A_73 = arith.muli %add3A_71, %mul3A_72 : i32
    %dma_start3A_74 = arith.constant 0 : i32
    %dma_start3A_75 = tpu.memref_slice %arg3[%mul3A_73, %dma_start3A_74] : memref<5120x128xi32, #tpu.memory_space<hbm>> -> memref<8x128xi32, #tpu.memory_space<hbm>>
    %dma_start3A_76 = arith.constant 0 : i32
    %dma_start3A_77 = tpu.memref_slice %arg3[%mul3A_73, %dma_start3A_76] : memref<5120x128xi32, #tpu.memory_space<hbm>> -> memref<8x128xi32, #tpu.memory_space<hbm>>
    tpu.enqueue_dma source(%dma_start3A_77 : memref<8x128xi32, #tpu.memory_space<hbm>>) target(%arg8 : memref<8x128xi32, #tpu.memory_space<vmem>>) target_semaphore(%arg18 : memref<!tpu.dma_semaphore, #tpu.memory_space<semaphore_mem>>)
    %dma_wait3A = arith.constant 0 : i32
    %dma_wait3A_78 = arith.constant 0 : i32
    %dma_wait3A_79 = arith.constant 0 : i32
    %dma_wait3A_80 = arith.constant 0 : i32
    %dma_wait3A_81 = tpu.memref_slice %arg9[%dma_wait3A_78, %dma_wait3A_79, %dma_wait3A_80] : memref<4x128x64xf32, #tpu.memory_space<vmem>> -> memref<1x128x64xf32, #tpu.memory_space<vmem>>
    %dma_wait3A_82 = tpu.memref_squeeze %dma_wait3A_81 : memref<1x128x64xf32, #tpu.memory_space<vmem>> -> memref<128x64xf32, #tpu.memory_space<vmem>>
    %dma_wait3A_83 = arith.constant 0 : i32
    %dma_wait3A_84 = tpu.memref_slice %arg7[%dma_wait3A, %dma_wait3A_83] : memref<8x128xi32, #tpu.memory_space<vmem>> -> memref<1x128xi32, #tpu.memory_space<vmem>>
    %dma_wait3A_85 = tpu.memref_squeeze %dma_wait3A_84 : memref<1x128xi32, #tpu.memory_space<vmem>> -> memref<128xi32, #tpu.memory_space<vmem>>
    %dma_wait3A_86 = arith.constant 0 : i32
    %dma_wait3A_87 = arith.constant 0 : i32
    %dma_wait3A_88 = tpu.memref_slice %arg5[%dma_wait3A_86, %dma_wait3A_87] : memref<10240x64xf32, #tpu.memory_space<vmem_shared>> -> memref<10240x64xf32, #tpu.memory_space<vmem_shared>>
    tpu.wait_indirect_dma semaphore(%arg10 : memref<!tpu.dma_semaphore, #tpu.memory_space<semaphore_mem>>) src(%dma_wait3A_88 : memref<10240x64xf32, #tpu.memory_space<vmem_shared>>) dst(%dma_wait3A_82 : memref<128x64xf32, #tpu.memory_space<vmem>>)
    %dma_start3A_89 = arith.constant 0 : i32
    %dma_start3A_90 = arith.constant 4 : i32
    %dma_start3A_91 = arith.constant 0 : i32
    %dma_start3A_92 = arith.constant 0 : i32
    %dma_start3A_93 = tpu.memref_slice %arg9[%dma_start3A_89, %dma_start3A_91, %dma_start3A_92] : memref<4x128x64xf32, #tpu.memory_space<vmem>> -> memref<1x128x64xf32, #tpu.memory_space<vmem>>
    %dma_start3A_94 = tpu.memref_squeeze %dma_start3A_93 : memref<1x128x64xf32, #tpu.memory_space<vmem>> -> memref<128x64xf32, #tpu.memory_space<vmem>>
    %dma_start3A_95 = arith.constant 0 : i32
    %dma_start3A_96 = tpu.memref_slice %arg7[%dma_start3A_90, %dma_start3A_95] : memref<8x128xi32, #tpu.memory_space<vmem>> -> memref<1x128xi32, #tpu.memory_space<vmem>>
    %dma_start3A_97 = tpu.memref_squeeze %dma_start3A_96 : memref<1x128xi32, #tpu.memory_space<vmem>> -> memref<128xi32, #tpu.memory_space<vmem>>
    %dma_start3A_98 = arith.constant 0 : i32
    %dma_start3A_99 = arith.constant 0 : i32
    %dma_start3A_100 = tpu.memref_slice %arg6[%dma_start3A_98, %dma_start3A_99] : memref<10240x64xf32, #tpu.memory_space<vmem_shared>> -> memref<10240x64xf32, #tpu.memory_space<vmem_shared>>
    tpu.enqueue_indirect_dma source(%dma_start3A_94 : memref<128x64xf32, #tpu.memory_space<vmem>>) target(%dma_start3A_100 : memref<10240x64xf32, #tpu.memory_space<vmem_shared>>) offsets(%dma_start3A_97 : memref<128xi32, #tpu.memory_space<vmem>>) semaphore(%arg14 : memref<!tpu.dma_semaphore, #tpu.memory_space<semaphore_mem>>) {add = true}
    %dma_wait3A_101 = arith.constant 1 : i32
    %dma_wait3A_102 = arith.constant 1 : i32
    %dma_wait3A_103 = arith.constant 0 : i32
    %dma_wait3A_104 = arith.constant 0 : i32
    %dma_wait3A_105 = tpu.memref_slice %arg9[%dma_wait3A_102, %dma_wait3A_103, %dma_wait3A_104] : memref<4x128x64xf32, #tpu.memory_space<vmem>> -> memref<1x128x64xf32, #tpu.memory_space<vmem>>
    %dma_wait3A_106 = tpu.memref_squeeze %dma_wait3A_105 : memref<1x128x64xf32, #tpu.memory_space<vmem>> -> memref<128x64xf32, #tpu.memory_space<vmem>>
    %dma_wait3A_107 = arith.constant 0 : i32
    %dma_wait3A_108 = tpu.memref_slice %arg7[%dma_wait3A_101, %dma_wait3A_107] : memref<8x128xi32, #tpu.memory_space<vmem>> -> memref<1x128xi32, #tpu.memory_space<vmem>>
    %dma_wait3A_109 = tpu.memref_squeeze %dma_wait3A_108 : memref<1x128xi32, #tpu.memory_space<vmem>> -> memref<128xi32, #tpu.memory_space<vmem>>
    %dma_wait3A_110 = arith.constant 0 : i32
    %dma_wait3A_111 = arith.constant 0 : i32
    %dma_wait3A_112 = tpu.memref_slice %arg5[%dma_wait3A_110, %dma_wait3A_111] : memref<10240x64xf32, #tpu.memory_space<vmem_shared>> -> memref<10240x64xf32, #tpu.memory_space<vmem_shared>>
    tpu.wait_indirect_dma semaphore(%arg11 : memref<!tpu.dma_semaphore, #tpu.memory_space<semaphore_mem>>) src(%dma_wait3A_112 : memref<10240x64xf32, #tpu.memory_space<vmem_shared>>) dst(%dma_wait3A_106 : memref<128x64xf32, #tpu.memory_space<vmem>>)
    %dma_start3A_113 = arith.constant 1 : i32
    %dma_start3A_114 = arith.constant 5 : i32
    %dma_start3A_115 = arith.constant 0 : i32
    %dma_start3A_116 = arith.constant 0 : i32
    %dma_start3A_117 = tpu.memref_slice %arg9[%dma_start3A_113, %dma_start3A_115, %dma_start3A_116] : memref<4x128x64xf32, #tpu.memory_space<vmem>> -> memref<1x128x64xf32, #tpu.memory_space<vmem>>
    %dma_start3A_118 = tpu.memref_squeeze %dma_start3A_117 : memref<1x128x64xf32, #tpu.memory_space<vmem>> -> memref<128x64xf32, #tpu.memory_space<vmem>>
    %dma_start3A_119 = arith.constant 0 : i32
    %dma_start3A_120 = tpu.memref_slice %arg7[%dma_start3A_114, %dma_start3A_119] : memref<8x128xi32, #tpu.memory_space<vmem>> -> memref<1x128xi32, #tpu.memory_space<vmem>>
    %dma_start3A_121 = tpu.memref_squeeze %dma_start3A_120 : memref<1x128xi32, #tpu.memory_space<vmem>> -> memref<128xi32, #tpu.memory_space<vmem>>
    %dma_start3A_122 = arith.constant 0 : i32
    %dma_start3A_123 = arith.constant 0 : i32
    %dma_start3A_124 = tpu.memref_slice %arg6[%dma_start3A_122, %dma_start3A_123] : memref<10240x64xf32, #tpu.memory_space<vmem_shared>> -> memref<10240x64xf32, #tpu.memory_space<vmem_shared>>
    tpu.enqueue_indirect_dma source(%dma_start3A_118 : memref<128x64xf32, #tpu.memory_space<vmem>>) target(%dma_start3A_124 : memref<10240x64xf32, #tpu.memory_space<vmem_shared>>) offsets(%dma_start3A_121 : memref<128xi32, #tpu.memory_space<vmem>>) semaphore(%arg15 : memref<!tpu.dma_semaphore, #tpu.memory_space<semaphore_mem>>) {add = true}
    %dma_wait3A_125 = arith.constant 2 : i32
    %dma_wait3A_126 = arith.constant 2 : i32
    %dma_wait3A_127 = arith.constant 0 : i32
    %dma_wait3A_128 = arith.constant 0 : i32
    %dma_wait3A_129 = tpu.memref_slice %arg9[%dma_wait3A_126, %dma_wait3A_127, %dma_wait3A_128] : memref<4x128x64xf32, #tpu.memory_space<vmem>> -> memref<1x128x64xf32, #tpu.memory_space<vmem>>
    %dma_wait3A_130 = tpu.memref_squeeze %dma_wait3A_129 : memref<1x128x64xf32, #tpu.memory_space<vmem>> -> memref<128x64xf32, #tpu.memory_space<vmem>>
    %dma_wait3A_131 = arith.constant 0 : i32
    %dma_wait3A_132 = tpu.memref_slice %arg7[%dma_wait3A_125, %dma_wait3A_131] : memref<8x128xi32, #tpu.memory_space<vmem>> -> memref<1x128xi32, #tpu.memory_space<vmem>>
    %dma_wait3A_133 = tpu.memref_squeeze %dma_wait3A_132 : memref<1x128xi32, #tpu.memory_space<vmem>> -> memref<128xi32, #tpu.memory_space<vmem>>
    %dma_wait3A_134 = arith.constant 0 : i32
    %dma_wait3A_135 = arith.constant 0 : i32
    %dma_wait3A_136 = tpu.memref_slice %arg5[%dma_wait3A_134, %dma_wait3A_135] : memref<10240x64xf32, #tpu.memory_space<vmem_shared>> -> memref<10240x64xf32, #tpu.memory_space<vmem_shared>>
    tpu.wait_indirect_dma semaphore(%arg12 : memref<!tpu.dma_semaphore, #tpu.memory_space<semaphore_mem>>) src(%dma_wait3A_136 : memref<10240x64xf32, #tpu.memory_space<vmem_shared>>) dst(%dma_wait3A_130 : memref<128x64xf32, #tpu.memory_space<vmem>>)
    %dma_start3A_137 = arith.constant 2 : i32
    %dma_start3A_138 = arith.constant 6 : i32
    %dma_start3A_139 = arith.constant 0 : i32
    %dma_start3A_140 = arith.constant 0 : i32
    %dma_start3A_141 = tpu.memref_slice %arg9[%dma_start3A_137, %dma_start3A_139, %dma_start3A_140] : memref<4x128x64xf32, #tpu.memory_space<vmem>> -> memref<1x128x64xf32, #tpu.memory_space<vmem>>
    %dma_start3A_142 = tpu.memref_squeeze %dma_start3A_141 : memref<1x128x64xf32, #tpu.memory_space<vmem>> -> memref<128x64xf32, #tpu.memory_space<vmem>>
    %dma_start3A_143 = arith.constant 0 : i32
    %dma_start3A_144 = tpu.memref_slice %arg7[%dma_start3A_138, %dma_start3A_143] : memref<8x128xi32, #tpu.memory_space<vmem>> -> memref<1x128xi32, #tpu.memory_space<vmem>>
    %dma_start3A_145 = tpu.memref_squeeze %dma_start3A_144 : memref<1x128xi32, #tpu.memory_space<vmem>> -> memref<128xi32, #tpu.memory_space<vmem>>
    %dma_start3A_146 = arith.constant 0 : i32
    %dma_start3A_147 = arith.constant 0 : i32
    %dma_start3A_148 = tpu.memref_slice %arg6[%dma_start3A_146, %dma_start3A_147] : memref<10240x64xf32, #tpu.memory_space<vmem_shared>> -> memref<10240x64xf32, #tpu.memory_space<vmem_shared>>
    tpu.enqueue_indirect_dma source(%dma_start3A_142 : memref<128x64xf32, #tpu.memory_space<vmem>>) target(%dma_start3A_148 : memref<10240x64xf32, #tpu.memory_space<vmem_shared>>) offsets(%dma_start3A_145 : memref<128xi32, #tpu.memory_space<vmem>>) semaphore(%arg16 : memref<!tpu.dma_semaphore, #tpu.memory_space<semaphore_mem>>) {add = true}
    %dma_wait3A_149 = arith.constant 3 : i32
    %dma_wait3A_150 = arith.constant 3 : i32
    %dma_wait3A_151 = arith.constant 0 : i32
    %dma_wait3A_152 = arith.constant 0 : i32
    %dma_wait3A_153 = tpu.memref_slice %arg9[%dma_wait3A_150, %dma_wait3A_151, %dma_wait3A_152] : memref<4x128x64xf32, #tpu.memory_space<vmem>> -> memref<1x128x64xf32, #tpu.memory_space<vmem>>
    %dma_wait3A_154 = tpu.memref_squeeze %dma_wait3A_153 : memref<1x128x64xf32, #tpu.memory_space<vmem>> -> memref<128x64xf32, #tpu.memory_space<vmem>>
    %dma_wait3A_155 = arith.constant 0 : i32
    %dma_wait3A_156 = tpu.memref_slice %arg7[%dma_wait3A_149, %dma_wait3A_155] : memref<8x128xi32, #tpu.memory_space<vmem>> -> memref<1x128xi32, #tpu.memory_space<vmem>>
    %dma_wait3A_157 = tpu.memref_squeeze %dma_wait3A_156 : memref<1x128xi32, #tpu.memory_space<vmem>> -> memref<128xi32, #tpu.memory_space<vmem>>
    %dma_wait3A_158 = arith.constant 0 : i32
    %dma_wait3A_159 = arith.constant 0 : i32
    %dma_wait3A_160 = tpu.memref_slice %arg5[%dma_wait3A_158, %dma_wait3A_159] : memref<10240x64xf32, #tpu.memory_space<vmem_shared>> -> memref<10240x64xf32, #tpu.memory_space<vmem_shared>>
    tpu.wait_indirect_dma semaphore(%arg13 : memref<!tpu.dma_semaphore, #tpu.memory_space<semaphore_mem>>) src(%dma_wait3A_160 : memref<10240x64xf32, #tpu.memory_space<vmem_shared>>) dst(%dma_wait3A_154 : memref<128x64xf32, #tpu.memory_space<vmem>>)
    %dma_start3A_161 = arith.constant 3 : i32
    %dma_start3A_162 = arith.constant 7 : i32
    %dma_start3A_163 = arith.constant 0 : i32
    %dma_start3A_164 = arith.constant 0 : i32
    %dma_start3A_165 = tpu.memref_slice %arg9[%dma_start3A_161, %dma_start3A_163, %dma_start3A_164] : memref<4x128x64xf32, #tpu.memory_space<vmem>> -> memref<1x128x64xf32, #tpu.memory_space<vmem>>
    %dma_start3A_166 = tpu.memref_squeeze %dma_start3A_165 : memref<1x128x64xf32, #tpu.memory_space<vmem>> -> memref<128x64xf32, #tpu.memory_space<vmem>>
    %dma_start3A_167 = arith.constant 0 : i32
    %dma_start3A_168 = tpu.memref_slice %arg7[%dma_start3A_162, %dma_start3A_167] : memref<8x128xi32, #tpu.memory_space<vmem>> -> memref<1x128xi32, #tpu.memory_space<vmem>>
    %dma_start3A_169 = tpu.memref_squeeze %dma_start3A_168 : memref<1x128xi32, #tpu.memory_space<vmem>> -> memref<128xi32, #tpu.memory_space<vmem>>
    %dma_start3A_170 = arith.constant 0 : i32
    %dma_start3A_171 = arith.constant 0 : i32
    %dma_start3A_172 = tpu.memref_slice %arg6[%dma_start3A_170, %dma_start3A_171] : memref<10240x64xf32, #tpu.memory_space<vmem_shared>> -> memref<10240x64xf32, #tpu.memory_space<vmem_shared>>
    tpu.enqueue_indirect_dma source(%dma_start3A_166 : memref<128x64xf32, #tpu.memory_space<vmem>>) target(%dma_start3A_172 : memref<10240x64xf32, #tpu.memory_space<vmem_shared>>) offsets(%dma_start3A_169 : memref<128xi32, #tpu.memory_space<vmem>>) semaphore(%arg17 : memref<!tpu.dma_semaphore, #tpu.memory_space<semaphore_mem>>) {add = true}
    %dma_wait3A_173 = arith.constant 0 : i32
    %dma_wait3A_174 = tpu.memref_slice %arg3[%mul3A_73, %dma_wait3A_173] : memref<5120x128xi32, #tpu.memory_space<hbm>> -> memref<8x128xi32, #tpu.memory_space<hbm>>
    %dma_wait3A_175 = arith.constant 0 : i32
    %dma_wait3A_176 = tpu.memref_slice %arg3[%mul3A_73, %dma_wait3A_175] : memref<5120x128xi32, #tpu.memory_space<hbm>> -> memref<8x128xi32, #tpu.memory_space<hbm>>
    tpu.wait_dma2 semaphore(%arg18 : memref<!tpu.dma_semaphore, #tpu.memory_space<semaphore_mem>>) src(%dma_wait3A_176 : memref<8x128xi32, #tpu.memory_space<hbm>>) dst(%arg8 : memref<8x128xi32, #tpu.memory_space<vmem>>)
    %dma_wait3A_177 = arith.constant 0 : i32
    %dma_wait3A_178 = arith.constant 4 : i32
    %dma_wait3A_179 = arith.constant 0 : i32
    %dma_wait3A_180 = arith.constant 0 : i32
    %dma_wait3A_181 = tpu.memref_slice %arg9[%dma_wait3A_177, %dma_wait3A_179, %dma_wait3A_180] : memref<4x128x64xf32, #tpu.memory_space<vmem>> -> memref<1x128x64xf32, #tpu.memory_space<vmem>>
    %dma_wait3A_182 = tpu.memref_squeeze %dma_wait3A_181 : memref<1x128x64xf32, #tpu.memory_space<vmem>> -> memref<128x64xf32, #tpu.memory_space<vmem>>
    %dma_wait3A_183 = arith.constant 0 : i32
    %dma_wait3A_184 = tpu.memref_slice %arg7[%dma_wait3A_178, %dma_wait3A_183] : memref<8x128xi32, #tpu.memory_space<vmem>> -> memref<1x128xi32, #tpu.memory_space<vmem>>
    %dma_wait3A_185 = tpu.memref_squeeze %dma_wait3A_184 : memref<1x128xi32, #tpu.memory_space<vmem>> -> memref<128xi32, #tpu.memory_space<vmem>>
    %dma_wait3A_186 = arith.constant 0 : i32
    %dma_wait3A_187 = arith.constant 0 : i32
    %dma_wait3A_188 = tpu.memref_slice %arg6[%dma_wait3A_186, %dma_wait3A_187] : memref<10240x64xf32, #tpu.memory_space<vmem_shared>> -> memref<10240x64xf32, #tpu.memory_space<vmem_shared>>
    tpu.wait_indirect_dma semaphore(%arg14 : memref<!tpu.dma_semaphore, #tpu.memory_space<semaphore_mem>>) src(%dma_wait3A_182 : memref<128x64xf32, #tpu.memory_space<vmem>>) dst(%dma_wait3A_188 : memref<10240x64xf32, #tpu.memory_space<vmem_shared>>)
    %dma_start3A_189 = arith.constant 0 : i32
    %dma_start3A_190 = arith.constant 0 : i32
    %dma_start3A_191 = arith.constant 0 : i32
    %dma_start3A_192 = arith.constant 0 : i32
    %dma_start3A_193 = tpu.memref_slice %arg9[%dma_start3A_190, %dma_start3A_191, %dma_start3A_192] : memref<4x128x64xf32, #tpu.memory_space<vmem>> -> memref<1x128x64xf32, #tpu.memory_space<vmem>>
    %dma_start3A_194 = tpu.memref_squeeze %dma_start3A_193 : memref<1x128x64xf32, #tpu.memory_space<vmem>> -> memref<128x64xf32, #tpu.memory_space<vmem>>
    %dma_start3A_195 = arith.constant 0 : i32
    %dma_start3A_196 = tpu.memref_slice %arg8[%dma_start3A_189, %dma_start3A_195] : memref<8x128xi32, #tpu.memory_space<vmem>> -> memref<1x128xi32, #tpu.memory_space<vmem>>
    %dma_start3A_197 = tpu.memref_squeeze %dma_start3A_196 : memref<1x128xi32, #tpu.memory_space<vmem>> -> memref<128xi32, #tpu.memory_space<vmem>>
    %dma_start3A_198 = arith.constant 0 : i32
    %dma_start3A_199 = arith.constant 0 : i32
    %dma_start3A_200 = tpu.memref_slice %arg5[%dma_start3A_198, %dma_start3A_199] : memref<10240x64xf32, #tpu.memory_space<vmem_shared>> -> memref<10240x64xf32, #tpu.memory_space<vmem_shared>>
    tpu.enqueue_indirect_dma source(%dma_start3A_200 : memref<10240x64xf32, #tpu.memory_space<vmem_shared>>) target(%dma_start3A_194 : memref<128x64xf32, #tpu.memory_space<vmem>>) offsets(%dma_start3A_197 : memref<128xi32, #tpu.memory_space<vmem>>) semaphore(%arg10 : memref<!tpu.dma_semaphore, #tpu.memory_space<semaphore_mem>>)
    %dma_wait3A_201 = arith.constant 1 : i32
    %dma_wait3A_202 = arith.constant 5 : i32
    %dma_wait3A_203 = arith.constant 0 : i32
    %dma_wait3A_204 = arith.constant 0 : i32
    %dma_wait3A_205 = tpu.memref_slice %arg9[%dma_wait3A_201, %dma_wait3A_203, %dma_wait3A_204] : memref<4x128x64xf32, #tpu.memory_space<vmem>> -> memref<1x128x64xf32, #tpu.memory_space<vmem>>
    %dma_wait3A_206 = tpu.memref_squeeze %dma_wait3A_205 : memref<1x128x64xf32, #tpu.memory_space<vmem>> -> memref<128x64xf32, #tpu.memory_space<vmem>>
    %dma_wait3A_207 = arith.constant 0 : i32
    %dma_wait3A_208 = tpu.memref_slice %arg7[%dma_wait3A_202, %dma_wait3A_207] : memref<8x128xi32, #tpu.memory_space<vmem>> -> memref<1x128xi32, #tpu.memory_space<vmem>>
    %dma_wait3A_209 = tpu.memref_squeeze %dma_wait3A_208 : memref<1x128xi32, #tpu.memory_space<vmem>> -> memref<128xi32, #tpu.memory_space<vmem>>
    %dma_wait3A_210 = arith.constant 0 : i32
    %dma_wait3A_211 = arith.constant 0 : i32
    %dma_wait3A_212 = tpu.memref_slice %arg6[%dma_wait3A_210, %dma_wait3A_211] : memref<10240x64xf32, #tpu.memory_space<vmem_shared>> -> memref<10240x64xf32, #tpu.memory_space<vmem_shared>>
    tpu.wait_indirect_dma semaphore(%arg15 : memref<!tpu.dma_semaphore, #tpu.memory_space<semaphore_mem>>) src(%dma_wait3A_206 : memref<128x64xf32, #tpu.memory_space<vmem>>) dst(%dma_wait3A_212 : memref<10240x64xf32, #tpu.memory_space<vmem_shared>>)
    %dma_start3A_213 = arith.constant 1 : i32
    %dma_start3A_214 = arith.constant 1 : i32
    %dma_start3A_215 = arith.constant 0 : i32
    %dma_start3A_216 = arith.constant 0 : i32
    %dma_start3A_217 = tpu.memref_slice %arg9[%dma_start3A_214, %dma_start3A_215, %dma_start3A_216] : memref<4x128x64xf32, #tpu.memory_space<vmem>> -> memref<1x128x64xf32, #tpu.memory_space<vmem>>
    %dma_start3A_218 = tpu.memref_squeeze %dma_start3A_217 : memref<1x128x64xf32, #tpu.memory_space<vmem>> -> memref<128x64xf32, #tpu.memory_space<vmem>>
    %dma_start3A_219 = arith.constant 0 : i32
    %dma_start3A_220 = tpu.memref_slice %arg8[%dma_start3A_213, %dma_start3A_219] : memref<8x128xi32, #tpu.memory_space<vmem>> -> memref<1x128xi32, #tpu.memory_space<vmem>>
    %dma_start3A_221 = tpu.memref_squeeze %dma_start3A_220 : memref<1x128xi32, #tpu.memory_space<vmem>> -> memref<128xi32, #tpu.memory_space<vmem>>
    %dma_start3A_222 = arith.constant 0 : i32
    %dma_start3A_223 = arith.constant 0 : i32
    %dma_start3A_224 = tpu.memref_slice %arg5[%dma_start3A_222, %dma_start3A_223] : memref<10240x64xf32, #tpu.memory_space<vmem_shared>> -> memref<10240x64xf32, #tpu.memory_space<vmem_shared>>
    tpu.enqueue_indirect_dma source(%dma_start3A_224 : memref<10240x64xf32, #tpu.memory_space<vmem_shared>>) target(%dma_start3A_218 : memref<128x64xf32, #tpu.memory_space<vmem>>) offsets(%dma_start3A_221 : memref<128xi32, #tpu.memory_space<vmem>>) semaphore(%arg11 : memref<!tpu.dma_semaphore, #tpu.memory_space<semaphore_mem>>)
    %dma_wait3A_225 = arith.constant 2 : i32
    %dma_wait3A_226 = arith.constant 6 : i32
    %dma_wait3A_227 = arith.constant 0 : i32
    %dma_wait3A_228 = arith.constant 0 : i32
    %dma_wait3A_229 = tpu.memref_slice %arg9[%dma_wait3A_225, %dma_wait3A_227, %dma_wait3A_228] : memref<4x128x64xf32, #tpu.memory_space<vmem>> -> memref<1x128x64xf32, #tpu.memory_space<vmem>>
    %dma_wait3A_230 = tpu.memref_squeeze %dma_wait3A_229 : memref<1x128x64xf32, #tpu.memory_space<vmem>> -> memref<128x64xf32, #tpu.memory_space<vmem>>
    %dma_wait3A_231 = arith.constant 0 : i32
    %dma_wait3A_232 = tpu.memref_slice %arg7[%dma_wait3A_226, %dma_wait3A_231] : memref<8x128xi32, #tpu.memory_space<vmem>> -> memref<1x128xi32, #tpu.memory_space<vmem>>
    %dma_wait3A_233 = tpu.memref_squeeze %dma_wait3A_232 : memref<1x128xi32, #tpu.memory_space<vmem>> -> memref<128xi32, #tpu.memory_space<vmem>>
    %dma_wait3A_234 = arith.constant 0 : i32
    %dma_wait3A_235 = arith.constant 0 : i32
    %dma_wait3A_236 = tpu.memref_slice %arg6[%dma_wait3A_234, %dma_wait3A_235] : memref<10240x64xf32, #tpu.memory_space<vmem_shared>> -> memref<10240x64xf32, #tpu.memory_space<vmem_shared>>
    tpu.wait_indirect_dma semaphore(%arg16 : memref<!tpu.dma_semaphore, #tpu.memory_space<semaphore_mem>>) src(%dma_wait3A_230 : memref<128x64xf32, #tpu.memory_space<vmem>>) dst(%dma_wait3A_236 : memref<10240x64xf32, #tpu.memory_space<vmem_shared>>)
    %dma_start3A_237 = arith.constant 2 : i32
    %dma_start3A_238 = arith.constant 2 : i32
    %dma_start3A_239 = arith.constant 0 : i32
    %dma_start3A_240 = arith.constant 0 : i32
    %dma_start3A_241 = tpu.memref_slice %arg9[%dma_start3A_238, %dma_start3A_239, %dma_start3A_240] : memref<4x128x64xf32, #tpu.memory_space<vmem>> -> memref<1x128x64xf32, #tpu.memory_space<vmem>>
    %dma_start3A_242 = tpu.memref_squeeze %dma_start3A_241 : memref<1x128x64xf32, #tpu.memory_space<vmem>> -> memref<128x64xf32, #tpu.memory_space<vmem>>
    %dma_start3A_243 = arith.constant 0 : i32
    %dma_start3A_244 = tpu.memref_slice %arg8[%dma_start3A_237, %dma_start3A_243] : memref<8x128xi32, #tpu.memory_space<vmem>> -> memref<1x128xi32, #tpu.memory_space<vmem>>
    %dma_start3A_245 = tpu.memref_squeeze %dma_start3A_244 : memref<1x128xi32, #tpu.memory_space<vmem>> -> memref<128xi32, #tpu.memory_space<vmem>>
    %dma_start3A_246 = arith.constant 0 : i32
    %dma_start3A_247 = arith.constant 0 : i32
    %dma_start3A_248 = tpu.memref_slice %arg5[%dma_start3A_246, %dma_start3A_247] : memref<10240x64xf32, #tpu.memory_space<vmem_shared>> -> memref<10240x64xf32, #tpu.memory_space<vmem_shared>>
    tpu.enqueue_indirect_dma source(%dma_start3A_248 : memref<10240x64xf32, #tpu.memory_space<vmem_shared>>) target(%dma_start3A_242 : memref<128x64xf32, #tpu.memory_space<vmem>>) offsets(%dma_start3A_245 : memref<128xi32, #tpu.memory_space<vmem>>) semaphore(%arg12 : memref<!tpu.dma_semaphore, #tpu.memory_space<semaphore_mem>>)
    %dma_wait3A_249 = arith.constant 3 : i32
    %dma_wait3A_250 = arith.constant 7 : i32
    %dma_wait3A_251 = arith.constant 0 : i32
    %dma_wait3A_252 = arith.constant 0 : i32
    %dma_wait3A_253 = tpu.memref_slice %arg9[%dma_wait3A_249, %dma_wait3A_251, %dma_wait3A_252] : memref<4x128x64xf32, #tpu.memory_space<vmem>> -> memref<1x128x64xf32, #tpu.memory_space<vmem>>
    %dma_wait3A_254 = tpu.memref_squeeze %dma_wait3A_253 : memref<1x128x64xf32, #tpu.memory_space<vmem>> -> memref<128x64xf32, #tpu.memory_space<vmem>>
    %dma_wait3A_255 = arith.constant 0 : i32
    %dma_wait3A_256 = tpu.memref_slice %arg7[%dma_wait3A_250, %dma_wait3A_255] : memref<8x128xi32, #tpu.memory_space<vmem>> -> memref<1x128xi32, #tpu.memory_space<vmem>>
    %dma_wait3A_257 = tpu.memref_squeeze %dma_wait3A_256 : memref<1x128xi32, #tpu.memory_space<vmem>> -> memref<128xi32, #tpu.memory_space<vmem>>
    %dma_wait3A_258 = arith.constant 0 : i32
    %dma_wait3A_259 = arith.constant 0 : i32
    %dma_wait3A_260 = tpu.memref_slice %arg6[%dma_wait3A_258, %dma_wait3A_259] : memref<10240x64xf32, #tpu.memory_space<vmem_shared>> -> memref<10240x64xf32, #tpu.memory_space<vmem_shared>>
    tpu.wait_indirect_dma semaphore(%arg17 : memref<!tpu.dma_semaphore, #tpu.memory_space<semaphore_mem>>) src(%dma_wait3A_254 : memref<128x64xf32, #tpu.memory_space<vmem>>) dst(%dma_wait3A_260 : memref<10240x64xf32, #tpu.memory_space<vmem_shared>>)
    %dma_start3A_261 = arith.constant 3 : i32
    %dma_start3A_262 = arith.constant 3 : i32
    %dma_start3A_263 = arith.constant 0 : i32
    %dma_start3A_264 = arith.constant 0 : i32
    %dma_start3A_265 = tpu.memref_slice %arg9[%dma_start3A_262, %dma_start3A_263, %dma_start3A_264] : memref<4x128x64xf32, #tpu.memory_space<vmem>> -> memref<1x128x64xf32, #tpu.memory_space<vmem>>
    %dma_start3A_266 = tpu.memref_squeeze %dma_start3A_265 : memref<1x128x64xf32, #tpu.memory_space<vmem>> -> memref<128x64xf32, #tpu.memory_space<vmem>>
    %dma_start3A_267 = arith.constant 0 : i32
    %dma_start3A_268 = tpu.memref_slice %arg8[%dma_start3A_261, %dma_start3A_267] : memref<8x128xi32, #tpu.memory_space<vmem>> -> memref<1x128xi32, #tpu.memory_space<vmem>>
    %dma_start3A_269 = tpu.memref_squeeze %dma_start3A_268 : memref<1x128xi32, #tpu.memory_space<vmem>> -> memref<128xi32, #tpu.memory_space<vmem>>
    %dma_start3A_270 = arith.constant 0 : i32
    %dma_start3A_271 = arith.constant 0 : i32
    %dma_start3A_272 = tpu.memref_slice %arg5[%dma_start3A_270, %dma_start3A_271] : memref<10240x64xf32, #tpu.memory_space<vmem_shared>> -> memref<10240x64xf32, #tpu.memory_space<vmem_shared>>
    tpu.enqueue_indirect_dma source(%dma_start3A_272 : memref<10240x64xf32, #tpu.memory_space<vmem_shared>>) target(%dma_start3A_266 : memref<128x64xf32, #tpu.memory_space<vmem>>) offsets(%dma_start3A_269 : memref<128xi32, #tpu.memory_space<vmem>>) semaphore(%arg13 : memref<!tpu.dma_semaphore, #tpu.memory_space<semaphore_mem>>)
    %dma_wait3A_273 = arith.constant 0 : i32
    %dma_wait3A_274 = arith.constant 0 : i32
    %dma_wait3A_275 = arith.constant 0 : i32
    %dma_wait3A_276 = arith.constant 0 : i32
    %dma_wait3A_277 = tpu.memref_slice %arg9[%dma_wait3A_274, %dma_wait3A_275, %dma_wait3A_276] : memref<4x128x64xf32, #tpu.memory_space<vmem>> -> memref<1x128x64xf32, #tpu.memory_space<vmem>>
    %dma_wait3A_278 = tpu.memref_squeeze %dma_wait3A_277 : memref<1x128x64xf32, #tpu.memory_space<vmem>> -> memref<128x64xf32, #tpu.memory_space<vmem>>
    %dma_wait3A_279 = arith.constant 0 : i32
    %dma_wait3A_280 = tpu.memref_slice %arg8[%dma_wait3A_273, %dma_wait3A_279] : memref<8x128xi32, #tpu.memory_space<vmem>> -> memref<1x128xi32, #tpu.memory_space<vmem>>
    %dma_wait3A_281 = tpu.memref_squeeze %dma_wait3A_280 : memref<1x128xi32, #tpu.memory_space<vmem>> -> memref<128xi32, #tpu.memory_space<vmem>>
    %dma_wait3A_282 = arith.constant 0 : i32
    %dma_wait3A_283 = arith.constant 0 : i32
    %dma_wait3A_284 = tpu.memref_slice %arg5[%dma_wait3A_282, %dma_wait3A_283] : memref<10240x64xf32, #tpu.memory_space<vmem_shared>> -> memref<10240x64xf32, #tpu.memory_space<vmem_shared>>
    tpu.wait_indirect_dma semaphore(%arg10 : memref<!tpu.dma_semaphore, #tpu.memory_space<semaphore_mem>>) src(%dma_wait3A_284 : memref<10240x64xf32, #tpu.memory_space<vmem_shared>>) dst(%dma_wait3A_278 : memref<128x64xf32, #tpu.memory_space<vmem>>)
    %dma_start3A_285 = arith.constant 0 : i32
    %dma_start3A_286 = arith.constant 4 : i32
    %dma_start3A_287 = arith.constant 0 : i32
    %dma_start3A_288 = arith.constant 0 : i32
    %dma_start3A_289 = tpu.memref_slice %arg9[%dma_start3A_285, %dma_start3A_287, %dma_start3A_288] : memref<4x128x64xf32, #tpu.memory_space<vmem>> -> memref<1x128x64xf32, #tpu.memory_space<vmem>>
    %dma_start3A_290 = tpu.memref_squeeze %dma_start3A_289 : memref<1x128x64xf32, #tpu.memory_space<vmem>> -> memref<128x64xf32, #tpu.memory_space<vmem>>
    %dma_start3A_291 = arith.constant 0 : i32
    %dma_start3A_292 = tpu.memref_slice %arg8[%dma_start3A_286, %dma_start3A_291] : memref<8x128xi32, #tpu.memory_space<vmem>> -> memref<1x128xi32, #tpu.memory_space<vmem>>
    %dma_start3A_293 = tpu.memref_squeeze %dma_start3A_292 : memref<1x128xi32, #tpu.memory_space<vmem>> -> memref<128xi32, #tpu.memory_space<vmem>>
    %dma_start3A_294 = arith.constant 0 : i32
    %dma_start3A_295 = arith.constant 0 : i32
    %dma_start3A_296 = tpu.memref_slice %arg6[%dma_start3A_294, %dma_start3A_295] : memref<10240x64xf32, #tpu.memory_space<vmem_shared>> -> memref<10240x64xf32, #tpu.memory_space<vmem_shared>>
    tpu.enqueue_indirect_dma source(%dma_start3A_290 : memref<128x64xf32, #tpu.memory_space<vmem>>) target(%dma_start3A_296 : memref<10240x64xf32, #tpu.memory_space<vmem_shared>>) offsets(%dma_start3A_293 : memref<128xi32, #tpu.memory_space<vmem>>) semaphore(%arg14 : memref<!tpu.dma_semaphore, #tpu.memory_space<semaphore_mem>>) {add = true}
    %dma_wait3A_297 = arith.constant 1 : i32
    %dma_wait3A_298 = arith.constant 1 : i32
    %dma_wait3A_299 = arith.constant 0 : i32
    %dma_wait3A_300 = arith.constant 0 : i32
    %dma_wait3A_301 = tpu.memref_slice %arg9[%dma_wait3A_298, %dma_wait3A_299, %dma_wait3A_300] : memref<4x128x64xf32, #tpu.memory_space<vmem>> -> memref<1x128x64xf32, #tpu.memory_space<vmem>>
    %dma_wait3A_302 = tpu.memref_squeeze %dma_wait3A_301 : memref<1x128x64xf32, #tpu.memory_space<vmem>> -> memref<128x64xf32, #tpu.memory_space<vmem>>
    %dma_wait3A_303 = arith.constant 0 : i32
    %dma_wait3A_304 = tpu.memref_slice %arg8[%dma_wait3A_297, %dma_wait3A_303] : memref<8x128xi32, #tpu.memory_space<vmem>> -> memref<1x128xi32, #tpu.memory_space<vmem>>
    %dma_wait3A_305 = tpu.memref_squeeze %dma_wait3A_304 : memref<1x128xi32, #tpu.memory_space<vmem>> -> memref<128xi32, #tpu.memory_space<vmem>>
    %dma_wait3A_306 = arith.constant 0 : i32
    %dma_wait3A_307 = arith.constant 0 : i32
    %dma_wait3A_308 = tpu.memref_slice %arg5[%dma_wait3A_306, %dma_wait3A_307] : memref<10240x64xf32, #tpu.memory_space<vmem_shared>> -> memref<10240x64xf32, #tpu.memory_space<vmem_shared>>
    tpu.wait_indirect_dma semaphore(%arg11 : memref<!tpu.dma_semaphore, #tpu.memory_space<semaphore_mem>>) src(%dma_wait3A_308 : memref<10240x64xf32, #tpu.memory_space<vmem_shared>>) dst(%dma_wait3A_302 : memref<128x64xf32, #tpu.memory_space<vmem>>)
    %dma_start3A_309 = arith.constant 1 : i32
    %dma_start3A_310 = arith.constant 5 : i32
    %dma_start3A_311 = arith.constant 0 : i32
    %dma_start3A_312 = arith.constant 0 : i32
    %dma_start3A_313 = tpu.memref_slice %arg9[%dma_start3A_309, %dma_start3A_311, %dma_start3A_312] : memref<4x128x64xf32, #tpu.memory_space<vmem>> -> memref<1x128x64xf32, #tpu.memory_space<vmem>>
    %dma_start3A_314 = tpu.memref_squeeze %dma_start3A_313 : memref<1x128x64xf32, #tpu.memory_space<vmem>> -> memref<128x64xf32, #tpu.memory_space<vmem>>
    %dma_start3A_315 = arith.constant 0 : i32
    %dma_start3A_316 = tpu.memref_slice %arg8[%dma_start3A_310, %dma_start3A_315] : memref<8x128xi32, #tpu.memory_space<vmem>> -> memref<1x128xi32, #tpu.memory_space<vmem>>
    %dma_start3A_317 = tpu.memref_squeeze %dma_start3A_316 : memref<1x128xi32, #tpu.memory_space<vmem>> -> memref<128xi32, #tpu.memory_space<vmem>>
    %dma_start3A_318 = arith.constant 0 : i32
    %dma_start3A_319 = arith.constant 0 : i32
    %dma_start3A_320 = tpu.memref_slice %arg6[%dma_start3A_318, %dma_start3A_319] : memref<10240x64xf32, #tpu.memory_space<vmem_shared>> -> memref<10240x64xf32, #tpu.memory_space<vmem_shared>>
    tpu.enqueue_indirect_dma source(%dma_start3A_314 : memref<128x64xf32, #tpu.memory_space<vmem>>) target(%dma_start3A_320 : memref<10240x64xf32, #tpu.memory_space<vmem_shared>>) offsets(%dma_start3A_317 : memref<128xi32, #tpu.memory_space<vmem>>) semaphore(%arg15 : memref<!tpu.dma_semaphore, #tpu.memory_space<semaphore_mem>>) {add = true}
    %dma_wait3A_321 = arith.constant 2 : i32
    %dma_wait3A_322 = arith.constant 2 : i32
    %dma_wait3A_323 = arith.constant 0 : i32
    %dma_wait3A_324 = arith.constant 0 : i32
    %dma_wait3A_325 = tpu.memref_slice %arg9[%dma_wait3A_322, %dma_wait3A_323, %dma_wait3A_324] : memref<4x128x64xf32, #tpu.memory_space<vmem>> -> memref<1x128x64xf32, #tpu.memory_space<vmem>>
    %dma_wait3A_326 = tpu.memref_squeeze %dma_wait3A_325 : memref<1x128x64xf32, #tpu.memory_space<vmem>> -> memref<128x64xf32, #tpu.memory_space<vmem>>
    %dma_wait3A_327 = arith.constant 0 : i32
    %dma_wait3A_328 = tpu.memref_slice %arg8[%dma_wait3A_321, %dma_wait3A_327] : memref<8x128xi32, #tpu.memory_space<vmem>> -> memref<1x128xi32, #tpu.memory_space<vmem>>
    %dma_wait3A_329 = tpu.memref_squeeze %dma_wait3A_328 : memref<1x128xi32, #tpu.memory_space<vmem>> -> memref<128xi32, #tpu.memory_space<vmem>>
    %dma_wait3A_330 = arith.constant 0 : i32
    %dma_wait3A_331 = arith.constant 0 : i32
    %dma_wait3A_332 = tpu.memref_slice %arg5[%dma_wait3A_330, %dma_wait3A_331] : memref<10240x64xf32, #tpu.memory_space<vmem_shared>> -> memref<10240x64xf32, #tpu.memory_space<vmem_shared>>
    tpu.wait_indirect_dma semaphore(%arg12 : memref<!tpu.dma_semaphore, #tpu.memory_space<semaphore_mem>>) src(%dma_wait3A_332 : memref<10240x64xf32, #tpu.memory_space<vmem_shared>>) dst(%dma_wait3A_326 : memref<128x64xf32, #tpu.memory_space<vmem>>)
    %dma_start3A_333 = arith.constant 2 : i32
    %dma_start3A_334 = arith.constant 6 : i32
    %dma_start3A_335 = arith.constant 0 : i32
    %dma_start3A_336 = arith.constant 0 : i32
    %dma_start3A_337 = tpu.memref_slice %arg9[%dma_start3A_333, %dma_start3A_335, %dma_start3A_336] : memref<4x128x64xf32, #tpu.memory_space<vmem>> -> memref<1x128x64xf32, #tpu.memory_space<vmem>>
    %dma_start3A_338 = tpu.memref_squeeze %dma_start3A_337 : memref<1x128x64xf32, #tpu.memory_space<vmem>> -> memref<128x64xf32, #tpu.memory_space<vmem>>
    %dma_start3A_339 = arith.constant 0 : i32
    %dma_start3A_340 = tpu.memref_slice %arg8[%dma_start3A_334, %dma_start3A_339] : memref<8x128xi32, #tpu.memory_space<vmem>> -> memref<1x128xi32, #tpu.memory_space<vmem>>
    %dma_start3A_341 = tpu.memref_squeeze %dma_start3A_340 : memref<1x128xi32, #tpu.memory_space<vmem>> -> memref<128xi32, #tpu.memory_space<vmem>>
    %dma_start3A_342 = arith.constant 0 : i32
    %dma_start3A_343 = arith.constant 0 : i32
    %dma_start3A_344 = tpu.memref_slice %arg6[%dma_start3A_342, %dma_start3A_343] : memref<10240x64xf32, #tpu.memory_space<vmem_shared>> -> memref<10240x64xf32, #tpu.memory_space<vmem_shared>>
    tpu.enqueue_indirect_dma source(%dma_start3A_338 : memref<128x64xf32, #tpu.memory_space<vmem>>) target(%dma_start3A_344 : memref<10240x64xf32, #tpu.memory_space<vmem_shared>>) offsets(%dma_start3A_341 : memref<128xi32, #tpu.memory_space<vmem>>) semaphore(%arg16 : memref<!tpu.dma_semaphore, #tpu.memory_space<semaphore_mem>>) {add = true}
    %dma_wait3A_345 = arith.constant 3 : i32
    %dma_wait3A_346 = arith.constant 3 : i32
    %dma_wait3A_347 = arith.constant 0 : i32
    %dma_wait3A_348 = arith.constant 0 : i32
    %dma_wait3A_349 = tpu.memref_slice %arg9[%dma_wait3A_346, %dma_wait3A_347, %dma_wait3A_348] : memref<4x128x64xf32, #tpu.memory_space<vmem>> -> memref<1x128x64xf32, #tpu.memory_space<vmem>>
    %dma_wait3A_350 = tpu.memref_squeeze %dma_wait3A_349 : memref<1x128x64xf32, #tpu.memory_space<vmem>> -> memref<128x64xf32, #tpu.memory_space<vmem>>
    %dma_wait3A_351 = arith.constant 0 : i32
    %dma_wait3A_352 = tpu.memref_slice %arg8[%dma_wait3A_345, %dma_wait3A_351] : memref<8x128xi32, #tpu.memory_space<vmem>> -> memref<1x128xi32, #tpu.memory_space<vmem>>
    %dma_wait3A_353 = tpu.memref_squeeze %dma_wait3A_352 : memref<1x128xi32, #tpu.memory_space<vmem>> -> memref<128xi32, #tpu.memory_space<vmem>>
    %dma_wait3A_354 = arith.constant 0 : i32
    %dma_wait3A_355 = arith.constant 0 : i32
    %dma_wait3A_356 = tpu.memref_slice %arg5[%dma_wait3A_354, %dma_wait3A_355] : memref<10240x64xf32, #tpu.memory_space<vmem_shared>> -> memref<10240x64xf32, #tpu.memory_space<vmem_shared>>
    tpu.wait_indirect_dma semaphore(%arg13 : memref<!tpu.dma_semaphore, #tpu.memory_space<semaphore_mem>>) src(%dma_wait3A_356 : memref<10240x64xf32, #tpu.memory_space<vmem_shared>>) dst(%dma_wait3A_350 : memref<128x64xf32, #tpu.memory_space<vmem>>)
    %dma_start3A_357 = arith.constant 3 : i32
    %dma_start3A_358 = arith.constant 7 : i32
    %dma_start3A_359 = arith.constant 0 : i32
    %dma_start3A_360 = arith.constant 0 : i32
    %dma_start3A_361 = tpu.memref_slice %arg9[%dma_start3A_357, %dma_start3A_359, %dma_start3A_360] : memref<4x128x64xf32, #tpu.memory_space<vmem>> -> memref<1x128x64xf32, #tpu.memory_space<vmem>>
    %dma_start3A_362 = tpu.memref_squeeze %dma_start3A_361 : memref<1x128x64xf32, #tpu.memory_space<vmem>> -> memref<128x64xf32, #tpu.memory_space<vmem>>
    %dma_start3A_363 = arith.constant 0 : i32
    %dma_start3A_364 = tpu.memref_slice %arg8[%dma_start3A_358, %dma_start3A_363] : memref<8x128xi32, #tpu.memory_space<vmem>> -> memref<1x128xi32, #tpu.memory_space<vmem>>
    %dma_start3A_365 = tpu.memref_squeeze %dma_start3A_364 : memref<1x128xi32, #tpu.memory_space<vmem>> -> memref<128xi32, #tpu.memory_space<vmem>>
    %dma_start3A_366 = arith.constant 0 : i32
    %dma_start3A_367 = arith.constant 0 : i32
    %dma_start3A_368 = tpu.memref_slice %arg6[%dma_start3A_366, %dma_start3A_367] : memref<10240x64xf32, #tpu.memory_space<vmem_shared>> -> memref<10240x64xf32, #tpu.memory_space<vmem_shared>>
    tpu.enqueue_indirect_dma source(%dma_start3A_362 : memref<128x64xf32, #tpu.memory_space<vmem>>) target(%dma_start3A_368 : memref<10240x64xf32, #tpu.memory_space<vmem_shared>>) offsets(%dma_start3A_365 : memref<128xi32, #tpu.memory_space<vmem>>) semaphore(%arg17 : memref<!tpu.dma_semaphore, #tpu.memory_space<semaphore_mem>>) {add = true}
    %dma_wait3A_369 = arith.constant 0 : i32
    %dma_wait3A_370 = arith.constant 4 : i32
    %dma_wait3A_371 = arith.constant 0 : i32
    %dma_wait3A_372 = arith.constant 0 : i32
    %dma_wait3A_373 = tpu.memref_slice %arg9[%dma_wait3A_369, %dma_wait3A_371, %dma_wait3A_372] : memref<4x128x64xf32, #tpu.memory_space<vmem>> -> memref<1x128x64xf32, #tpu.memory_space<vmem>>
    %dma_wait3A_374 = tpu.memref_squeeze %dma_wait3A_373 : memref<1x128x64xf32, #tpu.memory_space<vmem>> -> memref<128x64xf32, #tpu.memory_space<vmem>>
    %dma_wait3A_375 = arith.constant 0 : i32
    %dma_wait3A_376 = tpu.memref_slice %arg8[%dma_wait3A_370, %dma_wait3A_375] : memref<8x128xi32, #tpu.memory_space<vmem>> -> memref<1x128xi32, #tpu.memory_space<vmem>>
    %dma_wait3A_377 = tpu.memref_squeeze %dma_wait3A_376 : memref<1x128xi32, #tpu.memory_space<vmem>> -> memref<128xi32, #tpu.memory_space<vmem>>
    %dma_wait3A_378 = arith.constant 0 : i32
    %dma_wait3A_379 = arith.constant 0 : i32
    %dma_wait3A_380 = tpu.memref_slice %arg6[%dma_wait3A_378, %dma_wait3A_379] : memref<10240x64xf32, #tpu.memory_space<vmem_shared>> -> memref<10240x64xf32, #tpu.memory_space<vmem_shared>>
    tpu.wait_indirect_dma semaphore(%arg14 : memref<!tpu.dma_semaphore, #tpu.memory_space<semaphore_mem>>) src(%dma_wait3A_374 : memref<128x64xf32, #tpu.memory_space<vmem>>) dst(%dma_wait3A_380 : memref<10240x64xf32, #tpu.memory_space<vmem_shared>>)
    %dma_wait3A_381 = arith.constant 1 : i32
    %dma_wait3A_382 = arith.constant 5 : i32
    %dma_wait3A_383 = arith.constant 0 : i32
    %dma_wait3A_384 = arith.constant 0 : i32
    %dma_wait3A_385 = tpu.memref_slice %arg9[%dma_wait3A_381, %dma_wait3A_383, %dma_wait3A_384] : memref<4x128x64xf32, #tpu.memory_space<vmem>> -> memref<1x128x64xf32, #tpu.memory_space<vmem>>
    %dma_wait3A_386 = tpu.memref_squeeze %dma_wait3A_385 : memref<1x128x64xf32, #tpu.memory_space<vmem>> -> memref<128x64xf32, #tpu.memory_space<vmem>>
    %dma_wait3A_387 = arith.constant 0 : i32
    %dma_wait3A_388 = tpu.memref_slice %arg8[%dma_wait3A_382, %dma_wait3A_387] : memref<8x128xi32, #tpu.memory_space<vmem>> -> memref<1x128xi32, #tpu.memory_space<vmem>>
    %dma_wait3A_389 = tpu.memref_squeeze %dma_wait3A_388 : memref<1x128xi32, #tpu.memory_space<vmem>> -> memref<128xi32, #tpu.memory_space<vmem>>
    %dma_wait3A_390 = arith.constant 0 : i32
    %dma_wait3A_391 = arith.constant 0 : i32
    %dma_wait3A_392 = tpu.memref_slice %arg6[%dma_wait3A_390, %dma_wait3A_391] : memref<10240x64xf32, #tpu.memory_space<vmem_shared>> -> memref<10240x64xf32, #tpu.memory_space<vmem_shared>>
    tpu.wait_indirect_dma semaphore(%arg15 : memref<!tpu.dma_semaphore, #tpu.memory_space<semaphore_mem>>) src(%dma_wait3A_386 : memref<128x64xf32, #tpu.memory_space<vmem>>) dst(%dma_wait3A_392 : memref<10240x64xf32, #tpu.memory_space<vmem_shared>>)
    %dma_wait3A_393 = arith.constant 2 : i32
    %dma_wait3A_394 = arith.constant 6 : i32
    %dma_wait3A_395 = arith.constant 0 : i32
    %dma_wait3A_396 = arith.constant 0 : i32
    %dma_wait3A_397 = tpu.memref_slice %arg9[%dma_wait3A_393, %dma_wait3A_395, %dma_wait3A_396] : memref<4x128x64xf32, #tpu.memory_space<vmem>> -> memref<1x128x64xf32, #tpu.memory_space<vmem>>
    %dma_wait3A_398 = tpu.memref_squeeze %dma_wait3A_397 : memref<1x128x64xf32, #tpu.memory_space<vmem>> -> memref<128x64xf32, #tpu.memory_space<vmem>>
    %dma_wait3A_399 = arith.constant 0 : i32
    %dma_wait3A_400 = tpu.memref_slice %arg8[%dma_wait3A_394, %dma_wait3A_399] : memref<8x128xi32, #tpu.memory_space<vmem>> -> memref<1x128xi32, #tpu.memory_space<vmem>>
    %dma_wait3A_401 = tpu.memref_squeeze %dma_wait3A_400 : memref<1x128xi32, #tpu.memory_space<vmem>> -> memref<128xi32, #tpu.memory_space<vmem>>
    %dma_wait3A_402 = arith.constant 0 : i32
    %dma_wait3A_403 = arith.constant 0 : i32
    %dma_wait3A_404 = tpu.memref_slice %arg6[%dma_wait3A_402, %dma_wait3A_403] : memref<10240x64xf32, #tpu.memory_space<vmem_shared>> -> memref<10240x64xf32, #tpu.memory_space<vmem_shared>>
    tpu.wait_indirect_dma semaphore(%arg16 : memref<!tpu.dma_semaphore, #tpu.memory_space<semaphore_mem>>) src(%dma_wait3A_398 : memref<128x64xf32, #tpu.memory_space<vmem>>) dst(%dma_wait3A_404 : memref<10240x64xf32, #tpu.memory_space<vmem_shared>>)
    %dma_wait3A_405 = arith.constant 3 : i32
    %dma_wait3A_406 = arith.constant 7 : i32
    %dma_wait3A_407 = arith.constant 0 : i32
    %dma_wait3A_408 = arith.constant 0 : i32
    %dma_wait3A_409 = tpu.memref_slice %arg9[%dma_wait3A_405, %dma_wait3A_407, %dma_wait3A_408] : memref<4x128x64xf32, #tpu.memory_space<vmem>> -> memref<1x128x64xf32, #tpu.memory_space<vmem>>
    %dma_wait3A_410 = tpu.memref_squeeze %dma_wait3A_409 : memref<1x128x64xf32, #tpu.memory_space<vmem>> -> memref<128x64xf32, #tpu.memory_space<vmem>>
    %dma_wait3A_411 = arith.constant 0 : i32
    %dma_wait3A_412 = tpu.memref_slice %arg8[%dma_wait3A_406, %dma_wait3A_411] : memref<8x128xi32, #tpu.memory_space<vmem>> -> memref<1x128xi32, #tpu.memory_space<vmem>>
    %dma_wait3A_413 = tpu.memref_squeeze %dma_wait3A_412 : memref<1x128xi32, #tpu.memory_space<vmem>> -> memref<128xi32, #tpu.memory_space<vmem>>
    %dma_wait3A_414 = arith.constant 0 : i32
    %dma_wait3A_415 = arith.constant 0 : i32
    %dma_wait3A_416 = tpu.memref_slice %arg6[%dma_wait3A_414, %dma_wait3A_415] : memref<10240x64xf32, #tpu.memory_space<vmem_shared>> -> memref<10240x64xf32, #tpu.memory_space<vmem_shared>>
    tpu.wait_indirect_dma semaphore(%arg17 : memref<!tpu.dma_semaphore, #tpu.memory_space<semaphore_mem>>) src(%dma_wait3A_410 : memref<128x64xf32, #tpu.memory_space<vmem>>) dst(%dma_wait3A_416 : memref<10240x64xf32, #tpu.memory_space<vmem_shared>>)
    %barrier3A_417 = arith.constant 0 : index
    tpu.barrier barrier_id(%barrier3A_417)
    %mul3A_418 = arith.constant 640 : i32
    %mul3A_419 = arith.muli %arg1, %mul3A_418 : i32
    %mul3A_420 = arith.constant 10240 : i32
    %mul3A_421 = arith.muli %arg0, %mul3A_420 : i32
    %mul3A_422 = arith.constant 640 : i32
    %mul3A_423 = arith.muli %arg1, %mul3A_422 : i32
    %add3A_424 = arith.addi %mul3A_421, %mul3A_423 : i32
    "tpu.region"() ({
      %run_scoped3A = tpu.sem_alloc : memref<!tpu.dma_semaphore, #tpu.memory_space<semaphore_mem>>
      %dma_start3A_425 = arith.constant 0 : i32
      %dma_start3A_426 = tpu.memref_slice %arg4[%add3A_424, %dma_start3A_425] : memref<20480x64xf32, #tpu.memory_space<hbm>> -> memref<640x64xf32, #tpu.memory_space<hbm>>
      %dma_start3A_427 = arith.constant 0 : i32
      %dma_start3A_428 = tpu.memref_slice %arg6[%mul3A_419, %dma_start3A_427] : memref<10240x64xf32, #tpu.memory_space<vmem_shared>> -> memref<640x64xf32, #tpu.memory_space<vmem_shared>>
      tpu.enqueue_dma source(%dma_start3A_428 : memref<640x64xf32, #tpu.memory_space<vmem_shared>>) target(%dma_start3A_426 : memref<640x64xf32, #tpu.memory_space<hbm>>) target_semaphore(%run_scoped3A : memref<!tpu.dma_semaphore, #tpu.memory_space<semaphore_mem>>)
      %dma_wait3A_429 = arith.constant 0 : i32
      %dma_wait3A_430 = tpu.memref_slice %arg4[%add3A_424, %dma_wait3A_429] : memref<20480x64xf32, #tpu.memory_space<hbm>> -> memref<640x64xf32, #tpu.memory_space<hbm>>
      %dma_wait3A_431 = arith.constant 0 : i32
      %dma_wait3A_432 = tpu.memref_slice %arg6[%mul3A_419, %dma_wait3A_431] : memref<10240x64xf32, #tpu.memory_space<vmem_shared>> -> memref<640x64xf32, #tpu.memory_space<vmem_shared>>
      tpu.wait_dma2 semaphore(%run_scoped3A : memref<!tpu.dma_semaphore, #tpu.memory_space<semaphore_mem>>) src(%dma_wait3A_432 : memref<640x64xf32, #tpu.memory_space<vmem_shared>>) dst(%dma_wait3A_430 : memref<640x64xf32, #tpu.memory_space<hbm>>)
      tpu.yield
    }) : () -> ()
    return
  }
}

#map = affine_map<(d0, d1) -> (0, 0)>
module attributes {stable_mosaic.version = 14 : i64} {
  func.func @_sc_deg_body(%arg0: i32, %arg1: i32, %arg2: memref<2560x128xi32, #tpu.memory_space<hbm>>, %arg3: memref<32x10240xf32, #tpu.memory_space<hbm>>, %arg4: memref<10240xf32, #tpu.memory_space<vmem>>, %arg5: memref<4x128xi32, #tpu.memory_space<vmem>>) attributes {dimension_semantics = [#tpu.dimension_semantics<core_parallel>, #tpu.dimension_semantics<subcore_parallel>], iteration_bounds = array<i64: 2, 16>, scalar_prefetch = 0 : i64, scratch_operands = 2 : i64, tpu.core_type = #tpu.core_type<sc_vector_subcore>, window_params = [{transform_indices = #map}, {transform_indices = #map}]} {
    %mul3A = arith.constant 2 : i32
    %mul3A_0 = arith.muli %arg1, %mul3A : i32
    %add3A = arith.addi %mul3A_0, %arg0 : i32
    %scan3A = arith.constant 0 : i32
    %scan3A_1 = arith.constant 0 : i32
    %scan3A_2 = arith.constant 640 : i32
    %scan3A_3 = arith.addi %scan3A_1, %scan3A_2 : i32
    %scan3A_4 = arith.constant 1 : i32
    scf.for %scan3A_15 = %scan3A_1 to %scan3A_3 step %scan3A_4  : i32 {
      %broadcast_in_dim3A_16 = arith.constant 0.000000e+00 : f32
      %broadcast_in_dim3A_17 = vector.broadcast %broadcast_in_dim3A_16 : f32 to vector<16xf32>
      %mul3A_18 = arith.constant 16 : i32
      %mul3A_19 = arith.muli %scan3A_15, %mul3A_18 : i32
      %swap3A = arith.index_cast %mul3A_19 : i32 to index
      %swap3A_20 = tpu.vector_load %arg4[%swap3A] {strides = array<i32>} : memref<10240xf32, #tpu.memory_space<vmem>>, vector<16xf32>,
      tpu.vector_store %arg4[%swap3A], %broadcast_in_dim3A_17 {strides = array<i32>} : memref<10240xf32, #tpu.memory_space<vmem>>, vector<16xf32>,
    }
    %scan3A_5 = arith.constant 640 : i32
    %broadcast_in_dim3A = arith.constant 1.000000e+00 : f32
    %broadcast_in_dim3A_6 = vector.broadcast %broadcast_in_dim3A : f32 to vector<16xf32>
    %mul3A_7 = arith.constant 80 : i32
    %mul3A_8 = arith.muli %add3A, %mul3A_7 : i32
    %scan3A_9 = arith.constant 0 : i32
    %scan3A_10 = arith.constant 0 : i32
    %scan3A_11 = arith.constant 20 : i32
    %scan3A_12 = arith.addi %scan3A_10, %scan3A_11 : i32
    %scan3A_13 = arith.constant 1 : i32
    scf.for %scan3A_15 = %scan3A_10 to %scan3A_12 step %scan3A_13  : i32 {
      %mul3A_16 = arith.constant 4 : i32
      %mul3A_17 = arith.muli %scan3A_15, %mul3A_16 : i32
      %add3A_18 = arith.addi %mul3A_8, %mul3A_17 : i32
      "tpu.region"() ({
        %run_scoped3A = tpu.sem_alloc : memref<!tpu.dma_semaphore, #tpu.memory_space<semaphore_mem>>
        %dma_start3A = arith.constant 0 : i32
        %dma_start3A_146 = tpu.memref_slice %arg2[%add3A_18, %dma_start3A] : memref<2560x128xi32, #tpu.memory_space<hbm>> -> memref<4x128xi32, #tpu.memory_space<hbm>>
        %dma_start3A_147 = arith.constant 0 : i32
        %dma_start3A_148 = tpu.memref_slice %arg2[%add3A_18, %dma_start3A_147] : memref<2560x128xi32, #tpu.memory_space<hbm>> -> memref<4x128xi32, #tpu.memory_space<hbm>>
        tpu.enqueue_dma source(%dma_start3A_148 : memref<4x128xi32, #tpu.memory_space<hbm>>) target(%arg5 : memref<4x128xi32, #tpu.memory_space<vmem>>) target_semaphore(%run_scoped3A : memref<!tpu.dma_semaphore, #tpu.memory_space<semaphore_mem>>)
        %dma_wait3A = arith.constant 0 : i32
        %dma_wait3A_149 = tpu.memref_slice %arg2[%add3A_18, %dma_wait3A] : memref<2560x128xi32, #tpu.memory_space<hbm>> -> memref<4x128xi32, #tpu.memory_space<hbm>>
        %dma_wait3A_150 = arith.constant 0 : i32
        %dma_wait3A_151 = tpu.memref_slice %arg2[%add3A_18, %dma_wait3A_150] : memref<2560x128xi32, #tpu.memory_space<hbm>> -> memref<4x128xi32, #tpu.memory_space<hbm>>
        tpu.wait_dma2 semaphore(%run_scoped3A : memref<!tpu.dma_semaphore, #tpu.memory_space<semaphore_mem>>) src(%dma_wait3A_151 : memref<4x128xi32, #tpu.memory_space<hbm>>) dst(%arg5 : memref<4x128xi32, #tpu.memory_space<vmem>>)
        tpu.yield
      }) : () -> ()
      %get3A = arith.constant 0 : i32
      %get3A_19 = arith.index_cast %get3A : i32 to index
      %get3A_20 = arith.constant 0 : index
      %get3A_21 = tpu.vector_load %arg5[%get3A_19, %get3A_20] {strides = array<i32>} : memref<4x128xi32, #tpu.memory_space<vmem>>, vector<16xi32>,
      tpu.vector_store_idx %arg4[%get3A_21], %broadcast_in_dim3A_6 {add = true} : memref<10240xf32, #tpu.memory_space<vmem>>[vector<16xi32>], vector<16xf32>,
      %get3A_22 = arith.constant 0 : i32
      %get3A_23 = arith.index_cast %get3A_22 : i32 to index
      %get3A_24 = arith.constant 16 : index
      %get3A_25 = tpu.vector_load %arg5[%get3A_23, %get3A_24] {strides = array<i32>} : memref<4x128xi32, #tpu.memory_space<vmem>>, vector<16xi32>,
      tpu.vector_store_idx %arg4[%get3A_25], %broadcast_in_dim3A_6 {add = true} : memref<10240xf32, #tpu.memory_space<vmem>>[vector<16xi32>], vector<16xf32>,
      %get3A_26 = arith.constant 0 : i32
      %get3A_27 = arith.index_cast %get3A_26 : i32 to index
      %get3A_28 = arith.constant 32 : index
      %get3A_29 = tpu.vector_load %arg5[%get3A_27, %get3A_28] {strides = array<i32>} : memref<4x128xi32, #tpu.memory_space<vmem>>, vector<16xi32>,
      tpu.vector_store_idx %arg4[%get3A_29], %broadcast_in_dim3A_6 {add = true} : memref<10240xf32, #tpu.memory_space<vmem>>[vector<16xi32>], vector<16xf32>,
      %get3A_30 = arith.constant 0 : i32
      %get3A_31 = arith.index_cast %get3A_30 : i32 to index
      %get3A_32 = arith.constant 48 : index
      %get3A_33 = tpu.vector_load %arg5[%get3A_31, %get3A_32] {strides = array<i32>} : memref<4x128xi32, #tpu.memory_space<vmem>>, vector<16xi32>,
      tpu.vector_store_idx %arg4[%get3A_33], %broadcast_in_dim3A_6 {add = true} : memref<10240xf32, #tpu.memory_space<vmem>>[vector<16xi32>], vector<16xf32>,
      %get3A_34 = arith.constant 0 : i32
      %get3A_35 = arith.index_cast %get3A_34 : i32 to index
      %get3A_36 = arith.constant 64 : index
      %get3A_37 = tpu.vector_load %arg5[%get3A_35, %get3A_36] {strides = array<i32>} : memref<4x128xi32, #tpu.memory_space<vmem>>, vector<16xi32>,
      tpu.vector_store_idx %arg4[%get3A_37], %broadcast_in_dim3A_6 {add = true} : memref<10240xf32, #tpu.memory_space<vmem>>[vector<16xi32>], vector<16xf32>,
      %get3A_38 = arith.constant 0 : i32
      %get3A_39 = arith.index_cast %get3A_38 : i32 to index
      %get3A_40 = arith.constant 80 : index
      %get3A_41 = tpu.vector_load %arg5[%get3A_39, %get3A_40] {strides = array<i32>} : memref<4x128xi32, #tpu.memory_space<vmem>>, vector<16xi32>,
      tpu.vector_store_idx %arg4[%get3A_41], %broadcast_in_dim3A_6 {add = true} : memref<10240xf32, #tpu.memory_space<vmem>>[vector<16xi32>], vector<16xf32>,
      %get3A_42 = arith.constant 0 : i32
      %get3A_43 = arith.index_cast %get3A_42 : i32 to index
      %get3A_44 = arith.constant 96 : index
      %get3A_45 = tpu.vector_load %arg5[%get3A_43, %get3A_44] {strides = array<i32>} : memref<4x128xi32, #tpu.memory_space<vmem>>, vector<16xi32>,
      tpu.vector_store_idx %arg4[%get3A_45], %broadcast_in_dim3A_6 {add = true} : memref<10240xf32, #tpu.memory_space<vmem>>[vector<16xi32>], vector<16xf32>,
      %get3A_46 = arith.constant 0 : i32
      %get3A_47 = arith.index_cast %get3A_46 : i32 to index
      %get3A_48 = arith.constant 112 : index
      %get3A_49 = tpu.vector_load %arg5[%get3A_47, %get3A_48] {strides = array<i32>} : memref<4x128xi32, #tpu.memory_space<vmem>>, vector<16xi32>,
      tpu.vector_store_idx %arg4[%get3A_49], %broadcast_in_dim3A_6 {add = true} : memref<10240xf32, #tpu.memory_space<vmem>>[vector<16xi32>], vector<16xf32>,
      %get3A_50 = arith.constant 1 : i32
      %get3A_51 = arith.index_cast %get3A_50 : i32 to index
      %get3A_52 = arith.constant 0 : index
      %get3A_53 = tpu.vector_load %arg5[%get3A_51, %get3A_52] {strides = array<i32>} : memref<4x128xi32, #tpu.memory_space<vmem>>, vector<16xi32>,
      tpu.vector_store_idx %arg4[%get3A_53], %broadcast_in_dim3A_6 {add = true} : memref<10240xf32, #tpu.memory_space<vmem>>[vector<16xi32>], vector<16xf32>,
      %get3A_54 = arith.constant 1 : i32
      %get3A_55 = arith.index_cast %get3A_54 : i32 to index
      %get3A_56 = arith.constant 16 : index
      %get3A_57 = tpu.vector_load %arg5[%get3A_55, %get3A_56] {strides = array<i32>} : memref<4x128xi32, #tpu.memory_space<vmem>>, vector<16xi32>,
      tpu.vector_store_idx %arg4[%get3A_57], %broadcast_in_dim3A_6 {add = true} : memref<10240xf32, #tpu.memory_space<vmem>>[vector<16xi32>], vector<16xf32>,
      %get3A_58 = arith.constant 1 : i32
      %get3A_59 = arith.index_cast %get3A_58 : i32 to index
      %get3A_60 = arith.constant 32 : index
      %get3A_61 = tpu.vector_load %arg5[%get3A_59, %get3A_60] {strides = array<i32>} : memref<4x128xi32, #tpu.memory_space<vmem>>, vector<16xi32>,
      tpu.vector_store_idx %arg4[%get3A_61], %broadcast_in_dim3A_6 {add = true} : memref<10240xf32, #tpu.memory_space<vmem>>[vector<16xi32>], vector<16xf32>,
      %get3A_62 = arith.constant 1 : i32
      %get3A_63 = arith.index_cast %get3A_62 : i32 to index
      %get3A_64 = arith.constant 48 : index
      %get3A_65 = tpu.vector_load %arg5[%get3A_63, %get3A_64] {strides = array<i32>} : memref<4x128xi32, #tpu.memory_space<vmem>>, vector<16xi32>,
      tpu.vector_store_idx %arg4[%get3A_65], %broadcast_in_dim3A_6 {add = true} : memref<10240xf32, #tpu.memory_space<vmem>>[vector<16xi32>], vector<16xf32>,
      %get3A_66 = arith.constant 1 : i32
      %get3A_67 = arith.index_cast %get3A_66 : i32 to index
      %get3A_68 = arith.constant 64 : index
      %get3A_69 = tpu.vector_load %arg5[%get3A_67, %get3A_68] {strides = array<i32>} : memref<4x128xi32, #tpu.memory_space<vmem>>, vector<16xi32>,
      tpu.vector_store_idx %arg4[%get3A_69], %broadcast_in_dim3A_6 {add = true} : memref<10240xf32, #tpu.memory_space<vmem>>[vector<16xi32>], vector<16xf32>,
      %get3A_70 = arith.constant 1 : i32
      %get3A_71 = arith.index_cast %get3A_70 : i32 to index
      %get3A_72 = arith.constant 80 : index
      %get3A_73 = tpu.vector_load %arg5[%get3A_71, %get3A_72] {strides = array<i32>} : memref<4x128xi32, #tpu.memory_space<vmem>>, vector<16xi32>,
      tpu.vector_store_idx %arg4[%get3A_73], %broadcast_in_dim3A_6 {add = true} : memref<10240xf32, #tpu.memory_space<vmem>>[vector<16xi32>], vector<16xf32>,
      %get3A_74 = arith.constant 1 : i32
      %get3A_75 = arith.index_cast %get3A_74 : i32 to index
      %get3A_76 = arith.constant 96 : index
      %get3A_77 = tpu.vector_load %arg5[%get3A_75, %get3A_76] {strides = array<i32>} : memref<4x128xi32, #tpu.memory_space<vmem>>, vector<16xi32>,
      tpu.vector_store_idx %arg4[%get3A_77], %broadcast_in_dim3A_6 {add = true} : memref<10240xf32, #tpu.memory_space<vmem>>[vector<16xi32>], vector<16xf32>,
      %get3A_78 = arith.constant 1 : i32
      %get3A_79 = arith.index_cast %get3A_78 : i32 to index
      %get3A_80 = arith.constant 112 : index
      %get3A_81 = tpu.vector_load %arg5[%get3A_79, %get3A_80] {strides = array<i32>} : memref<4x128xi32, #tpu.memory_space<vmem>>, vector<16xi32>,
      tpu.vector_store_idx %arg4[%get3A_81], %broadcast_in_dim3A_6 {add = true} : memref<10240xf32, #tpu.memory_space<vmem>>[vector<16xi32>], vector<16xf32>,
      %get3A_82 = arith.constant 2 : i32
      %get3A_83 = arith.index_cast %get3A_82 : i32 to index
      %get3A_84 = arith.constant 0 : index
      %get3A_85 = tpu.vector_load %arg5[%get3A_83, %get3A_84] {strides = array<i32>} : memref<4x128xi32, #tpu.memory_space<vmem>>, vector<16xi32>,
      tpu.vector_store_idx %arg4[%get3A_85], %broadcast_in_dim3A_6 {add = true} : memref<10240xf32, #tpu.memory_space<vmem>>[vector<16xi32>], vector<16xf32>,
      %get3A_86 = arith.constant 2 : i32
      %get3A_87 = arith.index_cast %get3A_86 : i32 to index
      %get3A_88 = arith.constant 16 : index
      %get3A_89 = tpu.vector_load %arg5[%get3A_87, %get3A_88] {strides = array<i32>} : memref<4x128xi32, #tpu.memory_space<vmem>>, vector<16xi32>,
      tpu.vector_store_idx %arg4[%get3A_89], %broadcast_in_dim3A_6 {add = true} : memref<10240xf32, #tpu.memory_space<vmem>>[vector<16xi32>], vector<16xf32>,
      %get3A_90 = arith.constant 2 : i32
      %get3A_91 = arith.index_cast %get3A_90 : i32 to index
      %get3A_92 = arith.constant 32 : index
      %get3A_93 = tpu.vector_load %arg5[%get3A_91, %get3A_92] {strides = array<i32>} : memref<4x128xi32, #tpu.memory_space<vmem>>, vector<16xi32>,
      tpu.vector_store_idx %arg4[%get3A_93], %broadcast_in_dim3A_6 {add = true} : memref<10240xf32, #tpu.memory_space<vmem>>[vector<16xi32>], vector<16xf32>,
      %get3A_94 = arith.constant 2 : i32
      %get3A_95 = arith.index_cast %get3A_94 : i32 to index
      %get3A_96 = arith.constant 48 : index
      %get3A_97 = tpu.vector_load %arg5[%get3A_95, %get3A_96] {strides = array<i32>} : memref<4x128xi32, #tpu.memory_space<vmem>>, vector<16xi32>,
      tpu.vector_store_idx %arg4[%get3A_97], %broadcast_in_dim3A_6 {add = true} : memref<10240xf32, #tpu.memory_space<vmem>>[vector<16xi32>], vector<16xf32>,
      %get3A_98 = arith.constant 2 : i32
      %get3A_99 = arith.index_cast %get3A_98 : i32 to index
      %get3A_100 = arith.constant 64 : index
      %get3A_101 = tpu.vector_load %arg5[%get3A_99, %get3A_100] {strides = array<i32>} : memref<4x128xi32, #tpu.memory_space<vmem>>, vector<16xi32>,
      tpu.vector_store_idx %arg4[%get3A_101], %broadcast_in_dim3A_6 {add = true} : memref<10240xf32, #tpu.memory_space<vmem>>[vector<16xi32>], vector<16xf32>,
      %get3A_102 = arith.constant 2 : i32
      %get3A_103 = arith.index_cast %get3A_102 : i32 to index
      %get3A_104 = arith.constant 80 : index
      %get3A_105 = tpu.vector_load %arg5[%get3A_103, %get3A_104] {strides = array<i32>} : memref<4x128xi32, #tpu.memory_space<vmem>>, vector<16xi32>,
      tpu.vector_store_idx %arg4[%get3A_105], %broadcast_in_dim3A_6 {add = true} : memref<10240xf32, #tpu.memory_space<vmem>>[vector<16xi32>], vector<16xf32>,
      %get3A_106 = arith.constant 2 : i32
      %get3A_107 = arith.index_cast %get3A_106 : i32 to index
      %get3A_108 = arith.constant 96 : index
      %get3A_109 = tpu.vector_load %arg5[%get3A_107, %get3A_108] {strides = array<i32>} : memref<4x128xi32, #tpu.memory_space<vmem>>, vector<16xi32>,
      tpu.vector_store_idx %arg4[%get3A_109], %broadcast_in_dim3A_6 {add = true} : memref<10240xf32, #tpu.memory_space<vmem>>[vector<16xi32>], vector<16xf32>,
      %get3A_110 = arith.constant 2 : i32
      %get3A_111 = arith.index_cast %get3A_110 : i32 to index
      %get3A_112 = arith.constant 112 : index
      %get3A_113 = tpu.vector_load %arg5[%get3A_111, %get3A_112] {strides = array<i32>} : memref<4x128xi32, #tpu.memory_space<vmem>>, vector<16xi32>,
      tpu.vector_store_idx %arg4[%get3A_113], %broadcast_in_dim3A_6 {add = true} : memref<10240xf32, #tpu.memory_space<vmem>>[vector<16xi32>], vector<16xf32>,
      %get3A_114 = arith.constant 3 : i32
      %get3A_115 = arith.index_cast %get3A_114 : i32 to index
      %get3A_116 = arith.constant 0 : index
      %get3A_117 = tpu.vector_load %arg5[%get3A_115, %get3A_116] {strides = array<i32>} : memref<4x128xi32, #tpu.memory_space<vmem>>, vector<16xi32>,
      tpu.vector_store_idx %arg4[%get3A_117], %broadcast_in_dim3A_6 {add = true} : memref<10240xf32, #tpu.memory_space<vmem>>[vector<16xi32>], vector<16xf32>,
      %get3A_118 = arith.constant 3 : i32
      %get3A_119 = arith.index_cast %get3A_118 : i32 to index
      %get3A_120 = arith.constant 16 : index
      %get3A_121 = tpu.vector_load %arg5[%get3A_119, %get3A_120] {strides = array<i32>} : memref<4x128xi32, #tpu.memory_space<vmem>>, vector<16xi32>,
      tpu.vector_store_idx %arg4[%get3A_121], %broadcast_in_dim3A_6 {add = true} : memref<10240xf32, #tpu.memory_space<vmem>>[vector<16xi32>], vector<16xf32>,
      %get3A_122 = arith.constant 3 : i32
      %get3A_123 = arith.index_cast %get3A_122 : i32 to index
      %get3A_124 = arith.constant 32 : index
      %get3A_125 = tpu.vector_load %arg5[%get3A_123, %get3A_124] {strides = array<i32>} : memref<4x128xi32, #tpu.memory_space<vmem>>, vector<16xi32>,
      tpu.vector_store_idx %arg4[%get3A_125], %broadcast_in_dim3A_6 {add = true} : memref<10240xf32, #tpu.memory_space<vmem>>[vector<16xi32>], vector<16xf32>,
      %get3A_126 = arith.constant 3 : i32
      %get3A_127 = arith.index_cast %get3A_126 : i32 to index
      %get3A_128 = arith.constant 48 : index
      %get3A_129 = tpu.vector_load %arg5[%get3A_127, %get3A_128] {strides = array<i32>} : memref<4x128xi32, #tpu.memory_space<vmem>>, vector<16xi32>,
      tpu.vector_store_idx %arg4[%get3A_129], %broadcast_in_dim3A_6 {add = true} : memref<10240xf32, #tpu.memory_space<vmem>>[vector<16xi32>], vector<16xf32>,
      %get3A_130 = arith.constant 3 : i32
      %get3A_131 = arith.index_cast %get3A_130 : i32 to index
      %get3A_132 = arith.constant 64 : index
      %get3A_133 = tpu.vector_load %arg5[%get3A_131, %get3A_132] {strides = array<i32>} : memref<4x128xi32, #tpu.memory_space<vmem>>, vector<16xi32>,
      tpu.vector_store_idx %arg4[%get3A_133], %broadcast_in_dim3A_6 {add = true} : memref<10240xf32, #tpu.memory_space<vmem>>[vector<16xi32>], vector<16xf32>,
      %get3A_134 = arith.constant 3 : i32
      %get3A_135 = arith.index_cast %get3A_134 : i32 to index
      %get3A_136 = arith.constant 80 : index
      %get3A_137 = tpu.vector_load %arg5[%get3A_135, %get3A_136] {strides = array<i32>} : memref<4x128xi32, #tpu.memory_space<vmem>>, vector<16xi32>,
      tpu.vector_store_idx %arg4[%get3A_137], %broadcast_in_dim3A_6 {add = true} : memref<10240xf32, #tpu.memory_space<vmem>>[vector<16xi32>], vector<16xf32>,
      %get3A_138 = arith.constant 3 : i32
      %get3A_139 = arith.index_cast %get3A_138 : i32 to index
      %get3A_140 = arith.constant 96 : index
      %get3A_141 = tpu.vector_load %arg5[%get3A_139, %get3A_140] {strides = array<i32>} : memref<4x128xi32, #tpu.memory_space<vmem>>, vector<16xi32>,
      tpu.vector_store_idx %arg4[%get3A_141], %broadcast_in_dim3A_6 {add = true} : memref<10240xf32, #tpu.memory_space<vmem>>[vector<16xi32>], vector<16xf32>,
      %get3A_142 = arith.constant 3 : i32
      %get3A_143 = arith.index_cast %get3A_142 : i32 to index
      %get3A_144 = arith.constant 112 : index
      %get3A_145 = tpu.vector_load %arg5[%get3A_143, %get3A_144] {strides = array<i32>} : memref<4x128xi32, #tpu.memory_space<vmem>>, vector<16xi32>,
      tpu.vector_store_idx %arg4[%get3A_145], %broadcast_in_dim3A_6 {add = true} : memref<10240xf32, #tpu.memory_space<vmem>>[vector<16xi32>], vector<16xf32>,
    }
    %scan3A_14 = arith.constant 20 : i32
    "tpu.region"() ({
      %run_scoped3A = tpu.sem_alloc : memref<!tpu.dma_semaphore, #tpu.memory_space<semaphore_mem>>
      %dma_start3A = arith.constant 0 : i32
      %dma_start3A_15 = tpu.memref_slice %arg3[%add3A, %dma_start3A] : memref<32x10240xf32, #tpu.memory_space<hbm>> -> memref<1x10240xf32, #tpu.memory_space<hbm>>
      %dma_start3A_16 = tpu.memref_squeeze %dma_start3A_15 : memref<1x10240xf32, #tpu.memory_space<hbm>> -> memref<10240xf32, #tpu.memory_space<hbm>>
      %dma_start3A_17 = arith.constant 0 : i32
      %dma_start3A_18 = tpu.memref_slice %arg3[%add3A, %dma_start3A_17] : memref<32x10240xf32, #tpu.memory_space<hbm>> -> memref<1x10240xf32, #tpu.memory_space<hbm>>
      %dma_start3A_19 = tpu.memref_squeeze %dma_start3A_18 : memref<1x10240xf32, #tpu.memory_space<hbm>> -> memref<10240xf32, #tpu.memory_space<hbm>>
      tpu.enqueue_dma source(%arg4 : memref<10240xf32, #tpu.memory_space<vmem>>) target(%dma_start3A_19 : memref<10240xf32, #tpu.memory_space<hbm>>) target_semaphore(%run_scoped3A : memref<!tpu.dma_semaphore, #tpu.memory_space<semaphore_mem>>)
      %dma_wait3A = arith.constant 0 : i32
      %dma_wait3A_20 = tpu.memref_slice %arg3[%add3A, %dma_wait3A] : memref<32x10240xf32, #tpu.memory_space<hbm>> -> memref<1x10240xf32, #tpu.memory_space<hbm>>
      %dma_wait3A_21 = tpu.memref_squeeze %dma_wait3A_20 : memref<1x10240xf32, #tpu.memory_space<hbm>> -> memref<10240xf32, #tpu.memory_space<hbm>>
      %dma_wait3A_22 = arith.constant 0 : i32
      %dma_wait3A_23 = tpu.memref_slice %arg3[%add3A, %dma_wait3A_22] : memref<32x10240xf32, #tpu.memory_space<hbm>> -> memref<1x10240xf32, #tpu.memory_space<hbm>>
      %dma_wait3A_24 = tpu.memref_squeeze %dma_wait3A_23 : memref<1x10240xf32, #tpu.memory_space<hbm>> -> memref<10240xf32, #tpu.memory_space<hbm>>
      tpu.wait_dma2 semaphore(%run_scoped3A : memref<!tpu.dma_semaphore, #tpu.memory_space<semaphore_mem>>) src(%arg4 : memref<10240xf32, #tpu.memory_space<vmem>>) dst(%dma_wait3A_24 : memref<10240xf32, #tpu.memory_space<hbm>>)
      tpu.yield
    }) : () -> ()
    return
  }
}

module attributes {stable_mosaic.version = 14 : i64} {
  func.func @_tc1_body(%arg0: i32, %arg1: memref<1024x14xf32, #tpu.memory_space<vmem>>, %arg2: memref<32x1024xf32, #tpu.memory_space<vmem>>, %arg3: memref<128x14xf32, #tpu.memory_space<vmem>>, %arg4: memref<128xf32, #tpu.memory_space<vmem>>, %arg5: memref<128x128xf32, #tpu.memory_space<vmem>>, %arg6: memref<2x1024x64xf32, #tpu.memory_space<vmem>>) attributes {dimension_semantics = [#tpu.dimension_semantics<arbitrary>], iteration_bounds = array<i64: 10>, scalar_prefetch = 0 : i64, scratch_operands = 0 : i64, tpu.core_type = #tpu.core_type<tc>, window_params = [{transform_indices = @transform_0, window_bounds = array<i64: 1024, 14>}, {transform_indices = @transform_1, window_bounds = array<i64: 32, 1024>}, {pipeline_mode = #tpu.pipeline_mode<synchronous>, transform_indices = @transform_2, window_bounds = array<i64: 128, 14>}, {pipeline_mode = #tpu.pipeline_mode<synchronous>, transform_indices = @transform_3, window_bounds = array<i64: 128>}, {pipeline_mode = #tpu.pipeline_mode<synchronous>, transform_indices = @transform_4, window_bounds = array<i64: 128, 128>}, {transform_indices = @transform_5, window_bounds = array<i64: 2, 1024, 64>}]} {
    %get3A = arith.constant 0 : index
    %get3A_0 = arith.constant 0 : index
    %get3A_1 = vector.load %arg2[%get3A, %get3A_0] : memref<32x1024xf32, #tpu.memory_space<vmem>>, vector<32x1024xf32>
    %reduce_sum3A = arith.constant dense<0.000000e+00> : vector<1024xf32>
    %reduce_sum3A_2 = vector.multi_reduction <add>, %get3A_1, %reduce_sum3A [0] : vector<32x1024xf32> to vector<1024xf32>
    %add3A = arith.constant 1.000000e+00 : f32
    %add3A_3 = vector.broadcast %add3A : f32 to vector<1024xf32>
    %add3A_4 = arith.addf %add3A_3, %reduce_sum3A_2 : vector<1024xf32>
    %rsqrt3A = math.rsqrt %add3A_4 : vector<1024xf32>
    %get3A_5 = arith.constant 0 : index
    %get3A_6 = arith.constant 0 : index
    %get3A_7 = vector.load %arg1[%get3A_5, %get3A_6] : memref<1024x14xf32, #tpu.memory_space<vmem>>, vector<1024x14xf32>
    %get3A_8 = arith.constant 0 : index
    %get3A_9 = arith.constant 0 : index
    %get3A_10 = vector.load %arg3[%get3A_8, %get3A_9] : memref<128x14xf32, #tpu.memory_space<vmem>>, vector<128x14xf32>
    %transpose3A = tpu.transpose %get3A_10, [1, 0] : vector<128x14xf32> -> vector<14x128xf32>
    %convert_element_type3A = arith.truncf %get3A_7 : vector<1024x14xf32> to vector<1024x14xbf16>
    %convert_element_type3A_11 = arith.truncf %transpose3A : vector<14x128xf32> to vector<14x128xbf16>
    %dot_general3A = arith.constant dense<0.000000e+00> : vector<1024x128xf32>
    %dot_general3A_12 = tpu.matmul %convert_element_type3A, %convert_element_type3A_11, %dot_general3A {dimension_numbers = #tpu.dot_dimension_numbers<[1], [0], [0], [1], [0, 0, 1, 1], [], []>, transpose_lhs_hint = false} : vector<1024x14xbf16>, vector<14x128xbf16>, vector<1024x128xf32> -> vector<1024x128xf32>
    %get3A_13 = arith.constant 0 : index
    %get3A_14 = vector.load %arg4[%get3A_13] : memref<128xf32, #tpu.memory_space<vmem>>, vector<128xf32>
    %broadcast_in_dim3A = vector.shape_cast %get3A_14 : vector<128xf32> to vector<1x128xf32>
    %add3A_15 = vector.broadcast %broadcast_in_dim3A : vector<1x128xf32> to vector<1024x128xf32>
    %add3A_16 = arith.addf %dot_general3A_12, %add3A_15 : vector<1024x128xf32>
    %get3A_17 = arith.constant 0 : index
    %get3A_18 = arith.constant 0 : index
    %get3A_19 = vector.load %arg5[%get3A_17, %get3A_18] : memref<128x128xf32, #tpu.memory_space<vmem>>, vector<128x128xf32>
    %transpose3A_20 = tpu.transpose %get3A_19, [1, 0] : vector<128x128xf32> -> vector<128x128xf32>
    %convert_element_type3A_21 = arith.truncf %add3A_16 : vector<1024x128xf32> to vector<1024x128xbf16>
    %convert_element_type3A_22 = arith.truncf %transpose3A_20 : vector<128x128xf32> to vector<128x128xbf16>
    %dot_general3A_23 = arith.constant dense<0.000000e+00> : vector<1024x128xf32>
    %dot_general3A_24 = tpu.matmul %convert_element_type3A_21, %convert_element_type3A_22, %dot_general3A_23 {dimension_numbers = #tpu.dot_dimension_numbers<[1], [0], [0], [1], [0, 0, 1, 1], [], []>, transpose_lhs_hint = false} : vector<1024x128xbf16>, vector<128x128xbf16>, vector<1024x128xf32> -> vector<1024x128xf32>
    %broadcast_in_dim3A_25 = vector.shape_cast %rsqrt3A : vector<1024xf32> to vector<1024x1xf32>
    %mul3A = vector.broadcast %broadcast_in_dim3A_25 : vector<1024x1xf32> to vector<1024x128xf32>
    %mul3A_26 = arith.mulf %dot_general3A_24, %mul3A : vector<1024x128xf32>
    %slice3A = vector.extract_strided_slice %mul3A_26 {offsets = [0, 0], sizes = [1024, 64], strides = [1, 1]} : vector<1024x128xf32> to vector<1024x64xf32>
    %swap3A = arith.constant 0 : index
    %swap3A_27 = arith.constant 0 : index
    %swap3A_28 = arith.constant 0 : index
    %swap3A_29 = vector.load %arg6[%swap3A, %swap3A_27, %swap3A_28] : memref<2x1024x64xf32, #tpu.memory_space<vmem>>, vector<1x1024x64xf32>
    %swap3A_30 = vector.shape_cast %swap3A_29 : vector<1x1024x64xf32> to vector<1024x64xf32>
    %swap3A_31 = vector.shape_cast %slice3A : vector<1024x64xf32> to vector<1x1024x64xf32>
    tpu.vector_store %arg6[%swap3A, %swap3A_27, %swap3A_28], %swap3A_31 {strides = array<i32>} : memref<2x1024x64xf32, #tpu.memory_space<vmem>>, vector<1x1024x64xf32>,
    %slice3A_32 = vector.extract_strided_slice %mul3A_26 {offsets = [0, 64], sizes = [1024, 64], strides = [1, 1]} : vector<1024x128xf32> to vector<1024x64xf32>
    %swap3A_33 = arith.constant 1 : index
    %swap3A_34 = arith.constant 0 : index
    %swap3A_35 = arith.constant 0 : index
    %swap3A_36 = vector.load %arg6[%swap3A_33, %swap3A_34, %swap3A_35] : memref<2x1024x64xf32, #tpu.memory_space<vmem>>, vector<1x1024x64xf32>
    %swap3A_37 = vector.shape_cast %swap3A_36 : vector<1x1024x64xf32> to vector<1024x64xf32>
    %swap3A_38 = vector.shape_cast %slice3A_32 : vector<1024x64xf32> to vector<1x1024x64xf32>
    tpu.vector_store %arg6[%swap3A_33, %swap3A_34, %swap3A_35], %swap3A_38 {strides = array<i32>} : memref<2x1024x64xf32, #tpu.memory_space<vmem>>, vector<1x1024x64xf32>,
    return
  }
  func.func @transform_0(%arg0: i32) -> (i32, i32) {
    %c0_i32 = arith.constant 0 : i32
    %c0_i32_0 = arith.constant 0 : i32
    return %arg0, %c0_i32 : i32, i32
  }
  func.func @transform_1(%arg0: i32) -> (i32, i32) {
    %c0_i32 = arith.constant 0 : i32
    %c0_i32_0 = arith.constant 0 : i32
    return %c0_i32, %arg0 : i32, i32
  }
  func.func @transform_2(%arg0: i32) -> (i32, i32) {
    %c0_i32 = arith.constant 0 : i32
    %c0_i32_0 = arith.constant 0 : i32
    %c0_i32_1 = arith.constant 0 : i32
    return %c0_i32, %c0_i32_0 : i32, i32
  }
  func.func @transform_3(%arg0: i32) -> i32 {
    %c0_i32 = arith.constant 0 : i32
    %c0_i32_0 = arith.constant 0 : i32
    return %c0_i32 : i32
  }
  func.func @transform_4(%arg0: i32) -> (i32, i32) {
    %c0_i32 = arith.constant 0 : i32
    %c0_i32_0 = arith.constant 0 : i32
    %c0_i32_1 = arith.constant 0 : i32
    return %c0_i32, %c0_i32_0 : i32, i32
  }
  func.func @transform_5(%arg0: i32) -> (i32, i32, i32) {
    %c0_i32 = arith.constant 0 : i32
    %c0_i32_0 = arith.constant 0 : i32
    %c0_i32_1 = arith.constant 0 : i32
    return %c0_i32, %arg0, %c0_i32_0 : i32, i32, i32
  }
}

module attributes {stable_mosaic.version = 14 : i64} {
  func.func @_tc2_body(%arg0: i32, %arg1: memref<2x1024x64xf32, #tpu.memory_space<vmem>>, %arg2: memref<32x1024xf32, #tpu.memory_space<vmem>>, %arg3: memref<128xf32, #tpu.memory_space<vmem>>, %arg4: memref<128xf32, #tpu.memory_space<vmem>>, %arg5: memref<128xf32, #tpu.memory_space<vmem>>, %arg6: memref<128xf32, #tpu.memory_space<vmem>>, %arg7: memref<128xf32, #tpu.memory_space<vmem>>, %arg8: memref<128x128xf32, #tpu.memory_space<vmem>>, %arg9: memref<2x1024x64xf32, #tpu.memory_space<vmem>>) attributes {dimension_semantics = [#tpu.dimension_semantics<arbitrary>], iteration_bounds = array<i64: 10>, scalar_prefetch = 0 : i64, scratch_operands = 0 : i64, tpu.core_type = #tpu.core_type<tc>, window_params = [{transform_indices = @transform_0, window_bounds = array<i64: 2, 1024, 64>}, {transform_indices = @transform_1, window_bounds = array<i64: 32, 1024>}, {pipeline_mode = #tpu.pipeline_mode<synchronous>, transform_indices = @transform_2, window_bounds = array<i64: 128>}, {pipeline_mode = #tpu.pipeline_mode<synchronous>, transform_indices = @transform_3, window_bounds = array<i64: 128>}, {pipeline_mode = #tpu.pipeline_mode<synchronous>, transform_indices = @transform_4, window_bounds = array<i64: 128>}, {pipeline_mode = #tpu.pipeline_mode<synchronous>, transform_indices = @transform_5, window_bounds = array<i64: 128>}, {pipeline_mode = #tpu.pipeline_mode<synchronous>, transform_indices = @transform_6, window_bounds = array<i64: 128>}, {pipeline_mode = #tpu.pipeline_mode<synchronous>, transform_indices = @transform_7, window_bounds = array<i64: 128, 128>}, {transform_indices = @transform_8, window_bounds = array<i64: 2, 1024, 64>}]} {
    %get3A = arith.constant 0 : index
    %get3A_0 = arith.constant 0 : index
    %get3A_1 = vector.load %arg2[%get3A, %get3A_0] : memref<32x1024xf32, #tpu.memory_space<vmem>>, vector<32x1024xf32>
    %reduce_sum3A = arith.constant dense<0.000000e+00> : vector<1024xf32>
    %reduce_sum3A_2 = vector.multi_reduction <add>, %get3A_1, %reduce_sum3A [0] : vector<32x1024xf32> to vector<1024xf32>
    %add3A = arith.constant 1.000000e+00 : f32
    %add3A_3 = vector.broadcast %add3A : f32 to vector<1024xf32>
    %add3A_4 = arith.addf %add3A_3, %reduce_sum3A_2 : vector<1024xf32>
    %rsqrt3A = math.rsqrt %add3A_4 : vector<1024xf32>
    %get3A_5 = arith.constant 0 : index
    %get3A_6 = arith.constant 0 : index
    %get3A_7 = arith.constant 0 : index
    %get3A_8 = vector.load %arg1[%get3A_5, %get3A_6, %get3A_7] : memref<2x1024x64xf32, #tpu.memory_space<vmem>>, vector<1x1024x64xf32>
    %get3A_9 = vector.shape_cast %get3A_8 : vector<1x1024x64xf32> to vector<1024x64xf32>
    %get3A_10 = arith.constant 1 : index
    %get3A_11 = arith.constant 0 : index
    %get3A_12 = arith.constant 0 : index
    %get3A_13 = vector.load %arg1[%get3A_10, %get3A_11, %get3A_12] : memref<2x1024x64xf32, #tpu.memory_space<vmem>>, vector<1x1024x64xf32>
    %get3A_14 = vector.shape_cast %get3A_13 : vector<1x1024x64xf32> to vector<1024x64xf32>
    %concatenate3A = tpu.concatenate %get3A_9, %get3A_14 in 1 : vector<1024x64xf32>, vector<1024x64xf32> -> vector<1024x128xf32>
    %broadcast_in_dim3A = vector.shape_cast %rsqrt3A : vector<1024xf32> to vector<1024x1xf32>
    %mul3A = vector.broadcast %broadcast_in_dim3A : vector<1024x1xf32> to vector<1024x128xf32>
    %mul3A_15 = arith.mulf %concatenate3A, %mul3A : vector<1024x128xf32>
    %get3A_16 = arith.constant 0 : index
    %get3A_17 = vector.load %arg3[%get3A_16] : memref<128xf32, #tpu.memory_space<vmem>>, vector<128xf32>
    %broadcast_in_dim3A_18 = vector.shape_cast %get3A_17 : vector<128xf32> to vector<1x128xf32>
    %add3A_19 = vector.broadcast %broadcast_in_dim3A_18 : vector<1x128xf32> to vector<1024x128xf32>
    %add3A_20 = arith.addf %mul3A_15, %add3A_19 : vector<1024x128xf32>
    %get3A_21 = arith.constant 0 : index
    %get3A_22 = vector.load %arg4[%get3A_21] : memref<128xf32, #tpu.memory_space<vmem>>, vector<128xf32>
    %get3A_23 = arith.constant 0 : index
    %get3A_24 = vector.load %arg7[%get3A_23] : memref<128xf32, #tpu.memory_space<vmem>>, vector<128xf32>
    %add3A_25 = arith.constant 9.99999974E-6 : f32
    %add3A_26 = vector.broadcast %add3A_25 : f32 to vector<128xf32>
    %add3A_27 = arith.addf %get3A_24, %add3A_26 : vector<128xf32>
    %rsqrt3A_28 = math.rsqrt %add3A_27 : vector<128xf32>
    %mul3A_29 = arith.mulf %get3A_22, %rsqrt3A_28 : vector<128xf32>
    %get3A_30 = arith.constant 0 : index
    %get3A_31 = vector.load %arg6[%get3A_30] : memref<128xf32, #tpu.memory_space<vmem>>, vector<128xf32>
    %broadcast_in_dim3A_32 = vector.shape_cast %get3A_31 : vector<128xf32> to vector<1x128xf32>
    %sub3A = vector.broadcast %broadcast_in_dim3A_32 : vector<1x128xf32> to vector<1024x128xf32>
    %sub3A_33 = arith.subf %add3A_20, %sub3A : vector<1024x128xf32>
    %broadcast_in_dim3A_34 = vector.shape_cast %mul3A_29 : vector<128xf32> to vector<1x128xf32>
    %mul3A_35 = vector.broadcast %broadcast_in_dim3A_34 : vector<1x128xf32> to vector<1024x128xf32>
    %mul3A_36 = arith.mulf %sub3A_33, %mul3A_35 : vector<1024x128xf32>
    %get3A_37 = arith.constant 0 : index
    %get3A_38 = vector.load %arg5[%get3A_37] : memref<128xf32, #tpu.memory_space<vmem>>, vector<128xf32>
    %broadcast_in_dim3A_39 = vector.shape_cast %get3A_38 : vector<128xf32> to vector<1x128xf32>
    %add3A_40 = vector.broadcast %broadcast_in_dim3A_39 : vector<1x128xf32> to vector<1024x128xf32>
    %add3A_41 = arith.addf %mul3A_36, %add3A_40 : vector<1024x128xf32>
    %max3A = arith.constant 0.000000e+00 : f32
    %max3A_42 = vector.broadcast %max3A : f32 to vector<1024x128xf32>
    %max3A_43 = arith.maximumf %add3A_41, %max3A_42 : vector<1024x128xf32>
    %get3A_44 = arith.constant 0 : index
    %get3A_45 = arith.constant 0 : index
    %get3A_46 = vector.load %arg8[%get3A_44, %get3A_45] : memref<128x128xf32, #tpu.memory_space<vmem>>, vector<128x128xf32>
    %transpose3A = tpu.transpose %get3A_46, [1, 0] : vector<128x128xf32> -> vector<128x128xf32>
    %convert_element_type3A = arith.truncf %max3A_43 : vector<1024x128xf32> to vector<1024x128xbf16>
    %convert_element_type3A_47 = arith.truncf %transpose3A : vector<128x128xf32> to vector<128x128xbf16>
    %dot_general3A = arith.constant dense<0.000000e+00> : vector<1024x128xf32>
    %dot_general3A_48 = tpu.matmul %convert_element_type3A, %convert_element_type3A_47, %dot_general3A {dimension_numbers = #tpu.dot_dimension_numbers<[1], [0], [0], [1], [0, 0, 1, 1], [], []>, transpose_lhs_hint = false} : vector<1024x128xbf16>, vector<128x128xbf16>, vector<1024x128xf32> -> vector<1024x128xf32>
    %broadcast_in_dim3A_49 = vector.shape_cast %rsqrt3A : vector<1024xf32> to vector<1024x1xf32>
    %mul3A_50 = vector.broadcast %broadcast_in_dim3A_49 : vector<1024x1xf32> to vector<1024x128xf32>
    %mul3A_51 = arith.mulf %dot_general3A_48, %mul3A_50 : vector<1024x128xf32>
    %slice3A = vector.extract_strided_slice %mul3A_51 {offsets = [0, 0], sizes = [1024, 64], strides = [1, 1]} : vector<1024x128xf32> to vector<1024x64xf32>
    %swap3A = arith.constant 0 : index
    %swap3A_52 = arith.constant 0 : index
    %swap3A_53 = arith.constant 0 : index
    %swap3A_54 = vector.load %arg9[%swap3A, %swap3A_52, %swap3A_53] : memref<2x1024x64xf32, #tpu.memory_space<vmem>>, vector<1x1024x64xf32>
    %swap3A_55 = vector.shape_cast %swap3A_54 : vector<1x1024x64xf32> to vector<1024x64xf32>
    %swap3A_56 = vector.shape_cast %slice3A : vector<1024x64xf32> to vector<1x1024x64xf32>
    tpu.vector_store %arg9[%swap3A, %swap3A_52, %swap3A_53], %swap3A_56 {strides = array<i32>} : memref<2x1024x64xf32, #tpu.memory_space<vmem>>, vector<1x1024x64xf32>,
    %slice3A_57 = vector.extract_strided_slice %mul3A_51 {offsets = [0, 64], sizes = [1024, 64], strides = [1, 1]} : vector<1024x128xf32> to vector<1024x64xf32>
    %swap3A_58 = arith.constant 1 : index
    %swap3A_59 = arith.constant 0 : index
    %swap3A_60 = arith.constant 0 : index
    %swap3A_61 = vector.load %arg9[%swap3A_58, %swap3A_59, %swap3A_60] : memref<2x1024x64xf32, #tpu.memory_space<vmem>>, vector<1x1024x64xf32>
    %swap3A_62 = vector.shape_cast %swap3A_61 : vector<1x1024x64xf32> to vector<1024x64xf32>
    %swap3A_63 = vector.shape_cast %slice3A_57 : vector<1024x64xf32> to vector<1x1024x64xf32>
    tpu.vector_store %arg9[%swap3A_58, %swap3A_59, %swap3A_60], %swap3A_63 {strides = array<i32>} : memref<2x1024x64xf32, #tpu.memory_space<vmem>>, vector<1x1024x64xf32>,
    return
  }
  func.func @transform_0(%arg0: i32) -> (i32, i32, i32) {
    %c0_i32 = arith.constant 0 : i32
    %c0_i32_0 = arith.constant 0 : i32
    %c0_i32_1 = arith.constant 0 : i32
    return %c0_i32, %arg0, %c0_i32_0 : i32, i32, i32
  }
  func.func @transform_1(%arg0: i32) -> (i32, i32) {
    %c0_i32 = arith.constant 0 : i32
    %c0_i32_0 = arith.constant 0 : i32
    return %c0_i32, %arg0 : i32, i32
  }
  func.func @transform_2(%arg0: i32) -> i32 {
    %c0_i32 = arith.constant 0 : i32
    %c0_i32_0 = arith.constant 0 : i32
    return %c0_i32 : i32
  }
  func.func @transform_3(%arg0: i32) -> i32 {
    %c0_i32 = arith.constant 0 : i32
    %c0_i32_0 = arith.constant 0 : i32
    return %c0_i32 : i32
  }
  func.func @transform_4(%arg0: i32) -> i32 {
    %c0_i32 = arith.constant 0 : i32
    %c0_i32_0 = arith.constant 0 : i32
    return %c0_i32 : i32
  }
  func.func @transform_5(%arg0: i32) -> i32 {
    %c0_i32 = arith.constant 0 : i32
    %c0_i32_0 = arith.constant 0 : i32
    return %c0_i32 : i32
  }
  func.func @transform_6(%arg0: i32) -> i32 {
    %c0_i32 = arith.constant 0 : i32
    %c0_i32_0 = arith.constant 0 : i32
    return %c0_i32 : i32
  }
  func.func @transform_7(%arg0: i32) -> (i32, i32) {
    %c0_i32 = arith.constant 0 : i32
    %c0_i32_0 = arith.constant 0 : i32
    %c0_i32_1 = arith.constant 0 : i32
    return %c0_i32, %c0_i32_0 : i32, i32
  }
  func.func @transform_8(%arg0: i32) -> (i32, i32, i32) {
    %c0_i32 = arith.constant 0 : i32
    %c0_i32_0 = arith.constant 0 : i32
    %c0_i32_1 = arith.constant 0 : i32
    return %c0_i32, %arg0, %c0_i32_0 : i32, i32, i32
  }
}

module attributes {stable_mosaic.version = 14 : i64} {
  func.func @_tc3_body(%arg0: i32, %arg1: memref<2x1024x64xf32, #tpu.memory_space<vmem>>, %arg2: memref<32x1024xf32, #tpu.memory_space<vmem>>, %arg3: memref<128xf32, #tpu.memory_space<vmem>>, %arg4: memref<128xf32, #tpu.memory_space<vmem>>, %arg5: memref<128xf32, #tpu.memory_space<vmem>>, %arg6: memref<128xf32, #tpu.memory_space<vmem>>, %arg7: memref<128xf32, #tpu.memory_space<vmem>>, %arg8: memref<128x128xf32, #tpu.memory_space<vmem>>, %arg9: memref<128xf32, #tpu.memory_space<vmem>>, %arg10: memref<128x128xf32, #tpu.memory_space<vmem>>, %arg11: memref<128xf32, #tpu.memory_space<vmem>>, %arg12: memref<32x128xf32, #tpu.memory_space<vmem>>, %arg13: memref<32xf32, #tpu.memory_space<vmem>>, %arg14: memref<1024x32xf32, #tpu.memory_space<vmem>>) attributes {dimension_semantics = [#tpu.dimension_semantics<arbitrary>], iteration_bounds = array<i64: 10>, scalar_prefetch = 0 : i64, scratch_operands = 0 : i64, tpu.core_type = #tpu.core_type<tc>, window_params = [{transform_indices = @transform_0, window_bounds = array<i64: 2, 1024, 64>}, {transform_indices = @transform_1, window_bounds = array<i64: 32, 1024>}, {pipeline_mode = #tpu.pipeline_mode<synchronous>, transform_indices = @transform_2, window_bounds = array<i64: 128>}, {pipeline_mode = #tpu.pipeline_mode<synchronous>, transform_indices = @transform_3, window_bounds = array<i64: 128>}, {pipeline_mode = #tpu.pipeline_mode<synchronous>, transform_indices = @transform_4, window_bounds = array<i64: 128>}, {pipeline_mode = #tpu.pipeline_mode<synchronous>, transform_indices = @transform_5, window_bounds = array<i64: 128>}, {pipeline_mode = #tpu.pipeline_mode<synchronous>, transform_indices = @transform_6, window_bounds = array<i64: 128>}, {pipeline_mode = #tpu.pipeline_mode<synchronous>, transform_indices = @transform_7, window_bounds = array<i64: 128, 128>}, {pipeline_mode = #tpu.pipeline_mode<synchronous>, transform_indices = @transform_8, window_bounds = array<i64: 128>}, {pipeline_mode = #tpu.pipeline_mode<synchronous>, transform_indices = @transform_9, window_bounds = array<i64: 128, 128>}, {pipeline_mode = #tpu.pipeline_mode<synchronous>, transform_indices = @transform_10, window_bounds = array<i64: 128>}, {pipeline_mode = #tpu.pipeline_mode<synchronous>, transform_indices = @transform_11, window_bounds = array<i64: 32, 128>}, {pipeline_mode = #tpu.pipeline_mode<synchronous>, transform_indices = @transform_12, window_bounds = array<i64: 32>}, {transform_indices = @transform_13, window_bounds = array<i64: 1024, 32>}]} {
    %get3A = arith.constant 0 : index
    %get3A_0 = arith.constant 0 : index
    %get3A_1 = vector.load %arg2[%get3A, %get3A_0] : memref<32x1024xf32, #tpu.memory_space<vmem>>, vector<32x1024xf32>
    %reduce_sum3A = arith.constant dense<0.000000e+00> : vector<1024xf32>
    %reduce_sum3A_2 = vector.multi_reduction <add>, %get3A_1, %reduce_sum3A [0] : vector<32x1024xf32> to vector<1024xf32>
    %add3A = arith.constant 1.000000e+00 : f32
    %add3A_3 = vector.broadcast %add3A : f32 to vector<1024xf32>
    %add3A_4 = arith.addf %add3A_3, %reduce_sum3A_2 : vector<1024xf32>
    %rsqrt3A = math.rsqrt %add3A_4 : vector<1024xf32>
    %get3A_5 = arith.constant 0 : index
    %get3A_6 = arith.constant 0 : index
    %get3A_7 = arith.constant 0 : index
    %get3A_8 = vector.load %arg1[%get3A_5, %get3A_6, %get3A_7] : memref<2x1024x64xf32, #tpu.memory_space<vmem>>, vector<1x1024x64xf32>
    %get3A_9 = vector.shape_cast %get3A_8 : vector<1x1024x64xf32> to vector<1024x64xf32>
    %get3A_10 = arith.constant 1 : index
    %get3A_11 = arith.constant 0 : index
    %get3A_12 = arith.constant 0 : index
    %get3A_13 = vector.load %arg1[%get3A_10, %get3A_11, %get3A_12] : memref<2x1024x64xf32, #tpu.memory_space<vmem>>, vector<1x1024x64xf32>
    %get3A_14 = vector.shape_cast %get3A_13 : vector<1x1024x64xf32> to vector<1024x64xf32>
    %concatenate3A = tpu.concatenate %get3A_9, %get3A_14 in 1 : vector<1024x64xf32>, vector<1024x64xf32> -> vector<1024x128xf32>
    %broadcast_in_dim3A = vector.shape_cast %rsqrt3A : vector<1024xf32> to vector<1024x1xf32>
    %mul3A = vector.broadcast %broadcast_in_dim3A : vector<1024x1xf32> to vector<1024x128xf32>
    %mul3A_15 = arith.mulf %concatenate3A, %mul3A : vector<1024x128xf32>
    %get3A_16 = arith.constant 0 : index
    %get3A_17 = vector.load %arg3[%get3A_16] : memref<128xf32, #tpu.memory_space<vmem>>, vector<128xf32>
    %broadcast_in_dim3A_18 = vector.shape_cast %get3A_17 : vector<128xf32> to vector<1x128xf32>
    %add3A_19 = vector.broadcast %broadcast_in_dim3A_18 : vector<1x128xf32> to vector<1024x128xf32>
    %add3A_20 = arith.addf %mul3A_15, %add3A_19 : vector<1024x128xf32>
    %get3A_21 = arith.constant 0 : index
    %get3A_22 = vector.load %arg4[%get3A_21] : memref<128xf32, #tpu.memory_space<vmem>>, vector<128xf32>
    %get3A_23 = arith.constant 0 : index
    %get3A_24 = vector.load %arg7[%get3A_23] : memref<128xf32, #tpu.memory_space<vmem>>, vector<128xf32>
    %add3A_25 = arith.constant 9.99999974E-6 : f32
    %add3A_26 = vector.broadcast %add3A_25 : f32 to vector<128xf32>
    %add3A_27 = arith.addf %get3A_24, %add3A_26 : vector<128xf32>
    %rsqrt3A_28 = math.rsqrt %add3A_27 : vector<128xf32>
    %mul3A_29 = arith.mulf %get3A_22, %rsqrt3A_28 : vector<128xf32>
    %get3A_30 = arith.constant 0 : index
    %get3A_31 = vector.load %arg6[%get3A_30] : memref<128xf32, #tpu.memory_space<vmem>>, vector<128xf32>
    %broadcast_in_dim3A_32 = vector.shape_cast %get3A_31 : vector<128xf32> to vector<1x128xf32>
    %sub3A = vector.broadcast %broadcast_in_dim3A_32 : vector<1x128xf32> to vector<1024x128xf32>
    %sub3A_33 = arith.subf %add3A_20, %sub3A : vector<1024x128xf32>
    %broadcast_in_dim3A_34 = vector.shape_cast %mul3A_29 : vector<128xf32> to vector<1x128xf32>
    %mul3A_35 = vector.broadcast %broadcast_in_dim3A_34 : vector<1x128xf32> to vector<1024x128xf32>
    %mul3A_36 = arith.mulf %sub3A_33, %mul3A_35 : vector<1024x128xf32>
    %get3A_37 = arith.constant 0 : index
    %get3A_38 = vector.load %arg5[%get3A_37] : memref<128xf32, #tpu.memory_space<vmem>>, vector<128xf32>
    %broadcast_in_dim3A_39 = vector.shape_cast %get3A_38 : vector<128xf32> to vector<1x128xf32>
    %add3A_40 = vector.broadcast %broadcast_in_dim3A_39 : vector<1x128xf32> to vector<1024x128xf32>
    %add3A_41 = arith.addf %mul3A_36, %add3A_40 : vector<1024x128xf32>
    %max3A = arith.constant 0.000000e+00 : f32
    %max3A_42 = vector.broadcast %max3A : f32 to vector<1024x128xf32>
    %max3A_43 = arith.maximumf %add3A_41, %max3A_42 : vector<1024x128xf32>
    %get3A_44 = arith.constant 0 : index
    %get3A_45 = arith.constant 0 : index
    %get3A_46 = vector.load %arg8[%get3A_44, %get3A_45] : memref<128x128xf32, #tpu.memory_space<vmem>>, vector<128x128xf32>
    %transpose3A = tpu.transpose %get3A_46, [1, 0] : vector<128x128xf32> -> vector<128x128xf32>
    %convert_element_type3A = arith.truncf %max3A_43 : vector<1024x128xf32> to vector<1024x128xbf16>
    %convert_element_type3A_47 = arith.truncf %transpose3A : vector<128x128xf32> to vector<128x128xbf16>
    %dot_general3A = arith.constant dense<0.000000e+00> : vector<1024x128xf32>
    %dot_general3A_48 = tpu.matmul %convert_element_type3A, %convert_element_type3A_47, %dot_general3A {dimension_numbers = #tpu.dot_dimension_numbers<[1], [0], [0], [1], [0, 0, 1, 1], [], []>, transpose_lhs_hint = false} : vector<1024x128xbf16>, vector<128x128xbf16>, vector<1024x128xf32> -> vector<1024x128xf32>
    %get3A_49 = arith.constant 0 : index
    %get3A_50 = vector.load %arg9[%get3A_49] : memref<128xf32, #tpu.memory_space<vmem>>, vector<128xf32>
    %broadcast_in_dim3A_51 = vector.shape_cast %get3A_50 : vector<128xf32> to vector<1x128xf32>
    %add3A_52 = vector.broadcast %broadcast_in_dim3A_51 : vector<1x128xf32> to vector<1024x128xf32>
    %add3A_53 = arith.addf %dot_general3A_48, %add3A_52 : vector<1024x128xf32>
    %max3A_54 = arith.constant 0.000000e+00 : f32
    %max3A_55 = vector.broadcast %max3A_54 : f32 to vector<1024x128xf32>
    %max3A_56 = arith.maximumf %add3A_53, %max3A_55 : vector<1024x128xf32>
    %get3A_57 = arith.constant 0 : index
    %get3A_58 = arith.constant 0 : index
    %get3A_59 = vector.load %arg10[%get3A_57, %get3A_58] : memref<128x128xf32, #tpu.memory_space<vmem>>, vector<128x128xf32>
    %transpose3A_60 = tpu.transpose %get3A_59, [1, 0] : vector<128x128xf32> -> vector<128x128xf32>
    %convert_element_type3A_61 = arith.truncf %max3A_56 : vector<1024x128xf32> to vector<1024x128xbf16>
    %convert_element_type3A_62 = arith.truncf %transpose3A_60 : vector<128x128xf32> to vector<128x128xbf16>
    %dot_general3A_63 = arith.constant dense<0.000000e+00> : vector<1024x128xf32>
    %dot_general3A_64 = tpu.matmul %convert_element_type3A_61, %convert_element_type3A_62, %dot_general3A_63 {dimension_numbers = #tpu.dot_dimension_numbers<[1], [0], [0], [1], [0, 0, 1, 1], [], []>, transpose_lhs_hint = false} : vector<1024x128xbf16>, vector<128x128xbf16>, vector<1024x128xf32> -> vector<1024x128xf32>
    %get3A_65 = arith.constant 0 : index
    %get3A_66 = vector.load %arg11[%get3A_65] : memref<128xf32, #tpu.memory_space<vmem>>, vector<128xf32>
    %broadcast_in_dim3A_67 = vector.shape_cast %get3A_66 : vector<128xf32> to vector<1x128xf32>
    %add3A_68 = vector.broadcast %broadcast_in_dim3A_67 : vector<1x128xf32> to vector<1024x128xf32>
    %add3A_69 = arith.addf %dot_general3A_64, %add3A_68 : vector<1024x128xf32>
    %max3A_70 = arith.constant 0.000000e+00 : f32
    %max3A_71 = vector.broadcast %max3A_70 : f32 to vector<1024x128xf32>
    %max3A_72 = arith.maximumf %add3A_69, %max3A_71 : vector<1024x128xf32>
    %get3A_73 = arith.constant 0 : index
    %get3A_74 = arith.constant 0 : index
    %get3A_75 = vector.load %arg12[%get3A_73, %get3A_74] : memref<32x128xf32, #tpu.memory_space<vmem>>, vector<32x128xf32>
    %transpose3A_76 = tpu.transpose %get3A_75, [1, 0] : vector<32x128xf32> -> vector<128x32xf32>
    %convert_element_type3A_77 = arith.truncf %max3A_72 : vector<1024x128xf32> to vector<1024x128xbf16>
    %convert_element_type3A_78 = arith.truncf %transpose3A_76 : vector<128x32xf32> to vector<128x32xbf16>
    %dot_general3A_79 = arith.constant dense<0.000000e+00> : vector<1024x32xf32>
    %dot_general3A_80 = tpu.matmul %convert_element_type3A_77, %convert_element_type3A_78, %dot_general3A_79 {dimension_numbers = #tpu.dot_dimension_numbers<[1], [0], [0], [1], [0, 0, 1, 1], [], []>, transpose_lhs_hint = false} : vector<1024x128xbf16>, vector<128x32xbf16>, vector<1024x32xf32> -> vector<1024x32xf32>
    %get3A_81 = arith.constant 0 : index
    %get3A_82 = vector.load %arg13[%get3A_81] : memref<32xf32, #tpu.memory_space<vmem>>, vector<32xf32>
    %broadcast_in_dim3A_83 = vector.shape_cast %get3A_82 : vector<32xf32> to vector<1x32xf32>
    %add3A_84 = vector.broadcast %broadcast_in_dim3A_83 : vector<1x32xf32> to vector<1024x32xf32>
    %add3A_85 = arith.addf %dot_general3A_80, %add3A_84 : vector<1024x32xf32>
    %swap3A = arith.constant 0 : index
    %swap3A_86 = arith.constant 0 : index
    %swap3A_87 = vector.load %arg14[%swap3A, %swap3A_86] : memref<1024x32xf32, #tpu.memory_space<vmem>>, vector<1024x32xf32>
    tpu.vector_store %arg14[%swap3A, %swap3A_86], %add3A_85 {strides = array<i32>} : memref<1024x32xf32, #tpu.memory_space<vmem>>, vector<1024x32xf32>,
    return
  }
  func.func @transform_0(%arg0: i32) -> (i32, i32, i32) {
    %c0_i32 = arith.constant 0 : i32
    %c0_i32_0 = arith.constant 0 : i32
    %c0_i32_1 = arith.constant 0 : i32
    return %c0_i32, %arg0, %c0_i32_0 : i32, i32, i32
  }
  func.func @transform_1(%arg0: i32) -> (i32, i32) {
    %c0_i32 = arith.constant 0 : i32
    %c0_i32_0 = arith.constant 0 : i32
    return %c0_i32, %arg0 : i32, i32
  }
  func.func @transform_2(%arg0: i32) -> i32 {
    %c0_i32 = arith.constant 0 : i32
    %c0_i32_0 = arith.constant 0 : i32
    return %c0_i32 : i32
  }
  func.func @transform_3(%arg0: i32) -> i32 {
    %c0_i32 = arith.constant 0 : i32
    %c0_i32_0 = arith.constant 0 : i32
    return %c0_i32 : i32
  }
  func.func @transform_4(%arg0: i32) -> i32 {
    %c0_i32 = arith.constant 0 : i32
    %c0_i32_0 = arith.constant 0 : i32
    return %c0_i32 : i32
  }
  func.func @transform_5(%arg0: i32) -> i32 {
    %c0_i32 = arith.constant 0 : i32
    %c0_i32_0 = arith.constant 0 : i32
    return %c0_i32 : i32
  }
  func.func @transform_6(%arg0: i32) -> i32 {
    %c0_i32 = arith.constant 0 : i32
    %c0_i32_0 = arith.constant 0 : i32
    return %c0_i32 : i32
  }
  func.func @transform_7(%arg0: i32) -> (i32, i32) {
    %c0_i32 = arith.constant 0 : i32
    %c0_i32_0 = arith.constant 0 : i32
    %c0_i32_1 = arith.constant 0 : i32
    return %c0_i32, %c0_i32_0 : i32, i32
  }
  func.func @transform_8(%arg0: i32) -> i32 {
    %c0_i32 = arith.constant 0 : i32
    %c0_i32_0 = arith.constant 0 : i32
    return %c0_i32 : i32
  }
  func.func @transform_9(%arg0: i32) -> (i32, i32) {
    %c0_i32 = arith.constant 0 : i32
    %c0_i32_0 = arith.constant 0 : i32
    %c0_i32_1 = arith.constant 0 : i32
    return %c0_i32, %c0_i32_0 : i32, i32
  }
  func.func @transform_10(%arg0: i32) -> i32 {
    %c0_i32 = arith.constant 0 : i32
    %c0_i32_0 = arith.constant 0 : i32
    return %c0_i32 : i32
  }
  func.func @transform_11(%arg0: i32) -> (i32, i32) {
    %c0_i32 = arith.constant 0 : i32
    %c0_i32_0 = arith.constant 0 : i32
    %c0_i32_1 = arith.constant 0 : i32
    return %c0_i32, %c0_i32_0 : i32, i32
  }
  func.func @transform_12(%arg0: i32) -> i32 {
    %c0_i32 = arith.constant 0 : i32
    %c0_i32_0 = arith.constant 0 : i32
    return %c0_i32 : i32
  }
  func.func @transform_13(%arg0: i32) -> (i32, i32) {
    %c0_i32 = arith.constant 0 : i32
    %c0_i32_0 = arith.constant 0 : i32
    return %arg0, %c0_i32 : i32, i32
  }
}

</mosaic_0001>

<sc_bundles>
// kernel: kernel.11.cloned.1.call-start
scs
__scs_entry_jumppad:
0x0: {  	(pc) =	sbr.rel $0x88, $3  }
0x1: {  	(tag) =	ssettag $0x0;
	lr =	simm.s32 $0x1  }
0x2: {  	[smem:$0x3F8B] =	sst lr;
	_ =	strace $0xD0000000  }
0x3: {  	_ = 	snop  }
0x4: {  	_ = 	snop  }
0x5: {  	_ = 	snop  }
0x6: {  	_ = 	snop  }
0x7: {  	_ = 	snop  }
__scs_overlays_trampoline_lowered:
0x8: {  	[smem:$0x3F9A] =	sst s0  }
0x9: {  	[smem:$0x3F9B] =	sst s1  }
0xa: {  	[smem:$0x3F9C] =	sst s2  }
0xb: {  	[smem:$0x3F9D] =	sst s3  }
0xc: {  	[smem:$0x3F9E] =	sst s4  }
0xd: {  	[smem:$0x3F9F] =	sst s5  }
0xe: {  	[smem:$0x3FA0] =	sst s6  }
0xf: {  	[smem:$0x3FA1] =	sst s7  }
0x10: {  	[smem:$0x3FA2] =	sst s8  }
0x11: {  	[smem:$0x3FA3] =	sst s9;
	s0 =	simm.s32 @!p0 $0x0  }
0x12: {  	s1 =	sld [smem:$0x3F89];
	s0 =	simm.s32 @p0 $0x1  }
0x13: {  	[smem:$0x3FA4] =	sst s0;
	s0 =	simm.s32 @!p1 $0x0  }
0x14: {  	s2 =	sld [smem:$0x3F88];
	s0 =	simm.s32 @p1 $0x1  }
0x15: {  	[smem:$0x3FA5] =	sst s0;
	s0 =	simm.s32 @!p2 $0x0  }
0x16: {  	s3 =	sld [smem:$0x3FDB];
	s0 =	simm.s32 @p2 $0x1  }
0x17: {  	s4 =	simm.s32 $0x1BF5;
	[smem:$0x3FA7] =	sst s0  }
0x18: {  	s0 =	sld [smem:$0x3F8A];
	_ =	swait.ge [sflag:s4], $0x0  }
0x19: {  	s7 =	sld [smem:$0x3F8B]  }
0x1a: {  	s8 =	sadd.s32 $0xFFFFE003, lr  }
0x1b: {  	s9 =	sadd.s32 $0xFFFFFEF7, lr;
	s5 =	simm.s32 $0xFFFFFFFF;
	p2 =	slt.u32 s8, $0xFFFFF086  }
0x1c: {  	p1 =	slt.u32 s9, $0xF7A;
	s5 =	simm.s32 @!p2 $0x0  }
0x1d: {  	s5 =	simm.s32 @p1 $0x1;
	p0 =	seq.s32 s7, s2  }
0x1e: {  	s7 =	smul.u32 @!p0 $0xF7A, s2;
	p2 =	seq.s32 @!p0 s5, $0x0  }
0x1f: {  	s9 =	smul.u32 $0xF7A, s1;
	s8 =	simm.s32 @!p0 $0x1BF5;
	p2 =	por !p2, p0  }
0x20: {  	[sflag:s8] =	ssyncset.s32 @!p0 $0xFFFFF086;
	s6 =	sadd.s32 @!p0 s3, s7;
	s7 =	simm.s32 @!p0 $0x108  }
0x21: {  	s3 =	sadd.s32 s3, s9;
	s6 =	sadd.s32 @!p0 $0x88, s6;
	s7 =	simm.s32 @p2 $0x1082  }
0x22: {  	[simem:s7], [sflag:s8] =	dma.local @!p0 [hbm:s6], $0xF7A  }
0x23: {  	s9 =	sor.u32 $0xD0000000, s2;
	s6 =	simm.s32 $0x108;
	_ =	swait.ge @!p0 [sflag:s8], $0x0  }
0x24: {  	s3 =	sadd.s32 $0x88, s3;
	s6 =	simm.s32 @!p1 $0x1082;
	[sflag:s4] =	ssyncset.s32 $0xFFFFF086  }
0x25: {  	[simem:s6], [sflag:s4] =	dma.local [hbm:s3], $0xF7A  }
0x26: {  	[smem:$0x3F8B] =	sst s1;
	(tag) =	ssettag s2;
	_ =	strace s9  }
0x27: {  	s1 =	sld [smem:$0x3F9B]  }
0x28: {  	s2 =	sld [smem:$0x3F9C]  }
0x29: {  	s4 =	sld [smem:$0x3F9E]  }
0x2a: {  	p0 =	seq.s32 s5, $0x0;
	s5 =	sld [smem:$0x3F9F]  }
0x2b: {  	s6 =	sld [smem:$0x3FA0]  }
0x2c: {  	s7 =	sld [smem:$0x3FA1]  }
0x2d: {  	s3 =	simm.s32 $0x108;
	s8 =	sld [smem:$0x3FA2]  }
0x2e: {  	s3 =	simm.s32 @!p0 $0x1082;
	s9 =	sld [smem:$0x3FA3]  }
0x2f: {  	lr =	sadd.s32 s0, s3;
	s0 =	sld [smem:$0x3F9A]  }
0x30: {  	s3 =	sld [smem:$0x3F9D]  }
0x31: {  	[smem:$0x3FA6] =	sst s10  }
0x32: {  	s10 =	sld [smem:$0x3FA4];
	_ =	sdelay $0x3  }
0x33: {  	p0 =	seq.s32 s10, $0x1;
	s10 =	sld [smem:$0x3FA6];
	_ =	sdelay $0x3  }
0x34: {  	[smem:$0x3FA6] =	sst s10  }
0x35: {  	s10 =	sld [smem:$0x3FA5];
	_ =	sdelay $0x3  }
0x36: {  	p1 =	seq.s32 s10, $0x1;
	s10 =	sld [smem:$0x3FA6];
	_ =	sdelay $0x3  }
0x37: {  	[smem:$0x3FA6] =	sst s10  }
0x38: {  	s10 =	sld [smem:$0x3FA7]  }
0x39: {  	_ = 	snop;
	(pc) =	sbr.ind lr, $3  }
0x3a: {  	_ = 	snop  }
0x3b: {  	_ = 	snop  }
0x3c: {  	p2 =	seq.s32 s10, $0x1;
	s10 =	sld [smem:$0x3FA6]  }
0x3d: {  	_ =	shalt  }
0x3e: {  	_ =	shalt  }
0x3f: {  	_ =	shalt  }
0x40: {  	_ =	shalt  }
0x41: {  	_ =	shalt  }
0x42: {  	_ =	shalt  }
0x43: {  	_ =	shalt  }
0x44: {  	_ =	shalt  }
0x45: {  	_ =	shalt  }
0x46: {  	_ =	shalt  }
0x47: {  	_ =	shalt  }
0x48: {  	_ =	shalt  }
0x49: {  	_ =	shalt  }
0x4a: {  	_ =	shalt  }
0x4b: {  	_ =	shalt  }
0x4c: {  	_ =	shalt  }
0x4d: {  	_ =	shalt  }
0x4e: {  	_ =	shalt  }
0x4f: {  	_ =	shalt  }
0x50: {  	_ =	shalt  }
0x51: {  	_ =	shalt  }
0x52: {  	_ =	shalt  }
0x53: {  	_ =	shalt  }
0x54: {  	_ =	shalt  }
0x55: {  	_ =	shalt  }
0x56: {  	_ =	shalt  }
0x57: {  	_ =	shalt  }
0x58: {  	_ =	shalt  }
0x59: {  	_ =	shalt  }
0x5a: {  	_ =	shalt  }
0x5b: {  	_ =	shalt  }
0x5c: {  	_ =	shalt  }
0x5d: {  	_ =	shalt  }
0x5e: {  	_ =	shalt  }
0x5f: {  	_ =	shalt  }
0x60: {  	_ =	shalt  }
0x61: {  	_ =	shalt  }
0x62: {  	_ =	shalt  }
0x63: {  	_ =	shalt  }
0x64: {  	_ =	shalt  }
0x65: {  	_ =	shalt  }
0x66: {  	_ =	shalt  }
0x67: {  	_ =	shalt  }
0x68: {  	_ =	shalt  }
0x69: {  	_ =	shalt  }
0x6a: {  	_ =	shalt  }
0x6b: {  	_ =	shalt  }
0x6c: {  	_ =	shalt  }
0x6d: {  	_ =	shalt  }
0x6e: {  	_ =	shalt  }
0x6f: {  	_ =	shalt  }
0x70: {  	_ =	shalt  }
0x71: {  	_ =	shalt  }
0x72: {  	_ =	shalt  }
0x73: {  	_ =	shalt  }
0x74: {  	_ =	shalt  }
0x75: {  	_ =	shalt  }
0x76: {  	_ =	shalt  }
0x77: {  	_ =	shalt  }
0x78: {  	_ =	shalt  }
0x79: {  	_ =	shalt  }
0x7a: {  	_ =	shalt  }
0x7b: {  	_ =	shalt  }
0x7c: {  	_ =	shalt  }
0x7d: {  	_ =	shalt  }
0x7e: {  	_ =	shalt  }
0x7f: {  	_ =	shalt  }
0x80: {  	_ =	shalt  }
0x81: {  	_ =	shalt  }
0x82: {  	_ =	shalt  }
0x83: {  	_ =	shalt  }
0x84: {  	_ =	shalt  }
0x85: {  	_ =	shalt  }
0x86: {  	_ =	shalt  }
0x87: {  	_ =	shalt  }
.Lfunc_end0:
.L_simem_size_0:
called_computation.1_lowered:
.L_overlay_start_0:
0x88: {  	s2 =	sld [smem:$0x3FD9]  }
0x89: {  	s3 =	sld [smem:$0x3FFE];
	_ =	sdelay $0x1  }
0x8a: {  	s1 =	srdreg.scid  }
0x8b: {  	s0 =	sand.u32 $0x1, s1  }
0x8c: {  	s16 =	sshll.u32 s0, $0xA;
	s2 =	sadd.s32 s3, s2  }
0x8d: {  	s2 =	sadd.s32 s2, s16  }
0x8e: {  	[smem:$0x3FB2] =	sst s2  }
0x8f: {  	_ = 	snop  }
0x90: {  	(tm) =	ssettm $0x1  }
0x91: {  	s17 =	sld [smem:$0x3FFB];
	_ =	sdelay $0x3  }
0x92: {  	_ =	strace s17  }
0x93: {  	s2 =	sld [smem:$0x3FFC];
	_ =	sdelay $0x3  }
0x94: {  	_ =	strace s2  }
0x95: {  	s2 =	sld [smem:$0x3FFD];
	_ =	sdelay $0x3  }
0x96: {  	_ =	strace s2  }
0x97: {  	_ =	strace $0x8FFFFFFF  }
0x98: {  	s18 =	sld [smem:$0x3FDB];
	_ =	sdelay $0x1  }
0x99: {  	s19 =	simm.s32 $_scs_section_size  }
0x9a: {  	s4 =	simm.s32 $_size__tile_overlayer_lowered;
	s5 =	simm.s32 $_tile_overlayer_lowered  }
0x9b: {  	s22 =	simm.s32 $0x1BFF;
	s21 =	sshll.u32 s5, $0x1;
	s2 =	sadd.s32 s19, s18  }
0x9c: {  	s6 =	simm.s32 $0x0;
	s20 =	sshll.u32 s4, $0x1;
	s4 =	sadd.s32 s21, s2  }
0x9d: {  	[timem:s6], [sflag:s22] =	dma.local [hbm:s4], s20  }
0x9e: {  	_ =	swait.ge [sflag:s22], s20  }
0x9f: {  	s3 =	ssub.s32 $0x0, s20;
	[sflag:s22] =	ssyncset.done $0x0  }
0xa0: {  	[sflag:s22] =	ssyncadd.s32 s3;
	_ =	sdelay $0x1  }
0xa1: {  	s23 =	simm.s32 $0x1B8B  }
0xa2: {  	_ =	swait.ge [sflag:s23], $0x1  }
0xa3: {  	[sflag:s23] =	ssyncset.done $0x0  }
0xa4: {  	s25 =	simm.s32 $0x1B8E;
	s24 =	sld [smem:$0x3FFE];
	[sflag:s23] =	ssyncadd.s32 $0xFFFFFFFF  }
0xa5: {  	s26 =	simm.s32 $execute0_lowered;
	[smem:$0x3FD2] =	sst s25  }
0xa6: {  	s4 =	sshll.u32 s26, $0x1;
	_ =	strace $0x80000049;
	[dreg:$0x1] =	wrdreg $0xFFFFFFFF  }
0xa7: {  	s28 =	simm.s32 $_size_execute0_lowered;
	s2 =	sadd.s32 s2, s4;
	[dreg:$0x0] =	wrdreg $0x0  }
0xa8: {  	s4 =	sshll.u32 s28, $0x1;
	[dreg:$0x2] =	wrdreg s2  }
0xa9: {  	[dreg:$0x3] =	wrdreg s4  }
0xaa: {  	[dreg:$0x4] =	wrdreg $0xC0  }
0xab: {  	_ =	task [dreg:s6], $0x5FFFF  }
0xac: {  	[dreg:$0x1] =	wrdreg $0xFFFFFFFF  }
0xad: {  	[dreg:$0x0] =	wrdreg $0x60  }
0xae: {  	[dreg:$0x2] =	wrdreg s24  }
0xaf: {  	[dreg:$0x3] =	wrdreg $0x0  }
0xb0: {  	[dreg:$0x4] =	wrdreg $0xA0000  }
0xb1: {  	[dreg:$0x5] =	wrdreg $0x9  }
0xb2: {  	_ =	task.clear_ibuf [dreg:s6], $0x6FFFF;
	_ =	strace $0x90000049  }
0xb3: {  	s29 =	simm.s32 $0x9;
	_ =	strace $0x8000004B  }
0xb4: {  	_ =	swait.ge [sflag:s29], $0x1  }
0xb5: {  	[sflag:s29] =	ssyncadd.s32 $0xFFFFFFFF  }
0xb6: {  	_ =	strace $0x9000004B  }
0xb7: {  	_ =	sfence  }
0xb8: {  	s30 =	sld [smem:$0x0];
	_ =	sdelay $0x2  }
0xb9: {  	s31 =	sshll.u32 s1, $0xD;
	s1 =	sshrl.u32 s1, $0x2  }
0xba: {  	s3 =	sand.u32 $0x4000, s31;
	s1 =	sadd.s32 s1, s30  }
0xbb: {  	s0 =	sor.u32 s3, s0;
	s1 =	sshll.u32 s1, $0x11  }
0xbc: {  	s0 =	sor.u32 s1, s0  }
0xbd: {  	s0 =	sadd.s32 $0x8F2B, s0  }
0xbe: {  	[sflag:s0] =	ssyncadd.remote.s32 $0x1  }
0xbf: {  	_ =	sfence.sel $0xFFFF  }
0xc0: {  	[dreg:$0x0] =	wrdreg $0xFFFFFFFF;
	(pc) =	sbr.abs _section_cstart, $3  }
0xc1: {  	[dreg:$0x1] =	wrdreg $0xFFFFFFFF  }
0xc2: {  	_ =	task.clear_ibuf [dreg:s6], $0x2FFFF;
	_ =	strace $0x9FFFFFFF  }
0xc3: {  	(tm) =	ssettm $0x7FFFFFFF  }
tec
execute0_lowered:
.L_overlay_start_1:
0x0: {  	(tag) =	ssettag $0x1  }
0x1: {  	s0 =	rddreg [dreg:$0x0]  }
0x2: {  	s1 =	rddreg [dreg:$0x1]  }
0x3: {  	s2 =	rddreg [dreg:$0x2];
	s3 =	srdreg.scid  }
0x4: {  	s4 =	simm.s32 $0x0;
	s9 =	stileid.u32;
	s28 =	simm.s32 $0xA  }
0x5: {  	s15 =	simm.s32 $0x80;
	s16 =	simm.s32 $0x14800;
	s18 =	simm.s32 $0x16800  }
0x6: {  	s29 =	simm.s32 $0x3;
	s31 =	simm.s32 $0x4;
	s13 =	simm.s32 $0x8  }
0x7: {  	s17 =	simm.s32 $0x14600;
	s3 =	sand.u32 $0x1, s3;
	s6 =	smul.u32 $0x280, s9  }
0x8: {  	[smem:$0x7FF] =	sst s4;
	s19 =	smul.u32 $0xA000, s9;
	s7 =	sadd.s32 $0x17000, s0  }
0x9: {  	s21 =	sshll.u32 s9, $0x6;
	s9 =	smul.u32 $0x1400, s9;
	s4 =	simm.s32 $0x14500  }
0xa: {  	s5 =	smul.u32 $0x2800, s3;
	_ =	strace $0x8000004A;
	s3 =	ssub.s32 $0x2, s3  }
0xb: {  	s25 =	sor.u32 $0x1C0A, s21;
	s21 =	simm.s32 $0x14700;
	s8 =	sshrl.u32 s3, $0x1  }
0xc: {  	s20 =	sadd.s32 s19, s1;
	s10 =	sshrl.u32 s19, $0x3;
	s23 =	sadd.s32 s7, s9  }
0xd: {  	s9 =	simm.s32 $0x6;
	[dreg:$0x5] =	wrdreg s25;
	s5 =	sadd.s32 s6, s5  }
0xe: {  	s3 =	ssub.s32 s3, s8;
	s22 =	sadd.s32 s7, s10;
	s6 =	sadd.s32 s19, s2  }
0xf: {  	[dreg:$0xb] =	wrdreg s23;
	s26 =	sshrl.u32 s20, $0x3;
	s20 =	simm.s32 $0x18800  }
0x10: {  	s23 =	simm.s32 $0x14580;
	s19 =	simm.s32 $0x14680;
	s7 =	simm.s32 $0x0  }
0x11: {  	s5 =	sshll.u32 s5, $0x3;
	s8 =	sadd.s32 $0x1380, s22;
	s24 =	smax.u32 s3, $0x1  }
0x12: {  	[dreg:$0x9] =	wrdreg s26;
	s30 =	sshrl.u32 s6, $0x3;
	s22 =	simm.s32 $0x1A800  }
0x13: {  	s26 =	simm.s32 $0x2;
	s3 =	simm.s32 $0x9;
	[dreg:$0x6] =	wrdreg s8  }
0x14: {  	s6 =	simm.s32 $0x14480;
	s0 =	sadd.s32 s5, s0;
	[dreg:$0x8] =	wrdreg s24  }
0x15: {  	s24 =	simm.s32 $0x1;
	[dreg:$0xa] =	wrdreg s30;
	s11 =	sadd.s32 $0x2B000, s0  }
0x16: {  	s8 =	simm.s32 $0x5;
	s0 =	sadd.s32 $0x53000, s0;
	[dreg:$0x4] =	wrdreg s11  }
0x17: {  	s5 =	simm.s32 $0x14780;
	[dreg:$0x7] =	wrdreg s0;
	s11 =	simm.s32 $0x7  }
.LBB2_1:
0x18: {  	[dreg:$0xc] =	wrdreg s7  }
0x19: {  	s0 =	rddreg [dreg:$0x4]  }
0x1a: {  	s10 =	rddreg [dreg:$0x9]  }
0x1b: {  	[spmem:s10], [sflag:s25] =	dma.local [hbm:s0], $0x1400  }
0x1c: {  	_ =	swait.ge [sflag:s28], $0x1400  }
0x1d: {  	[sflag:s28] =	ssyncset.done $0x0  }
0x1e: {  	[sflag:s28] =	ssyncadd.s32 $0xFFFFEC00  }
0x1f: {  	[spmem:s30], [sflag:s25] =	dma.local [hbm:s0], $0x1400  }
0x20: {  	_ =	swait.ge [sflag:s28], $0x1400  }
0x21: {  	[sflag:s28] =	ssyncset.done $0x0  }
0x22: {  	[sflag:s28] =	ssyncadd.s32 $0xFFFFEC00  }
0x23: {  	[bflag:$0x0] =	sbarrier.arrive $0xFFFF  }
0x24: {  	s10 =	simm.s32 $0x0;
	s30 =	simm.s32 $0x14000;
	s14 =	rddreg [dreg:$0xb]  }
0x25: {  	[tilespmem:s30], [sflag:$0xA] =	stream.linear.gather [hbm4b:s14+s10], $0x400, $0x38;
	[tilespmem:$0x1C800] =	vst v63  }
0x26: {  	_ =	swait.ge [sflag:s28], $0x400  }
0x27: {  	[sflag:s28] =	ssyncset.done $0x0  }
0x28: {  	[sflag:s28] =	ssyncadd.s32 $0xFFFFFC00  }
0x29: {  	[tilespmem:s16], [sflag:$0x1] =	stream.indirect.gather [spmem:s1], $0x40, s30, s15, $0xb8;
	[tilespmem:$0x1C800] =	vst v63  }
0x2a: {  	s28 =	simm.s32 $0x14080  }
0x2b: {  	[tilespmem:s18], [sflag:$0x2] =	stream.indirect.gather [spmem:s1], $0x40, s28, s15, $0xb8;
	[tilespmem:$0x1C800] =	vst v63  }
0x2c: {  	s25 =	simm.s32 $0x14100  }
0x2d: {  	[tilespmem:s20], [sflag:$0x3] =	stream.indirect.gather [spmem:s1], $0x40, s25, s15, $0xb8;
	[tilespmem:$0x1C800] =	vst v63  }
0x2e: {  	s7 =	simm.s32 $0x14180;
	s0 =	sadd.s32 $0xFFFFED00, s14  }
0x2f: {  	[tilespmem:s22], [sflag:$0x4] =	stream.indirect.gather [spmem:s1], $0x40, s7, s15, $0xb8;
	[tilespmem:$0x1C800] =	vst v63  }
0x30: {  	s12 =	sadd.s32 $0x1380, s0;
	s7 =	simm.s32 $0x14400  }
0x31: {  	[tilespmem:s7], [sflag:$0x9] =	stream.linear.gather [hbm4b:s12+s10], $0x400, $0x38;
	[tilespmem:$0x1C800] =	vst v63  }
0x32: {  	_ =	swait.ge [sflag:s24], $0x2000  }
0x33: {  	[sflag:s24] =	ssyncset.done $0x0  }
0x34: {  	s12 =	simm.s32 $0x14200;
	[sflag:s24] =	ssyncadd.s32 $0xFFFFE000  }
0x35: {  	[spmem:s2] =	stream.indirect.scatter.add.f32 [tilespmem:s16], [sflag:$0x5], $0x40, s12, s15, $0xb8;
	[tilespmem:$0x1C800] =	vst v63  }
0x36: {  	_ =	swait.ge [sflag:s26], $0x2000  }
0x37: {  	[sflag:s26] =	ssyncset.done $0x0  }
0x38: {  	s25 =	simm.s32 $0x14280;
	[sflag:s26] =	ssyncadd.s32 $0xFFFFE000  }
0x39: {  	[spmem:s2] =	stream.indirect.scatter.add.f32 [tilespmem:s18], [sflag:$0x6], $0x40, s25, s15, $0xb8;
	[tilespmem:$0x1C800] =	vst v63  }
0x3a: {  	_ =	swait.ge [sflag:s29], $0x2000  }
0x3b: {  	[sflag:s29] =	ssyncset.done $0x0  }
0x3c: {  	s25 =	simm.s32 $0x14300;
	[sflag:s29] =	ssyncadd.s32 $0xFFFFE000  }
0x3d: {  	[spmem:s2] =	stream.indirect.scatter.add.f32 [tilespmem:s20], [sflag:$0x7], $0x40, s25, s15, $0xb8;
	[tilespmem:$0x1C800] =	vst v63  }
0x3e: {  	_ =	swait.ge [sflag:s31], $0x2000  }
0x3f: {  	[sflag:s31] =	ssyncset.done $0x0  }
0x40: {  	s25 =	simm.s32 $0x14380;
	[sflag:s31] =	ssyncadd.s32 $0xFFFFE000  }
0x41: {  	[spmem:s2] =	stream.indirect.scatter.add.f32 [tilespmem:s22], [sflag:$0x8], $0x40, s25, s15, $0xb8;
	[tilespmem:$0x1C800] =	vst v63  }
0x42: {  	_ =	swait.ge [sflag:s3], $0x400  }
0x43: {  	[sflag:s3] =	ssyncset.done $0x0  }
0x44: {  	[sflag:s3] =	ssyncadd.s32 $0xFFFFFC00  }
0x45: {  	_ =	swait.ge [sflag:s8], $0x2000  }
0x46: {  	[sflag:s8] =	ssyncset.done $0x0  }
0x47: {  	[sflag:s8] =	ssyncadd.s32 $0xFFFFE000  }
0x48: {  	[tilespmem:s16], [sflag:$0x1] =	stream.indirect.gather [spmem:s1], $0x40, s7, s15, $0xb8;
	[tilespmem:$0x1C800] =	vst v63  }
0x49: {  	_ =	swait.ge [sflag:s9], $0x2000  }
0x4a: {  	[sflag:s9] =	ssyncset.done $0x0  }
0x4b: {  	[sflag:s9] =	ssyncadd.s32 $0xFFFFE000  }
0x4c: {  	[tilespmem:s18], [sflag:$0x2] =	stream.indirect.gather [spmem:s1], $0x40, s6, s15, $0xb8;
	[tilespmem:$0x1C800] =	vst v63  }
0x4d: {  	_ =	swait.ge [sflag:s11], $0x2000  }
0x4e: {  	[sflag:s11] =	ssyncset.done $0x0  }
0x4f: {  	[sflag:s11] =	ssyncadd.s32 $0xFFFFE000  }
0x50: {  	[tilespmem:s20], [sflag:$0x3] =	stream.indirect.gather [spmem:s1], $0x40, s4, s15, $0xb8;
	[tilespmem:$0x1C800] =	vst v63  }
0x51: {  	_ =	swait.ge [sflag:s13], $0x2000  }
0x52: {  	[sflag:s13] =	ssyncset.done $0x0  }
0x53: {  	[sflag:s13] =	ssyncadd.s32 $0xFFFFE000  }
0x54: {  	[tilespmem:s22], [sflag:$0x4] =	stream.indirect.gather [spmem:s1], $0x40, s23, s15, $0xb8;
	[tilespmem:$0x1C800] =	vst v63  }
0x55: {  	s0 =	sadd.s32 $0x1400, s0  }
0x56: {  	[tilespmem:s30], [sflag:$0x9] =	stream.linear.gather [hbm4b:s0+s10], $0x400, $0x38;
	[tilespmem:$0x1C800] =	vst v63  }
0x57: {  	_ =	swait.ge [sflag:s24], $0x2000  }
0x58: {  	[sflag:s24] =	ssyncset.done $0x0  }
0x59: {  	[sflag:s24] =	ssyncadd.s32 $0xFFFFE000  }
0x5a: {  	[spmem:s2] =	stream.indirect.scatter.add.f32 [tilespmem:s16], [sflag:$0x5], $0x40, s17, s15, $0xb8;
	[tilespmem:$0x1C800] =	vst v63  }
0x5b: {  	_ =	swait.ge [sflag:s26], $0x2000  }
0x5c: {  	[sflag:s26] =	ssyncset.done $0x0  }
0x5d: {  	[sflag:s26] =	ssyncadd.s32 $0xFFFFE000  }
0x5e: {  	[spmem:s2] =	stream.indirect.scatter.add.f32 [tilespmem:s18], [sflag:$0x6], $0x40, s19, s15, $0xb8;
	[tilespmem:$0x1C800] =	vst v63  }
0x5f: {  	_ =	swait.ge [sflag:s29], $0x2000  }
0x60: {  	[sflag:s29] =	ssyncset.done $0x0  }
0x61: {  	[sflag:s29] =	ssyncadd.s32 $0xFFFFE000  }
0x62: {  	[spmem:s2] =	stream.indirect.scatter.add.f32 [tilespmem:s20], [sflag:$0x7], $0x40, s21, s15, $0xb8;
	[tilespmem:$0x1C800] =	vst v63  }
0x63: {  	_ =	swait.ge [sflag:s31], $0x2000  }
0x64: {  	[sflag:s31] =	ssyncset.done $0x0  }
0x65: {  	[sflag:s31] =	ssyncadd.s32 $0xFFFFE000  }
0x66: {  	[spmem:s2] =	stream.indirect.scatter.add.f32 [tilespmem:s22], [sflag:$0x8], $0x40, s5, s15, $0xb8;
	[tilespmem:$0x1C800] =	vst v63  }
0x67: {  	_ =	swait.ge [sflag:s3], $0x400  }
0x68: {  	[sflag:s3] =	ssyncset.done $0x0  }
0x69: {  	[sflag:s3] =	ssyncadd.s32 $0xFFFFFC00  }
0x6a: {  	_ =	swait.ge [sflag:s8], $0x2000  }
0x6b: {  	[sflag:s8] =	ssyncset.done $0x0  }
0x6c: {  	[sflag:s8] =	ssyncadd.s32 $0xFFFFE000  }
0x6d: {  	[tilespmem:s16], [sflag:$0x1] =	stream.indirect.gather [spmem:s1], $0x40, s30, s15, $0xb8;
	[tilespmem:$0x1C800] =	vst v63  }
0x6e: {  	_ =	swait.ge [sflag:s9], $0x2000  }
0x6f: {  	[sflag:s9] =	ssyncset.done $0x0  }
0x70: {  	[sflag:s9] =	ssyncadd.s32 $0xFFFFE000  }
0x71: {  	[tilespmem:s18], [sflag:$0x2] =	stream.indirect.gather [spmem:s1], $0x40, s28, s15, $0xb8;
	[tilespmem:$0x1C800] =	vst v63  }
0x72: {  	_ =	swait.ge [sflag:s11], $0x2000  }
0x73: {  	[sflag:s11] =	ssyncset.done $0x0  }
0x74: {  	s30 =	simm.s32 $0x14100;
	[sflag:s11] =	ssyncadd.s32 $0xFFFFE000  }
0x75: {  	[tilespmem:s20], [sflag:$0x3] =	stream.indirect.gather [spmem:s1], $0x40, s30, s15, $0xb8;
	[tilespmem:$0x1C800] =	vst v63  }
0x76: {  	_ =	swait.ge [sflag:s13], $0x2000  }
0x77: {  	[sflag:s13] =	ssyncset.done $0x0  }
0x78: {  	s25 =	sadd.s32 $0xFFFFEE00, s14;
	s28 =	simm.s32 $0xFFFFEF00;
	[sflag:s13] =	ssyncadd.s32 $0xFFFFE000  }
.LBB2_2:
0x79: {  	s0 =	simm.s32 $0x14180  }
0x7a: {  	[tilespmem:s22], [sflag:$0x4] =	stream.indirect.gather [spmem:s1], $0x40, s0, s15, $0xb8;
	[tilespmem:$0x1C800] =	vst v63  }
0x7b: {  	s10 =	sadd.s32 $0x1380, s25;
	s7 =	simm.s32 $0x0;
	s0 =	smov.u32 s28  }
0x7c: {  	s12 =	simm.s32 $0x14400;
	s30 =	sadd.s32 s0, s14;
	s0 =	sadd.s32 $0x100, s28  }
0x7d: {  	[tilespmem:s12], [sflag:$0x9] =	stream.linear.gather [hbm4b:s10+s7], $0x400, $0x38;
	[tilespmem:$0x1C800] =	vst v63  }
0x7e: {  	p0 =	sne.s32 s28, $0xFFFFFF00;
	_ =	swait.ge [sflag:s24], $0x2000  }
0x7f: {  	[sflag:s24] =	ssyncset.done $0x0  }
0x80: {  	s10 =	simm.s32 $0x14200;
	[sflag:s24] =	ssyncadd.s32 $0xFFFFE000  }
0x81: {  	[spmem:s2] =	stream.indirect.scatter.add.f32 [tilespmem:s16], [sflag:$0x5], $0x40, s10, s15, $0xb8;
	[tilespmem:$0x1C800] =	vst v63  }
0x82: {  	_ =	swait.ge [sflag:s26], $0x2000  }
0x83: {  	[sflag:s26] =	ssyncset.done $0x0  }
0x84: {  	s10 =	simm.s32 $0x14280;
	[sflag:s26] =	ssyncadd.s32 $0xFFFFE000  }
0x85: {  	[spmem:s2] =	stream.indirect.scatter.add.f32 [tilespmem:s18], [sflag:$0x6], $0x40, s10, s15, $0xb8;
	[tilespmem:$0x1C800] =	vst v63  }
0x86: {  	_ =	swait.ge [sflag:s29], $0x2000  }
0x87: {  	[sflag:s29] =	ssyncset.done $0x0  }
0x88: {  	s10 =	simm.s32 $0x14300;
	[sflag:s29] =	ssyncadd.s32 $0xFFFFE000  }
0x89: {  	[spmem:s2] =	stream.indirect.scatter.add.f32 [tilespmem:s20], [sflag:$0x7], $0x40, s10, s15, $0xb8;
	[tilespmem:$0x1C800] =	vst v63  }
0x8a: {  	_ =	swait.ge [sflag:s31], $0x2000  }
0x8b: {  	[sflag:s31] =	ssyncset.done $0x0  }
0x8c: {  	s10 =	simm.s32 $0x14380;
	[sflag:s31] =	ssyncadd.s32 $0xFFFFE000  }
0x8d: {  	[spmem:s2] =	stream.indirect.scatter.add.f32 [tilespmem:s22], [sflag:$0x8], $0x40, s10, s15, $0xb8;
	[tilespmem:$0x1C800] =	vst v63  }
0x8e: {  	_ =	swait.ge [sflag:s3], $0x400  }
0x8f: {  	[sflag:s3] =	ssyncset.done $0x0  }
0x90: {  	[sflag:s3] =	ssyncadd.s32 $0xFFFFFC00  }
0x91: {  	_ =	swait.ge [sflag:s8], $0x2000  }
0x92: {  	[sflag:s8] =	ssyncset.done $0x0  }
0x93: {  	[sflag:s8] =	ssyncadd.s32 $0xFFFFE000  }
0x94: {  	[tilespmem:s16], [sflag:$0x1] =	stream.indirect.gather [spmem:s1], $0x40, s12, s15, $0xb8;
	[tilespmem:$0x1C800] =	vst v63  }
0x95: {  	_ =	swait.ge [sflag:s9], $0x2000  }
0x96: {  	[sflag:s9] =	ssyncset.done $0x0  }
0x97: {  	[sflag:s9] =	ssyncadd.s32 $0xFFFFE000  }
0x98: {  	[tilespmem:s18], [sflag:$0x2] =	stream.indirect.gather [spmem:s1], $0x40, s6, s15, $0xb8;
	[tilespmem:$0x1C800] =	vst v63  }
0x99: {  	_ =	swait.ge [sflag:s11], $0x2000  }
0x9a: {  	[sflag:s11] =	ssyncset.done $0x0  }
0x9b: {  	[sflag:s11] =	ssyncadd.s32 $0xFFFFE000  }
0x9c: {  	[tilespmem:s20], [sflag:$0x3] =	stream.indirect.gather [spmem:s1], $0x40, s4, s15, $0xb8;
	[tilespmem:$0x1C800] =	vst v63  }
0x9d: {  	_ =	swait.ge [sflag:s13], $0x2000  }
0x9e: {  	[sflag:s13] =	ssyncset.done $0x0  }
0x9f: {  	[sflag:s13] =	ssyncadd.s32 $0xFFFFE000  }
0xa0: {  	[tilespmem:s22], [sflag:$0x4] =	stream.indirect.gather [spmem:s1], $0x40, s23, s15, $0xb8;
	[tilespmem:$0x1C800] =	vst v63  }
0xa1: {  	s28 =	simm.s32 $0x14000;
	s10 =	sadd.s32 $0x1400, s25;
	s25 =	smov.u32 s30  }
0xa2: {  	[tilespmem:s28], [sflag:$0x9] =	stream.linear.gather [hbm4b:s10+s7], $0x400, $0x38;
	[tilespmem:$0x1C800] =	vst v63  }
0xa3: {  	_ =	swait.ge [sflag:s24], $0x2000  }
0xa4: {  	[sflag:s24] =	ssyncset.done $0x0  }
0xa5: {  	[sflag:s24] =	ssyncadd.s32 $0xFFFFE000  }
0xa6: {  	[spmem:s2] =	stream.indirect.scatter.add.f32 [tilespmem:s16], [sflag:$0x5], $0x40, s17, s15, $0xb8;
	[tilespmem:$0x1C800] =	vst v63  }
0xa7: {  	_ =	swait.ge [sflag:s26], $0x2000  }
0xa8: {  	[sflag:s26] =	ssyncset.done $0x0  }
0xa9: {  	[sflag:s26] =	ssyncadd.s32 $0xFFFFE000  }
0xaa: {  	[spmem:s2] =	stream.indirect.scatter.add.f32 [tilespmem:s18], [sflag:$0x6], $0x40, s19, s15, $0xb8;
	[tilespmem:$0x1C800] =	vst v63  }
0xab: {  	_ =	swait.ge [sflag:s29], $0x2000  }
0xac: {  	[sflag:s29] =	ssyncset.done $0x0  }
0xad: {  	[sflag:s29] =	ssyncadd.s32 $0xFFFFE000  }
0xae: {  	[spmem:s2] =	stream.indirect.scatter.add.f32 [tilespmem:s20], [sflag:$0x7], $0x40, s21, s15, $0xb8;
	[tilespmem:$0x1C800] =	vst v63  }
0xaf: {  	_ =	swait.ge [sflag:s31], $0x2000  }
0xb0: {  	[sflag:s31] =	ssyncset.done $0x0  }
0xb1: {  	[sflag:s31] =	ssyncadd.s32 $0xFFFFE000  }
0xb2: {  	[spmem:s2] =	stream.indirect.scatter.add.f32 [tilespmem:s22], [sflag:$0x8], $0x40, s5, s15, $0xb8;
	[tilespmem:$0x1C800] =	vst v63  }
0xb3: {  	_ =	swait.ge [sflag:s3], $0x400  }
0xb4: {  	[sflag:s3] =	ssyncset.done $0x0  }
0xb5: {  	[sflag:s3] =	ssyncadd.s32 $0xFFFFFC00  }
0xb6: {  	_ =	swait.ge [sflag:s8], $0x2000  }
0xb7: {  	[sflag:s8] =	ssyncset.done $0x0  }
0xb8: {  	[sflag:s8] =	ssyncadd.s32 $0xFFFFE000  }
0xb9: {  	[tilespmem:s16], [sflag:$0x1] =	stream.indirect.gather [spmem:s1], $0x40, s28, s15, $0xb8;
	[tilespmem:$0x1C800] =	vst v63  }
0xba: {  	_ =	swait.ge [sflag:s9], $0x2000  }
0xbb: {  	[sflag:s9] =	ssyncset.done $0x0  }
0xbc: {  	s10 =	simm.s32 $0x14080;
	[sflag:s9] =	ssyncadd.s32 $0xFFFFE000  }
0xbd: {  	[tilespmem:s18], [sflag:$0x2] =	stream.indirect.gather [spmem:s1], $0x40, s10, s15, $0xb8;
	[tilespmem:$0x1C800] =	vst v63  }
0xbe: {  	_ =	swait.ge [sflag:s11], $0x2000  }
0xbf: {  	[sflag:s11] =	ssyncset.done $0x0  }
.Ltmp0:
0xc0: {  	s10 =	simm.s32 $0x14100;
	[sflag:s11] =	ssyncadd.s32 $0xFFFFE000;
	(pc) =	sbr.rel @p0 .LBB2_2-.Ltmp0, $4  }
0xc1: {  	[tilespmem:s20], [sflag:$0x3] =	stream.indirect.gather [spmem:s1], $0x40, s10, s15, $0xb8;
	[tilespmem:$0x1C800] =	vst v63  }
0xc2: {  	_ =	swait.ge [sflag:s13], $0x2000  }
0xc3: {  	[sflag:s13] =	ssyncset.done $0x0  }
0xc4: {  	s28 =	smov.u32 s0;
	[sflag:s13] =	ssyncadd.s32 $0xFFFFE000  }
0xc5: {  	s17 =	simm.s32 $0x14180  }
0xc6: {  	[tilespmem:s22], [sflag:$0x4] =	stream.indirect.gather [spmem:s1], $0x40, s17, s15, $0xb8;
	[tilespmem:$0x1C800] =	vst v63  }
0xc7: {  	s0 =	sadd.s32 $0x1380, s25;
	s4 =	simm.s32 $0x0;
	s6 =	simm.s32 $0x14400  }
0xc8: {  	[tilespmem:s6], [sflag:$0x9] =	stream.linear.gather [hbm4b:s0+s4], $0x400, $0x38;
	[tilespmem:$0x1C800] =	vst v63  }
0xc9: {  	_ =	swait.ge [sflag:s24], $0x2000  }
0xca: {  	[sflag:s24] =	ssyncset.done $0x0  }
0xcb: {  	s28 =	simm.s32 $0x14200;
	[sflag:s24] =	ssyncadd.s32 $0xFFFFE000  }
0xcc: {  	[spmem:s2] =	stream.indirect.scatter.add.f32 [tilespmem:s16], [sflag:$0x5], $0x40, s28, s15, $0xb8;
	[tilespmem:$0x1C800] =	vst v63  }
0xcd: {  	_ =	swait.ge [sflag:s26], $0x2000  }
0xce: {  	[sflag:s26] =	ssyncset.done $0x0  }
0xcf: {  	s30 =	simm.s32 $0x14280;
	[sflag:s26] =	ssyncadd.s32 $0xFFFFE000  }
0xd0: {  	[spmem:s2] =	stream.indirect.scatter.add.f32 [tilespmem:s18], [sflag:$0x6], $0x40, s30, s15, $0xb8;
	[tilespmem:$0x1C800] =	vst v63  }
0xd1: {  	_ =	swait.ge [sflag:s29], $0x2000  }
0xd2: {  	[sflag:s29] =	ssyncset.done $0x0  }
0xd3: {  	s10 =	simm.s32 $0x14300;
	[sflag:s29] =	ssyncadd.s32 $0xFFFFE000  }
0xd4: {  	[spmem:s2] =	stream.indirect.scatter.add.f32 [tilespmem:s20], [sflag:$0x7], $0x40, s10, s15, $0xb8;
	[tilespmem:$0x1C800] =	vst v63  }
0xd5: {  	_ =	swait.ge [sflag:s31], $0x2000  }
0xd6: {  	[sflag:s31] =	ssyncset.done $0x0  }
0xd7: {  	s21 =	simm.s32 $0x14380;
	[sflag:s31] =	ssyncadd.s32 $0xFFFFE000  }
0xd8: {  	[spmem:s2] =	stream.indirect.scatter.add.f32 [tilespmem:s22], [sflag:$0x8], $0x40, s21, s15, $0xb8;
	[tilespmem:$0x1C800] =	vst v63  }
0xd9: {  	_ =	swait.ge [sflag:s3], $0x400  }
0xda: {  	[sflag:s3] =	ssyncset.done $0x0  }
0xdb: {  	[sflag:s3] =	ssyncadd.s32 $0xFFFFFC00  }
0xdc: {  	_ =	swait.ge [sflag:s8], $0x2000  }
0xdd: {  	[sflag:s8] =	ssyncset.done $0x0  }
0xde: {  	[sflag:s8] =	ssyncadd.s32 $0xFFFFE000  }
0xdf: {  	[tilespmem:s16], [sflag:$0x1] =	stream.indirect.gather [spmem:s1], $0x40, s6, s15, $0xb8;
	[tilespmem:$0x1C800] =	vst v63  }
0xe0: {  	_ =	swait.ge [sflag:s9], $0x2000  }
0xe1: {  	[sflag:s9] =	ssyncset.done $0x0  }
0xe2: {  	s23 =	simm.s32 $0x14480;
	[sflag:s9] =	ssyncadd.s32 $0xFFFFE000  }
0xe3: {  	[tilespmem:s18], [sflag:$0x2] =	stream.indirect.gather [spmem:s1], $0x40, s23, s15, $0xb8;
	[tilespmem:$0x1C800] =	vst v63  }
0xe4: {  	_ =	swait.ge [sflag:s11], $0x2000  }
0xe5: {  	[sflag:s11] =	ssyncset.done $0x0  }
0xe6: {  	s19 =	simm.s32 $0x14500;
	[sflag:s11] =	ssyncadd.s32 $0xFFFFE000  }
0xe7: {  	[tilespmem:s20], [sflag:$0x3] =	stream.indirect.gather [spmem:s1], $0x40, s19, s15, $0xb8;
	[tilespmem:$0x1C800] =	vst v63  }
0xe8: {  	_ =	swait.ge [sflag:s13], $0x2000  }
0xe9: {  	[sflag:s13] =	ssyncset.done $0x0  }
0xea: {  	s19 =	simm.s32 $0x14580;
	[sflag:s13] =	ssyncadd.s32 $0xFFFFE000  }
0xeb: {  	[tilespmem:s22], [sflag:$0x4] =	stream.indirect.gather [spmem:s1], $0x40, s19, s15, $0xb8;
	[tilespmem:$0x1C800] =	vst v63  }
0xec: {  	s25 =	sadd.s32 $0x1400, s25;
	s5 =	simm.s32 $0x14000  }
0xed: {  	[tilespmem:s5], [sflag:$0x9] =	stream.linear.gather [hbm4b:s25+s4], $0x400, $0x38;
	[tilespmem:$0x1C800] =	vst v63  }
0xee: {  	_ =	swait.ge [sflag:s24], $0x2000  }
0xef: {  	[sflag:s24] =	ssyncset.done $0x0  }
0xf0: {  	s12 =	simm.s32 $0x14600;
	[sflag:s24] =	ssyncadd.s32 $0xFFFFE000  }
0xf1: {  	[spmem:s2] =	stream.indirect.scatter.add.f32 [tilespmem:s16], [sflag:$0x5], $0x40, s12, s15, $0xb8;
	[tilespmem:$0x1C800] =	vst v63  }
0xf2: {  	_ =	swait.ge [sflag:s26], $0x2000  }
0xf3: {  	[sflag:s26] =	ssyncset.done $0x0  }
0xf4: {  	s14 =	simm.s32 $0x14680;
	[sflag:s26] =	ssyncadd.s32 $0xFFFFE000  }
0xf5: {  	[spmem:s2] =	stream.indirect.scatter.add.f32 [tilespmem:s18], [sflag:$0x6], $0x40, s14, s15, $0xb8;
	[tilespmem:$0x1C800] =	vst v63  }
0xf6: {  	_ =	swait.ge [sflag:s29], $0x2000  }
0xf7: {  	[sflag:s29] =	ssyncset.done $0x0  }
0xf8: {  	s25 =	simm.s32 $0x14700;
	[sflag:s29] =	ssyncadd.s32 $0xFFFFE000  }
0xf9: {  	[spmem:s2] =	stream.indirect.scatter.add.f32 [tilespmem:s20], [sflag:$0x7], $0x40, s25, s15, $0xb8;
	[tilespmem:$0x1C800] =	vst v63  }
0xfa: {  	_ =	swait.ge [sflag:s31], $0x2000  }
0xfb: {  	[sflag:s31] =	ssyncset.done $0x0  }
0xfc: {  	s7 =	simm.s32 $0x14780;
	[sflag:s31] =	ssyncadd.s32 $0xFFFFE000  }
0xfd: {  	[spmem:s2] =	stream.indirect.scatter.add.f32 [tilespmem:s22], [sflag:$0x8], $0x40, s7, s15, $0xb8;
	[tilespmem:$0x1C800] =	vst v63  }
0xfe: {  	_ =	swait.ge [sflag:s3], $0x400  }
0xff: {  	[sflag:s3] =	ssyncset.done $0x0  }
0x100: {  	[sflag:s3] =	ssyncadd.s32 $0xFFFFFC00  }
0x101: {  	_ =	swait.ge [sflag:s8], $0x2000  }
0x102: {  	[sflag:s8] =	ssyncset.done $0x0  }
0x103: {  	[sflag:s8] =	ssyncadd.s32 $0xFFFFE000  }
0x104: {  	[tilespmem:s16], [sflag:$0x1] =	stream.indirect.gather [spmem:s1], $0x40, s5, s15, $0xb8;
	[tilespmem:$0x1C800] =	vst v63  }
0x105: {  	_ =	swait.ge [sflag:s9], $0x2000  }
0x106: {  	[sflag:s9] =	ssyncset.done $0x0  }
0x107: {  	s5 =	simm.s32 $0x14080;
	[sflag:s9] =	ssyncadd.s32 $0xFFFFE000  }
0x108: {  	[tilespmem:s18], [sflag:$0x2] =	stream.indirect.gather [spmem:s1], $0x40, s5, s15, $0xb8;
	[tilespmem:$0x1C800] =	vst v63  }
0x109: {  	_ =	swait.ge [sflag:s11], $0x2000  }
0x10a: {  	[sflag:s11] =	ssyncset.done $0x0  }
0x10b: {  	s5 =	simm.s32 $0x14100;
	[sflag:s11] =	ssyncadd.s32 $0xFFFFE000  }
0x10c: {  	[tilespmem:s20], [sflag:$0x3] =	stream.indirect.gather [spmem:s1], $0x40, s5, s15, $0xb8;
	[tilespmem:$0x1C800] =	vst v63  }
0x10d: {  	_ =	swait.ge [sflag:s13], $0x2000  }
0x10e: {  	[sflag:s13] =	ssyncset.done $0x0  }
0x10f: {  	[sflag:s13] =	ssyncadd.s32 $0xFFFFE000  }
0x110: {  	[tilespmem:s22], [sflag:$0x4] =	stream.indirect.gather [spmem:s1], $0x40, s17, s15, $0xb8;
	[tilespmem:$0x1C800] =	vst v63  }
0x111: {  	s17 =	rddreg [dreg:$0x6]  }
0x112: {  	[tilespmem:s6], [sflag:$0x9] =	stream.linear.gather [hbm4b:s17+s4], $0x400, $0x38;
	[tilespmem:$0x1C800] =	vst v63  }
0x113: {  	_ =	swait.ge [sflag:s24], $0x2000  }
0x114: {  	[sflag:s24] =	ssyncset.done $0x0  }
0x115: {  	[sflag:s24] =	ssyncadd.s32 $0xFFFFE000  }
0x116: {  	[spmem:s2] =	stream.indirect.scatter.add.f32 [tilespmem:s16], [sflag:$0x5], $0x40, s28, s15, $0xb8;
	[tilespmem:$0x1C800] =	vst v63  }
0x117: {  	_ =	swait.ge [sflag:s26], $0x2000  }
0x118: {  	[sflag:s26] =	ssyncset.done $0x0  }
0x119: {  	[sflag:s26] =	ssyncadd.s32 $0xFFFFE000  }
0x11a: {  	[spmem:s2] =	stream.indirect.scatter.add.f32 [tilespmem:s18], [sflag:$0x6], $0x40, s30, s15, $0xb8;
	[tilespmem:$0x1C800] =	vst v63  }
0x11b: {  	_ =	swait.ge [sflag:s29], $0x2000  }
0x11c: {  	[sflag:s29] =	ssyncset.done $0x0  }
0x11d: {  	[sflag:s29] =	ssyncadd.s32 $0xFFFFE000  }
0x11e: {  	[spmem:s2] =	stream.indirect.scatter.add.f32 [tilespmem:s20], [sflag:$0x7], $0x40, s10, s15, $0xb8;
	[tilespmem:$0x1C800] =	vst v63  }
0x11f: {  	_ =	swait.ge [sflag:s31], $0x2000  }
0x120: {  	[sflag:s31] =	ssyncset.done $0x0  }
0x121: {  	[sflag:s31] =	ssyncadd.s32 $0xFFFFE000  }
0x122: {  	[spmem:s2] =	stream.indirect.scatter.add.f32 [tilespmem:s22], [sflag:$0x8], $0x40, s21, s15, $0xb8;
	[tilespmem:$0x1C800] =	vst v63  }
0x123: {  	_ =	swait.ge [sflag:s3], $0x400  }
0x124: {  	[sflag:s3] =	ssyncset.done $0x0  }
0x125: {  	[sflag:s3] =	ssyncadd.s32 $0xFFFFFC00  }
0x126: {  	_ =	swait.ge [sflag:s8], $0x2000  }
0x127: {  	[sflag:s8] =	ssyncset.done $0x0  }
0x128: {  	[sflag:s8] =	ssyncadd.s32 $0xFFFFE000  }
0x129: {  	[tilespmem:s16], [sflag:$0x1] =	stream.indirect.gather [spmem:s1], $0x40, s6, s15, $0xb8;
	[tilespmem:$0x1C800] =	vst v63  }
0x12a: {  	_ =	swait.ge [sflag:s9], $0x2000  }
0x12b: {  	[sflag:s9] =	ssyncset.done $0x0  }
0x12c: {  	[sflag:s9] =	ssyncadd.s32 $0xFFFFE000  }
0x12d: {  	[tilespmem:s18], [sflag:$0x2] =	stream.indirect.gather [spmem:s1], $0x40, s23, s15, $0xb8;
	[tilespmem:$0x1C800] =	vst v63  }
0x12e: {  	_ =	swait.ge [sflag:s11], $0x2000  }
0x12f: {  	[sflag:s11] =	ssyncset.done $0x0  }
0x130: {  	s5 =	simm.s32 $0x14500;
	[sflag:s11] =	ssyncadd.s32 $0xFFFFE000  }
0x131: {  	[tilespmem:s20], [sflag:$0x3] =	stream.indirect.gather [spmem:s1], $0x40, s5, s15, $0xb8;
	[tilespmem:$0x1C800] =	vst v63  }
0x132: {  	_ =	swait.ge [sflag:s13], $0x2000  }
0x133: {  	[sflag:s13] =	ssyncset.done $0x0  }
0x134: {  	[sflag:s13] =	ssyncadd.s32 $0xFFFFE000  }
0x135: {  	[tilespmem:s22], [sflag:$0x4] =	stream.indirect.gather [spmem:s1], $0x40, s19, s15, $0xb8;
	[tilespmem:$0x1C800] =	vst v63  }
0x136: {  	_ =	swait.ge [sflag:s24], $0x2000  }
0x137: {  	[sflag:s24] =	ssyncset.done $0x0  }
0x138: {  	[sflag:s24] =	ssyncadd.s32 $0xFFFFE000  }
0x139: {  	[spmem:s2] =	stream.indirect.scatter.add.f32 [tilespmem:s16], [sflag:$0x5], $0x40, s12, s15, $0xb8;
	[tilespmem:$0x1C800] =	vst v63  }
0x13a: {  	_ =	swait.ge [sflag:s26], $0x2000  }
0x13b: {  	[sflag:s26] =	ssyncset.done $0x0  }
0x13c: {  	[sflag:s26] =	ssyncadd.s32 $0xFFFFE000  }
0x13d: {  	[spmem:s2] =	stream.indirect.scatter.add.f32 [tilespmem:s18], [sflag:$0x6], $0x40, s14, s15, $0xb8;
	[tilespmem:$0x1C800] =	vst v63  }
0x13e: {  	_ =	swait.ge [sflag:s29], $0x2000  }
0x13f: {  	[sflag:s29] =	ssyncset.done $0x0  }
0x140: {  	[sflag:s29] =	ssyncadd.s32 $0xFFFFE000  }
0x141: {  	[spmem:s2] =	stream.indirect.scatter.add.f32 [tilespmem:s20], [sflag:$0x7], $0x40, s25, s15, $0xb8;
	[tilespmem:$0x1C800] =	vst v63  }
0x142: {  	_ =	swait.ge [sflag:s31], $0x2000  }
0x143: {  	[sflag:s31] =	ssyncset.done $0x0  }
0x144: {  	[sflag:s31] =	ssyncadd.s32 $0xFFFFE000  }
0x145: {  	[spmem:s2] =	stream.indirect.scatter.add.f32 [tilespmem:s22], [sflag:$0x8], $0x40, s7, s15, $0xb8;
	[tilespmem:$0x1C800] =	vst v63  }
0x146: {  	_ =	swait.ge [sflag:s8], $0x2000  }
0x147: {  	[sflag:s8] =	ssyncset.done $0x0  }
0x148: {  	[sflag:s8] =	ssyncadd.s32 $0xFFFFE000  }
0x149: {  	_ =	swait.ge [sflag:s9], $0x2000  }
0x14a: {  	[sflag:s9] =	ssyncset.done $0x0  }
0x14b: {  	[sflag:s9] =	ssyncadd.s32 $0xFFFFE000  }
0x14c: {  	_ =	swait.ge [sflag:s11], $0x2000  }
0x14d: {  	[sflag:s11] =	ssyncset.done $0x0  }
0x14e: {  	[sflag:s11] =	ssyncadd.s32 $0xFFFFE000  }
0x14f: {  	_ =	swait.ge [sflag:s13], $0x2000  }
0x150: {  	[sflag:s13] =	ssyncset.done $0x0  }
0x151: {  	[sflag:s13] =	ssyncadd.s32 $0xFFFFE000  }
0x152: {  	[bflag:$0x0] =	sbarrier.arrive $0xFFFF  }
0x153: {  	s25 =	rddreg [dreg:$0x5]  }
0x154: {  	s10 =	rddreg [dreg:$0x7]  }
0x155: {  	s28 =	simm.s32 $0xA;
	s30 =	rddreg [dreg:$0xa]  }
0x156: {  	[hbm:s10], [sflag:s25] =	dma.local [spmem:s30], $0x1400  }
0x157: {  	_ =	swait.ge [sflag:s28], $0x1400  }
0x158: {  	s12 =	rddreg [dreg:$0xc]  }
0x159: {  	s14 =	rddreg [dreg:$0x8];
	s7 =	sadd.s32 $0x1, s12  }
0x15a: {  	p0 =	sne.s32 s7, s14  }
.Ltmp1:
0x15b: {  	_ = 	snop;
	(pc) =	sbr.rel @p0 .LBB2_1-.Ltmp1, $4  }
0x15c: {  	_ = 	snop  }
0x15d: {  	s4 =	simm.s32 $0x14500;
	s17 =	simm.s32 $0x14600;
	s21 =	simm.s32 $0x14700  }
0x15e: {  	s6 =	simm.s32 $0x14480;
	s23 =	simm.s32 $0x14580;
	[sflag:s28] =	ssyncset.done $0x0  }
0x15f: {  	s5 =	simm.s32 $0x14780;
	s19 =	simm.s32 $0x14680;
	[sflag:s28] =	ssyncadd.s32 $0xFFFFEC00  }
0x160: {  	_ =	sfence.sel $0x180000  }
0x161: {  	[bflag:$0x0] =	sbarrier.arrive $0xFFFF  }
0x162: {  	_ =	strace $0x9000004A  }
0x163: {  	s0 =	stileid.u32;
	[bflag:$0x2] =	sbarrier.arrive $0xFFFF  }
0x164: {  	p0 =	sne.s32 s0, $0x0;
	s0 =	rddreg [dreg:$0x3]  }
0x165: {  	s0 =	sadd.s32 @!p0 $0x100000, s0  }
0x166: {  	[sflag:s0] =	ssyncadd.tile.s32 @!p0 $0x1;
	_ =	shalt  }
.Lfunc_end2:
_tile_overlayer_lowered:
.L_overlay_start_2:
0x167: {  	(tag) =	ssettag $0x2  }
0x168: {  	s0 =	rddreg [dreg:$0x0];
	s2 =	stileid.u32  }
0x169: {  	s1 =	rddreg [dreg:$0x1];
	p0 =	sne.s32 s2, $0x0  }
0x16a: {  	s3 =	rddreg [dreg:$0x2];
	[bflag:$0x3] =	sbarrier.arrive $0xFFFF;
	s2 =	simm.s32 @!p0 $0x1C0A  }
0x16b: {  	[timem:s3], [sflag:s2] =	dma.local @!p0 [hbm:s0], s1  }
0x16c: {  	s0 =	simm.s32 @!p0 $0xA  }
0x16d: {  	_ =	swait.ge @!p0 [sflag:s0], s1  }
0x16e: {  	s1 =	ssub.s32 @!p0 $0x0, s1;
	[sflag:s0] =	ssyncset.done @!p0 $0x0  }
0x16f: {  	[sflag:s0] =	ssyncadd.s32 @!p0 s1  }
0x170: {  	[bflag:$0x3] =	sbarrier.arrive $0xFFFF  }
0x171: {  	_ =	shalt  }

// kernel: kernel.14.cloned.1.call-start
scs
__scs_entry_jumppad:
0x0: {  	(pc) =	sbr.rel $0x88, $3  }
0x1: {  	(tag) =	ssettag $0x0;
	lr =	simm.s32 $0x1  }
0x2: {  	[smem:$0x3F8B] =	sst lr;
	_ =	strace $0xD0000000  }
0x3: {  	_ = 	snop  }
0x4: {  	_ = 	snop  }
0x5: {  	_ = 	snop  }
0x6: {  	_ = 	snop  }
0x7: {  	_ = 	snop  }
__scs_overlays_trampoline_lowered:
0x8: {  	[smem:$0x3F9A] =	sst s0  }
0x9: {  	[smem:$0x3F9B] =	sst s1  }
0xa: {  	[smem:$0x3F9C] =	sst s2  }
0xb: {  	[smem:$0x3F9D] =	sst s3  }
0xc: {  	[smem:$0x3F9E] =	sst s4  }
0xd: {  	[smem:$0x3F9F] =	sst s5  }
0xe: {  	[smem:$0x3FA0] =	sst s6  }
0xf: {  	[smem:$0x3FA1] =	sst s7  }
0x10: {  	[smem:$0x3FA2] =	sst s8  }
0x11: {  	[smem:$0x3FA3] =	sst s9;
	s0 =	simm.s32 @!p0 $0x0  }
0x12: {  	s1 =	sld [smem:$0x3F89];
	s0 =	simm.s32 @p0 $0x1  }
0x13: {  	[smem:$0x3FA4] =	sst s0;
	s0 =	simm.s32 @!p1 $0x0  }
0x14: {  	s2 =	sld [smem:$0x3F88];
	s0 =	simm.s32 @p1 $0x1  }
0x15: {  	[smem:$0x3FA5] =	sst s0;
	s0 =	simm.s32 @!p2 $0x0  }
0x16: {  	s3 =	sld [smem:$0x3FDB];
	s0 =	simm.s32 @p2 $0x1  }
0x17: {  	s4 =	simm.s32 $0x1BF5;
	[smem:$0x3FA7] =	sst s0  }
0x18: {  	s0 =	sld [smem:$0x3F8A];
	_ =	swait.ge [sflag:s4], $0x0  }
0x19: {  	s7 =	sld [smem:$0x3F8B]  }
0x1a: {  	s8 =	sadd.s32 $0xFFFFE003, lr  }
0x1b: {  	s9 =	sadd.s32 $0xFFFFFEF7, lr;
	s5 =	simm.s32 $0xFFFFFFFF;
	p2 =	slt.u32 s8, $0xFFFFF086  }
0x1c: {  	p1 =	slt.u32 s9, $0xF7A;
	s5 =	simm.s32 @!p2 $0x0  }
0x1d: {  	s5 =	simm.s32 @p1 $0x1;
	p0 =	seq.s32 s7, s2  }
0x1e: {  	s7 =	smul.u32 @!p0 $0xF7A, s2;
	p2 =	seq.s32 @!p0 s5, $0x0  }
0x1f: {  	s9 =	smul.u32 $0xF7A, s1;
	s8 =	simm.s32 @!p0 $0x1BF5;
	p2 =	por !p2, p0  }
0x20: {  	[sflag:s8] =	ssyncset.s32 @!p0 $0xFFFFF086;
	s6 =	sadd.s32 @!p0 s3, s7;
	s7 =	simm.s32 @!p0 $0x108  }
0x21: {  	s3 =	sadd.s32 s3, s9;
	s6 =	sadd.s32 @!p0 $0x88, s6;
	s7 =	simm.s32 @p2 $0x1082  }
0x22: {  	[simem:s7], [sflag:s8] =	dma.local @!p0 [hbm:s6], $0xF7A  }
0x23: {  	s9 =	sor.u32 $0xD0000000, s2;
	s6 =	simm.s32 $0x108;
	_ =	swait.ge @!p0 [sflag:s8], $0x0  }
0x24: {  	s3 =	sadd.s32 $0x88, s3;
	s6 =	simm.s32 @!p1 $0x1082;
	[sflag:s4] =	ssyncset.s32 $0xFFFFF086  }
0x25: {  	[simem:s6], [sflag:s4] =	dma.local [hbm:s3], $0xF7A  }
0x26: {  	[smem:$0x3F8B] =	sst s1;
	(tag) =	ssettag s2;
	_ =	strace s9  }
0x27: {  	s1 =	sld [smem:$0x3F9B]  }
0x28: {  	s2 =	sld [smem:$0x3F9C]  }
0x29: {  	s4 =	sld [smem:$0x3F9E]  }
0x2a: {  	p0 =	seq.s32 s5, $0x0;
	s5 =	sld [smem:$0x3F9F]  }
0x2b: {  	s6 =	sld [smem:$0x3FA0]  }
0x2c: {  	s7 =	sld [smem:$0x3FA1]  }
0x2d: {  	s3 =	simm.s32 $0x108;
	s8 =	sld [smem:$0x3FA2]  }
0x2e: {  	s3 =	simm.s32 @!p0 $0x1082;
	s9 =	sld [smem:$0x3FA3]  }
0x2f: {  	lr =	sadd.s32 s0, s3;
	s0 =	sld [smem:$0x3F9A]  }
0x30: {  	s3 =	sld [smem:$0x3F9D]  }
0x31: {  	[smem:$0x3FA6] =	sst s10  }
0x32: {  	s10 =	sld [smem:$0x3FA4];
	_ =	sdelay $0x3  }
0x33: {  	p0 =	seq.s32 s10, $0x1;
	s10 =	sld [smem:$0x3FA6];
	_ =	sdelay $0x3  }
0x34: {  	[smem:$0x3FA6] =	sst s10  }
0x35: {  	s10 =	sld [smem:$0x3FA5];
	_ =	sdelay $0x3  }
0x36: {  	p1 =	seq.s32 s10, $0x1;
	s10 =	sld [smem:$0x3FA6];
	_ =	sdelay $0x3  }
0x37: {  	[smem:$0x3FA6] =	sst s10  }
0x38: {  	s10 =	sld [smem:$0x3FA7]  }
0x39: {  	_ = 	snop;
	(pc) =	sbr.ind lr, $3  }
0x3a: {  	_ = 	snop  }
0x3b: {  	_ = 	snop  }
0x3c: {  	p2 =	seq.s32 s10, $0x1;
	s10 =	sld [smem:$0x3FA6]  }
0x3d: {  	_ =	shalt  }
0x3e: {  	_ =	shalt  }
0x3f: {  	_ =	shalt  }
0x40: {  	_ =	shalt  }
0x41: {  	_ =	shalt  }
0x42: {  	_ =	shalt  }
0x43: {  	_ =	shalt  }
0x44: {  	_ =	shalt  }
0x45: {  	_ =	shalt  }
0x46: {  	_ =	shalt  }
0x47: {  	_ =	shalt  }
0x48: {  	_ =	shalt  }
0x49: {  	_ =	shalt  }
0x4a: {  	_ =	shalt  }
0x4b: {  	_ =	shalt  }
0x4c: {  	_ =	shalt  }
0x4d: {  	_ =	shalt  }
0x4e: {  	_ =	shalt  }
0x4f: {  	_ =	shalt  }
0x50: {  	_ =	shalt  }
0x51: {  	_ =	shalt  }
0x52: {  	_ =	shalt  }
0x53: {  	_ =	shalt  }
0x54: {  	_ =	shalt  }
0x55: {  	_ =	shalt  }
0x56: {  	_ =	shalt  }
0x57: {  	_ =	shalt  }
0x58: {  	_ =	shalt  }
0x59: {  	_ =	shalt  }
0x5a: {  	_ =	shalt  }
0x5b: {  	_ =	shalt  }
0x5c: {  	_ =	shalt  }
0x5d: {  	_ =	shalt  }
0x5e: {  	_ =	shalt  }
0x5f: {  	_ =	shalt  }
0x60: {  	_ =	shalt  }
0x61: {  	_ =	shalt  }
0x62: {  	_ =	shalt  }
0x63: {  	_ =	shalt  }
0x64: {  	_ =	shalt  }
0x65: {  	_ =	shalt  }
0x66: {  	_ =	shalt  }
0x67: {  	_ =	shalt  }
0x68: {  	_ =	shalt  }
0x69: {  	_ =	shalt  }
0x6a: {  	_ =	shalt  }
0x6b: {  	_ =	shalt  }
0x6c: {  	_ =	shalt  }
0x6d: {  	_ =	shalt  }
0x6e: {  	_ =	shalt  }
0x6f: {  	_ =	shalt  }
0x70: {  	_ =	shalt  }
0x71: {  	_ =	shalt  }
0x72: {  	_ =	shalt  }
0x73: {  	_ =	shalt  }
0x74: {  	_ =	shalt  }
0x75: {  	_ =	shalt  }
0x76: {  	_ =	shalt  }
0x77: {  	_ =	shalt  }
0x78: {  	_ =	shalt  }
0x79: {  	_ =	shalt  }
0x7a: {  	_ =	shalt  }
0x7b: {  	_ =	shalt  }
0x7c: {  	_ =	shalt  }
0x7d: {  	_ =	shalt  }
0x7e: {  	_ =	shalt  }
0x7f: {  	_ =	shalt  }
0x80: {  	_ =	shalt  }
0x81: {  	_ =	shalt  }
0x82: {  	_ =	shalt  }
0x83: {  	_ =	shalt  }
0x84: {  	_ =	shalt  }
0x85: {  	_ =	shalt  }
0x86: {  	_ =	shalt  }
0x87: {  	_ =	shalt  }
.Lfunc_end0:
.L_simem_size_0:
called_computation.2_lowered:
.L_overlay_start_0:
0x88: {  	s2 =	sld [smem:$0x3FD9]  }
0x89: {  	s3 =	sld [smem:$0x3FFE];
	_ =	sdelay $0x1  }
0x8a: {  	s1 =	srdreg.scid  }
0x8b: {  	s0 =	sand.u32 $0x1, s1  }
0x8c: {  	s16 =	sshll.u32 s0, $0xA;
	s2 =	sadd.s32 s3, s2  }
0x8d: {  	s2 =	sadd.s32 s2, s16  }
0x8e: {  	[smem:$0x3FB2] =	sst s2  }
0x8f: {  	_ = 	snop  }
0x90: {  	(tm) =	ssettm $0x1  }
0x91: {  	s17 =	sld [smem:$0x3FFB];
	_ =	sdelay $0x3  }
0x92: {  	_ =	strace s17  }
0x93: {  	s2 =	sld [smem:$0x3FFC];
	_ =	sdelay $0x3  }
0x94: {  	_ =	strace s2  }
0x95: {  	s2 =	sld [smem:$0x3FFD];
	_ =	sdelay $0x3  }
0x96: {  	_ =	strace s2  }
0x97: {  	_ =	strace $0x8FFFFFFF  }
0x98: {  	s18 =	sld [smem:$0x3FDB];
	_ =	sdelay $0x1  }
0x99: {  	s19 =	simm.s32 $_scs_section_size  }
0x9a: {  	s4 =	simm.s32 $_size__tile_overlayer_lowered;
	s5 =	simm.s32 $_tile_overlayer_lowered  }
0x9b: {  	s22 =	simm.s32 $0x1BFF;
	s21 =	sshll.u32 s5, $0x1;
	s2 =	sadd.s32 s19, s18  }
0x9c: {  	s6 =	simm.s32 $0x0;
	s20 =	sshll.u32 s4, $0x1;
	s4 =	sadd.s32 s21, s2  }
0x9d: {  	[timem:s6], [sflag:s22] =	dma.local [hbm:s4], s20  }
0x9e: {  	_ =	swait.ge [sflag:s22], s20  }
0x9f: {  	s3 =	ssub.s32 $0x0, s20;
	[sflag:s22] =	ssyncset.done $0x0  }
0xa0: {  	[sflag:s22] =	ssyncadd.s32 s3;
	_ =	sdelay $0x1  }
0xa1: {  	s23 =	simm.s32 $0x1B8B  }
0xa2: {  	_ =	swait.ge [sflag:s23], $0x1  }
0xa3: {  	[sflag:s23] =	ssyncset.done $0x0  }
0xa4: {  	s25 =	simm.s32 $0x1B8E;
	s24 =	sld [smem:$0x3FFE];
	[sflag:s23] =	ssyncadd.s32 $0xFFFFFFFF  }
0xa5: {  	s26 =	simm.s32 $execute0_lowered;
	[smem:$0x3FD2] =	sst s25  }
0xa6: {  	s4 =	sshll.u32 s26, $0x1;
	_ =	strace $0x8000004C;
	[dreg:$0x1] =	wrdreg $0xFFFFFFFF  }
0xa7: {  	s28 =	simm.s32 $_size_execute0_lowered;
	s2 =	sadd.s32 s2, s4;
	[dreg:$0x0] =	wrdreg $0x0  }
0xa8: {  	s4 =	sshll.u32 s28, $0x1;
	[dreg:$0x2] =	wrdreg s2  }
0xa9: {  	[dreg:$0x3] =	wrdreg s4  }
0xaa: {  	[dreg:$0x4] =	wrdreg $0xC0  }
0xab: {  	_ =	task [dreg:s6], $0x5FFFF  }
0xac: {  	[dreg:$0x1] =	wrdreg $0xFFFFFFFF  }
0xad: {  	[dreg:$0x0] =	wrdreg $0x60  }
0xae: {  	[dreg:$0x2] =	wrdreg s24  }
0xaf: {  	[dreg:$0x3] =	wrdreg $0x0  }
0xb0: {  	[dreg:$0x4] =	wrdreg $0xA0000  }
0xb1: {  	[dreg:$0x5] =	wrdreg $0x9  }
0xb2: {  	_ =	task.clear_ibuf [dreg:s6], $0x6FFFF;
	_ =	strace $0x9000004C  }
0xb3: {  	s29 =	simm.s32 $0x9;
	_ =	strace $0x8000004E  }
0xb4: {  	_ =	swait.ge [sflag:s29], $0x1  }
0xb5: {  	[sflag:s29] =	ssyncadd.s32 $0xFFFFFFFF  }
0xb6: {  	_ =	strace $0x9000004E  }
0xb7: {  	_ =	sfence  }
0xb8: {  	s30 =	sld [smem:$0x0];
	_ =	sdelay $0x2  }
0xb9: {  	s31 =	sshll.u32 s1, $0xD;
	s1 =	sshrl.u32 s1, $0x2  }
0xba: {  	s3 =	sand.u32 $0x4000, s31;
	s1 =	sadd.s32 s1, s30  }
0xbb: {  	s0 =	sor.u32 s3, s0;
	s1 =	sshll.u32 s1, $0x11  }
0xbc: {  	s0 =	sor.u32 s1, s0  }
0xbd: {  	s0 =	sadd.s32 $0x8F2B, s0  }
0xbe: {  	[sflag:s0] =	ssyncadd.remote.s32 $0x1  }
0xbf: {  	_ =	sfence.sel $0xFFFF  }
0xc0: {  	[dreg:$0x0] =	wrdreg $0xFFFFFFFF;
	(pc) =	sbr.abs _section_cstart, $3  }
0xc1: {  	[dreg:$0x1] =	wrdreg $0xFFFFFFFF  }
0xc2: {  	_ =	task.clear_ibuf [dreg:s6], $0x2FFFF;
	_ =	strace $0x9FFFFFFF  }
0xc3: {  	(tm) =	ssettm $0x7FFFFFFF  }
tec
execute0_lowered:
.L_overlay_start_1:
0x0: {  	(tag) =	ssettag $0x1  }
0x1: {  	s0 =	rddreg [dreg:$0x0]  }
0x2: {  	s1 =	rddreg [dreg:$0x1]  }
0x3: {  	s2 =	rddreg [dreg:$0x2];
	s3 =	srdreg.scid  }
0x4: {  	s4 =	simm.s32 $0x0;
	s9 =	stileid.u32;
	s28 =	simm.s32 $0xA  }
0x5: {  	s15 =	simm.s32 $0x80;
	s16 =	simm.s32 $0x14800;
	s18 =	simm.s32 $0x16800  }
0x6: {  	s29 =	simm.s32 $0x3;
	s31 =	simm.s32 $0x4;
	s13 =	simm.s32 $0x8  }
0x7: {  	s17 =	simm.s32 $0x14600;
	s3 =	sand.u32 $0x1, s3;
	s6 =	smul.u32 $0x280, s9  }
0x8: {  	[smem:$0x7FF] =	sst s4;
	s19 =	smul.u32 $0xA000, s9;
	s7 =	sadd.s32 $0x17000, s0  }
0x9: {  	s21 =	sshll.u32 s9, $0x6;
	s9 =	smul.u32 $0x1400, s9;
	s4 =	simm.s32 $0x14500  }
0xa: {  	s5 =	smul.u32 $0x2800, s3;
	_ =	strace $0x8000004D;
	s3 =	ssub.s32 $0x2, s3  }
0xb: {  	s25 =	sor.u32 $0x1C0A, s21;
	s21 =	simm.s32 $0x14700;
	s8 =	sshrl.u32 s3, $0x1  }
0xc: {  	s20 =	sadd.s32 s19, s1;
	s10 =	sshrl.u32 s19, $0x3;
	s23 =	sadd.s32 s7, s9  }
0xd: {  	s9 =	simm.s32 $0x6;
	[dreg:$0x5] =	wrdreg s25;
	s5 =	sadd.s32 s6, s5  }
0xe: {  	s3 =	ssub.s32 s3, s8;
	s22 =	sadd.s32 s7, s10;
	s6 =	sadd.s32 s19, s2  }
0xf: {  	[dreg:$0xb] =	wrdreg s23;
	s26 =	sshrl.u32 s20, $0x3;
	s20 =	simm.s32 $0x18800  }
0x10: {  	s23 =	simm.s32 $0x14580;
	s19 =	simm.s32 $0x14680;
	s7 =	simm.s32 $0x0  }
0x11: {  	s5 =	sshll.u32 s5, $0x3;
	s8 =	sadd.s32 $0x1380, s22;
	s24 =	smax.u32 s3, $0x1  }
0x12: {  	[dreg:$0x9] =	wrdreg s26;
	s30 =	sshrl.u32 s6, $0x3;
	s22 =	simm.s32 $0x1A800  }
0x13: {  	s26 =	simm.s32 $0x2;
	s3 =	simm.s32 $0x9;
	[dreg:$0x6] =	wrdreg s8  }
0x14: {  	s6 =	simm.s32 $0x14480;
	s0 =	sadd.s32 s5, s0;
	[dreg:$0x8] =	wrdreg s24  }
0x15: {  	s24 =	simm.s32 $0x1;
	[dreg:$0xa] =	wrdreg s30;
	s11 =	sadd.s32 $0x2B000, s0  }
0x16: {  	s8 =	simm.s32 $0x5;
	s0 =	sadd.s32 $0x53000, s0;
	[dreg:$0x4] =	wrdreg s11  }
0x17: {  	s5 =	simm.s32 $0x14780;
	[dreg:$0x7] =	wrdreg s0;
	s11 =	simm.s32 $0x7  }
.LBB2_1:
0x18: {  	[dreg:$0xc] =	wrdreg s7  }
0x19: {  	s0 =	rddreg [dreg:$0x4]  }
0x1a: {  	s10 =	rddreg [dreg:$0x9]  }
0x1b: {  	[spmem:s10], [sflag:s25] =	dma.local [hbm:s0], $0x1400  }
0x1c: {  	_ =	swait.ge [sflag:s28], $0x1400  }
0x1d: {  	[sflag:s28] =	ssyncset.done $0x0  }
0x1e: {  	[sflag:s28] =	ssyncadd.s32 $0xFFFFEC00  }
0x1f: {  	[spmem:s30], [sflag:s25] =	dma.local [hbm:s0], $0x1400  }
0x20: {  	_ =	swait.ge [sflag:s28], $0x1400  }
0x21: {  	[sflag:s28] =	ssyncset.done $0x0  }
0x22: {  	[sflag:s28] =	ssyncadd.s32 $0xFFFFEC00  }
0x23: {  	[bflag:$0x0] =	sbarrier.arrive $0xFFFF  }
0x24: {  	s10 =	simm.s32 $0x0;
	s30 =	simm.s32 $0x14000;
	s14 =	rddreg [dreg:$0xb]  }
0x25: {  	[tilespmem:s30], [sflag:$0xA] =	stream.linear.gather [hbm4b:s14+s10], $0x400, $0x38;
	[tilespmem:$0x1C800] =	vst v63  }
0x26: {  	_ =	swait.ge [sflag:s28], $0x400  }
0x27: {  	[sflag:s28] =	ssyncset.done $0x0  }
0x28: {  	[sflag:s28] =	ssyncadd.s32 $0xFFFFFC00  }
0x29: {  	[tilespmem:s16], [sflag:$0x1] =	stream.indirect.gather [spmem:s1], $0x40, s30, s15, $0xb8;
	[tilespmem:$0x1C800] =	vst v63  }
0x2a: {  	s28 =	simm.s32 $0x14080  }
0x2b: {  	[tilespmem:s18], [sflag:$0x2] =	stream.indirect.gather [spmem:s1], $0x40, s28, s15, $0xb8;
	[tilespmem:$0x1C800] =	vst v63  }
0x2c: {  	s25 =	simm.s32 $0x14100  }
0x2d: {  	[tilespmem:s20], [sflag:$0x3] =	stream.indirect.gather [spmem:s1], $0x40, s25, s15, $0xb8;
	[tilespmem:$0x1C800] =	vst v63  }
0x2e: {  	s7 =	simm.s32 $0x14180;
	s0 =	sadd.s32 $0xFFFFED00, s14  }
0x2f: {  	[tilespmem:s22], [sflag:$0x4] =	stream.indirect.gather [spmem:s1], $0x40, s7, s15, $0xb8;
	[tilespmem:$0x1C800] =	vst v63  }
0x30: {  	s12 =	sadd.s32 $0x1380, s0;
	s7 =	simm.s32 $0x14400  }
0x31: {  	[tilespmem:s7], [sflag:$0x9] =	stream.linear.gather [hbm4b:s12+s10], $0x400, $0x38;
	[tilespmem:$0x1C800] =	vst v63  }
0x32: {  	_ =	swait.ge [sflag:s24], $0x2000  }
0x33: {  	[sflag:s24] =	ssyncset.done $0x0  }
0x34: {  	s12 =	simm.s32 $0x14200;
	[sflag:s24] =	ssyncadd.s32 $0xFFFFE000  }
0x35: {  	[spmem:s2] =	stream.indirect.scatter.add.f32 [tilespmem:s16], [sflag:$0x5], $0x40, s12, s15, $0xb8;
	[tilespmem:$0x1C800] =	vst v63  }
0x36: {  	_ =	swait.ge [sflag:s26], $0x2000  }
0x37: {  	[sflag:s26] =	ssyncset.done $0x0  }
0x38: {  	s25 =	simm.s32 $0x14280;
	[sflag:s26] =	ssyncadd.s32 $0xFFFFE000  }
0x39: {  	[spmem:s2] =	stream.indirect.scatter.add.f32 [tilespmem:s18], [sflag:$0x6], $0x40, s25, s15, $0xb8;
	[tilespmem:$0x1C800] =	vst v63  }
0x3a: {  	_ =	swait.ge [sflag:s29], $0x2000  }
0x3b: {  	[sflag:s29] =	ssyncset.done $0x0  }
0x3c: {  	s25 =	simm.s32 $0x14300;
	[sflag:s29] =	ssyncadd.s32 $0xFFFFE000  }
0x3d: {  	[spmem:s2] =	stream.indirect.scatter.add.f32 [tilespmem:s20], [sflag:$0x7], $0x40, s25, s15, $0xb8;
	[tilespmem:$0x1C800] =	vst v63  }
0x3e: {  	_ =	swait.ge [sflag:s31], $0x2000  }
0x3f: {  	[sflag:s31] =	ssyncset.done $0x0  }
0x40: {  	s25 =	simm.s32 $0x14380;
	[sflag:s31] =	ssyncadd.s32 $0xFFFFE000  }
0x41: {  	[spmem:s2] =	stream.indirect.scatter.add.f32 [tilespmem:s22], [sflag:$0x8], $0x40, s25, s15, $0xb8;
	[tilespmem:$0x1C800] =	vst v63  }
0x42: {  	_ =	swait.ge [sflag:s3], $0x400  }
0x43: {  	[sflag:s3] =	ssyncset.done $0x0  }
0x44: {  	[sflag:s3] =	ssyncadd.s32 $0xFFFFFC00  }
0x45: {  	_ =	swait.ge [sflag:s8], $0x2000  }
0x46: {  	[sflag:s8] =	ssyncset.done $0x0  }
0x47: {  	[sflag:s8] =	ssyncadd.s32 $0xFFFFE000  }
0x48: {  	[tilespmem:s16], [sflag:$0x1] =	stream.indirect.gather [spmem:s1], $0x40, s7, s15, $0xb8;
	[tilespmem:$0x1C800] =	vst v63  }
0x49: {  	_ =	swait.ge [sflag:s9], $0x2000  }
0x4a: {  	[sflag:s9] =	ssyncset.done $0x0  }
0x4b: {  	[sflag:s9] =	ssyncadd.s32 $0xFFFFE000  }
0x4c: {  	[tilespmem:s18], [sflag:$0x2] =	stream.indirect.gather [spmem:s1], $0x40, s6, s15, $0xb8;
	[tilespmem:$0x1C800] =	vst v63  }
0x4d: {  	_ =	swait.ge [sflag:s11], $0x2000  }
0x4e: {  	[sflag:s11] =	ssyncset.done $0x0  }
0x4f: {  	[sflag:s11] =	ssyncadd.s32 $0xFFFFE000  }
0x50: {  	[tilespmem:s20], [sflag:$0x3] =	stream.indirect.gather [spmem:s1], $0x40, s4, s15, $0xb8;
	[tilespmem:$0x1C800] =	vst v63  }
0x51: {  	_ =	swait.ge [sflag:s13], $0x2000  }
0x52: {  	[sflag:s13] =	ssyncset.done $0x0  }
0x53: {  	[sflag:s13] =	ssyncadd.s32 $0xFFFFE000  }
0x54: {  	[tilespmem:s22], [sflag:$0x4] =	stream.indirect.gather [spmem:s1], $0x40, s23, s15, $0xb8;
	[tilespmem:$0x1C800] =	vst v63  }
0x55: {  	s0 =	sadd.s32 $0x1400, s0  }
0x56: {  	[tilespmem:s30], [sflag:$0x9] =	stream.linear.gather [hbm4b:s0+s10], $0x400, $0x38;
	[tilespmem:$0x1C800] =	vst v63  }
0x57: {  	_ =	swait.ge [sflag:s24], $0x2000  }
0x58: {  	[sflag:s24] =	ssyncset.done $0x0  }
0x59: {  	[sflag:s24] =	ssyncadd.s32 $0xFFFFE000  }
0x5a: {  	[spmem:s2] =	stream.indirect.scatter.add.f32 [tilespmem:s16], [sflag:$0x5], $0x40, s17, s15, $0xb8;
	[tilespmem:$0x1C800] =	vst v63  }
0x5b: {  	_ =	swait.ge [sflag:s26], $0x2000  }
0x5c: {  	[sflag:s26] =	ssyncset.done $0x0  }
0x5d: {  	[sflag:s26] =	ssyncadd.s32 $0xFFFFE000  }
0x5e: {  	[spmem:s2] =	stream.indirect.scatter.add.f32 [tilespmem:s18], [sflag:$0x6], $0x40, s19, s15, $0xb8;
	[tilespmem:$0x1C800] =	vst v63  }
0x5f: {  	_ =	swait.ge [sflag:s29], $0x2000  }
0x60: {  	[sflag:s29] =	ssyncset.done $0x0  }
0x61: {  	[sflag:s29] =	ssyncadd.s32 $0xFFFFE000  }
0x62: {  	[spmem:s2] =	stream.indirect.scatter.add.f32 [tilespmem:s20], [sflag:$0x7], $0x40, s21, s15, $0xb8;
	[tilespmem:$0x1C800] =	vst v63  }
0x63: {  	_ =	swait.ge [sflag:s31], $0x2000  }
0x64: {  	[sflag:s31] =	ssyncset.done $0x0  }
0x65: {  	[sflag:s31] =	ssyncadd.s32 $0xFFFFE000  }
0x66: {  	[spmem:s2] =	stream.indirect.scatter.add.f32 [tilespmem:s22], [sflag:$0x8], $0x40, s5, s15, $0xb8;
	[tilespmem:$0x1C800] =	vst v63  }
0x67: {  	_ =	swait.ge [sflag:s3], $0x400  }
0x68: {  	[sflag:s3] =	ssyncset.done $0x0  }
0x69: {  	[sflag:s3] =	ssyncadd.s32 $0xFFFFFC00  }
0x6a: {  	_ =	swait.ge [sflag:s8], $0x2000  }
0x6b: {  	[sflag:s8] =	ssyncset.done $0x0  }
0x6c: {  	[sflag:s8] =	ssyncadd.s32 $0xFFFFE000  }
0x6d: {  	[tilespmem:s16], [sflag:$0x1] =	stream.indirect.gather [spmem:s1], $0x40, s30, s15, $0xb8;
	[tilespmem:$0x1C800] =	vst v63  }
0x6e: {  	_ =	swait.ge [sflag:s9], $0x2000  }
0x6f: {  	[sflag:s9] =	ssyncset.done $0x0  }
0x70: {  	[sflag:s9] =	ssyncadd.s32 $0xFFFFE000  }
0x71: {  	[tilespmem:s18], [sflag:$0x2] =	stream.indirect.gather [spmem:s1], $0x40, s28, s15, $0xb8;
	[tilespmem:$0x1C800] =	vst v63  }
0x72: {  	_ =	swait.ge [sflag:s11], $0x2000  }
0x73: {  	[sflag:s11] =	ssyncset.done $0x0  }
0x74: {  	s30 =	simm.s32 $0x14100;
	[sflag:s11] =	ssyncadd.s32 $0xFFFFE000  }
0x75: {  	[tilespmem:s20], [sflag:$0x3] =	stream.indirect.gather [spmem:s1], $0x40, s30, s15, $0xb8;
	[tilespmem:$0x1C800] =	vst v63  }
0x76: {  	_ =	swait.ge [sflag:s13], $0x2000  }
0x77: {  	[sflag:s13] =	ssyncset.done $0x0  }
0x78: {  	s25 =	sadd.s32 $0xFFFFEE00, s14;
	s28 =	simm.s32 $0xFFFFEF00;
	[sflag:s13] =	ssyncadd.s32 $0xFFFFE000  }
.LBB2_2:
0x79: {  	s0 =	simm.s32 $0x14180  }
0x7a: {  	[tilespmem:s22], [sflag:$0x4] =	stream.indirect.gather [spmem:s1], $0x40, s0, s15, $0xb8;
	[tilespmem:$0x1C800] =	vst v63  }
0x7b: {  	s10 =	sadd.s32 $0x1380, s25;
	s7 =	simm.s32 $0x0;
	s0 =	smov.u32 s28  }
0x7c: {  	s12 =	simm.s32 $0x14400;
	s30 =	sadd.s32 s0, s14;
	s0 =	sadd.s32 $0x100, s28  }
0x7d: {  	[tilespmem:s12], [sflag:$0x9] =	stream.linear.gather [hbm4b:s10+s7], $0x400, $0x38;
	[tilespmem:$0x1C800] =	vst v63  }
0x7e: {  	p0 =	sne.s32 s28, $0xFFFFFF00;
	_ =	swait.ge [sflag:s24], $0x2000  }
0x7f: {  	[sflag:s24] =	ssyncset.done $0x0  }
0x80: {  	s10 =	simm.s32 $0x14200;
	[sflag:s24] =	ssyncadd.s32 $0xFFFFE000  }
0x81: {  	[spmem:s2] =	stream.indirect.scatter.add.f32 [tilespmem:s16], [sflag:$0x5], $0x40, s10, s15, $0xb8;
	[tilespmem:$0x1C800] =	vst v63  }
0x82: {  	_ =	swait.ge [sflag:s26], $0x2000  }
0x83: {  	[sflag:s26] =	ssyncset.done $0x0  }
0x84: {  	s10 =	simm.s32 $0x14280;
	[sflag:s26] =	ssyncadd.s32 $0xFFFFE000  }
0x85: {  	[spmem:s2] =	stream.indirect.scatter.add.f32 [tilespmem:s18], [sflag:$0x6], $0x40, s10, s15, $0xb8;
	[tilespmem:$0x1C800] =	vst v63  }
0x86: {  	_ =	swait.ge [sflag:s29], $0x2000  }
0x87: {  	[sflag:s29] =	ssyncset.done $0x0  }
0x88: {  	s10 =	simm.s32 $0x14300;
	[sflag:s29] =	ssyncadd.s32 $0xFFFFE000  }
0x89: {  	[spmem:s2] =	stream.indirect.scatter.add.f32 [tilespmem:s20], [sflag:$0x7], $0x40, s10, s15, $0xb8;
	[tilespmem:$0x1C800] =	vst v63  }
0x8a: {  	_ =	swait.ge [sflag:s31], $0x2000  }
0x8b: {  	[sflag:s31] =	ssyncset.done $0x0  }
0x8c: {  	s10 =	simm.s32 $0x14380;
	[sflag:s31] =	ssyncadd.s32 $0xFFFFE000  }
0x8d: {  	[spmem:s2] =	stream.indirect.scatter.add.f32 [tilespmem:s22], [sflag:$0x8], $0x40, s10, s15, $0xb8;
	[tilespmem:$0x1C800] =	vst v63  }
0x8e: {  	_ =	swait.ge [sflag:s3], $0x400  }
0x8f: {  	[sflag:s3] =	ssyncset.done $0x0  }
0x90: {  	[sflag:s3] =	ssyncadd.s32 $0xFFFFFC00  }
0x91: {  	_ =	swait.ge [sflag:s8], $0x2000  }
0x92: {  	[sflag:s8] =	ssyncset.done $0x0  }
0x93: {  	[sflag:s8] =	ssyncadd.s32 $0xFFFFE000  }
0x94: {  	[tilespmem:s16], [sflag:$0x1] =	stream.indirect.gather [spmem:s1], $0x40, s12, s15, $0xb8;
	[tilespmem:$0x1C800] =	vst v63  }
0x95: {  	_ =	swait.ge [sflag:s9], $0x2000  }
0x96: {  	[sflag:s9] =	ssyncset.done $0x0  }
0x97: {  	[sflag:s9] =	ssyncadd.s32 $0xFFFFE000  }
0x98: {  	[tilespmem:s18], [sflag:$0x2] =	stream.indirect.gather [spmem:s1], $0x40, s6, s15, $0xb8;
	[tilespmem:$0x1C800] =	vst v63  }
0x99: {  	_ =	swait.ge [sflag:s11], $0x2000  }
0x9a: {  	[sflag:s11] =	ssyncset.done $0x0  }
0x9b: {  	[sflag:s11] =	ssyncadd.s32 $0xFFFFE000  }
0x9c: {  	[tilespmem:s20], [sflag:$0x3] =	stream.indirect.gather [spmem:s1], $0x40, s4, s15, $0xb8;
	[tilespmem:$0x1C800] =	vst v63  }
0x9d: {  	_ =	swait.ge [sflag:s13], $0x2000  }
0x9e: {  	[sflag:s13] =	ssyncset.done $0x0  }
0x9f: {  	[sflag:s13] =	ssyncadd.s32 $0xFFFFE000  }
0xa0: {  	[tilespmem:s22], [sflag:$0x4] =	stream.indirect.gather [spmem:s1], $0x40, s23, s15, $0xb8;
	[tilespmem:$0x1C800] =	vst v63  }
0xa1: {  	s28 =	simm.s32 $0x14000;
	s10 =	sadd.s32 $0x1400, s25;
	s25 =	smov.u32 s30  }
0xa2: {  	[tilespmem:s28], [sflag:$0x9] =	stream.linear.gather [hbm4b:s10+s7], $0x400, $0x38;
	[tilespmem:$0x1C800] =	vst v63  }
0xa3: {  	_ =	swait.ge [sflag:s24], $0x2000  }
0xa4: {  	[sflag:s24] =	ssyncset.done $0x0  }
0xa5: {  	[sflag:s24] =	ssyncadd.s32 $0xFFFFE000  }
0xa6: {  	[spmem:s2] =	stream.indirect.scatter.add.f32 [tilespmem:s16], [sflag:$0x5], $0x40, s17, s15, $0xb8;
	[tilespmem:$0x1C800] =	vst v63  }
0xa7: {  	_ =	swait.ge [sflag:s26], $0x2000  }
0xa8: {  	[sflag:s26] =	ssyncset.done $0x0  }
0xa9: {  	[sflag:s26] =	ssyncadd.s32 $0xFFFFE000  }
0xaa: {  	[spmem:s2] =	stream.indirect.scatter.add.f32 [tilespmem:s18], [sflag:$0x6], $0x40, s19, s15, $0xb8;
	[tilespmem:$0x1C800] =	vst v63  }
0xab: {  	_ =	swait.ge [sflag:s29], $0x2000  }
0xac: {  	[sflag:s29] =	ssyncset.done $0x0  }
0xad: {  	[sflag:s29] =	ssyncadd.s32 $0xFFFFE000  }
0xae: {  	[spmem:s2] =	stream.indirect.scatter.add.f32 [tilespmem:s20], [sflag:$0x7], $0x40, s21, s15, $0xb8;
	[tilespmem:$0x1C800] =	vst v63  }
0xaf: {  	_ =	swait.ge [sflag:s31], $0x2000  }
0xb0: {  	[sflag:s31] =	ssyncset.done $0x0  }
0xb1: {  	[sflag:s31] =	ssyncadd.s32 $0xFFFFE000  }
0xb2: {  	[spmem:s2] =	stream.indirect.scatter.add.f32 [tilespmem:s22], [sflag:$0x8], $0x40, s5, s15, $0xb8;
	[tilespmem:$0x1C800] =	vst v63  }
0xb3: {  	_ =	swait.ge [sflag:s3], $0x400  }
0xb4: {  	[sflag:s3] =	ssyncset.done $0x0  }
0xb5: {  	[sflag:s3] =	ssyncadd.s32 $0xFFFFFC00  }
0xb6: {  	_ =	swait.ge [sflag:s8], $0x2000  }
0xb7: {  	[sflag:s8] =	ssyncset.done $0x0  }
0xb8: {  	[sflag:s8] =	ssyncadd.s32 $0xFFFFE000  }
0xb9: {  	[tilespmem:s16], [sflag:$0x1] =	stream.indirect.gather [spmem:s1], $0x40, s28, s15, $0xb8;
	[tilespmem:$0x1C800] =	vst v63  }
0xba: {  	_ =	swait.ge [sflag:s9], $0x2000  }
0xbb: {  	[sflag:s9] =	ssyncset.done $0x0  }
0xbc: {  	s10 =	simm.s32 $0x14080;
	[sflag:s9] =	ssyncadd.s32 $0xFFFFE000  }
0xbd: {  	[tilespmem:s18], [sflag:$0x2] =	stream.indirect.gather [spmem:s1], $0x40, s10, s15, $0xb8;
	[tilespmem:$0x1C800] =	vst v63  }
0xbe: {  	_ =	swait.ge [sflag:s11], $0x2000  }
0xbf: {  	[sflag:s11] =	ssyncset.done $0x0  }
.Ltmp0:
0xc0: {  	s10 =	simm.s32 $0x14100;
	[sflag:s11] =	ssyncadd.s32 $0xFFFFE000;
	(pc) =	sbr.rel @p0 .LBB2_2-.Ltmp0, $4  }
0xc1: {  	[tilespmem:s20], [sflag:$0x3] =	stream.indirect.gather [spmem:s1], $0x40, s10, s15, $0xb8;
	[tilespmem:$0x1C800] =	vst v63  }
0xc2: {  	_ =	swait.ge [sflag:s13], $0x2000  }
0xc3: {  	[sflag:s13] =	ssyncset.done $0x0  }
0xc4: {  	s28 =	smov.u32 s0;
	[sflag:s13] =	ssyncadd.s32 $0xFFFFE000  }
0xc5: {  	s17 =	simm.s32 $0x14180  }
0xc6: {  	[tilespmem:s22], [sflag:$0x4] =	stream.indirect.gather [spmem:s1], $0x40, s17, s15, $0xb8;
	[tilespmem:$0x1C800] =	vst v63  }
0xc7: {  	s0 =	sadd.s32 $0x1380, s25;
	s4 =	simm.s32 $0x0;
	s6 =	simm.s32 $0x14400  }
0xc8: {  	[tilespmem:s6], [sflag:$0x9] =	stream.linear.gather [hbm4b:s0+s4], $0x400, $0x38;
	[tilespmem:$0x1C800] =	vst v63  }
0xc9: {  	_ =	swait.ge [sflag:s24], $0x2000  }
0xca: {  	[sflag:s24] =	ssyncset.done $0x0  }
0xcb: {  	s28 =	simm.s32 $0x14200;
	[sflag:s24] =	ssyncadd.s32 $0xFFFFE000  }
0xcc: {  	[spmem:s2] =	stream.indirect.scatter.add.f32 [tilespmem:s16], [sflag:$0x5], $0x40, s28, s15, $0xb8;
	[tilespmem:$0x1C800] =	vst v63  }
0xcd: {  	_ =	swait.ge [sflag:s26], $0x2000  }
0xce: {  	[sflag:s26] =	ssyncset.done $0x0  }
0xcf: {  	s30 =	simm.s32 $0x14280;
	[sflag:s26] =	ssyncadd.s32 $0xFFFFE000  }
0xd0: {  	[spmem:s2] =	stream.indirect.scatter.add.f32 [tilespmem:s18], [sflag:$0x6], $0x40, s30, s15, $0xb8;
	[tilespmem:$0x1C800] =	vst v63  }
0xd1: {  	_ =	swait.ge [sflag:s29], $0x2000  }
0xd2: {  	[sflag:s29] =	ssyncset.done $0x0  }
0xd3: {  	s10 =	simm.s32 $0x14300;
	[sflag:s29] =	ssyncadd.s32 $0xFFFFE000  }
0xd4: {  	[spmem:s2] =	stream.indirect.scatter.add.f32 [tilespmem:s20], [sflag:$0x7], $0x40, s10, s15, $0xb8;
	[tilespmem:$0x1C800] =	vst v63  }
0xd5: {  	_ =	swait.ge [sflag:s31], $0x2000  }
0xd6: {  	[sflag:s31] =	ssyncset.done $0x0  }
0xd7: {  	s21 =	simm.s32 $0x14380;
	[sflag:s31] =	ssyncadd.s32 $0xFFFFE000  }
0xd8: {  	[spmem:s2] =	stream.indirect.scatter.add.f32 [tilespmem:s22], [sflag:$0x8], $0x40, s21, s15, $0xb8;
	[tilespmem:$0x1C800] =	vst v63  }
0xd9: {  	_ =	swait.ge [sflag:s3], $0x400  }
0xda: {  	[sflag:s3] =	ssyncset.done $0x0  }
0xdb: {  	[sflag:s3] =	ssyncadd.s32 $0xFFFFFC00  }
0xdc: {  	_ =	swait.ge [sflag:s8], $0x2000  }
0xdd: {  	[sflag:s8] =	ssyncset.done $0x0  }
0xde: {  	[sflag:s8] =	ssyncadd.s32 $0xFFFFE000  }
0xdf: {  	[tilespmem:s16], [sflag:$0x1] =	stream.indirect.gather [spmem:s1], $0x40, s6, s15, $0xb8;
	[tilespmem:$0x1C800] =	vst v63  }
0xe0: {  	_ =	swait.ge [sflag:s9], $0x2000  }
0xe1: {  	[sflag:s9] =	ssyncset.done $0x0  }
0xe2: {  	s23 =	simm.s32 $0x14480;
	[sflag:s9] =	ssyncadd.s32 $0xFFFFE000  }
0xe3: {  	[tilespmem:s18], [sflag:$0x2] =	stream.indirect.gather [spmem:s1], $0x40, s23, s15, $0xb8;
	[tilespmem:$0x1C800] =	vst v63  }
0xe4: {  	_ =	swait.ge [sflag:s11], $0x2000  }
0xe5: {  	[sflag:s11] =	ssyncset.done $0x0  }
0xe6: {  	s19 =	simm.s32 $0x14500;
	[sflag:s11] =	ssyncadd.s32 $0xFFFFE000  }
0xe7: {  	[tilespmem:s20], [sflag:$0x3] =	stream.indirect.gather [spmem:s1], $0x40, s19, s15, $0xb8;
	[tilespmem:$0x1C800] =	vst v63  }
0xe8: {  	_ =	swait.ge [sflag:s13], $0x2000  }
0xe9: {  	[sflag:s13] =	ssyncset.done $0x0  }
0xea: {  	s19 =	simm.s32 $0x14580;
	[sflag:s13] =	ssyncadd.s32 $0xFFFFE000  }
0xeb: {  	[tilespmem:s22], [sflag:$0x4] =	stream.indirect.gather [spmem:s1], $0x40, s19, s15, $0xb8;
	[tilespmem:$0x1C800] =	vst v63  }
0xec: {  	s25 =	sadd.s32 $0x1400, s25;
	s5 =	simm.s32 $0x14000  }
0xed: {  	[tilespmem:s5], [sflag:$0x9] =	stream.linear.gather [hbm4b:s25+s4], $0x400, $0x38;
	[tilespmem:$0x1C800] =	vst v63  }
0xee: {  	_ =	swait.ge [sflag:s24], $0x2000  }
0xef: {  	[sflag:s24] =	ssyncset.done $0x0  }
0xf0: {  	s12 =	simm.s32 $0x14600;
	[sflag:s24] =	ssyncadd.s32 $0xFFFFE000  }
0xf1: {  	[spmem:s2] =	stream.indirect.scatter.add.f32 [tilespmem:s16], [sflag:$0x5], $0x40, s12, s15, $0xb8;
	[tilespmem:$0x1C800] =	vst v63  }
0xf2: {  	_ =	swait.ge [sflag:s26], $0x2000  }
0xf3: {  	[sflag:s26] =	ssyncset.done $0x0  }
0xf4: {  	s14 =	simm.s32 $0x14680;
	[sflag:s26] =	ssyncadd.s32 $0xFFFFE000  }
0xf5: {  	[spmem:s2] =	stream.indirect.scatter.add.f32 [tilespmem:s18], [sflag:$0x6], $0x40, s14, s15, $0xb8;
	[tilespmem:$0x1C800] =	vst v63  }
0xf6: {  	_ =	swait.ge [sflag:s29], $0x2000  }
0xf7: {  	[sflag:s29] =	ssyncset.done $0x0  }
0xf8: {  	s25 =	simm.s32 $0x14700;
	[sflag:s29] =	ssyncadd.s32 $0xFFFFE000  }
0xf9: {  	[spmem:s2] =	stream.indirect.scatter.add.f32 [tilespmem:s20], [sflag:$0x7], $0x40, s25, s15, $0xb8;
	[tilespmem:$0x1C800] =	vst v63  }
0xfa: {  	_ =	swait.ge [sflag:s31], $0x2000  }
0xfb: {  	[sflag:s31] =	ssyncset.done $0x0  }
0xfc: {  	s7 =	simm.s32 $0x14780;
	[sflag:s31] =	ssyncadd.s32 $0xFFFFE000  }
0xfd: {  	[spmem:s2] =	stream.indirect.scatter.add.f32 [tilespmem:s22], [sflag:$0x8], $0x40, s7, s15, $0xb8;
	[tilespmem:$0x1C800] =	vst v63  }
0xfe: {  	_ =	swait.ge [sflag:s3], $0x400  }
0xff: {  	[sflag:s3] =	ssyncset.done $0x0  }
0x100: {  	[sflag:s3] =	ssyncadd.s32 $0xFFFFFC00  }
0x101: {  	_ =	swait.ge [sflag:s8], $0x2000  }
0x102: {  	[sflag:s8] =	ssyncset.done $0x0  }
0x103: {  	[sflag:s8] =	ssyncadd.s32 $0xFFFFE000  }
0x104: {  	[tilespmem:s16], [sflag:$0x1] =	stream.indirect.gather [spmem:s1], $0x40, s5, s15, $0xb8;
	[tilespmem:$0x1C800] =	vst v63  }
0x105: {  	_ =	swait.ge [sflag:s9], $0x2000  }
0x106: {  	[sflag:s9] =	ssyncset.done $0x0  }
0x107: {  	s5 =	simm.s32 $0x14080;
	[sflag:s9] =	ssyncadd.s32 $0xFFFFE000  }
0x108: {  	[tilespmem:s18], [sflag:$0x2] =	stream.indirect.gather [spmem:s1], $0x40, s5, s15, $0xb8;
	[tilespmem:$0x1C800] =	vst v63  }
0x109: {  	_ =	swait.ge [sflag:s11], $0x2000  }
0x10a: {  	[sflag:s11] =	ssyncset.done $0x0  }
0x10b: {  	s5 =	simm.s32 $0x14100;
	[sflag:s11] =	ssyncadd.s32 $0xFFFFE000  }
0x10c: {  	[tilespmem:s20], [sflag:$0x3] =	stream.indirect.gather [spmem:s1], $0x40, s5, s15, $0xb8;
	[tilespmem:$0x1C800] =	vst v63  }
0x10d: {  	_ =	swait.ge [sflag:s13], $0x2000  }
0x10e: {  	[sflag:s13] =	ssyncset.done $0x0  }
0x10f: {  	[sflag:s13] =	ssyncadd.s32 $0xFFFFE000  }
0x110: {  	[tilespmem:s22], [sflag:$0x4] =	stream.indirect.gather [spmem:s1], $0x40, s17, s15, $0xb8;
	[tilespmem:$0x1C800] =	vst v63  }
0x111: {  	s17 =	rddreg [dreg:$0x6]  }
0x112: {  	[tilespmem:s6], [sflag:$0x9] =	stream.linear.gather [hbm4b:s17+s4], $0x400, $0x38;
	[tilespmem:$0x1C800] =	vst v63  }
0x113: {  	_ =	swait.ge [sflag:s24], $0x2000  }
0x114: {  	[sflag:s24] =	ssyncset.done $0x0  }
0x115: {  	[sflag:s24] =	ssyncadd.s32 $0xFFFFE000  }
0x116: {  	[spmem:s2] =	stream.indirect.scatter.add.f32 [tilespmem:s16], [sflag:$0x5], $0x40, s28, s15, $0xb8;
	[tilespmem:$0x1C800] =	vst v63  }
0x117: {  	_ =	swait.ge [sflag:s26], $0x2000  }
0x118: {  	[sflag:s26] =	ssyncset.done $0x0  }
0x119: {  	[sflag:s26] =	ssyncadd.s32 $0xFFFFE000  }
0x11a: {  	[spmem:s2] =	stream.indirect.scatter.add.f32 [tilespmem:s18], [sflag:$0x6], $0x40, s30, s15, $0xb8;
	[tilespmem:$0x1C800] =	vst v63  }
0x11b: {  	_ =	swait.ge [sflag:s29], $0x2000  }
0x11c: {  	[sflag:s29] =	ssyncset.done $0x0  }
0x11d: {  	[sflag:s29] =	ssyncadd.s32 $0xFFFFE000  }
0x11e: {  	[spmem:s2] =	stream.indirect.scatter.add.f32 [tilespmem:s20], [sflag:$0x7], $0x40, s10, s15, $0xb8;
	[tilespmem:$0x1C800] =	vst v63  }
0x11f: {  	_ =	swait.ge [sflag:s31], $0x2000  }
0x120: {  	[sflag:s31] =	ssyncset.done $0x0  }
0x121: {  	[sflag:s31] =	ssyncadd.s32 $0xFFFFE000  }
0x122: {  	[spmem:s2] =	stream.indirect.scatter.add.f32 [tilespmem:s22], [sflag:$0x8], $0x40, s21, s15, $0xb8;
	[tilespmem:$0x1C800] =	vst v63  }
0x123: {  	_ =	swait.ge [sflag:s3], $0x400  }
0x124: {  	[sflag:s3] =	ssyncset.done $0x0  }
0x125: {  	[sflag:s3] =	ssyncadd.s32 $0xFFFFFC00  }
0x126: {  	_ =	swait.ge [sflag:s8], $0x2000  }
0x127: {  	[sflag:s8] =	ssyncset.done $0x0  }
0x128: {  	[sflag:s8] =	ssyncadd.s32 $0xFFFFE000  }
0x129: {  	[tilespmem:s16], [sflag:$0x1] =	stream.indirect.gather [spmem:s1], $0x40, s6, s15, $0xb8;
	[tilespmem:$0x1C800] =	vst v63  }
0x12a: {  	_ =	swait.ge [sflag:s9], $0x2000  }
0x12b: {  	[sflag:s9] =	ssyncset.done $0x0  }
0x12c: {  	[sflag:s9] =	ssyncadd.s32 $0xFFFFE000  }
0x12d: {  	[tilespmem:s18], [sflag:$0x2] =	stream.indirect.gather [spmem:s1], $0x40, s23, s15, $0xb8;
	[tilespmem:$0x1C800] =	vst v63  }
0x12e: {  	_ =	swait.ge [sflag:s11], $0x2000  }
0x12f: {  	[sflag:s11] =	ssyncset.done $0x0  }
0x130: {  	s5 =	simm.s32 $0x14500;
	[sflag:s11] =	ssyncadd.s32 $0xFFFFE000  }
0x131: {  	[tilespmem:s20], [sflag:$0x3] =	stream.indirect.gather [spmem:s1], $0x40, s5, s15, $0xb8;
	[tilespmem:$0x1C800] =	vst v63  }
0x132: {  	_ =	swait.ge [sflag:s13], $0x2000  }
0x133: {  	[sflag:s13] =	ssyncset.done $0x0  }
0x134: {  	[sflag:s13] =	ssyncadd.s32 $0xFFFFE000  }
0x135: {  	[tilespmem:s22], [sflag:$0x4] =	stream.indirect.gather [spmem:s1], $0x40, s19, s15, $0xb8;
	[tilespmem:$0x1C800] =	vst v63  }
0x136: {  	_ =	swait.ge [sflag:s24], $0x2000  }
0x137: {  	[sflag:s24] =	ssyncset.done $0x0  }
0x138: {  	[sflag:s24] =	ssyncadd.s32 $0xFFFFE000  }
0x139: {  	[spmem:s2] =	stream.indirect.scatter.add.f32 [tilespmem:s16], [sflag:$0x5], $0x40, s12, s15, $0xb8;
	[tilespmem:$0x1C800] =	vst v63  }
0x13a: {  	_ =	swait.ge [sflag:s26], $0x2000  }
0x13b: {  	[sflag:s26] =	ssyncset.done $0x0  }
0x13c: {  	[sflag:s26] =	ssyncadd.s32 $0xFFFFE000  }
0x13d: {  	[spmem:s2] =	stream.indirect.scatter.add.f32 [tilespmem:s18], [sflag:$0x6], $0x40, s14, s15, $0xb8;
	[tilespmem:$0x1C800] =	vst v63  }
0x13e: {  	_ =	swait.ge [sflag:s29], $0x2000  }
0x13f: {  	[sflag:s29] =	ssyncset.done $0x0  }
0x140: {  	[sflag:s29] =	ssyncadd.s32 $0xFFFFE000  }
0x141: {  	[spmem:s2] =	stream.indirect.scatter.add.f32 [tilespmem:s20], [sflag:$0x7], $0x40, s25, s15, $0xb8;
	[tilespmem:$0x1C800] =	vst v63  }
0x142: {  	_ =	swait.ge [sflag:s31], $0x2000  }
0x143: {  	[sflag:s31] =	ssyncset.done $0x0  }
0x144: {  	[sflag:s31] =	ssyncadd.s32 $0xFFFFE000  }
0x145: {  	[spmem:s2] =	stream.indirect.scatter.add.f32 [tilespmem:s22], [sflag:$0x8], $0x40, s7, s15, $0xb8;
	[tilespmem:$0x1C800] =	vst v63  }
0x146: {  	_ =	swait.ge [sflag:s8], $0x2000  }
0x147: {  	[sflag:s8] =	ssyncset.done $0x0  }
0x148: {  	[sflag:s8] =	ssyncadd.s32 $0xFFFFE000  }
0x149: {  	_ =	swait.ge [sflag:s9], $0x2000  }
0x14a: {  	[sflag:s9] =	ssyncset.done $0x0  }
0x14b: {  	[sflag:s9] =	ssyncadd.s32 $0xFFFFE000  }
0x14c: {  	_ =	swait.ge [sflag:s11], $0x2000  }
0x14d: {  	[sflag:s11] =	ssyncset.done $0x0  }
0x14e: {  	[sflag:s11] =	ssyncadd.s32 $0xFFFFE000  }
0x14f: {  	_ =	swait.ge [sflag:s13], $0x2000  }
0x150: {  	[sflag:s13] =	ssyncset.done $0x0  }
0x151: {  	[sflag:s13] =	ssyncadd.s32 $0xFFFFE000  }
0x152: {  	[bflag:$0x0] =	sbarrier.arrive $0xFFFF  }
0x153: {  	s25 =	rddreg [dreg:$0x5]  }
0x154: {  	s10 =	rddreg [dreg:$0x7]  }
0x155: {  	s28 =	simm.s32 $0xA;
	s30 =	rddreg [dreg:$0xa]  }
0x156: {  	[hbm:s10], [sflag:s25] =	dma.local [spmem:s30], $0x1400  }
0x157: {  	_ =	swait.ge [sflag:s28], $0x1400  }
0x158: {  	s12 =	rddreg [dreg:$0xc]  }
0x159: {  	s14 =	rddreg [dreg:$0x8];
	s7 =	sadd.s32 $0x1, s12  }
0x15a: {  	p0 =	sne.s32 s7, s14  }
.Ltmp1:
0x15b: {  	_ = 	snop;
	(pc) =	sbr.rel @p0 .LBB2_1-.Ltmp1, $4  }
0x15c: {  	_ = 	snop  }
0x15d: {  	s4 =	simm.s32 $0x14500;
	s17 =	simm.s32 $0x14600;
	s21 =	simm.s32 $0x14700  }
0x15e: {  	s6 =	simm.s32 $0x14480;
	s23 =	simm.s32 $0x14580;
	[sflag:s28] =	ssyncset.done $0x0  }
0x15f: {  	s5 =	simm.s32 $0x14780;
	s19 =	simm.s32 $0x14680;
	[sflag:s28] =	ssyncadd.s32 $0xFFFFEC00  }
0x160: {  	_ =	sfence.sel $0x180000  }
0x161: {  	[bflag:$0x0] =	sbarrier.arrive $0xFFFF  }
0x162: {  	_ =	strace $0x9000004D  }
0x163: {  	s0 =	stileid.u32;
	[bflag:$0x2] =	sbarrier.arrive $0xFFFF  }
0x164: {  	p0 =	sne.s32 s0, $0x0;
	s0 =	rddreg [dreg:$0x3]  }
0x165: {  	s0 =	sadd.s32 @!p0 $0x100000, s0  }
0x166: {  	[sflag:s0] =	ssyncadd.tile.s32 @!p0 $0x1;
	_ =	shalt  }
.Lfunc_end2:
_tile_overlayer_lowered:
.L_overlay_start_2:
0x167: {  	(tag) =	ssettag $0x2  }
0x168: {  	s0 =	rddreg [dreg:$0x0];
	s2 =	stileid.u32  }
0x169: {  	s1 =	rddreg [dreg:$0x1];
	p0 =	sne.s32 s2, $0x0  }
0x16a: {  	s3 =	rddreg [dreg:$0x2];
	[bflag:$0x3] =	sbarrier.arrive $0xFFFF;
	s2 =	simm.s32 @!p0 $0x1C0A  }
0x16b: {  	[timem:s3], [sflag:s2] =	dma.local @!p0 [hbm:s0], s1  }
0x16c: {  	s0 =	simm.s32 @!p0 $0xA  }
0x16d: {  	_ =	swait.ge @!p0 [sflag:s0], s1  }
0x16e: {  	s1 =	ssub.s32 @!p0 $0x0, s1;
	[sflag:s0] =	ssyncset.done @!p0 $0x0  }
0x16f: {  	[sflag:s0] =	ssyncadd.s32 @!p0 s1  }
0x170: {  	[bflag:$0x3] =	sbarrier.arrive $0xFFFF  }
0x171: {  	_ =	shalt  }

// kernel: kernel.8.cloned.1.call-start
scs
__scs_entry_jumppad:
0x0: {  	(pc) =	sbr.rel $0x88, $3  }
0x1: {  	(tag) =	ssettag $0x0;
	lr =	simm.s32 $0x1  }
0x2: {  	[smem:$0x3F8B] =	sst lr;
	_ =	strace $0xD0000000  }
0x3: {  	_ = 	snop  }
0x4: {  	_ = 	snop  }
0x5: {  	_ = 	snop  }
0x6: {  	_ = 	snop  }
0x7: {  	_ = 	snop  }
__scs_overlays_trampoline_lowered:
0x8: {  	[smem:$0x3F9A] =	sst s0  }
0x9: {  	[smem:$0x3F9B] =	sst s1  }
0xa: {  	[smem:$0x3F9C] =	sst s2  }
0xb: {  	[smem:$0x3F9D] =	sst s3  }
0xc: {  	[smem:$0x3F9E] =	sst s4  }
0xd: {  	[smem:$0x3F9F] =	sst s5  }
0xe: {  	[smem:$0x3FA0] =	sst s6  }
0xf: {  	[smem:$0x3FA1] =	sst s7  }
0x10: {  	[smem:$0x3FA2] =	sst s8  }
0x11: {  	[smem:$0x3FA3] =	sst s9;
	s0 =	simm.s32 @!p0 $0x0  }
0x12: {  	s1 =	sld [smem:$0x3F89];
	s0 =	simm.s32 @p0 $0x1  }
0x13: {  	[smem:$0x3FA4] =	sst s0;
	s0 =	simm.s32 @!p1 $0x0  }
0x14: {  	s2 =	sld [smem:$0x3F88];
	s0 =	simm.s32 @p1 $0x1  }
0x15: {  	[smem:$0x3FA5] =	sst s0;
	s0 =	simm.s32 @!p2 $0x0  }
0x16: {  	s3 =	sld [smem:$0x3FDB];
	s0 =	simm.s32 @p2 $0x1  }
0x17: {  	s4 =	simm.s32 $0x1BF5;
	[smem:$0x3FA7] =	sst s0  }
0x18: {  	s0 =	sld [smem:$0x3F8A];
	_ =	swait.ge [sflag:s4], $0x0  }
0x19: {  	s7 =	sld [smem:$0x3F8B]  }
0x1a: {  	s8 =	sadd.s32 $0xFFFFE003, lr  }
0x1b: {  	s9 =	sadd.s32 $0xFFFFFEF7, lr;
	s5 =	simm.s32 $0xFFFFFFFF;
	p2 =	slt.u32 s8, $0xFFFFF086  }
0x1c: {  	p1 =	slt.u32 s9, $0xF7A;
	s5 =	simm.s32 @!p2 $0x0  }
0x1d: {  	s5 =	simm.s32 @p1 $0x1;
	p0 =	seq.s32 s7, s2  }
0x1e: {  	s7 =	smul.u32 @!p0 $0xF7A, s2;
	p2 =	seq.s32 @!p0 s5, $0x0  }
0x1f: {  	s9 =	smul.u32 $0xF7A, s1;
	s8 =	simm.s32 @!p0 $0x1BF5;
	p2 =	por !p2, p0  }
0x20: {  	[sflag:s8] =	ssyncset.s32 @!p0 $0xFFFFF086;
	s6 =	sadd.s32 @!p0 s3, s7;
	s7 =	simm.s32 @!p0 $0x108  }
0x21: {  	s3 =	sadd.s32 s3, s9;
	s6 =	sadd.s32 @!p0 $0x88, s6;
	s7 =	simm.s32 @p2 $0x1082  }
0x22: {  	[simem:s7], [sflag:s8] =	dma.local @!p0 [hbm:s6], $0xF7A  }
0x23: {  	s9 =	sor.u32 $0xD0000000, s2;
	s6 =	simm.s32 $0x108;
	_ =	swait.ge @!p0 [sflag:s8], $0x0  }
0x24: {  	s3 =	sadd.s32 $0x88, s3;
	s6 =	simm.s32 @!p1 $0x1082;
	[sflag:s4] =	ssyncset.s32 $0xFFFFF086  }
0x25: {  	[simem:s6], [sflag:s4] =	dma.local [hbm:s3], $0xF7A  }
0x26: {  	[smem:$0x3F8B] =	sst s1;
	(tag) =	ssettag s2;
	_ =	strace s9  }
0x27: {  	s1 =	sld [smem:$0x3F9B]  }
0x28: {  	s2 =	sld [smem:$0x3F9C]  }
0x29: {  	s4 =	sld [smem:$0x3F9E]  }
0x2a: {  	p0 =	seq.s32 s5, $0x0;
	s5 =	sld [smem:$0x3F9F]  }
0x2b: {  	s6 =	sld [smem:$0x3FA0]  }
0x2c: {  	s7 =	sld [smem:$0x3FA1]  }
0x2d: {  	s3 =	simm.s32 $0x108;
	s8 =	sld [smem:$0x3FA2]  }
0x2e: {  	s3 =	simm.s32 @!p0 $0x1082;
	s9 =	sld [smem:$0x3FA3]  }
0x2f: {  	lr =	sadd.s32 s0, s3;
	s0 =	sld [smem:$0x3F9A]  }
0x30: {  	s3 =	sld [smem:$0x3F9D]  }
0x31: {  	[smem:$0x3FA6] =	sst s10  }
0x32: {  	s10 =	sld [smem:$0x3FA4];
	_ =	sdelay $0x3  }
0x33: {  	p0 =	seq.s32 s10, $0x1;
	s10 =	sld [smem:$0x3FA6];
	_ =	sdelay $0x3  }
0x34: {  	[smem:$0x3FA6] =	sst s10  }
0x35: {  	s10 =	sld [smem:$0x3FA5];
	_ =	sdelay $0x3  }
0x36: {  	p1 =	seq.s32 s10, $0x1;
	s10 =	sld [smem:$0x3FA6];
	_ =	sdelay $0x3  }
0x37: {  	[smem:$0x3FA6] =	sst s10  }
0x38: {  	s10 =	sld [smem:$0x3FA7]  }
0x39: {  	_ = 	snop;
	(pc) =	sbr.ind lr, $3  }
0x3a: {  	_ = 	snop  }
0x3b: {  	_ = 	snop  }
0x3c: {  	p2 =	seq.s32 s10, $0x1;
	s10 =	sld [smem:$0x3FA6]  }
0x3d: {  	_ =	shalt  }
0x3e: {  	_ =	shalt  }
0x3f: {  	_ =	shalt  }
0x40: {  	_ =	shalt  }
0x41: {  	_ =	shalt  }
0x42: {  	_ =	shalt  }
0x43: {  	_ =	shalt  }
0x44: {  	_ =	shalt  }
0x45: {  	_ =	shalt  }
0x46: {  	_ =	shalt  }
0x47: {  	_ =	shalt  }
0x48: {  	_ =	shalt  }
0x49: {  	_ =	shalt  }
0x4a: {  	_ =	shalt  }
0x4b: {  	_ =	shalt  }
0x4c: {  	_ =	shalt  }
0x4d: {  	_ =	shalt  }
0x4e: {  	_ =	shalt  }
0x4f: {  	_ =	shalt  }
0x50: {  	_ =	shalt  }
0x51: {  	_ =	shalt  }
0x52: {  	_ =	shalt  }
0x53: {  	_ =	shalt  }
0x54: {  	_ =	shalt  }
0x55: {  	_ =	shalt  }
0x56: {  	_ =	shalt  }
0x57: {  	_ =	shalt  }
0x58: {  	_ =	shalt  }
0x59: {  	_ =	shalt  }
0x5a: {  	_ =	shalt  }
0x5b: {  	_ =	shalt  }
0x5c: {  	_ =	shalt  }
0x5d: {  	_ =	shalt  }
0x5e: {  	_ =	shalt  }
0x5f: {  	_ =	shalt  }
0x60: {  	_ =	shalt  }
0x61: {  	_ =	shalt  }
0x62: {  	_ =	shalt  }
0x63: {  	_ =	shalt  }
0x64: {  	_ =	shalt  }
0x65: {  	_ =	shalt  }
0x66: {  	_ =	shalt  }
0x67: {  	_ =	shalt  }
0x68: {  	_ =	shalt  }
0x69: {  	_ =	shalt  }
0x6a: {  	_ =	shalt  }
0x6b: {  	_ =	shalt  }
0x6c: {  	_ =	shalt  }
0x6d: {  	_ =	shalt  }
0x6e: {  	_ =	shalt  }
0x6f: {  	_ =	shalt  }
0x70: {  	_ =	shalt  }
0x71: {  	_ =	shalt  }
0x72: {  	_ =	shalt  }
0x73: {  	_ =	shalt  }
0x74: {  	_ =	shalt  }
0x75: {  	_ =	shalt  }
0x76: {  	_ =	shalt  }
0x77: {  	_ =	shalt  }
0x78: {  	_ =	shalt  }
0x79: {  	_ =	shalt  }
0x7a: {  	_ =	shalt  }
0x7b: {  	_ =	shalt  }
0x7c: {  	_ =	shalt  }
0x7d: {  	_ =	shalt  }
0x7e: {  	_ =	shalt  }
0x7f: {  	_ =	shalt  }
0x80: {  	_ =	shalt  }
0x81: {  	_ =	shalt  }
0x82: {  	_ =	shalt  }
0x83: {  	_ =	shalt  }
0x84: {  	_ =	shalt  }
0x85: {  	_ =	shalt  }
0x86: {  	_ =	shalt  }
0x87: {  	_ =	shalt  }
.Lfunc_end0:
.L_simem_size_0:
called_computation_lowered:
.L_overlay_start_0:
0x88: {  	s2 =	sld [smem:$0x3FD9]  }
0x89: {  	s3 =	sld [smem:$0x3FFE];
	_ =	sdelay $0x1  }
0x8a: {  	s1 =	srdreg.scid  }
0x8b: {  	s0 =	sand.u32 $0x1, s1  }
0x8c: {  	s16 =	sshll.u32 s0, $0xA;
	s2 =	sadd.s32 s3, s2  }
0x8d: {  	s2 =	sadd.s32 s2, s16  }
0x8e: {  	[smem:$0x3FB2] =	sst s2  }
0x8f: {  	_ = 	snop  }
0x90: {  	(tm) =	ssettm $0x1  }
0x91: {  	s17 =	sld [smem:$0x3FFB];
	_ =	sdelay $0x3  }
0x92: {  	_ =	strace s17  }
0x93: {  	s2 =	sld [smem:$0x3FFC];
	_ =	sdelay $0x3  }
0x94: {  	_ =	strace s2  }
0x95: {  	s2 =	sld [smem:$0x3FFD];
	_ =	sdelay $0x3  }
0x96: {  	_ =	strace s2  }
0x97: {  	_ =	strace $0x8FFFFFFF  }
0x98: {  	s18 =	sld [smem:$0x3FDB];
	_ =	sdelay $0x1  }
0x99: {  	s19 =	simm.s32 $_scs_section_size  }
0x9a: {  	s4 =	simm.s32 $_size__tile_overlayer_lowered;
	s5 =	simm.s32 $_tile_overlayer_lowered  }
0x9b: {  	s22 =	simm.s32 $0x1BFF;
	s21 =	sshll.u32 s5, $0x1;
	s2 =	sadd.s32 s19, s18  }
0x9c: {  	s6 =	simm.s32 $0x0;
	s20 =	sshll.u32 s4, $0x1;
	s4 =	sadd.s32 s21, s2  }
0x9d: {  	[timem:s6], [sflag:s22] =	dma.local [hbm:s4], s20  }
0x9e: {  	_ =	swait.ge [sflag:s22], s20  }
0x9f: {  	s3 =	ssub.s32 $0x0, s20;
	[sflag:s22] =	ssyncset.done $0x0  }
0xa0: {  	[sflag:s22] =	ssyncadd.s32 s3;
	_ =	sdelay $0x1  }
0xa1: {  	s23 =	simm.s32 $0x1B8B  }
0xa2: {  	_ =	swait.ge [sflag:s23], $0x1  }
0xa3: {  	[sflag:s23] =	ssyncset.done $0x0  }
0xa4: {  	s25 =	simm.s32 $0x1B8E;
	s24 =	sld [smem:$0x3FFE];
	[sflag:s23] =	ssyncadd.s32 $0xFFFFFFFF  }
0xa5: {  	s26 =	simm.s32 $execute0_lowered;
	[smem:$0x3FD2] =	sst s25  }
0xa6: {  	s4 =	sshll.u32 s26, $0x1;
	_ =	strace $0x80000046;
	[dreg:$0x1] =	wrdreg $0xFFFFFFFF  }
0xa7: {  	s28 =	simm.s32 $_size_execute0_lowered;
	s2 =	sadd.s32 s2, s4;
	[dreg:$0x0] =	wrdreg $0x0  }
0xa8: {  	s4 =	sshll.u32 s28, $0x1;
	[dreg:$0x2] =	wrdreg s2  }
0xa9: {  	[dreg:$0x3] =	wrdreg s4  }
0xaa: {  	[dreg:$0x4] =	wrdreg $0xC0  }
0xab: {  	_ =	task [dreg:s6], $0x5FFFF  }
0xac: {  	[dreg:$0x1] =	wrdreg $0xFFFFFFFF  }
0xad: {  	[dreg:$0x0] =	wrdreg $0x60  }
0xae: {  	[dreg:$0x2] =	wrdreg s24  }
0xaf: {  	[dreg:$0x3] =	wrdreg $0x9  }
0xb0: {  	_ =	task.clear_ibuf [dreg:s6], $0x4FFFF;
	_ =	strace $0x90000046  }
0xb1: {  	s29 =	simm.s32 $0x9;
	_ =	strace $0x80000048  }
0xb2: {  	_ =	swait.ge [sflag:s29], $0x1  }
0xb3: {  	[sflag:s29] =	ssyncadd.s32 $0xFFFFFFFF  }
0xb4: {  	_ =	strace $0x90000048  }
0xb5: {  	_ =	sfence  }
0xb6: {  	s30 =	sld [smem:$0x0];
	_ =	sdelay $0x2  }
0xb7: {  	s31 =	sshll.u32 s1, $0xD;
	s1 =	sshrl.u32 s1, $0x2  }
0xb8: {  	s3 =	sand.u32 $0x4000, s31;
	s1 =	sadd.s32 s1, s30  }
0xb9: {  	s0 =	sor.u32 s3, s0;
	s1 =	sshll.u32 s1, $0x11  }
0xba: {  	s0 =	sor.u32 s1, s0  }
0xbb: {  	s0 =	sadd.s32 $0x8F2B, s0  }
0xbc: {  	[sflag:s0] =	ssyncadd.remote.s32 $0x1  }
0xbd: {  	_ =	sfence.sel $0xFFFF  }
0xbe: {  	[dreg:$0x0] =	wrdreg $0xFFFFFFFF;
	(pc) =	sbr.abs _section_cstart, $3  }
0xbf: {  	[dreg:$0x1] =	wrdreg $0xFFFFFFFF  }
0xc0: {  	_ =	task.clear_ibuf [dreg:s6], $0x2FFFF;
	_ =	strace $0x9FFFFFFF  }
0xc1: {  	(tm) =	ssettm $0x7FFFFFFF  }
tec
execute0_lowered:
.L_overlay_start_1:
0x0: {  	(tag) =	ssettag $0x1  }
0x1: {  	s3 =	rddreg [dreg:$0x0];
	s2 =	srdreg.scid  }
0x2: {  	s1 =	stileid.u32;
	s0 =	rddreg [dreg:$0x1];
	s8 =	simm.s32 $0x0  }
0x3: {  	s4 =	sand.u32 $0x1, s2;
	s5 =	smul.u32 $0x5000, s1;
	s7 =	sshll.u32 s1, $0x1  }
0x4: {  	s2 =	simm.s32 $0x0;
	s6 =	smul.u32 $0x2800, s4;
	s7 =	sor.u32 s4, s7  }
0x5: {  	[smem:$0x7FF] =	sst s2;
	s4 =	ssub.s32 $0x2, s4;
	s30 =	smul.u32 $0x500, s7  }
0x6: {  	_ =	strace $0x80000047;
	s31 =	sshrl.u32 s4, $0x1;
	s5 =	sadd.s32 s6, s5  }
0x7: {  	s7 =	simm.s32 $0x1;
	s4 =	ssub.s32 s4, s31;
	s5 =	sshrl.u32 s5, $0x3  }
0x8: {  	s6 =	simm.s32 $0x2800;
	s5 =	sadd.s32 s5, s3;
	s3 =	sadd.s32 s30, s3  }
0x9: {  	v0 =	vimm.f32 $0.0e+00;
	v1 =	vimm.f32 $1.000000000e+00;
	s4 =	smax.u32 s4, $0x1;
	s3 =	sadd.s32 $0xD000, s3;
	s5 =	sadd.s32 $0x3000, s5  }
.LBB2_1:
0xa: {  	s9 =	simm.s32 $0x0  }
.LBB2_2:
0xb: {  	p0 =	sne.s32 s9, $0x9FC0  }
.Ltmp0:
0xc: {  	_ = 	snop;
	(pc) =	sbr.rel @p0 .LBB2_2-.Ltmp0, $3  }
0xd: {  	_ =	sdelay $0x1  }
0xe: {  	s10 =	sshra.s32 s9, $0x2  }
0xf: {  	s9 =	sadd.s32 $0x40, s9;
	[tilespmem:s10+$0x0] =	vst v0  }
0x10: {  	s9 =	simm.s32 $0x0  }
.LBB2_4:
0x11: {  	s10 =	sadd.s32 s9, s5  }
0x12: {  	[tilespmem:s6], [sflag:$0x1] =	stream.linear.gather [hbm4b:s10+s2], $0x200, $0x38;
	[tilespmem:$0x2A00] =	vst v63  }
0x13: {  	_ =	swait.ge [sflag:s7], $0x200  }
0x14: {  	[sflag:s7] =	ssyncset.done $0x0  }
0x15: {  	[sflag:s7] =	ssyncadd.s32 $0xFFFFFE00  }
0x16: {  	v2 =	vld [tilespmem:$0x2800];
	_ =	sdelay $0x7  }
0x17: {  	[tilespmem:v2+s2+$0x0] =	vst.idx.add.f32.msk $0xffff, v1  }
0x18: {  	v2 =	vld [tilespmem:$0x2810];
	_ =	sdelay $0x7  }
0x19: {  	[tilespmem:v2+s2+$0x0] =	vst.idx.add.f32.msk $0xffff, v1  }
0x1a: {  	v2 =	vld [tilespmem:$0x2820];
	_ =	sdelay $0x7  }
0x1b: {  	[tilespmem:v2+s2+$0x0] =	vst.idx.add.f32.msk $0xffff, v1  }
0x1c: {  	v2 =	vld [tilespmem:$0x2830];
	_ =	sdelay $0x7  }
0x1d: {  	[tilespmem:v2+s2+$0x0] =	vst.idx.add.f32.msk $0xffff, v1  }
0x1e: {  	v2 =	vld [tilespmem:$0x2840];
	_ =	sdelay $0x7  }
0x1f: {  	[tilespmem:v2+s2+$0x0] =	vst.idx.add.f32.msk $0xffff, v1  }
0x20: {  	v2 =	vld [tilespmem:$0x2850];
	_ =	sdelay $0x7  }
0x21: {  	[tilespmem:v2+s2+$0x0] =	vst.idx.add.f32.msk $0xffff, v1  }
0x22: {  	v2 =	vld [tilespmem:$0x2860];
	_ =	sdelay $0x7  }
0x23: {  	[tilespmem:v2+s2+$0x0] =	vst.idx.add.f32.msk $0xffff, v1  }
0x24: {  	v2 =	vld [tilespmem:$0x2870];
	_ =	sdelay $0x7  }
0x25: {  	[tilespmem:v2+s2+$0x0] =	vst.idx.add.f32.msk $0xffff, v1  }
0x26: {  	v2 =	vld [tilespmem:$0x2880];
	_ =	sdelay $0x7  }
0x27: {  	[tilespmem:v2+s2+$0x0] =	vst.idx.add.f32.msk $0xffff, v1  }
0x28: {  	v2 =	vld [tilespmem:$0x2890];
	_ =	sdelay $0x7  }
0x29: {  	[tilespmem:v2+s2+$0x0] =	vst.idx.add.f32.msk $0xffff, v1  }
0x2a: {  	v2 =	vld [tilespmem:$0x28A0];
	_ =	sdelay $0x7  }
0x2b: {  	[tilespmem:v2+s2+$0x0] =	vst.idx.add.f32.msk $0xffff, v1  }
0x2c: {  	v2 =	vld [tilespmem:$0x28B0];
	_ =	sdelay $0x7  }
0x2d: {  	[tilespmem:v2+s2+$0x0] =	vst.idx.add.f32.msk $0xffff, v1  }
0x2e: {  	v2 =	vld [tilespmem:$0x28C0];
	_ =	sdelay $0x7  }
0x2f: {  	[tilespmem:v2+s2+$0x0] =	vst.idx.add.f32.msk $0xffff, v1  }
0x30: {  	v2 =	vld [tilespmem:$0x28D0];
	_ =	sdelay $0x7  }
0x31: {  	[tilespmem:v2+s2+$0x0] =	vst.idx.add.f32.msk $0xffff, v1  }
0x32: {  	v2 =	vld [tilespmem:$0x28E0];
	_ =	sdelay $0x7  }
0x33: {  	[tilespmem:v2+s2+$0x0] =	vst.idx.add.f32.msk $0xffff, v1  }
0x34: {  	v2 =	vld [tilespmem:$0x28F0];
	_ =	sdelay $0x7  }
0x35: {  	[tilespmem:v2+s2+$0x0] =	vst.idx.add.f32.msk $0xffff, v1  }
0x36: {  	v2 =	vld [tilespmem:$0x2900];
	_ =	sdelay $0x7  }
0x37: {  	[tilespmem:v2+s2+$0x0] =	vst.idx.add.f32.msk $0xffff, v1  }
0x38: {  	v2 =	vld [tilespmem:$0x2910];
	_ =	sdelay $0x7  }
0x39: {  	[tilespmem:v2+s2+$0x0] =	vst.idx.add.f32.msk $0xffff, v1  }
0x3a: {  	v2 =	vld [tilespmem:$0x2920];
	_ =	sdelay $0x7  }
0x3b: {  	[tilespmem:v2+s2+$0x0] =	vst.idx.add.f32.msk $0xffff, v1  }
0x3c: {  	v2 =	vld [tilespmem:$0x2930];
	_ =	sdelay $0x7  }
0x3d: {  	[tilespmem:v2+s2+$0x0] =	vst.idx.add.f32.msk $0xffff, v1  }
0x3e: {  	v2 =	vld [tilespmem:$0x2940];
	_ =	sdelay $0x7  }
0x3f: {  	[tilespmem:v2+s2+$0x0] =	vst.idx.add.f32.msk $0xffff, v1  }
0x40: {  	v2 =	vld [tilespmem:$0x2950];
	_ =	sdelay $0x7  }
0x41: {  	[tilespmem:v2+s2+$0x0] =	vst.idx.add.f32.msk $0xffff, v1  }
0x42: {  	v2 =	vld [tilespmem:$0x2960];
	_ =	sdelay $0x7  }
0x43: {  	[tilespmem:v2+s2+$0x0] =	vst.idx.add.f32.msk $0xffff, v1  }
0x44: {  	v2 =	vld [tilespmem:$0x2970];
	_ =	sdelay $0x7  }
0x45: {  	[tilespmem:v2+s2+$0x0] =	vst.idx.add.f32.msk $0xffff, v1  }
0x46: {  	v2 =	vld [tilespmem:$0x2980];
	_ =	sdelay $0x7  }
0x47: {  	[tilespmem:v2+s2+$0x0] =	vst.idx.add.f32.msk $0xffff, v1  }
0x48: {  	v2 =	vld [tilespmem:$0x2990];
	_ =	sdelay $0x7  }
0x49: {  	[tilespmem:v2+s2+$0x0] =	vst.idx.add.f32.msk $0xffff, v1  }
0x4a: {  	v2 =	vld [tilespmem:$0x29A0];
	_ =	sdelay $0x7  }
0x4b: {  	[tilespmem:v2+s2+$0x0] =	vst.idx.add.f32.msk $0xffff, v1  }
0x4c: {  	v2 =	vld [tilespmem:$0x29B0];
	_ =	sdelay $0x7  }
0x4d: {  	[tilespmem:v2+s2+$0x0] =	vst.idx.add.f32.msk $0xffff, v1  }
0x4e: {  	v2 =	vld [tilespmem:$0x29C0];
	_ =	sdelay $0x7  }
0x4f: {  	[tilespmem:v2+s2+$0x0] =	vst.idx.add.f32.msk $0xffff, v1  }
0x50: {  	v2 =	vld [tilespmem:$0x29D0];
	_ =	sdelay $0x7  }
0x51: {  	[tilespmem:v2+s2+$0x0] =	vst.idx.add.f32.msk $0xffff, v1  }
0x52: {  	v2 =	vld [tilespmem:$0x29E0];
	_ =	sdelay $0x7  }
0x53: {  	[tilespmem:v2+s2+$0x0] =	vst.idx.add.f32.msk $0xffff, v1  }
0x54: {  	v2 =	vld [tilespmem:$0x29F0];
	_ =	sdelay $0x2  }
0x55: {  	p0 =	sne.s32 s9, $0x4C0  }
.Ltmp1:
0x56: {  	_ = 	snop;
	(pc) =	sbr.rel @p0 .LBB2_4-.Ltmp1, $2  }
0x57: {  	_ =	sdelay $0x2  }
0x58: {  	s9 =	sadd.s32 $0x40, s9;
	[tilespmem:v2+s2+$0x0] =	vst.idx.add.f32.msk $0xffff, v1  }
0x59: {  	s8 =	sadd.s32 $0x1, s8  }
0x5a: {  	p0 =	sne.s32 s8, s4  }
.Ltmp2:
0x5b: {  	_ = 	snop;
	(pc) =	sbr.rel @p0 .LBB2_1-.Ltmp2, $4  }
0x5c: {  	[hbm4b:s3+s2] =	stream.linear.scatter [tilespmem:s2], [sflag:$0x1], $0x2800, $0x38;
	[tilespmem:$0x2A00] =	vst v63  }
0x5d: {  	_ =	swait.ge [sflag:s7], $0x2800  }
0x5e: {  	[sflag:s7] =	ssyncset.done $0x0  }
0x5f: {  	[sflag:s7] =	ssyncadd.s32 $0xFFFFD800  }
0x60: {  	_ =	sfence.sel $0x180000  }
0x61: {  	[bflag:$0x0] =	sbarrier.arrive $0xFFFF  }
0x62: {  	p0 =	sne.s32 s1, $0x0;
	_ =	strace $0x90000047  }
0x63: {  	s0 =	sadd.s32 @!p0 $0x100000, s0;
	[bflag:$0x2] =	sbarrier.arrive $0xFFFF  }
0x64: {  	[sflag:s0] =	ssyncadd.tile.s32 @!p0 $0x1;
	_ =	shalt  }
.Lfunc_end2:
_tile_overlayer_lowered:
.L_overlay_start_2:
0x65: {  	(tag) =	ssettag $0x2  }
0x66: {  	s0 =	rddreg [dreg:$0x0];
	s2 =	stileid.u32  }
0x67: {  	s1 =	rddreg [dreg:$0x1];
	p0 =	sne.s32 s2, $0x0  }
0x68: {  	s3 =	rddreg [dreg:$0x2];
	[bflag:$0x3] =	sbarrier.arrive $0xFFFF;
	s2 =	simm.s32 @!p0 $0x1C01  }
0x69: {  	[timem:s3], [sflag:s2] =	dma.local @!p0 [hbm:s0], s1  }
0x6a: {  	s0 =	simm.s32 @!p0 $0x1  }
0x6b: {  	_ =	swait.ge @!p0 [sflag:s0], s1  }
0x6c: {  	s1 =	ssub.s32 @!p0 $0x0, s1;
	[sflag:s0] =	ssyncset.done @!p0 $0x0  }
0x6d: {  	[sflag:s0] =	ssyncadd.s32 @!p0 s1  }
0x6e: {  	[bflag:$0x3] =	sbarrier.arrive $0xFFFF  }
0x6f: {  	_ =	shalt  }

</sc_bundles>
